<compile_context>
chip_gen: v7x
topology: tpu7x:2x2x1
jax: 0.10.2.dev20260603
libtpu: 0.0.44.dev20260713+nightly
codegen_flags: <defaults>
</compile_context>

<pallas_src>
import functools

import jax
import jax.numpy as jnp
from jax import lax
from jax.experimental import pallas as pl
from jax.experimental.pallas import tpu as pltpu
from jax.experimental.pallas import tpu_sc as plsc

_B, _S, _V, _D, _L = 4096, 200, 100000, 64, 10
_NC, _NS = 2, 16
_NW = _NC * _NS
_BPW = _B // _NW
_SEGS = ((0, 104), (104, 96))
_NCH = len(_SEGS)
_VR = _D // 16
_NBUF = 4


def _bag_body(x_hbm, emb_hbm, doc_hbm, idx_v, rows_v, doc_v, sem):
    wid = lax.axis_index("s") * _NC + lax.axis_index("c")
    pltpu.sync_copy(
        x_hbm.at[pl.ds(wid * _BPW, _NBUF)], idx_v.at[pl.ds(0, _NBUF)]
    )

    def fire_chunk(r, j, p):
        off, ln = _SEGS[j]
        pltpu.async_copy(
            emb_hbm.at[idx_v.at[r, pl.ds(off, ln)]],
            rows_v.at[p, pl.ds(off, ln)],
            sem.at[p, j],
        )

    def wait_chunk(j, p):
        off, ln = _SEGS[j]
        pltpu.make_async_copy(
            emb_hbm.at[idx_v.at[0, pl.ds(0, ln)]],
            rows_v.at[p, pl.ds(off, ln)],
            sem.at[p, j],
        ).wait()

    def row_phase(r, p):
        acc = [jnp.zeros((16,), jnp.float32) for _ in range(_VR)]
        for j in range(_NCH):
            wait_chunk(j, p)

            @pl.when(r + _NBUF - 1 < _BPW)
            def _():
                fire_chunk(r + _NBUF - 1, j, (p + _NBUF - 1) % _NBUF)

            def s_body(s, a):
                return [
                    a[c] + rows_v[p, s, c * 16:(c + 1) * 16]
                    for c in range(_VR)
                ]

            off, ln = _SEGS[j]
            acc = lax.fori_loop(off, off + ln, s_body, acc, unroll=ln // 8)
        for c in range(_VR):
            doc_v[r, c * 16:(c + 1) * 16] = acc[c]

    for r in range(_NBUF - 1):
        for j in range(_NCH):
            fire_chunk(r, j, r)

    pltpu.sync_copy(
        x_hbm.at[pl.ds(wid * _BPW + _NBUF, _BPW - _NBUF)],
        idx_v.at[pl.ds(_NBUF, _BPW - _NBUF)],
    )

    def group_body(i, carry):
        for p in range(_NBUF):
            row_phase(_NBUF * i + p, p)
        return carry

    n_groups = _BPW // _NBUF
    lax.fori_loop(0, n_groups, group_body, 0)
    for r in range(n_groups * _NBUF, _BPW):
        row_phase(r, r % _NBUF)
    pltpu.sync_copy(doc_v, doc_hbm.at[pl.ds(wid * _BPW, _BPW)])


@functools.partial(jax.jit, static_argnums=())
def _bag(x_flat, emb):
    mesh = plsc.VectorSubcoreMesh(core_axis_name="c", subcore_axis_name="s")
    return pl.kernel(
        _bag_body,
        out_type=jax.ShapeDtypeStruct((_B, _D), jnp.float32),
        mesh=mesh,
        scratch_types=[
            pltpu.VMEM((_BPW, _S), jnp.int32),
            pltpu.VMEM((_NBUF, _S, _D), jnp.float32),
            pltpu.VMEM((_BPW, _D), jnp.float32),
            pltpu.SemaphoreType.DMA((_NBUF, _NCH)),
        ],
        compiler_params=pltpu.CompilerParams(use_tc_tiling_on_sc=False),
    )(x_flat, emb)


def _head_body(doc_ref, w_ref, b_ref, out_ref):
    bin_doc = (doc_ref[...] > 0.0).astype(jnp.float32)
    res = lax.dot_general(
        bin_doc, w_ref[...], (((1,), (1,)), ((), ())),
        preferred_element_type=jnp.float32,
    )
    out_ref[...] = res + b_ref[...][None, :]


def _head(doc, w, b):
    blk = 1024
    return pl.pallas_call(
        _head_body,
        out_shape=jax.ShapeDtypeStruct((_B, _L), jnp.float32),
        grid=(_B // blk,),
        in_specs=[
            pl.BlockSpec((blk, _D), lambda i: (i, 0)),
            pl.BlockSpec((_L, _D), lambda i: (0, 0)),
            pl.BlockSpec((_L,), lambda i: (0,)),
        ],
        out_specs=pl.BlockSpec((blk, _L), lambda i: (i, 0)),
    )(doc, w, b)


def kernel(x, m, emb, W, b):
    del m
    doc = _bag(x.astype(jnp.int32), emb)
    out = _head(doc, W, b)
    return (out,)

# --- scband reference (transcript-rebuilt; emitter-appended) ---
"""Pipeline reference for scband-bow-classification-2087354106231 (READ-ONLY COPY).

The authoritative reference and input builder live on the scoring server;
editing this copy changes nothing except your own understanding.
"""

import jax, jax.numpy as jnp
import numpy as np

B, S, V, D, L = 4096, 200, 100000, 64, 10

def setup_inputs(seed: int = 0) -> dict:
    key = jax.random.key(seed)
    k1, k2, k3 = jax.random.split(key, 3)
    x = jax.random.randint(k1, (B, S), 0, V, dtype=jnp.int64 if jax.config.jax_enable_x64 else jnp.int32)
    m = jnp.ones((B, S), dtype=jnp.float32)
    emb = jax.random.normal(k2, (V, D), dtype=jnp.float32)
    W = jax.random.normal(k3, (L, D), dtype=jnp.float32) * 0.05
    b = jnp.zeros((L,), dtype=jnp.float32)
    return {"x": x, "m": m, "emb": emb, "W": W, "b": b}

def reference(x, m, emb, W, b):
    # word_embeddings = self.embed_layer(x)
    word_embeddings = jnp.take(emb, x, axis=0)          # (B, S, D) gather
    # doc_embedding = word_embeddings.sum(dim=1)
    doc_embedding = word_embeddings.sum(axis=1)          # (B, D)
    # doc_embedding = (doc_embedding > 0).float()
    doc_embedding = (doc_embedding > 0).astype(jnp.float32)
    # predict = self.linear(doc_embedding)
    predict = doc_embedding @ W.T + b                    # (B, L)
    return (predict,)

if __name__ == "__main__":
    import jax
    _d = setup_inputs()
    print(jax.jit(kernel)(*tuple(_d.values())))

</pallas_src>

<mosaic_0001>
#map = affine_map<(d0, d1) -> (0, 0)>
module attributes {stable_mosaic.version = 14 : i64} {
  func.func @_bag_body(%arg0: i32, %arg1: i32, %arg2: memref<4096x200xi32, #tpu.memory_space<hbm>>, %arg3: memref<100000x64xf32, #tpu.memory_space<hbm>>, %arg4: memref<4096x64xf32, #tpu.memory_space<hbm>>, %arg5: memref<128x200xi32, #tpu.memory_space<vmem>>, %arg6: memref<4x200x64xf32, #tpu.memory_space<vmem>>, %arg7: memref<128x64xf32, #tpu.memory_space<vmem>>, %arg8: memref<4x2x!tpu.dma_semaphore, #tpu.memory_space<semaphore_mem>>) attributes {dimension_semantics = [#tpu.dimension_semantics<core_parallel>, #tpu.dimension_semantics<subcore_parallel>], iteration_bounds = array<i64: 2, 16>, scalar_prefetch = 0 : i64, scratch_operands = 4 : i64, tpu.core_type = #tpu.core_type<sc_vector_subcore>, window_params = [{transform_indices = #map}, {transform_indices = #map}, {transform_indices = #map}]} {
    %mul3A = arith.constant 2 : i32
    %mul3A_0 = arith.muli %arg1, %mul3A : i32
    %add3A = arith.addi %mul3A_0, %arg0 : i32
    %mul3A_1 = arith.constant 128 : i32
    %mul3A_2 = arith.muli %add3A, %mul3A_1 : i32
    "tpu.region"() ({
      %run_scoped3A = tpu.sem_alloc : memref<!tpu.dma_semaphore, #tpu.memory_space<semaphore_mem>>
      %dma_start3A_109 = arith.constant 0 : i32
      %dma_start3A_110 = arith.constant 0 : i32
      %dma_start3A_111 = tpu.memref_slice %arg5[%dma_start3A_109, %dma_start3A_110] : memref<128x200xi32, #tpu.memory_space<vmem>> -> memref<4x200xi32, #tpu.memory_space<vmem>>
      %dma_start3A_112 = arith.constant 0 : i32
      %dma_start3A_113 = tpu.memref_slice %arg2[%mul3A_2, %dma_start3A_112] : memref<4096x200xi32, #tpu.memory_space<hbm>> -> memref<4x200xi32, #tpu.memory_space<hbm>>
      %dma_start3A_114 = arith.constant 0 : i32
      %dma_start3A_115 = arith.constant 0 : i32
      %dma_start3A_116 = tpu.memref_slice %arg5[%dma_start3A_114, %dma_start3A_115] : memref<128x200xi32, #tpu.memory_space<vmem>> -> memref<4x200xi32, #tpu.memory_space<vmem>>
      %dma_start3A_117 = arith.constant 0 : i32
      %dma_start3A_118 = tpu.memref_slice %arg2[%mul3A_2, %dma_start3A_117] : memref<4096x200xi32, #tpu.memory_space<hbm>> -> memref<4x200xi32, #tpu.memory_space<hbm>>
      tpu.enqueue_dma source(%dma_start3A_118 : memref<4x200xi32, #tpu.memory_space<hbm>>) target(%dma_start3A_116 : memref<4x200xi32, #tpu.memory_space<vmem>>) target_semaphore(%run_scoped3A : memref<!tpu.dma_semaphore, #tpu.memory_space<semaphore_mem>>)
      %dma_wait3A = arith.constant 0 : i32
      %dma_wait3A_119 = arith.constant 0 : i32
      %dma_wait3A_120 = tpu.memref_slice %arg5[%dma_wait3A, %dma_wait3A_119] : memref<128x200xi32, #tpu.memory_space<vmem>> -> memref<4x200xi32, #tpu.memory_space<vmem>>
      %dma_wait3A_121 = arith.constant 0 : i32
      %dma_wait3A_122 = tpu.memref_slice %arg2[%mul3A_2, %dma_wait3A_121] : memref<4096x200xi32, #tpu.memory_space<hbm>> -> memref<4x200xi32, #tpu.memory_space<hbm>>
      %dma_wait3A_123 = arith.constant 0 : i32
      %dma_wait3A_124 = arith.constant 0 : i32
      %dma_wait3A_125 = tpu.memref_slice %arg5[%dma_wait3A_123, %dma_wait3A_124] : memref<128x200xi32, #tpu.memory_space<vmem>> -> memref<4x200xi32, #tpu.memory_space<vmem>>
      %dma_wait3A_126 = arith.constant 0 : i32
      %dma_wait3A_127 = tpu.memref_slice %arg2[%mul3A_2, %dma_wait3A_126] : memref<4096x200xi32, #tpu.memory_space<hbm>> -> memref<4x200xi32, #tpu.memory_space<hbm>>
      tpu.wait_dma2 semaphore(%run_scoped3A : memref<!tpu.dma_semaphore, #tpu.memory_space<semaphore_mem>>) src(%dma_wait3A_127 : memref<4x200xi32, #tpu.memory_space<hbm>>) dst(%dma_wait3A_125 : memref<4x200xi32, #tpu.memory_space<vmem>>)
      tpu.yield
    }) : () -> ()
    %dma_start3A = arith.constant 0 : i32
    %dma_start3A_3 = arith.constant 0 : i32
    %dma_start3A_4 = arith.constant 0 : i32
    %dma_start3A_5 = arith.constant 0 : i32
    %dma_start3A_6 = arith.constant 0 : i32
    %dma_start3A_7 = arith.constant 0 : i32
    %dma_start3A_8 = tpu.memref_slice %arg6[%dma_start3A_3, %dma_start3A_6, %dma_start3A_7] : memref<4x200x64xf32, #tpu.memory_space<vmem>> -> memref<1x104x64xf32, #tpu.memory_space<vmem>>
    %dma_start3A_9 = tpu.memref_squeeze %dma_start3A_8 : memref<1x104x64xf32, #tpu.memory_space<vmem>> -> memref<104x64xf32, #tpu.memory_space<vmem>>
    %dma_start3A_10 = arith.constant 0 : i32
    %dma_start3A_11 = tpu.memref_slice %arg5[%dma_start3A, %dma_start3A_10] : memref<128x200xi32, #tpu.memory_space<vmem>> -> memref<1x104xi32, #tpu.memory_space<vmem>>
    %dma_start3A_12 = tpu.memref_squeeze %dma_start3A_11 : memref<1x104xi32, #tpu.memory_space<vmem>> -> memref<104xi32, #tpu.memory_space<vmem>>
    %dma_start3A_13 = arith.constant 0 : i32
    %dma_start3A_14 = arith.constant 0 : i32
    %dma_start3A_15 = tpu.memref_slice %arg3[%dma_start3A_13, %dma_start3A_14] : memref<100000x64xf32, #tpu.memory_space<hbm>> -> memref<100000x64xf32, #tpu.memory_space<hbm>>
    %dma_start3A_16 = tpu.memref_slice %arg8[%dma_start3A_4, %dma_start3A_5] : memref<4x2x!tpu.dma_semaphore, #tpu.memory_space<semaphore_mem>> -> memref<1x1x!tpu.dma_semaphore, #tpu.memory_space<semaphore_mem>>
    %dma_start3A_17 = tpu.memref_squeeze %dma_start3A_16 : memref<1x1x!tpu.dma_semaphore, #tpu.memory_space<semaphore_mem>> -> memref<!tpu.dma_semaphore, #tpu.memory_space<semaphore_mem>>
    tpu.enqueue_indirect_dma source(%dma_start3A_15 : memref<100000x64xf32, #tpu.memory_space<hbm>>) target(%dma_start3A_9 : memref<104x64xf32, #tpu.memory_space<vmem>>) offsets(%dma_start3A_12 : memref<104xi32, #tpu.memory_space<vmem>>) semaphore(%dma_start3A_17 : memref<!tpu.dma_semaphore, #tpu.memory_space<semaphore_mem>>)
    %dma_start3A_18 = arith.constant 0 : i32
    %dma_start3A_19 = arith.constant 0 : i32
    %dma_start3A_20 = arith.constant 0 : i32
    %dma_start3A_21 = arith.constant 1 : i32
    %dma_start3A_22 = arith.constant 104 : i32
    %dma_start3A_23 = arith.constant 0 : i32
    %dma_start3A_24 = tpu.memref_slice %arg6[%dma_start3A_19, %dma_start3A_22, %dma_start3A_23] : memref<4x200x64xf32, #tpu.memory_space<vmem>> -> memref<1x96x64xf32, #tpu.memory_space<vmem>>
    %dma_start3A_25 = tpu.memref_squeeze %dma_start3A_24 : memref<1x96x64xf32, #tpu.memory_space<vmem>> -> memref<96x64xf32, #tpu.memory_space<vmem>>
    %dma_start3A_26 = arith.constant 104 : i32
    %dma_start3A_27 = tpu.memref_slice %arg5[%dma_start3A_18, %dma_start3A_26] : memref<128x200xi32, #tpu.memory_space<vmem>> -> memref<1x96xi32, #tpu.memory_space<vmem>>
    %dma_start3A_28 = tpu.memref_squeeze %dma_start3A_27 : memref<1x96xi32, #tpu.memory_space<vmem>> -> memref<96xi32, #tpu.memory_space<vmem>>
    %dma_start3A_29 = arith.constant 0 : i32
    %dma_start3A_30 = arith.constant 0 : i32
    %dma_start3A_31 = tpu.memref_slice %arg3[%dma_start3A_29, %dma_start3A_30] : memref<100000x64xf32, #tpu.memory_space<hbm>> -> memref<100000x64xf32, #tpu.memory_space<hbm>>
    %dma_start3A_32 = tpu.memref_slice %arg8[%dma_start3A_20, %dma_start3A_21] : memref<4x2x!tpu.dma_semaphore, #tpu.memory_space<semaphore_mem>> -> memref<1x1x!tpu.dma_semaphore, #tpu.memory_space<semaphore_mem>>
    %dma_start3A_33 = tpu.memref_squeeze %dma_start3A_32 : memref<1x1x!tpu.dma_semaphore, #tpu.memory_space<semaphore_mem>> -> memref<!tpu.dma_semaphore, #tpu.memory_space<semaphore_mem>>
    tpu.enqueue_indirect_dma source(%dma_start3A_31 : memref<100000x64xf32, #tpu.memory_space<hbm>>) target(%dma_start3A_25 : memref<96x64xf32, #tpu.memory_space<vmem>>) offsets(%dma_start3A_28 : memref<96xi32, #tpu.memory_space<vmem>>) semaphore(%dma_start3A_33 : memref<!tpu.dma_semaphore, #tpu.memory_space<semaphore_mem>>)
    %dma_start3A_34 = arith.constant 1 : i32
    %dma_start3A_35 = arith.constant 1 : i32
    %dma_start3A_36 = arith.constant 1 : i32
    %dma_start3A_37 = arith.constant 0 : i32
    %dma_start3A_38 = arith.constant 0 : i32
    %dma_start3A_39 = arith.constant 0 : i32
    %dma_start3A_40 = tpu.memref_slice %arg6[%dma_start3A_35, %dma_start3A_38, %dma_start3A_39] : memref<4x200x64xf32, #tpu.memory_space<vmem>> -> memref<1x104x64xf32, #tpu.memory_space<vmem>>
    %dma_start3A_41 = tpu.memref_squeeze %dma_start3A_40 : memref<1x104x64xf32, #tpu.memory_space<vmem>> -> memref<104x64xf32, #tpu.memory_space<vmem>>
    %dma_start3A_42 = arith.constant 0 : i32
    %dma_start3A_43 = tpu.memref_slice %arg5[%dma_start3A_34, %dma_start3A_42] : memref<128x200xi32, #tpu.memory_space<vmem>> -> memref<1x104xi32, #tpu.memory_space<vmem>>
    %dma_start3A_44 = tpu.memref_squeeze %dma_start3A_43 : memref<1x104xi32, #tpu.memory_space<vmem>> -> memref<104xi32, #tpu.memory_space<vmem>>
    %dma_start3A_45 = arith.constant 0 : i32
    %dma_start3A_46 = arith.constant 0 : i32
    %dma_start3A_47 = tpu.memref_slice %arg3[%dma_start3A_45, %dma_start3A_46] : memref<100000x64xf32, #tpu.memory_space<hbm>> -> memref<100000x64xf32, #tpu.memory_space<hbm>>
    %dma_start3A_48 = tpu.memref_slice %arg8[%dma_start3A_36, %dma_start3A_37] : memref<4x2x!tpu.dma_semaphore, #tpu.memory_space<semaphore_mem>> -> memref<1x1x!tpu.dma_semaphore, #tpu.memory_space<semaphore_mem>>
    %dma_start3A_49 = tpu.memref_squeeze %dma_start3A_48 : memref<1x1x!tpu.dma_semaphore, #tpu.memory_space<semaphore_mem>> -> memref<!tpu.dma_semaphore, #tpu.memory_space<semaphore_mem>>
    tpu.enqueue_indirect_dma source(%dma_start3A_47 : memref<100000x64xf32, #tpu.memory_space<hbm>>) target(%dma_start3A_41 : memref<104x64xf32, #tpu.memory_space<vmem>>) offsets(%dma_start3A_44 : memref<104xi32, #tpu.memory_space<vmem>>) semaphore(%dma_start3A_49 : memref<!tpu.dma_semaphore, #tpu.memory_space<semaphore_mem>>)
    %dma_start3A_50 = arith.constant 1 : i32
    %dma_start3A_51 = arith.constant 1 : i32
    %dma_start3A_52 = arith.constant 1 : i32
    %dma_start3A_53 = arith.constant 1 : i32
    %dma_start3A_54 = arith.constant 104 : i32
    %dma_start3A_55 = arith.constant 0 : i32
    %dma_start3A_56 = tpu.memref_slice %arg6[%dma_start3A_51, %dma_start3A_54, %dma_start3A_55] : memref<4x200x64xf32, #tpu.memory_space<vmem>> -> memref<1x96x64xf32, #tpu.memory_space<vmem>>
    %dma_start3A_57 = tpu.memref_squeeze %dma_start3A_56 : memref<1x96x64xf32, #tpu.memory_space<vmem>> -> memref<96x64xf32, #tpu.memory_space<vmem>>
    %dma_start3A_58 = arith.constant 104 : i32
    %dma_start3A_59 = tpu.memref_slice %arg5[%dma_start3A_50, %dma_start3A_58] : memref<128x200xi32, #tpu.memory_space<vmem>> -> memref<1x96xi32, #tpu.memory_space<vmem>>
    %dma_start3A_60 = tpu.memref_squeeze %dma_start3A_59 : memref<1x96xi32, #tpu.memory_space<vmem>> -> memref<96xi32, #tpu.memory_space<vmem>>
    %dma_start3A_61 = arith.constant 0 : i32
    %dma_start3A_62 = arith.constant 0 : i32
    %dma_start3A_63 = tpu.memref_slice %arg3[%dma_start3A_61, %dma_start3A_62] : memref<100000x64xf32, #tpu.memory_space<hbm>> -> memref<100000x64xf32, #tpu.memory_space<hbm>>
    %dma_start3A_64 = tpu.memref_slice %arg8[%dma_start3A_52, %dma_start3A_53] : memref<4x2x!tpu.dma_semaphore, #tpu.memory_space<semaphore_mem>> -> memref<1x1x!tpu.dma_semaphore, #tpu.memory_space<semaphore_mem>>
    %dma_start3A_65 = tpu.memref_squeeze %dma_start3A_64 : memref<1x1x!tpu.dma_semaphore, #tpu.memory_space<semaphore_mem>> -> memref<!tpu.dma_semaphore, #tpu.memory_space<semaphore_mem>>
    tpu.enqueue_indirect_dma source(%dma_start3A_63 : memref<100000x64xf32, #tpu.memory_space<hbm>>) target(%dma_start3A_57 : memref<96x64xf32, #tpu.memory_space<vmem>>) offsets(%dma_start3A_60 : memref<96xi32, #tpu.memory_space<vmem>>) semaphore(%dma_start3A_65 : memref<!tpu.dma_semaphore, #tpu.memory_space<semaphore_mem>>)
    %dma_start3A_66 = arith.constant 2 : i32
    %dma_start3A_67 = arith.constant 2 : i32
    %dma_start3A_68 = arith.constant 2 : i32
    %dma_start3A_69 = arith.constant 0 : i32
    %dma_start3A_70 = arith.constant 0 : i32
    %dma_start3A_71 = arith.constant 0 : i32
    %dma_start3A_72 = tpu.memref_slice %arg6[%dma_start3A_67, %dma_start3A_70, %dma_start3A_71] : memref<4x200x64xf32, #tpu.memory_space<vmem>> -> memref<1x104x64xf32, #tpu.memory_space<vmem>>
    %dma_start3A_73 = tpu.memref_squeeze %dma_start3A_72 : memref<1x104x64xf32, #tpu.memory_space<vmem>> -> memref<104x64xf32, #tpu.memory_space<vmem>>
    %dma_start3A_74 = arith.constant 0 : i32
    %dma_start3A_75 = tpu.memref_slice %arg5[%dma_start3A_66, %dma_start3A_74] : memref<128x200xi32, #tpu.memory_space<vmem>> -> memref<1x104xi32, #tpu.memory_space<vmem>>
    %dma_start3A_76 = tpu.memref_squeeze %dma_start3A_75 : memref<1x104xi32, #tpu.memory_space<vmem>> -> memref<104xi32, #tpu.memory_space<vmem>>
    %dma_start3A_77 = arith.constant 0 : i32
    %dma_start3A_78 = arith.constant 0 : i32
    %dma_start3A_79 = tpu.memref_slice %arg3[%dma_start3A_77, %dma_start3A_78] : memref<100000x64xf32, #tpu.memory_space<hbm>> -> memref<100000x64xf32, #tpu.memory_space<hbm>>
    %dma_start3A_80 = tpu.memref_slice %arg8[%dma_start3A_68, %dma_start3A_69] : memref<4x2x!tpu.dma_semaphore, #tpu.memory_space<semaphore_mem>> -> memref<1x1x!tpu.dma_semaphore, #tpu.memory_space<semaphore_mem>>
    %dma_start3A_81 = tpu.memref_squeeze %dma_start3A_80 : memref<1x1x!tpu.dma_semaphore, #tpu.memory_space<semaphore_mem>> -> memref<!tpu.dma_semaphore, #tpu.memory_space<semaphore_mem>>
    tpu.enqueue_indirect_dma source(%dma_start3A_79 : memref<100000x64xf32, #tpu.memory_space<hbm>>) target(%dma_start3A_73 : memref<104x64xf32, #tpu.memory_space<vmem>>) offsets(%dma_start3A_76 : memref<104xi32, #tpu.memory_space<vmem>>) semaphore(%dma_start3A_81 : memref<!tpu.dma_semaphore, #tpu.memory_space<semaphore_mem>>)
    %dma_start3A_82 = arith.constant 2 : i32
    %dma_start3A_83 = arith.constant 2 : i32
    %dma_start3A_84 = arith.constant 2 : i32
    %dma_start3A_85 = arith.constant 1 : i32
    %dma_start3A_86 = arith.constant 104 : i32
    %dma_start3A_87 = arith.constant 0 : i32
    %dma_start3A_88 = tpu.memref_slice %arg6[%dma_start3A_83, %dma_start3A_86, %dma_start3A_87] : memref<4x200x64xf32, #tpu.memory_space<vmem>> -> memref<1x96x64xf32, #tpu.memory_space<vmem>>
    %dma_start3A_89 = tpu.memref_squeeze %dma_start3A_88 : memref<1x96x64xf32, #tpu.memory_space<vmem>> -> memref<96x64xf32, #tpu.memory_space<vmem>>
    %dma_start3A_90 = arith.constant 104 : i32
    %dma_start3A_91 = tpu.memref_slice %arg5[%dma_start3A_82, %dma_start3A_90] : memref<128x200xi32, #tpu.memory_space<vmem>> -> memref<1x96xi32, #tpu.memory_space<vmem>>
    %dma_start3A_92 = tpu.memref_squeeze %dma_start3A_91 : memref<1x96xi32, #tpu.memory_space<vmem>> -> memref<96xi32, #tpu.memory_space<vmem>>
    %dma_start3A_93 = arith.constant 0 : i32
    %dma_start3A_94 = arith.constant 0 : i32
    %dma_start3A_95 = tpu.memref_slice %arg3[%dma_start3A_93, %dma_start3A_94] : memref<100000x64xf32, #tpu.memory_space<hbm>> -> memref<100000x64xf32, #tpu.memory_space<hbm>>
    %dma_start3A_96 = tpu.memref_slice %arg8[%dma_start3A_84, %dma_start3A_85] : memref<4x2x!tpu.dma_semaphore, #tpu.memory_space<semaphore_mem>> -> memref<1x1x!tpu.dma_semaphore, #tpu.memory_space<semaphore_mem>>
    %dma_start3A_97 = tpu.memref_squeeze %dma_start3A_96 : memref<1x1x!tpu.dma_semaphore, #tpu.memory_space<semaphore_mem>> -> memref<!tpu.dma_semaphore, #tpu.memory_space<semaphore_mem>>
    tpu.enqueue_indirect_dma source(%dma_start3A_95 : memref<100000x64xf32, #tpu.memory_space<hbm>>) target(%dma_start3A_89 : memref<96x64xf32, #tpu.memory_space<vmem>>) offsets(%dma_start3A_92 : memref<96xi32, #tpu.memory_space<vmem>>) semaphore(%dma_start3A_97 : memref<!tpu.dma_semaphore, #tpu.memory_space<semaphore_mem>>)
    %mul3A_98 = arith.constant 128 : i32
    %mul3A_99 = arith.muli %add3A, %mul3A_98 : i32
    %add3A_100 = arith.constant 4 : i32
    %add3A_101 = arith.addi %mul3A_99, %add3A_100 : i32
    "tpu.region"() ({
      %run_scoped3A = tpu.sem_alloc : memref<!tpu.dma_semaphore, #tpu.memory_space<semaphore_mem>>
      %dma_start3A_109 = arith.constant 4 : i32
      %dma_start3A_110 = arith.constant 0 : i32
      %dma_start3A_111 = tpu.memref_slice %arg5[%dma_start3A_109, %dma_start3A_110] : memref<128x200xi32, #tpu.memory_space<vmem>> -> memref<124x200xi32, #tpu.memory_space<vmem>>
      %dma_start3A_112 = arith.constant 0 : i32
      %dma_start3A_113 = tpu.memref_slice %arg2[%add3A_101, %dma_start3A_112] : memref<4096x200xi32, #tpu.memory_space<hbm>> -> memref<124x200xi32, #tpu.memory_space<hbm>>
      %dma_start3A_114 = arith.constant 4 : i32
      %dma_start3A_115 = arith.constant 0 : i32
      %dma_start3A_116 = tpu.memref_slice %arg5[%dma_start3A_114, %dma_start3A_115] : memref<128x200xi32, #tpu.memory_space<vmem>> -> memref<124x200xi32, #tpu.memory_space<vmem>>
      %dma_start3A_117 = arith.constant 0 : i32
      %dma_start3A_118 = tpu.memref_slice %arg2[%add3A_101, %dma_start3A_117] : memref<4096x200xi32, #tpu.memory_space<hbm>> -> memref<124x200xi32, #tpu.memory_space<hbm>>
      tpu.enqueue_dma source(%dma_start3A_118 : memref<124x200xi32, #tpu.memory_space<hbm>>) target(%dma_start3A_116 : memref<124x200xi32, #tpu.memory_space<vmem>>) target_semaphore(%run_scoped3A : memref<!tpu.dma_semaphore, #tpu.memory_space<semaphore_mem>>)
      %dma_wait3A = arith.constant 4 : i32
      %dma_wait3A_119 = arith.constant 0 : i32
      %dma_wait3A_120 = tpu.memref_slice %arg5[%dma_wait3A, %dma_wait3A_119] : memref<128x200xi32, #tpu.memory_space<vmem>> -> memref<124x200xi32, #tpu.memory_space<vmem>>
      %dma_wait3A_121 = arith.constant 0 : i32
      %dma_wait3A_122 = tpu.memref_slice %arg2[%add3A_101, %dma_wait3A_121] : memref<4096x200xi32, #tpu.memory_space<hbm>> -> memref<124x200xi32, #tpu.memory_space<hbm>>
      %dma_wait3A_123 = arith.constant 4 : i32
      %dma_wait3A_124 = arith.constant 0 : i32
      %dma_wait3A_125 = tpu.memref_slice %arg5[%dma_wait3A_123, %dma_wait3A_124] : memref<128x200xi32, #tpu.memory_space<vmem>> -> memref<124x200xi32, #tpu.memory_space<vmem>>
      %dma_wait3A_126 = arith.constant 0 : i32
      %dma_wait3A_127 = tpu.memref_slice %arg2[%add3A_101, %dma_wait3A_126] : memref<4096x200xi32, #tpu.memory_space<hbm>> -> memref<124x200xi32, #tpu.memory_space<hbm>>
      tpu.wait_dma2 semaphore(%run_scoped3A : memref<!tpu.dma_semaphore, #tpu.memory_space<semaphore_mem>>) src(%dma_wait3A_127 : memref<124x200xi32, #tpu.memory_space<hbm>>) dst(%dma_wait3A_125 : memref<124x200xi32, #tpu.memory_space<vmem>>)
      tpu.yield
    }) : () -> ()
    %scan3A = arith.constant 0 : i32
    %scan3A_102 = arith.constant 0 : i32
    %scan3A_103 = arith.constant 32 : i32
    %scan3A_104 = arith.addi %scan3A_102, %scan3A_103 : i32
    %scan3A_105 = arith.constant 1 : i32
    scf.for %scan3A_109 = %scan3A_102 to %scan3A_104 step %scan3A_105  : i32 {
      %mul3A_110 = arith.constant 4 : i32
      %mul3A_111 = arith.muli %mul3A_110, %scan3A_109 : i32
      %add3A_112 = arith.constant 0 : i32
      %add3A_113 = arith.addi %mul3A_111, %add3A_112 : i32
      %broadcast_in_dim3A = arith.constant 0.000000e+00 : f32
      %broadcast_in_dim3A_114 = vector.broadcast %broadcast_in_dim3A : f32 to vector<16xf32>
      %broadcast_in_dim3A_115 = arith.constant 0.000000e+00 : f32
      %broadcast_in_dim3A_116 = vector.broadcast %broadcast_in_dim3A_115 : f32 to vector<16xf32>
      %broadcast_in_dim3A_117 = arith.constant 0.000000e+00 : f32
      %broadcast_in_dim3A_118 = vector.broadcast %broadcast_in_dim3A_117 : f32 to vector<16xf32>
      %broadcast_in_dim3A_119 = arith.constant 0.000000e+00 : f32
      %broadcast_in_dim3A_120 = vector.broadcast %broadcast_in_dim3A_119 : f32 to vector<16xf32>
      %dma_wait3A = arith.constant 0 : i32
      %dma_wait3A_121 = arith.constant 0 : i32
      %dma_wait3A_122 = arith.constant 0 : i32
      %dma_wait3A_123 = arith.constant 0 : i32
      %dma_wait3A_124 = arith.constant 0 : i32
      %dma_wait3A_125 = arith.constant 0 : i32
      %dma_wait3A_126 = tpu.memref_slice %arg6[%dma_wait3A_121, %dma_wait3A_124, %dma_wait3A_125] : memref<4x200x64xf32, #tpu.memory_space<vmem>> -> memref<1x104x64xf32, #tpu.memory_space<vmem>>
      %dma_wait3A_127 = tpu.memref_squeeze %dma_wait3A_126 : memref<1x104x64xf32, #tpu.memory_space<vmem>> -> memref<104x64xf32, #tpu.memory_space<vmem>>
      %dma_wait3A_128 = arith.constant 0 : i32
      %dma_wait3A_129 = tpu.memref_slice %arg5[%dma_wait3A, %dma_wait3A_128] : memref<128x200xi32, #tpu.memory_space<vmem>> -> memref<1x104xi32, #tpu.memory_space<vmem>>
      %dma_wait3A_130 = tpu.memref_squeeze %dma_wait3A_129 : memref<1x104xi32, #tpu.memory_space<vmem>> -> memref<104xi32, #tpu.memory_space<vmem>>
      %dma_wait3A_131 = arith.constant 0 : i32
      %dma_wait3A_132 = arith.constant 0 : i32
      %dma_wait3A_133 = tpu.memref_slice %arg3[%dma_wait3A_131, %dma_wait3A_132] : memref<100000x64xf32, #tpu.memory_space<hbm>> -> memref<100000x64xf32, #tpu.memory_space<hbm>>
      %dma_wait3A_134 = tpu.memref_slice %arg8[%dma_wait3A_122, %dma_wait3A_123] : memref<4x2x!tpu.dma_semaphore, #tpu.memory_space<semaphore_mem>> -> memref<1x1x!tpu.dma_semaphore, #tpu.memory_space<semaphore_mem>>
      %dma_wait3A_135 = tpu.memref_squeeze %dma_wait3A_134 : memref<1x1x!tpu.dma_semaphore, #tpu.memory_space<semaphore_mem>> -> memref<!tpu.dma_semaphore, #tpu.memory_space<semaphore_mem>>
      tpu.wait_indirect_dma semaphore(%dma_wait3A_135 : memref<!tpu.dma_semaphore, #tpu.memory_space<semaphore_mem>>) src(%dma_wait3A_133 : memref<100000x64xf32, #tpu.memory_space<hbm>>) dst(%dma_wait3A_127 : memref<104x64xf32, #tpu.memory_space<vmem>>)
      %add3A_136 = arith.constant 4 : i32
      %add3A_137 = arith.addi %add3A_113, %add3A_136 : i32
      %sub3A = arith.constant 1 : i32
      %sub3A_138 = arith.subi %add3A_137, %sub3A : i32
      %lt3A = arith.constant 128 : i32
      %lt3A_139 = arith.cmpi slt, %sub3A_138, %lt3A : i32
      %convert_element_type3A = arith.extui %lt3A_139 : i1 to i32
      %cond3A = arith.constant 0 : i32
      %cond3A_140 = arith.cmpi ne, %convert_element_type3A, %cond3A : i32
      scf.if %cond3A_140 {
        %add3A_479 = arith.constant 4 : i32
        %add3A_480 = arith.addi %add3A_113, %add3A_479 : i32
        %sub3A_481 = arith.constant 1 : i32
        %sub3A_482 = arith.subi %add3A_480, %sub3A_481 : i32
        %dma_start3A_483 = arith.constant 3 : i32
        %dma_start3A_484 = arith.constant 3 : i32
        %dma_start3A_485 = arith.constant 0 : i32
        %dma_start3A_486 = arith.constant 0 : i32
        %dma_start3A_487 = arith.constant 0 : i32
        %dma_start3A_488 = tpu.memref_slice %arg6[%dma_start3A_483, %dma_start3A_486, %dma_start3A_487] : memref<4x200x64xf32, #tpu.memory_space<vmem>> -> memref<1x104x64xf32, #tpu.memory_space<vmem>>
        %dma_start3A_489 = tpu.memref_squeeze %dma_start3A_488 : memref<1x104x64xf32, #tpu.memory_space<vmem>> -> memref<104x64xf32, #tpu.memory_space<vmem>>
        %dma_start3A_490 = arith.constant 0 : i32
        %dma_start3A_491 = tpu.memref_slice %arg5[%sub3A_482, %dma_start3A_490] : memref<128x200xi32, #tpu.memory_space<vmem>> -> memref<1x104xi32, #tpu.memory_space<vmem>>
        %dma_start3A_492 = tpu.memref_squeeze %dma_start3A_491 : memref<1x104xi32, #tpu.memory_space<vmem>> -> memref<104xi32, #tpu.memory_space<vmem>>
        %dma_start3A_493 = arith.constant 0 : i32
        %dma_start3A_494 = arith.constant 0 : i32
        %dma_start3A_495 = tpu.memref_slice %arg3[%dma_start3A_493, %dma_start3A_494] : memref<100000x64xf32, #tpu.memory_space<hbm>> -> memref<100000x64xf32, #tpu.memory_space<hbm>>
        %dma_start3A_496 = tpu.memref_slice %arg8[%dma_start3A_484, %dma_start3A_485] : memref<4x2x!tpu.dma_semaphore, #tpu.memory_space<semaphore_mem>> -> memref<1x1x!tpu.dma_semaphore, #tpu.memory_space<semaphore_mem>>
        %dma_start3A_497 = tpu.memref_squeeze %dma_start3A_496 : memref<1x1x!tpu.dma_semaphore, #tpu.memory_space<semaphore_mem>> -> memref<!tpu.dma_semaphore, #tpu.memory_space<semaphore_mem>>
        tpu.enqueue_indirect_dma source(%dma_start3A_495 : memref<100000x64xf32, #tpu.memory_space<hbm>>) target(%dma_start3A_489 : memref<104x64xf32, #tpu.memory_space<vmem>>) offsets(%dma_start3A_492 : memref<104xi32, #tpu.memory_space<vmem>>) semaphore(%dma_start3A_497 : memref<!tpu.dma_semaphore, #tpu.memory_space<semaphore_mem>>)
      } else {
      }
      %scan3A_141 = arith.constant 0 : i32
      %scan3A_142 = arith.constant 104 : i32
      %scan3A_143 = arith.addi %scan3A_141, %scan3A_142 : i32
      %scan3A_144 = arith.constant 13 : i32
      %scan3A_145:4 = scf.for %scan3A_479 = %scan3A_141 to %scan3A_143 step %scan3A_144 iter_args(%scan3A_480 = %broadcast_in_dim3A_114, %scan3A_481 = %broadcast_in_dim3A_116, %scan3A_482 = %broadcast_in_dim3A_118, %scan3A_483 = %broadcast_in_dim3A_120) -> (vector<16xf32>, vector<16xf32>, vector<16xf32>, vector<16xf32>)  : i32 {
        %get3A = arith.constant 0 : i32
        %get3A_484 = arith.index_cast %get3A : i32 to index
        %get3A_485 = arith.index_cast %scan3A_479 : i32 to index
        %get3A_486 = arith.constant 0 : index
        %get3A_487 = tpu.vector_load %arg6[%get3A_484, %get3A_485, %get3A_486] {strides = array<i32>} : memref<4x200x64xf32, #tpu.memory_space<vmem>>, vector<1x1x16xf32>,
        %get3A_488 = vector.shape_cast %get3A_487 : vector<1x1x16xf32> to vector<16xf32>
        %add3A_489 = arith.addf %scan3A_480, %get3A_488 : vector<16xf32>
        %get3A_490 = arith.constant 0 : i32
        %get3A_491 = arith.index_cast %get3A_490 : i32 to index
        %get3A_492 = arith.index_cast %scan3A_479 : i32 to index
        %get3A_493 = arith.constant 16 : index
        %get3A_494 = tpu.vector_load %arg6[%get3A_491, %get3A_492, %get3A_493] {strides = array<i32>} : memref<4x200x64xf32, #tpu.memory_space<vmem>>, vector<1x1x16xf32>,
        %get3A_495 = vector.shape_cast %get3A_494 : vector<1x1x16xf32> to vector<16xf32>
        %add3A_496 = arith.addf %scan3A_481, %get3A_495 : vector<16xf32>
        %get3A_497 = arith.constant 0 : i32
        %get3A_498 = arith.index_cast %get3A_497 : i32 to index
        %get3A_499 = arith.index_cast %scan3A_479 : i32 to index
        %get3A_500 = arith.constant 32 : index
        %get3A_501 = tpu.vector_load %arg6[%get3A_498, %get3A_499, %get3A_500] {strides = array<i32>} : memref<4x200x64xf32, #tpu.memory_space<vmem>>, vector<1x1x16xf32>,
        %get3A_502 = vector.shape_cast %get3A_501 : vector<1x1x16xf32> to vector<16xf32>
        %add3A_503 = arith.addf %scan3A_482, %get3A_502 : vector<16xf32>
        %get3A_504 = arith.constant 0 : i32
        %get3A_505 = arith.index_cast %get3A_504 : i32 to index
        %get3A_506 = arith.index_cast %scan3A_479 : i32 to index
        %get3A_507 = arith.constant 48 : index
        %get3A_508 = tpu.vector_load %arg6[%get3A_505, %get3A_506, %get3A_507] {strides = array<i32>} : memref<4x200x64xf32, #tpu.memory_space<vmem>>, vector<1x1x16xf32>,
        %get3A_509 = vector.shape_cast %get3A_508 : vector<1x1x16xf32> to vector<16xf32>
        %add3A_510 = arith.addf %scan3A_483, %get3A_509 : vector<16xf32>
        %scan3A_511 = arith.constant 1 : i32
        %scan3A_512 = arith.addi %scan3A_479, %scan3A_511 : i32
        %get3A_513 = arith.constant 0 : i32
        %get3A_514 = arith.index_cast %get3A_513 : i32 to index
        %get3A_515 = arith.index_cast %scan3A_512 : i32 to index
        %get3A_516 = arith.constant 0 : index
        %get3A_517 = tpu.vector_load %arg6[%get3A_514, %get3A_515, %get3A_516] {strides = array<i32>} : memref<4x200x64xf32, #tpu.memory_space<vmem>>, vector<1x1x16xf32>,
        %get3A_518 = vector.shape_cast %get3A_517 : vector<1x1x16xf32> to vector<16xf32>
        %add3A_519 = arith.addf %add3A_489, %get3A_518 : vector<16xf32>
        %get3A_520 = arith.constant 0 : i32
        %get3A_521 = arith.index_cast %get3A_520 : i32 to index
        %get3A_522 = arith.index_cast %scan3A_512 : i32 to index
        %get3A_523 = arith.constant 16 : index
        %get3A_524 = tpu.vector_load %arg6[%get3A_521, %get3A_522, %get3A_523] {strides = array<i32>} : memref<4x200x64xf32, #tpu.memory_space<vmem>>, vector<1x1x16xf32>,
        %get3A_525 = vector.shape_cast %get3A_524 : vector<1x1x16xf32> to vector<16xf32>
        %add3A_526 = arith.addf %add3A_496, %get3A_525 : vector<16xf32>
        %get3A_527 = arith.constant 0 : i32
        %get3A_528 = arith.index_cast %get3A_527 : i32 to index
        %get3A_529 = arith.index_cast %scan3A_512 : i32 to index
        %get3A_530 = arith.constant 32 : index
        %get3A_531 = tpu.vector_load %arg6[%get3A_528, %get3A_529, %get3A_530] {strides = array<i32>} : memref<4x200x64xf32, #tpu.memory_space<vmem>>, vector<1x1x16xf32>,
        %get3A_532 = vector.shape_cast %get3A_531 : vector<1x1x16xf32> to vector<16xf32>
        %add3A_533 = arith.addf %add3A_503, %get3A_532 : vector<16xf32>
        %get3A_534 = arith.constant 0 : i32
        %get3A_535 = arith.index_cast %get3A_534 : i32 to index
        %get3A_536 = arith.index_cast %scan3A_512 : i32 to index
        %get3A_537 = arith.constant 48 : index
        %get3A_538 = tpu.vector_load %arg6[%get3A_535, %get3A_536, %get3A_537] {strides = array<i32>} : memref<4x200x64xf32, #tpu.memory_space<vmem>>, vector<1x1x16xf32>,
        %get3A_539 = vector.shape_cast %get3A_538 : vector<1x1x16xf32> to vector<16xf32>
        %add3A_540 = arith.addf %add3A_510, %get3A_539 : vector<16xf32>
        %scan3A_541 = arith.constant 2 : i32
        %scan3A_542 = arith.addi %scan3A_479, %scan3A_541 : i32
        %get3A_543 = arith.constant 0 : i32
        %get3A_544 = arith.index_cast %get3A_543 : i32 to index
        %get3A_545 = arith.index_cast %scan3A_542 : i32 to index
        %get3A_546 = arith.constant 0 : index
        %get3A_547 = tpu.vector_load %arg6[%get3A_544, %get3A_545, %get3A_546] {strides = array<i32>} : memref<4x200x64xf32, #tpu.memory_space<vmem>>, vector<1x1x16xf32>,
        %get3A_548 = vector.shape_cast %get3A_547 : vector<1x1x16xf32> to vector<16xf32>
        %add3A_549 = arith.addf %add3A_519, %get3A_548 : vector<16xf32>
        %get3A_550 = arith.constant 0 : i32
        %get3A_551 = arith.index_cast %get3A_550 : i32 to index
        %get3A_552 = arith.index_cast %scan3A_542 : i32 to index
        %get3A_553 = arith.constant 16 : index
        %get3A_554 = tpu.vector_load %arg6[%get3A_551, %get3A_552, %get3A_553] {strides = array<i32>} : memref<4x200x64xf32, #tpu.memory_space<vmem>>, vector<1x1x16xf32>,
        %get3A_555 = vector.shape_cast %get3A_554 : vector<1x1x16xf32> to vector<16xf32>
        %add3A_556 = arith.addf %add3A_526, %get3A_555 : vector<16xf32>
        %get3A_557 = arith.constant 0 : i32
        %get3A_558 = arith.index_cast %get3A_557 : i32 to index
        %get3A_559 = arith.index_cast %scan3A_542 : i32 to index
        %get3A_560 = arith.constant 32 : index
        %get3A_561 = tpu.vector_load %arg6[%get3A_558, %get3A_559, %get3A_560] {strides = array<i32>} : memref<4x200x64xf32, #tpu.memory_space<vmem>>, vector<1x1x16xf32>,
        %get3A_562 = vector.shape_cast %get3A_561 : vector<1x1x16xf32> to vector<16xf32>
        %add3A_563 = arith.addf %add3A_533, %get3A_562 : vector<16xf32>
        %get3A_564 = arith.constant 0 : i32
        %get3A_565 = arith.index_cast %get3A_564 : i32 to index
        %get3A_566 = arith.index_cast %scan3A_542 : i32 to index
        %get3A_567 = arith.constant 48 : index
        %get3A_568 = tpu.vector_load %arg6[%get3A_565, %get3A_566, %get3A_567] {strides = array<i32>} : memref<4x200x64xf32, #tpu.memory_space<vmem>>, vector<1x1x16xf32>,
        %get3A_569 = vector.shape_cast %get3A_568 : vector<1x1x16xf32> to vector<16xf32>
        %add3A_570 = arith.addf %add3A_540, %get3A_569 : vector<16xf32>
        %scan3A_571 = arith.constant 3 : i32
        %scan3A_572 = arith.addi %scan3A_479, %scan3A_571 : i32
        %get3A_573 = arith.constant 0 : i32
        %get3A_574 = arith.index_cast %get3A_573 : i32 to index
        %get3A_575 = arith.index_cast %scan3A_572 : i32 to index
        %get3A_576 = arith.constant 0 : index
        %get3A_577 = tpu.vector_load %arg6[%get3A_574, %get3A_575, %get3A_576] {strides = array<i32>} : memref<4x200x64xf32, #tpu.memory_space<vmem>>, vector<1x1x16xf32>,
        %get3A_578 = vector.shape_cast %get3A_577 : vector<1x1x16xf32> to vector<16xf32>
        %add3A_579 = arith.addf %add3A_549, %get3A_578 : vector<16xf32>
        %get3A_580 = arith.constant 0 : i32
        %get3A_581 = arith.index_cast %get3A_580 : i32 to index
        %get3A_582 = arith.index_cast %scan3A_572 : i32 to index
        %get3A_583 = arith.constant 16 : index
        %get3A_584 = tpu.vector_load %arg6[%get3A_581, %get3A_582, %get3A_583] {strides = array<i32>} : memref<4x200x64xf32, #tpu.memory_space<vmem>>, vector<1x1x16xf32>,
        %get3A_585 = vector.shape_cast %get3A_584 : vector<1x1x16xf32> to vector<16xf32>
        %add3A_586 = arith.addf %add3A_556, %get3A_585 : vector<16xf32>
        %get3A_587 = arith.constant 0 : i32
        %get3A_588 = arith.index_cast %get3A_587 : i32 to index
        %get3A_589 = arith.index_cast %scan3A_572 : i32 to index
        %get3A_590 = arith.constant 32 : index
        %get3A_591 = tpu.vector_load %arg6[%get3A_588, %get3A_589, %get3A_590] {strides = array<i32>} : memref<4x200x64xf32, #tpu.memory_space<vmem>>, vector<1x1x16xf32>,
        %get3A_592 = vector.shape_cast %get3A_591 : vector<1x1x16xf32> to vector<16xf32>
        %add3A_593 = arith.addf %add3A_563, %get3A_592 : vector<16xf32>
        %get3A_594 = arith.constant 0 : i32
        %get3A_595 = arith.index_cast %get3A_594 : i32 to index
        %get3A_596 = arith.index_cast %scan3A_572 : i32 to index
        %get3A_597 = arith.constant 48 : index
        %get3A_598 = tpu.vector_load %arg6[%get3A_595, %get3A_596, %get3A_597] {strides = array<i32>} : memref<4x200x64xf32, #tpu.memory_space<vmem>>, vector<1x1x16xf32>,
        %get3A_599 = vector.shape_cast %get3A_598 : vector<1x1x16xf32> to vector<16xf32>
        %add3A_600 = arith.addf %add3A_570, %get3A_599 : vector<16xf32>
        %scan3A_601 = arith.constant 4 : i32
        %scan3A_602 = arith.addi %scan3A_479, %scan3A_601 : i32
        %get3A_603 = arith.constant 0 : i32
        %get3A_604 = arith.index_cast %get3A_603 : i32 to index
        %get3A_605 = arith.index_cast %scan3A_602 : i32 to index
        %get3A_606 = arith.constant 0 : index
        %get3A_607 = tpu.vector_load %arg6[%get3A_604, %get3A_605, %get3A_606] {strides = array<i32>} : memref<4x200x64xf32, #tpu.memory_space<vmem>>, vector<1x1x16xf32>,
        %get3A_608 = vector.shape_cast %get3A_607 : vector<1x1x16xf32> to vector<16xf32>
        %add3A_609 = arith.addf %add3A_579, %get3A_608 : vector<16xf32>
        %get3A_610 = arith.constant 0 : i32
        %get3A_611 = arith.index_cast %get3A_610 : i32 to index
        %get3A_612 = arith.index_cast %scan3A_602 : i32 to index
        %get3A_613 = arith.constant 16 : index
        %get3A_614 = tpu.vector_load %arg6[%get3A_611, %get3A_612, %get3A_613] {strides = array<i32>} : memref<4x200x64xf32, #tpu.memory_space<vmem>>, vector<1x1x16xf32>,
        %get3A_615 = vector.shape_cast %get3A_614 : vector<1x1x16xf32> to vector<16xf32>
        %add3A_616 = arith.addf %add3A_586, %get3A_615 : vector<16xf32>
        %get3A_617 = arith.constant 0 : i32
        %get3A_618 = arith.index_cast %get3A_617 : i32 to index
        %get3A_619 = arith.index_cast %scan3A_602 : i32 to index
        %get3A_620 = arith.constant 32 : index
        %get3A_621 = tpu.vector_load %arg6[%get3A_618, %get3A_619, %get3A_620] {strides = array<i32>} : memref<4x200x64xf32, #tpu.memory_space<vmem>>, vector<1x1x16xf32>,
        %get3A_622 = vector.shape_cast %get3A_621 : vector<1x1x16xf32> to vector<16xf32>
        %add3A_623 = arith.addf %add3A_593, %get3A_622 : vector<16xf32>
        %get3A_624 = arith.constant 0 : i32
        %get3A_625 = arith.index_cast %get3A_624 : i32 to index
        %get3A_626 = arith.index_cast %scan3A_602 : i32 to index
        %get3A_627 = arith.constant 48 : index
        %get3A_628 = tpu.vector_load %arg6[%get3A_625, %get3A_626, %get3A_627] {strides = array<i32>} : memref<4x200x64xf32, #tpu.memory_space<vmem>>, vector<1x1x16xf32>,
        %get3A_629 = vector.shape_cast %get3A_628 : vector<1x1x16xf32> to vector<16xf32>
        %add3A_630 = arith.addf %add3A_600, %get3A_629 : vector<16xf32>
        %scan3A_631 = arith.constant 5 : i32
        %scan3A_632 = arith.addi %scan3A_479, %scan3A_631 : i32
        %get3A_633 = arith.constant 0 : i32
        %get3A_634 = arith.index_cast %get3A_633 : i32 to index
        %get3A_635 = arith.index_cast %scan3A_632 : i32 to index
        %get3A_636 = arith.constant 0 : index
        %get3A_637 = tpu.vector_load %arg6[%get3A_634, %get3A_635, %get3A_636] {strides = array<i32>} : memref<4x200x64xf32, #tpu.memory_space<vmem>>, vector<1x1x16xf32>,
        %get3A_638 = vector.shape_cast %get3A_637 : vector<1x1x16xf32> to vector<16xf32>
        %add3A_639 = arith.addf %add3A_609, %get3A_638 : vector<16xf32>
        %get3A_640 = arith.constant 0 : i32
        %get3A_641 = arith.index_cast %get3A_640 : i32 to index
        %get3A_642 = arith.index_cast %scan3A_632 : i32 to index
        %get3A_643 = arith.constant 16 : index
        %get3A_644 = tpu.vector_load %arg6[%get3A_641, %get3A_642, %get3A_643] {strides = array<i32>} : memref<4x200x64xf32, #tpu.memory_space<vmem>>, vector<1x1x16xf32>,
        %get3A_645 = vector.shape_cast %get3A_644 : vector<1x1x16xf32> to vector<16xf32>
        %add3A_646 = arith.addf %add3A_616, %get3A_645 : vector<16xf32>
        %get3A_647 = arith.constant 0 : i32
        %get3A_648 = arith.index_cast %get3A_647 : i32 to index
        %get3A_649 = arith.index_cast %scan3A_632 : i32 to index
        %get3A_650 = arith.constant 32 : index
        %get3A_651 = tpu.vector_load %arg6[%get3A_648, %get3A_649, %get3A_650] {strides = array<i32>} : memref<4x200x64xf32, #tpu.memory_space<vmem>>, vector<1x1x16xf32>,
        %get3A_652 = vector.shape_cast %get3A_651 : vector<1x1x16xf32> to vector<16xf32>
        %add3A_653 = arith.addf %add3A_623, %get3A_652 : vector<16xf32>
        %get3A_654 = arith.constant 0 : i32
        %get3A_655 = arith.index_cast %get3A_654 : i32 to index
        %get3A_656 = arith.index_cast %scan3A_632 : i32 to index
        %get3A_657 = arith.constant 48 : index
        %get3A_658 = tpu.vector_load %arg6[%get3A_655, %get3A_656, %get3A_657] {strides = array<i32>} : memref<4x200x64xf32, #tpu.memory_space<vmem>>, vector<1x1x16xf32>,
        %get3A_659 = vector.shape_cast %get3A_658 : vector<1x1x16xf32> to vector<16xf32>
        %add3A_660 = arith.addf %add3A_630, %get3A_659 : vector<16xf32>
        %scan3A_661 = arith.constant 6 : i32
        %scan3A_662 = arith.addi %scan3A_479, %scan3A_661 : i32
        %get3A_663 = arith.constant 0 : i32
        %get3A_664 = arith.index_cast %get3A_663 : i32 to index
        %get3A_665 = arith.index_cast %scan3A_662 : i32 to index
        %get3A_666 = arith.constant 0 : index
        %get3A_667 = tpu.vector_load %arg6[%get3A_664, %get3A_665, %get3A_666] {strides = array<i32>} : memref<4x200x64xf32, #tpu.memory_space<vmem>>, vector<1x1x16xf32>,
        %get3A_668 = vector.shape_cast %get3A_667 : vector<1x1x16xf32> to vector<16xf32>
        %add3A_669 = arith.addf %add3A_639, %get3A_668 : vector<16xf32>
        %get3A_670 = arith.constant 0 : i32
        %get3A_671 = arith.index_cast %get3A_670 : i32 to index
        %get3A_672 = arith.index_cast %scan3A_662 : i32 to index
        %get3A_673 = arith.constant 16 : index
        %get3A_674 = tpu.vector_load %arg6[%get3A_671, %get3A_672, %get3A_673] {strides = array<i32>} : memref<4x200x64xf32, #tpu.memory_space<vmem>>, vector<1x1x16xf32>,
        %get3A_675 = vector.shape_cast %get3A_674 : vector<1x1x16xf32> to vector<16xf32>
        %add3A_676 = arith.addf %add3A_646, %get3A_675 : vector<16xf32>
        %get3A_677 = arith.constant 0 : i32
        %get3A_678 = arith.index_cast %get3A_677 : i32 to index
        %get3A_679 = arith.index_cast %scan3A_662 : i32 to index
        %get3A_680 = arith.constant 32 : index
        %get3A_681 = tpu.vector_load %arg6[%get3A_678, %get3A_679, %get3A_680] {strides = array<i32>} : memref<4x200x64xf32, #tpu.memory_space<vmem>>, vector<1x1x16xf32>,
        %get3A_682 = vector.shape_cast %get3A_681 : vector<1x1x16xf32> to vector<16xf32>
        %add3A_683 = arith.addf %add3A_653, %get3A_682 : vector<16xf32>
        %get3A_684 = arith.constant 0 : i32
        %get3A_685 = arith.index_cast %get3A_684 : i32 to index
        %get3A_686 = arith.index_cast %scan3A_662 : i32 to index
        %get3A_687 = arith.constant 48 : index
        %get3A_688 = tpu.vector_load %arg6[%get3A_685, %get3A_686, %get3A_687] {strides = array<i32>} : memref<4x200x64xf32, #tpu.memory_space<vmem>>, vector<1x1x16xf32>,
        %get3A_689 = vector.shape_cast %get3A_688 : vector<1x1x16xf32> to vector<16xf32>
        %add3A_690 = arith.addf %add3A_660, %get3A_689 : vector<16xf32>
        %scan3A_691 = arith.constant 7 : i32
        %scan3A_692 = arith.addi %scan3A_479, %scan3A_691 : i32
        %get3A_693 = arith.constant 0 : i32
        %get3A_694 = arith.index_cast %get3A_693 : i32 to index
        %get3A_695 = arith.index_cast %scan3A_692 : i32 to index
        %get3A_696 = arith.constant 0 : index
        %get3A_697 = tpu.vector_load %arg6[%get3A_694, %get3A_695, %get3A_696] {strides = array<i32>} : memref<4x200x64xf32, #tpu.memory_space<vmem>>, vector<1x1x16xf32>,
        %get3A_698 = vector.shape_cast %get3A_697 : vector<1x1x16xf32> to vector<16xf32>
        %add3A_699 = arith.addf %add3A_669, %get3A_698 : vector<16xf32>
        %get3A_700 = arith.constant 0 : i32
        %get3A_701 = arith.index_cast %get3A_700 : i32 to index
        %get3A_702 = arith.index_cast %scan3A_692 : i32 to index
        %get3A_703 = arith.constant 16 : index
        %get3A_704 = tpu.vector_load %arg6[%get3A_701, %get3A_702, %get3A_703] {strides = array<i32>} : memref<4x200x64xf32, #tpu.memory_space<vmem>>, vector<1x1x16xf32>,
        %get3A_705 = vector.shape_cast %get3A_704 : vector<1x1x16xf32> to vector<16xf32>
        %add3A_706 = arith.addf %add3A_676, %get3A_705 : vector<16xf32>
        %get3A_707 = arith.constant 0 : i32
        %get3A_708 = arith.index_cast %get3A_707 : i32 to index
        %get3A_709 = arith.index_cast %scan3A_692 : i32 to index
        %get3A_710 = arith.constant 32 : index
        %get3A_711 = tpu.vector_load %arg6[%get3A_708, %get3A_709, %get3A_710] {strides = array<i32>} : memref<4x200x64xf32, #tpu.memory_space<vmem>>, vector<1x1x16xf32>,
        %get3A_712 = vector.shape_cast %get3A_711 : vector<1x1x16xf32> to vector<16xf32>
        %add3A_713 = arith.addf %add3A_683, %get3A_712 : vector<16xf32>
        %get3A_714 = arith.constant 0 : i32
        %get3A_715 = arith.index_cast %get3A_714 : i32 to index
        %get3A_716 = arith.index_cast %scan3A_692 : i32 to index
        %get3A_717 = arith.constant 48 : index
        %get3A_718 = tpu.vector_load %arg6[%get3A_715, %get3A_716, %get3A_717] {strides = array<i32>} : memref<4x200x64xf32, #tpu.memory_space<vmem>>, vector<1x1x16xf32>,
        %get3A_719 = vector.shape_cast %get3A_718 : vector<1x1x16xf32> to vector<16xf32>
        %add3A_720 = arith.addf %add3A_690, %get3A_719 : vector<16xf32>
        %scan3A_721 = arith.constant 8 : i32
        %scan3A_722 = arith.addi %scan3A_479, %scan3A_721 : i32
        %get3A_723 = arith.constant 0 : i32
        %get3A_724 = arith.index_cast %get3A_723 : i32 to index
        %get3A_725 = arith.index_cast %scan3A_722 : i32 to index
        %get3A_726 = arith.constant 0 : index
        %get3A_727 = tpu.vector_load %arg6[%get3A_724, %get3A_725, %get3A_726] {strides = array<i32>} : memref<4x200x64xf32, #tpu.memory_space<vmem>>, vector<1x1x16xf32>,
        %get3A_728 = vector.shape_cast %get3A_727 : vector<1x1x16xf32> to vector<16xf32>
        %add3A_729 = arith.addf %add3A_699, %get3A_728 : vector<16xf32>
        %get3A_730 = arith.constant 0 : i32
        %get3A_731 = arith.index_cast %get3A_730 : i32 to index
        %get3A_732 = arith.index_cast %scan3A_722 : i32 to index
        %get3A_733 = arith.constant 16 : index
        %get3A_734 = tpu.vector_load %arg6[%get3A_731, %get3A_732, %get3A_733] {strides = array<i32>} : memref<4x200x64xf32, #tpu.memory_space<vmem>>, vector<1x1x16xf32>,
        %get3A_735 = vector.shape_cast %get3A_734 : vector<1x1x16xf32> to vector<16xf32>
        %add3A_736 = arith.addf %add3A_706, %get3A_735 : vector<16xf32>
        %get3A_737 = arith.constant 0 : i32
        %get3A_738 = arith.index_cast %get3A_737 : i32 to index
        %get3A_739 = arith.index_cast %scan3A_722 : i32 to index
        %get3A_740 = arith.constant 32 : index
        %get3A_741 = tpu.vector_load %arg6[%get3A_738, %get3A_739, %get3A_740] {strides = array<i32>} : memref<4x200x64xf32, #tpu.memory_space<vmem>>, vector<1x1x16xf32>,
        %get3A_742 = vector.shape_cast %get3A_741 : vector<1x1x16xf32> to vector<16xf32>
        %add3A_743 = arith.addf %add3A_713, %get3A_742 : vector<16xf32>
        %get3A_744 = arith.constant 0 : i32
        %get3A_745 = arith.index_cast %get3A_744 : i32 to index
        %get3A_746 = arith.index_cast %scan3A_722 : i32 to index
        %get3A_747 = arith.constant 48 : index
        %get3A_748 = tpu.vector_load %arg6[%get3A_745, %get3A_746, %get3A_747] {strides = array<i32>} : memref<4x200x64xf32, #tpu.memory_space<vmem>>, vector<1x1x16xf32>,
        %get3A_749 = vector.shape_cast %get3A_748 : vector<1x1x16xf32> to vector<16xf32>
        %add3A_750 = arith.addf %add3A_720, %get3A_749 : vector<16xf32>
        %scan3A_751 = arith.constant 9 : i32
        %scan3A_752 = arith.addi %scan3A_479, %scan3A_751 : i32
        %get3A_753 = arith.constant 0 : i32
        %get3A_754 = arith.index_cast %get3A_753 : i32 to index
        %get3A_755 = arith.index_cast %scan3A_752 : i32 to index
        %get3A_756 = arith.constant 0 : index
        %get3A_757 = tpu.vector_load %arg6[%get3A_754, %get3A_755, %get3A_756] {strides = array<i32>} : memref<4x200x64xf32, #tpu.memory_space<vmem>>, vector<1x1x16xf32>,
        %get3A_758 = vector.shape_cast %get3A_757 : vector<1x1x16xf32> to vector<16xf32>
        %add3A_759 = arith.addf %add3A_729, %get3A_758 : vector<16xf32>
        %get3A_760 = arith.constant 0 : i32
        %get3A_761 = arith.index_cast %get3A_760 : i32 to index
        %get3A_762 = arith.index_cast %scan3A_752 : i32 to index
        %get3A_763 = arith.constant 16 : index
        %get3A_764 = tpu.vector_load %arg6[%get3A_761, %get3A_762, %get3A_763] {strides = array<i32>} : memref<4x200x64xf32, #tpu.memory_space<vmem>>, vector<1x1x16xf32>,
        %get3A_765 = vector.shape_cast %get3A_764 : vector<1x1x16xf32> to vector<16xf32>
        %add3A_766 = arith.addf %add3A_736, %get3A_765 : vector<16xf32>
        %get3A_767 = arith.constant 0 : i32
        %get3A_768 = arith.index_cast %get3A_767 : i32 to index
        %get3A_769 = arith.index_cast %scan3A_752 : i32 to index
        %get3A_770 = arith.constant 32 : index
        %get3A_771 = tpu.vector_load %arg6[%get3A_768, %get3A_769, %get3A_770] {strides = array<i32>} : memref<4x200x64xf32, #tpu.memory_space<vmem>>, vector<1x1x16xf32>,
        %get3A_772 = vector.shape_cast %get3A_771 : vector<1x1x16xf32> to vector<16xf32>
        %add3A_773 = arith.addf %add3A_743, %get3A_772 : vector<16xf32>
        %get3A_774 = arith.constant 0 : i32
        %get3A_775 = arith.index_cast %get3A_774 : i32 to index
        %get3A_776 = arith.index_cast %scan3A_752 : i32 to index
        %get3A_777 = arith.constant 48 : index
        %get3A_778 = tpu.vector_load %arg6[%get3A_775, %get3A_776, %get3A_777] {strides = array<i32>} : memref<4x200x64xf32, #tpu.memory_space<vmem>>, vector<1x1x16xf32>,
        %get3A_779 = vector.shape_cast %get3A_778 : vector<1x1x16xf32> to vector<16xf32>
        %add3A_780 = arith.addf %add3A_750, %get3A_779 : vector<16xf32>
        %scan3A_781 = arith.constant 10 : i32
        %scan3A_782 = arith.addi %scan3A_479, %scan3A_781 : i32
        %get3A_783 = arith.constant 0 : i32
        %get3A_784 = arith.index_cast %get3A_783 : i32 to index
        %get3A_785 = arith.index_cast %scan3A_782 : i32 to index
        %get3A_786 = arith.constant 0 : index
        %get3A_787 = tpu.vector_load %arg6[%get3A_784, %get3A_785, %get3A_786] {strides = array<i32>} : memref<4x200x64xf32, #tpu.memory_space<vmem>>, vector<1x1x16xf32>,
        %get3A_788 = vector.shape_cast %get3A_787 : vector<1x1x16xf32> to vector<16xf32>
        %add3A_789 = arith.addf %add3A_759, %get3A_788 : vector<16xf32>
        %get3A_790 = arith.constant 0 : i32
        %get3A_791 = arith.index_cast %get3A_790 : i32 to index
        %get3A_792 = arith.index_cast %scan3A_782 : i32 to index
        %get3A_793 = arith.constant 16 : index
        %get3A_794 = tpu.vector_load %arg6[%get3A_791, %get3A_792, %get3A_793] {strides = array<i32>} : memref<4x200x64xf32, #tpu.memory_space<vmem>>, vector<1x1x16xf32>,
        %get3A_795 = vector.shape_cast %get3A_794 : vector<1x1x16xf32> to vector<16xf32>
        %add3A_796 = arith.addf %add3A_766, %get3A_795 : vector<16xf32>
        %get3A_797 = arith.constant 0 : i32
        %get3A_798 = arith.index_cast %get3A_797 : i32 to index
        %get3A_799 = arith.index_cast %scan3A_782 : i32 to index
        %get3A_800 = arith.constant 32 : index
        %get3A_801 = tpu.vector_load %arg6[%get3A_798, %get3A_799, %get3A_800] {strides = array<i32>} : memref<4x200x64xf32, #tpu.memory_space<vmem>>, vector<1x1x16xf32>,
        %get3A_802 = vector.shape_cast %get3A_801 : vector<1x1x16xf32> to vector<16xf32>
        %add3A_803 = arith.addf %add3A_773, %get3A_802 : vector<16xf32>
        %get3A_804 = arith.constant 0 : i32
        %get3A_805 = arith.index_cast %get3A_804 : i32 to index
        %get3A_806 = arith.index_cast %scan3A_782 : i32 to index
        %get3A_807 = arith.constant 48 : index
        %get3A_808 = tpu.vector_load %arg6[%get3A_805, %get3A_806, %get3A_807] {strides = array<i32>} : memref<4x200x64xf32, #tpu.memory_space<vmem>>, vector<1x1x16xf32>,
        %get3A_809 = vector.shape_cast %get3A_808 : vector<1x1x16xf32> to vector<16xf32>
        %add3A_810 = arith.addf %add3A_780, %get3A_809 : vector<16xf32>
        %scan3A_811 = arith.constant 11 : i32
        %scan3A_812 = arith.addi %scan3A_479, %scan3A_811 : i32
        %get3A_813 = arith.constant 0 : i32
        %get3A_814 = arith.index_cast %get3A_813 : i32 to index
        %get3A_815 = arith.index_cast %scan3A_812 : i32 to index
        %get3A_816 = arith.constant 0 : index
        %get3A_817 = tpu.vector_load %arg6[%get3A_814, %get3A_815, %get3A_816] {strides = array<i32>} : memref<4x200x64xf32, #tpu.memory_space<vmem>>, vector<1x1x16xf32>,
        %get3A_818 = vector.shape_cast %get3A_817 : vector<1x1x16xf32> to vector<16xf32>
        %add3A_819 = arith.addf %add3A_789, %get3A_818 : vector<16xf32>
        %get3A_820 = arith.constant 0 : i32
        %get3A_821 = arith.index_cast %get3A_820 : i32 to index
        %get3A_822 = arith.index_cast %scan3A_812 : i32 to index
        %get3A_823 = arith.constant 16 : index
        %get3A_824 = tpu.vector_load %arg6[%get3A_821, %get3A_822, %get3A_823] {strides = array<i32>} : memref<4x200x64xf32, #tpu.memory_space<vmem>>, vector<1x1x16xf32>,
        %get3A_825 = vector.shape_cast %get3A_824 : vector<1x1x16xf32> to vector<16xf32>
        %add3A_826 = arith.addf %add3A_796, %get3A_825 : vector<16xf32>
        %get3A_827 = arith.constant 0 : i32
        %get3A_828 = arith.index_cast %get3A_827 : i32 to index
        %get3A_829 = arith.index_cast %scan3A_812 : i32 to index
        %get3A_830 = arith.constant 32 : index
        %get3A_831 = tpu.vector_load %arg6[%get3A_828, %get3A_829, %get3A_830] {strides = array<i32>} : memref<4x200x64xf32, #tpu.memory_space<vmem>>, vector<1x1x16xf32>,
        %get3A_832 = vector.shape_cast %get3A_831 : vector<1x1x16xf32> to vector<16xf32>
        %add3A_833 = arith.addf %add3A_803, %get3A_832 : vector<16xf32>
        %get3A_834 = arith.constant 0 : i32
        %get3A_835 = arith.index_cast %get3A_834 : i32 to index
        %get3A_836 = arith.index_cast %scan3A_812 : i32 to index
        %get3A_837 = arith.constant 48 : index
        %get3A_838 = tpu.vector_load %arg6[%get3A_835, %get3A_836, %get3A_837] {strides = array<i32>} : memref<4x200x64xf32, #tpu.memory_space<vmem>>, vector<1x1x16xf32>,
        %get3A_839 = vector.shape_cast %get3A_838 : vector<1x1x16xf32> to vector<16xf32>
        %add3A_840 = arith.addf %add3A_810, %get3A_839 : vector<16xf32>
        %scan3A_841 = arith.constant 12 : i32
        %scan3A_842 = arith.addi %scan3A_479, %scan3A_841 : i32
        %get3A_843 = arith.constant 0 : i32
        %get3A_844 = arith.index_cast %get3A_843 : i32 to index
        %get3A_845 = arith.index_cast %scan3A_842 : i32 to index
        %get3A_846 = arith.constant 0 : index
        %get3A_847 = tpu.vector_load %arg6[%get3A_844, %get3A_845, %get3A_846] {strides = array<i32>} : memref<4x200x64xf32, #tpu.memory_space<vmem>>, vector<1x1x16xf32>,
        %get3A_848 = vector.shape_cast %get3A_847 : vector<1x1x16xf32> to vector<16xf32>
        %add3A_849 = arith.addf %add3A_819, %get3A_848 : vector<16xf32>
        %get3A_850 = arith.constant 0 : i32
        %get3A_851 = arith.index_cast %get3A_850 : i32 to index
        %get3A_852 = arith.index_cast %scan3A_842 : i32 to index
        %get3A_853 = arith.constant 16 : index
        %get3A_854 = tpu.vector_load %arg6[%get3A_851, %get3A_852, %get3A_853] {strides = array<i32>} : memref<4x200x64xf32, #tpu.memory_space<vmem>>, vector<1x1x16xf32>,
        %get3A_855 = vector.shape_cast %get3A_854 : vector<1x1x16xf32> to vector<16xf32>
        %add3A_856 = arith.addf %add3A_826, %get3A_855 : vector<16xf32>
        %get3A_857 = arith.constant 0 : i32
        %get3A_858 = arith.index_cast %get3A_857 : i32 to index
        %get3A_859 = arith.index_cast %scan3A_842 : i32 to index
        %get3A_860 = arith.constant 32 : index
        %get3A_861 = tpu.vector_load %arg6[%get3A_858, %get3A_859, %get3A_860] {strides = array<i32>} : memref<4x200x64xf32, #tpu.memory_space<vmem>>, vector<1x1x16xf32>,
        %get3A_862 = vector.shape_cast %get3A_861 : vector<1x1x16xf32> to vector<16xf32>
        %add3A_863 = arith.addf %add3A_833, %get3A_862 : vector<16xf32>
        %get3A_864 = arith.constant 0 : i32
        %get3A_865 = arith.index_cast %get3A_864 : i32 to index
        %get3A_866 = arith.index_cast %scan3A_842 : i32 to index
        %get3A_867 = arith.constant 48 : index
        %get3A_868 = tpu.vector_load %arg6[%get3A_865, %get3A_866, %get3A_867] {strides = array<i32>} : memref<4x200x64xf32, #tpu.memory_space<vmem>>, vector<1x1x16xf32>,
        %get3A_869 = vector.shape_cast %get3A_868 : vector<1x1x16xf32> to vector<16xf32>
        %add3A_870 = arith.addf %add3A_840, %get3A_869 : vector<16xf32>
        scf.yield %add3A_849, %add3A_856, %add3A_863, %add3A_870 : vector<16xf32>, vector<16xf32>, vector<16xf32>, vector<16xf32>
      }
      %scan3A_146 = arith.constant 104 : i32
      %dma_wait3A_147 = arith.constant 0 : i32
      %dma_wait3A_148 = arith.constant 0 : i32
      %dma_wait3A_149 = arith.constant 0 : i32
      %dma_wait3A_150 = arith.constant 1 : i32
      %dma_wait3A_151 = arith.constant 104 : i32
      %dma_wait3A_152 = arith.constant 0 : i32
      %dma_wait3A_153 = tpu.memref_slice %arg6[%dma_wait3A_148, %dma_wait3A_151, %dma_wait3A_152] : memref<4x200x64xf32, #tpu.memory_space<vmem>> -> memref<1x96x64xf32, #tpu.memory_space<vmem>>
      %dma_wait3A_154 = tpu.memref_squeeze %dma_wait3A_153 : memref<1x96x64xf32, #tpu.memory_space<vmem>> -> memref<96x64xf32, #tpu.memory_space<vmem>>
      %dma_wait3A_155 = arith.constant 0 : i32
      %dma_wait3A_156 = tpu.memref_slice %arg5[%dma_wait3A_147, %dma_wait3A_155] : memref<128x200xi32, #tpu.memory_space<vmem>> -> memref<1x96xi32, #tpu.memory_space<vmem>>
      %dma_wait3A_157 = tpu.memref_squeeze %dma_wait3A_156 : memref<1x96xi32, #tpu.memory_space<vmem>> -> memref<96xi32, #tpu.memory_space<vmem>>
      %dma_wait3A_158 = arith.constant 0 : i32
      %dma_wait3A_159 = arith.constant 0 : i32
      %dma_wait3A_160 = tpu.memref_slice %arg3[%dma_wait3A_158, %dma_wait3A_159] : memref<100000x64xf32, #tpu.memory_space<hbm>> -> memref<100000x64xf32, #tpu.memory_space<hbm>>
      %dma_wait3A_161 = tpu.memref_slice %arg8[%dma_wait3A_149, %dma_wait3A_150] : memref<4x2x!tpu.dma_semaphore, #tpu.memory_space<semaphore_mem>> -> memref<1x1x!tpu.dma_semaphore, #tpu.memory_space<semaphore_mem>>
      %dma_wait3A_162 = tpu.memref_squeeze %dma_wait3A_161 : memref<1x1x!tpu.dma_semaphore, #tpu.memory_space<semaphore_mem>> -> memref<!tpu.dma_semaphore, #tpu.memory_space<semaphore_mem>>
      tpu.wait_indirect_dma semaphore(%dma_wait3A_162 : memref<!tpu.dma_semaphore, #tpu.memory_space<semaphore_mem>>) src(%dma_wait3A_160 : memref<100000x64xf32, #tpu.memory_space<hbm>>) dst(%dma_wait3A_154 : memref<96x64xf32, #tpu.memory_space<vmem>>)
      %add3A_163 = arith.constant 4 : i32
      %add3A_164 = arith.addi %add3A_113, %add3A_163 : i32
      %sub3A_165 = arith.constant 1 : i32
      %sub3A_166 = arith.subi %add3A_164, %sub3A_165 : i32
      %lt3A_167 = arith.constant 128 : i32
      %lt3A_168 = arith.cmpi slt, %sub3A_166, %lt3A_167 : i32
      %convert_element_type3A_169 = arith.extui %lt3A_168 : i1 to i32
      %cond3A_170 = arith.constant 0 : i32
      %cond3A_171 = arith.cmpi ne, %convert_element_type3A_169, %cond3A_170 : i32
      scf.if %cond3A_171 {
        %add3A_479 = arith.constant 4 : i32
        %add3A_480 = arith.addi %add3A_113, %add3A_479 : i32
        %sub3A_481 = arith.constant 1 : i32
        %sub3A_482 = arith.subi %add3A_480, %sub3A_481 : i32
        %dma_start3A_483 = arith.constant 3 : i32
        %dma_start3A_484 = arith.constant 3 : i32
        %dma_start3A_485 = arith.constant 1 : i32
        %dma_start3A_486 = arith.constant 104 : i32
        %dma_start3A_487 = arith.constant 0 : i32
        %dma_start3A_488 = tpu.memref_slice %arg6[%dma_start3A_483, %dma_start3A_486, %dma_start3A_487] : memref<4x200x64xf32, #tpu.memory_space<vmem>> -> memref<1x96x64xf32, #tpu.memory_space<vmem>>
        %dma_start3A_489 = tpu.memref_squeeze %dma_start3A_488 : memref<1x96x64xf32, #tpu.memory_space<vmem>> -> memref<96x64xf32, #tpu.memory_space<vmem>>
        %dma_start3A_490 = arith.constant 104 : i32
        %dma_start3A_491 = tpu.memref_slice %arg5[%sub3A_482, %dma_start3A_490] : memref<128x200xi32, #tpu.memory_space<vmem>> -> memref<1x96xi32, #tpu.memory_space<vmem>>
        %dma_start3A_492 = tpu.memref_squeeze %dma_start3A_491 : memref<1x96xi32, #tpu.memory_space<vmem>> -> memref<96xi32, #tpu.memory_space<vmem>>
        %dma_start3A_493 = arith.constant 0 : i32
        %dma_start3A_494 = arith.constant 0 : i32
        %dma_start3A_495 = tpu.memref_slice %arg3[%dma_start3A_493, %dma_start3A_494] : memref<100000x64xf32, #tpu.memory_space<hbm>> -> memref<100000x64xf32, #tpu.memory_space<hbm>>
        %dma_start3A_496 = tpu.memref_slice %arg8[%dma_start3A_484, %dma_start3A_485] : memref<4x2x!tpu.dma_semaphore, #tpu.memory_space<semaphore_mem>> -> memref<1x1x!tpu.dma_semaphore, #tpu.memory_space<semaphore_mem>>
        %dma_start3A_497 = tpu.memref_squeeze %dma_start3A_496 : memref<1x1x!tpu.dma_semaphore, #tpu.memory_space<semaphore_mem>> -> memref<!tpu.dma_semaphore, #tpu.memory_space<semaphore_mem>>
        tpu.enqueue_indirect_dma source(%dma_start3A_495 : memref<100000x64xf32, #tpu.memory_space<hbm>>) target(%dma_start3A_489 : memref<96x64xf32, #tpu.memory_space<vmem>>) offsets(%dma_start3A_492 : memref<96xi32, #tpu.memory_space<vmem>>) semaphore(%dma_start3A_497 : memref<!tpu.dma_semaphore, #tpu.memory_space<semaphore_mem>>)
      } else {
      }
      %scan3A_172 = arith.constant 104 : i32
      %scan3A_173 = arith.constant 96 : i32
      %scan3A_174 = arith.addi %scan3A_172, %scan3A_173 : i32
      %scan3A_175 = arith.constant 12 : i32
      %scan3A_176:4 = scf.for %scan3A_479 = %scan3A_172 to %scan3A_174 step %scan3A_175 iter_args(%scan3A_480 = %scan3A_145#0, %scan3A_481 = %scan3A_145#1, %scan3A_482 = %scan3A_145#2, %scan3A_483 = %scan3A_145#3) -> (vector<16xf32>, vector<16xf32>, vector<16xf32>, vector<16xf32>)  : i32 {
        %get3A = arith.constant 0 : i32
        %get3A_484 = arith.index_cast %get3A : i32 to index
        %get3A_485 = arith.index_cast %scan3A_479 : i32 to index
        %get3A_486 = arith.constant 0 : index
        %get3A_487 = tpu.vector_load %arg6[%get3A_484, %get3A_485, %get3A_486] {strides = array<i32>} : memref<4x200x64xf32, #tpu.memory_space<vmem>>, vector<1x1x16xf32>,
        %get3A_488 = vector.shape_cast %get3A_487 : vector<1x1x16xf32> to vector<16xf32>
        %add3A_489 = arith.addf %scan3A_480, %get3A_488 : vector<16xf32>
        %get3A_490 = arith.constant 0 : i32
        %get3A_491 = arith.index_cast %get3A_490 : i32 to index
        %get3A_492 = arith.index_cast %scan3A_479 : i32 to index
        %get3A_493 = arith.constant 16 : index
        %get3A_494 = tpu.vector_load %arg6[%get3A_491, %get3A_492, %get3A_493] {strides = array<i32>} : memref<4x200x64xf32, #tpu.memory_space<vmem>>, vector<1x1x16xf32>,
        %get3A_495 = vector.shape_cast %get3A_494 : vector<1x1x16xf32> to vector<16xf32>
        %add3A_496 = arith.addf %scan3A_481, %get3A_495 : vector<16xf32>
        %get3A_497 = arith.constant 0 : i32
        %get3A_498 = arith.index_cast %get3A_497 : i32 to index
        %get3A_499 = arith.index_cast %scan3A_479 : i32 to index
        %get3A_500 = arith.constant 32 : index
        %get3A_501 = tpu.vector_load %arg6[%get3A_498, %get3A_499, %get3A_500] {strides = array<i32>} : memref<4x200x64xf32, #tpu.memory_space<vmem>>, vector<1x1x16xf32>,
        %get3A_502 = vector.shape_cast %get3A_501 : vector<1x1x16xf32> to vector<16xf32>
        %add3A_503 = arith.addf %scan3A_482, %get3A_502 : vector<16xf32>
        %get3A_504 = arith.constant 0 : i32
        %get3A_505 = arith.index_cast %get3A_504 : i32 to index
        %get3A_506 = arith.index_cast %scan3A_479 : i32 to index
        %get3A_507 = arith.constant 48 : index
        %get3A_508 = tpu.vector_load %arg6[%get3A_505, %get3A_506, %get3A_507] {strides = array<i32>} : memref<4x200x64xf32, #tpu.memory_space<vmem>>, vector<1x1x16xf32>,
        %get3A_509 = vector.shape_cast %get3A_508 : vector<1x1x16xf32> to vector<16xf32>
        %add3A_510 = arith.addf %scan3A_483, %get3A_509 : vector<16xf32>
        %scan3A_511 = arith.constant 1 : i32
        %scan3A_512 = arith.addi %scan3A_479, %scan3A_511 : i32
        %get3A_513 = arith.constant 0 : i32
        %get3A_514 = arith.index_cast %get3A_513 : i32 to index
        %get3A_515 = arith.index_cast %scan3A_512 : i32 to index
        %get3A_516 = arith.constant 0 : index
        %get3A_517 = tpu.vector_load %arg6[%get3A_514, %get3A_515, %get3A_516] {strides = array<i32>} : memref<4x200x64xf32, #tpu.memory_space<vmem>>, vector<1x1x16xf32>,
        %get3A_518 = vector.shape_cast %get3A_517 : vector<1x1x16xf32> to vector<16xf32>
        %add3A_519 = arith.addf %add3A_489, %get3A_518 : vector<16xf32>
        %get3A_520 = arith.constant 0 : i32
        %get3A_521 = arith.index_cast %get3A_520 : i32 to index
        %get3A_522 = arith.index_cast %scan3A_512 : i32 to index
        %get3A_523 = arith.constant 16 : index
        %get3A_524 = tpu.vector_load %arg6[%get3A_521, %get3A_522, %get3A_523] {strides = array<i32>} : memref<4x200x64xf32, #tpu.memory_space<vmem>>, vector<1x1x16xf32>,
        %get3A_525 = vector.shape_cast %get3A_524 : vector<1x1x16xf32> to vector<16xf32>
        %add3A_526 = arith.addf %add3A_496, %get3A_525 : vector<16xf32>
        %get3A_527 = arith.constant 0 : i32
        %get3A_528 = arith.index_cast %get3A_527 : i32 to index
        %get3A_529 = arith.index_cast %scan3A_512 : i32 to index
        %get3A_530 = arith.constant 32 : index
        %get3A_531 = tpu.vector_load %arg6[%get3A_528, %get3A_529, %get3A_530] {strides = array<i32>} : memref<4x200x64xf32, #tpu.memory_space<vmem>>, vector<1x1x16xf32>,
        %get3A_532 = vector.shape_cast %get3A_531 : vector<1x1x16xf32> to vector<16xf32>
        %add3A_533 = arith.addf %add3A_503, %get3A_532 : vector<16xf32>
        %get3A_534 = arith.constant 0 : i32
        %get3A_535 = arith.index_cast %get3A_534 : i32 to index
        %get3A_536 = arith.index_cast %scan3A_512 : i32 to index
        %get3A_537 = arith.constant 48 : index
        %get3A_538 = tpu.vector_load %arg6[%get3A_535, %get3A_536, %get3A_537] {strides = array<i32>} : memref<4x200x64xf32, #tpu.memory_space<vmem>>, vector<1x1x16xf32>,
        %get3A_539 = vector.shape_cast %get3A_538 : vector<1x1x16xf32> to vector<16xf32>
        %add3A_540 = arith.addf %add3A_510, %get3A_539 : vector<16xf32>
        %scan3A_541 = arith.constant 2 : i32
        %scan3A_542 = arith.addi %scan3A_479, %scan3A_541 : i32
        %get3A_543 = arith.constant 0 : i32
        %get3A_544 = arith.index_cast %get3A_543 : i32 to index
        %get3A_545 = arith.index_cast %scan3A_542 : i32 to index
        %get3A_546 = arith.constant 0 : index
        %get3A_547 = tpu.vector_load %arg6[%get3A_544, %get3A_545, %get3A_546] {strides = array<i32>} : memref<4x200x64xf32, #tpu.memory_space<vmem>>, vector<1x1x16xf32>,
        %get3A_548 = vector.shape_cast %get3A_547 : vector<1x1x16xf32> to vector<16xf32>
        %add3A_549 = arith.addf %add3A_519, %get3A_548 : vector<16xf32>
        %get3A_550 = arith.constant 0 : i32
        %get3A_551 = arith.index_cast %get3A_550 : i32 to index
        %get3A_552 = arith.index_cast %scan3A_542 : i32 to index
        %get3A_553 = arith.constant 16 : index
        %get3A_554 = tpu.vector_load %arg6[%get3A_551, %get3A_552, %get3A_553] {strides = array<i32>} : memref<4x200x64xf32, #tpu.memory_space<vmem>>, vector<1x1x16xf32>,
        %get3A_555 = vector.shape_cast %get3A_554 : vector<1x1x16xf32> to vector<16xf32>
        %add3A_556 = arith.addf %add3A_526, %get3A_555 : vector<16xf32>
        %get3A_557 = arith.constant 0 : i32
        %get3A_558 = arith.index_cast %get3A_557 : i32 to index
        %get3A_559 = arith.index_cast %scan3A_542 : i32 to index
        %get3A_560 = arith.constant 32 : index
        %get3A_561 = tpu.vector_load %arg6[%get3A_558, %get3A_559, %get3A_560] {strides = array<i32>} : memref<4x200x64xf32, #tpu.memory_space<vmem>>, vector<1x1x16xf32>,
        %get3A_562 = vector.shape_cast %get3A_561 : vector<1x1x16xf32> to vector<16xf32>
        %add3A_563 = arith.addf %add3A_533, %get3A_562 : vector<16xf32>
        %get3A_564 = arith.constant 0 : i32
        %get3A_565 = arith.index_cast %get3A_564 : i32 to index
        %get3A_566 = arith.index_cast %scan3A_542 : i32 to index
        %get3A_567 = arith.constant 48 : index
        %get3A_568 = tpu.vector_load %arg6[%get3A_565, %get3A_566, %get3A_567] {strides = array<i32>} : memref<4x200x64xf32, #tpu.memory_space<vmem>>, vector<1x1x16xf32>,
        %get3A_569 = vector.shape_cast %get3A_568 : vector<1x1x16xf32> to vector<16xf32>
        %add3A_570 = arith.addf %add3A_540, %get3A_569 : vector<16xf32>
        %scan3A_571 = arith.constant 3 : i32
        %scan3A_572 = arith.addi %scan3A_479, %scan3A_571 : i32
        %get3A_573 = arith.constant 0 : i32
        %get3A_574 = arith.index_cast %get3A_573 : i32 to index
        %get3A_575 = arith.index_cast %scan3A_572 : i32 to index
        %get3A_576 = arith.constant 0 : index
        %get3A_577 = tpu.vector_load %arg6[%get3A_574, %get3A_575, %get3A_576] {strides = array<i32>} : memref<4x200x64xf32, #tpu.memory_space<vmem>>, vector<1x1x16xf32>,
        %get3A_578 = vector.shape_cast %get3A_577 : vector<1x1x16xf32> to vector<16xf32>
        %add3A_579 = arith.addf %add3A_549, %get3A_578 : vector<16xf32>
        %get3A_580 = arith.constant 0 : i32
        %get3A_581 = arith.index_cast %get3A_580 : i32 to index
        %get3A_582 = arith.index_cast %scan3A_572 : i32 to index
        %get3A_583 = arith.constant 16 : index
        %get3A_584 = tpu.vector_load %arg6[%get3A_581, %get3A_582, %get3A_583] {strides = array<i32>} : memref<4x200x64xf32, #tpu.memory_space<vmem>>, vector<1x1x16xf32>,
        %get3A_585 = vector.shape_cast %get3A_584 : vector<1x1x16xf32> to vector<16xf32>
        %add3A_586 = arith.addf %add3A_556, %get3A_585 : vector<16xf32>
        %get3A_587 = arith.constant 0 : i32
        %get3A_588 = arith.index_cast %get3A_587 : i32 to index
        %get3A_589 = arith.index_cast %scan3A_572 : i32 to index
        %get3A_590 = arith.constant 32 : index
        %get3A_591 = tpu.vector_load %arg6[%get3A_588, %get3A_589, %get3A_590] {strides = array<i32>} : memref<4x200x64xf32, #tpu.memory_space<vmem>>, vector<1x1x16xf32>,
        %get3A_592 = vector.shape_cast %get3A_591 : vector<1x1x16xf32> to vector<16xf32>
        %add3A_593 = arith.addf %add3A_563, %get3A_592 : vector<16xf32>
        %get3A_594 = arith.constant 0 : i32
        %get3A_595 = arith.index_cast %get3A_594 : i32 to index
        %get3A_596 = arith.index_cast %scan3A_572 : i32 to index
        %get3A_597 = arith.constant 48 : index
        %get3A_598 = tpu.vector_load %arg6[%get3A_595, %get3A_596, %get3A_597] {strides = array<i32>} : memref<4x200x64xf32, #tpu.memory_space<vmem>>, vector<1x1x16xf32>,
        %get3A_599 = vector.shape_cast %get3A_598 : vector<1x1x16xf32> to vector<16xf32>
        %add3A_600 = arith.addf %add3A_570, %get3A_599 : vector<16xf32>
        %scan3A_601 = arith.constant 4 : i32
        %scan3A_602 = arith.addi %scan3A_479, %scan3A_601 : i32
        %get3A_603 = arith.constant 0 : i32
        %get3A_604 = arith.index_cast %get3A_603 : i32 to index
        %get3A_605 = arith.index_cast %scan3A_602 : i32 to index
        %get3A_606 = arith.constant 0 : index
        %get3A_607 = tpu.vector_load %arg6[%get3A_604, %get3A_605, %get3A_606] {strides = array<i32>} : memref<4x200x64xf32, #tpu.memory_space<vmem>>, vector<1x1x16xf32>,
        %get3A_608 = vector.shape_cast %get3A_607 : vector<1x1x16xf32> to vector<16xf32>
        %add3A_609 = arith.addf %add3A_579, %get3A_608 : vector<16xf32>
        %get3A_610 = arith.constant 0 : i32
        %get3A_611 = arith.index_cast %get3A_610 : i32 to index
        %get3A_612 = arith.index_cast %scan3A_602 : i32 to index
        %get3A_613 = arith.constant 16 : index
        %get3A_614 = tpu.vector_load %arg6[%get3A_611, %get3A_612, %get3A_613] {strides = array<i32>} : memref<4x200x64xf32, #tpu.memory_space<vmem>>, vector<1x1x16xf32>,
        %get3A_615 = vector.shape_cast %get3A_614 : vector<1x1x16xf32> to vector<16xf32>
        %add3A_616 = arith.addf %add3A_586, %get3A_615 : vector<16xf32>
        %get3A_617 = arith.constant 0 : i32
        %get3A_618 = arith.index_cast %get3A_617 : i32 to index
        %get3A_619 = arith.index_cast %scan3A_602 : i32 to index
        %get3A_620 = arith.constant 32 : index
        %get3A_621 = tpu.vector_load %arg6[%get3A_618, %get3A_619, %get3A_620] {strides = array<i32>} : memref<4x200x64xf32, #tpu.memory_space<vmem>>, vector<1x1x16xf32>,
        %get3A_622 = vector.shape_cast %get3A_621 : vector<1x1x16xf32> to vector<16xf32>
        %add3A_623 = arith.addf %add3A_593, %get3A_622 : vector<16xf32>
        %get3A_624 = arith.constant 0 : i32
        %get3A_625 = arith.index_cast %get3A_624 : i32 to index
        %get3A_626 = arith.index_cast %scan3A_602 : i32 to index
        %get3A_627 = arith.constant 48 : index
        %get3A_628 = tpu.vector_load %arg6[%get3A_625, %get3A_626, %get3A_627] {strides = array<i32>} : memref<4x200x64xf32, #tpu.memory_space<vmem>>, vector<1x1x16xf32>,
        %get3A_629 = vector.shape_cast %get3A_628 : vector<1x1x16xf32> to vector<16xf32>
        %add3A_630 = arith.addf %add3A_600, %get3A_629 : vector<16xf32>
        %scan3A_631 = arith.constant 5 : i32
        %scan3A_632 = arith.addi %scan3A_479, %scan3A_631 : i32
        %get3A_633 = arith.constant 0 : i32
        %get3A_634 = arith.index_cast %get3A_633 : i32 to index
        %get3A_635 = arith.index_cast %scan3A_632 : i32 to index
        %get3A_636 = arith.constant 0 : index
        %get3A_637 = tpu.vector_load %arg6[%get3A_634, %get3A_635, %get3A_636] {strides = array<i32>} : memref<4x200x64xf32, #tpu.memory_space<vmem>>, vector<1x1x16xf32>,
        %get3A_638 = vector.shape_cast %get3A_637 : vector<1x1x16xf32> to vector<16xf32>
        %add3A_639 = arith.addf %add3A_609, %get3A_638 : vector<16xf32>
        %get3A_640 = arith.constant 0 : i32
        %get3A_641 = arith.index_cast %get3A_640 : i32 to index
        %get3A_642 = arith.index_cast %scan3A_632 : i32 to index
        %get3A_643 = arith.constant 16 : index
        %get3A_644 = tpu.vector_load %arg6[%get3A_641, %get3A_642, %get3A_643] {strides = array<i32>} : memref<4x200x64xf32, #tpu.memory_space<vmem>>, vector<1x1x16xf32>,
        %get3A_645 = vector.shape_cast %get3A_644 : vector<1x1x16xf32> to vector<16xf32>
        %add3A_646 = arith.addf %add3A_616, %get3A_645 : vector<16xf32>
        %get3A_647 = arith.constant 0 : i32
        %get3A_648 = arith.index_cast %get3A_647 : i32 to index
        %get3A_649 = arith.index_cast %scan3A_632 : i32 to index
        %get3A_650 = arith.constant 32 : index
        %get3A_651 = tpu.vector_load %arg6[%get3A_648, %get3A_649, %get3A_650] {strides = array<i32>} : memref<4x200x64xf32, #tpu.memory_space<vmem>>, vector<1x1x16xf32>,
        %get3A_652 = vector.shape_cast %get3A_651 : vector<1x1x16xf32> to vector<16xf32>
        %add3A_653 = arith.addf %add3A_623, %get3A_652 : vector<16xf32>
        %get3A_654 = arith.constant 0 : i32
        %get3A_655 = arith.index_cast %get3A_654 : i32 to index
        %get3A_656 = arith.index_cast %scan3A_632 : i32 to index
        %get3A_657 = arith.constant 48 : index
        %get3A_658 = tpu.vector_load %arg6[%get3A_655, %get3A_656, %get3A_657] {strides = array<i32>} : memref<4x200x64xf32, #tpu.memory_space<vmem>>, vector<1x1x16xf32>,
        %get3A_659 = vector.shape_cast %get3A_658 : vector<1x1x16xf32> to vector<16xf32>
        %add3A_660 = arith.addf %add3A_630, %get3A_659 : vector<16xf32>
        %scan3A_661 = arith.constant 6 : i32
        %scan3A_662 = arith.addi %scan3A_479, %scan3A_661 : i32
        %get3A_663 = arith.constant 0 : i32
        %get3A_664 = arith.index_cast %get3A_663 : i32 to index
        %get3A_665 = arith.index_cast %scan3A_662 : i32 to index
        %get3A_666 = arith.constant 0 : index
        %get3A_667 = tpu.vector_load %arg6[%get3A_664, %get3A_665, %get3A_666] {strides = array<i32>} : memref<4x200x64xf32, #tpu.memory_space<vmem>>, vector<1x1x16xf32>,
        %get3A_668 = vector.shape_cast %get3A_667 : vector<1x1x16xf32> to vector<16xf32>
        %add3A_669 = arith.addf %add3A_639, %get3A_668 : vector<16xf32>
        %get3A_670 = arith.constant 0 : i32
        %get3A_671 = arith.index_cast %get3A_670 : i32 to index
        %get3A_672 = arith.index_cast %scan3A_662 : i32 to index
        %get3A_673 = arith.constant 16 : index
        %get3A_674 = tpu.vector_load %arg6[%get3A_671, %get3A_672, %get3A_673] {strides = array<i32>} : memref<4x200x64xf32, #tpu.memory_space<vmem>>, vector<1x1x16xf32>,
        %get3A_675 = vector.shape_cast %get3A_674 : vector<1x1x16xf32> to vector<16xf32>
        %add3A_676 = arith.addf %add3A_646, %get3A_675 : vector<16xf32>
        %get3A_677 = arith.constant 0 : i32
        %get3A_678 = arith.index_cast %get3A_677 : i32 to index
        %get3A_679 = arith.index_cast %scan3A_662 : i32 to index
        %get3A_680 = arith.constant 32 : index
        %get3A_681 = tpu.vector_load %arg6[%get3A_678, %get3A_679, %get3A_680] {strides = array<i32>} : memref<4x200x64xf32, #tpu.memory_space<vmem>>, vector<1x1x16xf32>,
        %get3A_682 = vector.shape_cast %get3A_681 : vector<1x1x16xf32> to vector<16xf32>
        %add3A_683 = arith.addf %add3A_653, %get3A_682 : vector<16xf32>
        %get3A_684 = arith.constant 0 : i32
        %get3A_685 = arith.index_cast %get3A_684 : i32 to index
        %get3A_686 = arith.index_cast %scan3A_662 : i32 to index
        %get3A_687 = arith.constant 48 : index
        %get3A_688 = tpu.vector_load %arg6[%get3A_685, %get3A_686, %get3A_687] {strides = array<i32>} : memref<4x200x64xf32, #tpu.memory_space<vmem>>, vector<1x1x16xf32>,
        %get3A_689 = vector.shape_cast %get3A_688 : vector<1x1x16xf32> to vector<16xf32>
        %add3A_690 = arith.addf %add3A_660, %get3A_689 : vector<16xf32>
        %scan3A_691 = arith.constant 7 : i32
        %scan3A_692 = arith.addi %scan3A_479, %scan3A_691 : i32
        %get3A_693 = arith.constant 0 : i32
        %get3A_694 = arith.index_cast %get3A_693 : i32 to index
        %get3A_695 = arith.index_cast %scan3A_692 : i32 to index
        %get3A_696 = arith.constant 0 : index
        %get3A_697 = tpu.vector_load %arg6[%get3A_694, %get3A_695, %get3A_696] {strides = array<i32>} : memref<4x200x64xf32, #tpu.memory_space<vmem>>, vector<1x1x16xf32>,
        %get3A_698 = vector.shape_cast %get3A_697 : vector<1x1x16xf32> to vector<16xf32>
        %add3A_699 = arith.addf %add3A_669, %get3A_698 : vector<16xf32>
        %get3A_700 = arith.constant 0 : i32
        %get3A_701 = arith.index_cast %get3A_700 : i32 to index
        %get3A_702 = arith.index_cast %scan3A_692 : i32 to index
        %get3A_703 = arith.constant 16 : index
        %get3A_704 = tpu.vector_load %arg6[%get3A_701, %get3A_702, %get3A_703] {strides = array<i32>} : memref<4x200x64xf32, #tpu.memory_space<vmem>>, vector<1x1x16xf32>,
        %get3A_705 = vector.shape_cast %get3A_704 : vector<1x1x16xf32> to vector<16xf32>
        %add3A_706 = arith.addf %add3A_676, %get3A_705 : vector<16xf32>
        %get3A_707 = arith.constant 0 : i32
        %get3A_708 = arith.index_cast %get3A_707 : i32 to index
        %get3A_709 = arith.index_cast %scan3A_692 : i32 to index
        %get3A_710 = arith.constant 32 : index
        %get3A_711 = tpu.vector_load %arg6[%get3A_708, %get3A_709, %get3A_710] {strides = array<i32>} : memref<4x200x64xf32, #tpu.memory_space<vmem>>, vector<1x1x16xf32>,
        %get3A_712 = vector.shape_cast %get3A_711 : vector<1x1x16xf32> to vector<16xf32>
        %add3A_713 = arith.addf %add3A_683, %get3A_712 : vector<16xf32>
        %get3A_714 = arith.constant 0 : i32
        %get3A_715 = arith.index_cast %get3A_714 : i32 to index
        %get3A_716 = arith.index_cast %scan3A_692 : i32 to index
        %get3A_717 = arith.constant 48 : index
        %get3A_718 = tpu.vector_load %arg6[%get3A_715, %get3A_716, %get3A_717] {strides = array<i32>} : memref<4x200x64xf32, #tpu.memory_space<vmem>>, vector<1x1x16xf32>,
        %get3A_719 = vector.shape_cast %get3A_718 : vector<1x1x16xf32> to vector<16xf32>
        %add3A_720 = arith.addf %add3A_690, %get3A_719 : vector<16xf32>
        %scan3A_721 = arith.constant 8 : i32
        %scan3A_722 = arith.addi %scan3A_479, %scan3A_721 : i32
        %get3A_723 = arith.constant 0 : i32
        %get3A_724 = arith.index_cast %get3A_723 : i32 to index
        %get3A_725 = arith.index_cast %scan3A_722 : i32 to index
        %get3A_726 = arith.constant 0 : index
        %get3A_727 = tpu.vector_load %arg6[%get3A_724, %get3A_725, %get3A_726] {strides = array<i32>} : memref<4x200x64xf32, #tpu.memory_space<vmem>>, vector<1x1x16xf32>,
        %get3A_728 = vector.shape_cast %get3A_727 : vector<1x1x16xf32> to vector<16xf32>
        %add3A_729 = arith.addf %add3A_699, %get3A_728 : vector<16xf32>
        %get3A_730 = arith.constant 0 : i32
        %get3A_731 = arith.index_cast %get3A_730 : i32 to index
        %get3A_732 = arith.index_cast %scan3A_722 : i32 to index
        %get3A_733 = arith.constant 16 : index
        %get3A_734 = tpu.vector_load %arg6[%get3A_731, %get3A_732, %get3A_733] {strides = array<i32>} : memref<4x200x64xf32, #tpu.memory_space<vmem>>, vector<1x1x16xf32>,
        %get3A_735 = vector.shape_cast %get3A_734 : vector<1x1x16xf32> to vector<16xf32>
        %add3A_736 = arith.addf %add3A_706, %get3A_735 : vector<16xf32>
        %get3A_737 = arith.constant 0 : i32
        %get3A_738 = arith.index_cast %get3A_737 : i32 to index
        %get3A_739 = arith.index_cast %scan3A_722 : i32 to index
        %get3A_740 = arith.constant 32 : index
        %get3A_741 = tpu.vector_load %arg6[%get3A_738, %get3A_739, %get3A_740] {strides = array<i32>} : memref<4x200x64xf32, #tpu.memory_space<vmem>>, vector<1x1x16xf32>,
        %get3A_742 = vector.shape_cast %get3A_741 : vector<1x1x16xf32> to vector<16xf32>
        %add3A_743 = arith.addf %add3A_713, %get3A_742 : vector<16xf32>
        %get3A_744 = arith.constant 0 : i32
        %get3A_745 = arith.index_cast %get3A_744 : i32 to index
        %get3A_746 = arith.index_cast %scan3A_722 : i32 to index
        %get3A_747 = arith.constant 48 : index
        %get3A_748 = tpu.vector_load %arg6[%get3A_745, %get3A_746, %get3A_747] {strides = array<i32>} : memref<4x200x64xf32, #tpu.memory_space<vmem>>, vector<1x1x16xf32>,
        %get3A_749 = vector.shape_cast %get3A_748 : vector<1x1x16xf32> to vector<16xf32>
        %add3A_750 = arith.addf %add3A_720, %get3A_749 : vector<16xf32>
        %scan3A_751 = arith.constant 9 : i32
        %scan3A_752 = arith.addi %scan3A_479, %scan3A_751 : i32
        %get3A_753 = arith.constant 0 : i32
        %get3A_754 = arith.index_cast %get3A_753 : i32 to index
        %get3A_755 = arith.index_cast %scan3A_752 : i32 to index
        %get3A_756 = arith.constant 0 : index
        %get3A_757 = tpu.vector_load %arg6[%get3A_754, %get3A_755, %get3A_756] {strides = array<i32>} : memref<4x200x64xf32, #tpu.memory_space<vmem>>, vector<1x1x16xf32>,
        %get3A_758 = vector.shape_cast %get3A_757 : vector<1x1x16xf32> to vector<16xf32>
        %add3A_759 = arith.addf %add3A_729, %get3A_758 : vector<16xf32>
        %get3A_760 = arith.constant 0 : i32
        %get3A_761 = arith.index_cast %get3A_760 : i32 to index
        %get3A_762 = arith.index_cast %scan3A_752 : i32 to index
        %get3A_763 = arith.constant 16 : index
        %get3A_764 = tpu.vector_load %arg6[%get3A_761, %get3A_762, %get3A_763] {strides = array<i32>} : memref<4x200x64xf32, #tpu.memory_space<vmem>>, vector<1x1x16xf32>,
        %get3A_765 = vector.shape_cast %get3A_764 : vector<1x1x16xf32> to vector<16xf32>
        %add3A_766 = arith.addf %add3A_736, %get3A_765 : vector<16xf32>
        %get3A_767 = arith.constant 0 : i32
        %get3A_768 = arith.index_cast %get3A_767 : i32 to index
        %get3A_769 = arith.index_cast %scan3A_752 : i32 to index
        %get3A_770 = arith.constant 32 : index
        %get3A_771 = tpu.vector_load %arg6[%get3A_768, %get3A_769, %get3A_770] {strides = array<i32>} : memref<4x200x64xf32, #tpu.memory_space<vmem>>, vector<1x1x16xf32>,
        %get3A_772 = vector.shape_cast %get3A_771 : vector<1x1x16xf32> to vector<16xf32>
        %add3A_773 = arith.addf %add3A_743, %get3A_772 : vector<16xf32>
        %get3A_774 = arith.constant 0 : i32
        %get3A_775 = arith.index_cast %get3A_774 : i32 to index
        %get3A_776 = arith.index_cast %scan3A_752 : i32 to index
        %get3A_777 = arith.constant 48 : index
        %get3A_778 = tpu.vector_load %arg6[%get3A_775, %get3A_776, %get3A_777] {strides = array<i32>} : memref<4x200x64xf32, #tpu.memory_space<vmem>>, vector<1x1x16xf32>,
        %get3A_779 = vector.shape_cast %get3A_778 : vector<1x1x16xf32> to vector<16xf32>
        %add3A_780 = arith.addf %add3A_750, %get3A_779 : vector<16xf32>
        %scan3A_781 = arith.constant 10 : i32
        %scan3A_782 = arith.addi %scan3A_479, %scan3A_781 : i32
        %get3A_783 = arith.constant 0 : i32
        %get3A_784 = arith.index_cast %get3A_783 : i32 to index
        %get3A_785 = arith.index_cast %scan3A_782 : i32 to index
        %get3A_786 = arith.constant 0 : index
        %get3A_787 = tpu.vector_load %arg6[%get3A_784, %get3A_785, %get3A_786] {strides = array<i32>} : memref<4x200x64xf32, #tpu.memory_space<vmem>>, vector<1x1x16xf32>,
        %get3A_788 = vector.shape_cast %get3A_787 : vector<1x1x16xf32> to vector<16xf32>
        %add3A_789 = arith.addf %add3A_759, %get3A_788 : vector<16xf32>
        %get3A_790 = arith.constant 0 : i32
        %get3A_791 = arith.index_cast %get3A_790 : i32 to index
        %get3A_792 = arith.index_cast %scan3A_782 : i32 to index
        %get3A_793 = arith.constant 16 : index
        %get3A_794 = tpu.vector_load %arg6[%get3A_791, %get3A_792, %get3A_793] {strides = array<i32>} : memref<4x200x64xf32, #tpu.memory_space<vmem>>, vector<1x1x16xf32>,
        %get3A_795 = vector.shape_cast %get3A_794 : vector<1x1x16xf32> to vector<16xf32>
        %add3A_796 = arith.addf %add3A_766, %get3A_795 : vector<16xf32>
        %get3A_797 = arith.constant 0 : i32
        %get3A_798 = arith.index_cast %get3A_797 : i32 to index
        %get3A_799 = arith.index_cast %scan3A_782 : i32 to index
        %get3A_800 = arith.constant 32 : index
        %get3A_801 = tpu.vector_load %arg6[%get3A_798, %get3A_799, %get3A_800] {strides = array<i32>} : memref<4x200x64xf32, #tpu.memory_space<vmem>>, vector<1x1x16xf32>,
        %get3A_802 = vector.shape_cast %get3A_801 : vector<1x1x16xf32> to vector<16xf32>
        %add3A_803 = arith.addf %add3A_773, %get3A_802 : vector<16xf32>
        %get3A_804 = arith.constant 0 : i32
        %get3A_805 = arith.index_cast %get3A_804 : i32 to index
        %get3A_806 = arith.index_cast %scan3A_782 : i32 to index
        %get3A_807 = arith.constant 48 : index
        %get3A_808 = tpu.vector_load %arg6[%get3A_805, %get3A_806, %get3A_807] {strides = array<i32>} : memref<4x200x64xf32, #tpu.memory_space<vmem>>, vector<1x1x16xf32>,
        %get3A_809 = vector.shape_cast %get3A_808 : vector<1x1x16xf32> to vector<16xf32>
        %add3A_810 = arith.addf %add3A_780, %get3A_809 : vector<16xf32>
        %scan3A_811 = arith.constant 11 : i32
        %scan3A_812 = arith.addi %scan3A_479, %scan3A_811 : i32
        %get3A_813 = arith.constant 0 : i32
        %get3A_814 = arith.index_cast %get3A_813 : i32 to index
        %get3A_815 = arith.index_cast %scan3A_812 : i32 to index
        %get3A_816 = arith.constant 0 : index
        %get3A_817 = tpu.vector_load %arg6[%get3A_814, %get3A_815, %get3A_816] {strides = array<i32>} : memref<4x200x64xf32, #tpu.memory_space<vmem>>, vector<1x1x16xf32>,
        %get3A_818 = vector.shape_cast %get3A_817 : vector<1x1x16xf32> to vector<16xf32>
        %add3A_819 = arith.addf %add3A_789, %get3A_818 : vector<16xf32>
        %get3A_820 = arith.constant 0 : i32
        %get3A_821 = arith.index_cast %get3A_820 : i32 to index
        %get3A_822 = arith.index_cast %scan3A_812 : i32 to index
        %get3A_823 = arith.constant 16 : index
        %get3A_824 = tpu.vector_load %arg6[%get3A_821, %get3A_822, %get3A_823] {strides = array<i32>} : memref<4x200x64xf32, #tpu.memory_space<vmem>>, vector<1x1x16xf32>,
        %get3A_825 = vector.shape_cast %get3A_824 : vector<1x1x16xf32> to vector<16xf32>
        %add3A_826 = arith.addf %add3A_796, %get3A_825 : vector<16xf32>
        %get3A_827 = arith.constant 0 : i32
        %get3A_828 = arith.index_cast %get3A_827 : i32 to index
        %get3A_829 = arith.index_cast %scan3A_812 : i32 to index
        %get3A_830 = arith.constant 32 : index
        %get3A_831 = tpu.vector_load %arg6[%get3A_828, %get3A_829, %get3A_830] {strides = array<i32>} : memref<4x200x64xf32, #tpu.memory_space<vmem>>, vector<1x1x16xf32>,
        %get3A_832 = vector.shape_cast %get3A_831 : vector<1x1x16xf32> to vector<16xf32>
        %add3A_833 = arith.addf %add3A_803, %get3A_832 : vector<16xf32>
        %get3A_834 = arith.constant 0 : i32
        %get3A_835 = arith.index_cast %get3A_834 : i32 to index
        %get3A_836 = arith.index_cast %scan3A_812 : i32 to index
        %get3A_837 = arith.constant 48 : index
        %get3A_838 = tpu.vector_load %arg6[%get3A_835, %get3A_836, %get3A_837] {strides = array<i32>} : memref<4x200x64xf32, #tpu.memory_space<vmem>>, vector<1x1x16xf32>,
        %get3A_839 = vector.shape_cast %get3A_838 : vector<1x1x16xf32> to vector<16xf32>
        %add3A_840 = arith.addf %add3A_810, %get3A_839 : vector<16xf32>
        scf.yield %add3A_819, %add3A_826, %add3A_833, %add3A_840 : vector<16xf32>, vector<16xf32>, vector<16xf32>, vector<16xf32>
      }
      %scan3A_177 = arith.constant 96 : i32
      %swap3A = arith.index_cast %add3A_113 : i32 to index
      %swap3A_178 = arith.constant 0 : index
      %swap3A_179 = tpu.vector_load %arg7[%swap3A, %swap3A_178] {strides = array<i32>} : memref<128x64xf32, #tpu.memory_space<vmem>>, vector<1x16xf32>,
      %swap3A_180 = vector.shape_cast %swap3A_179 : vector<1x16xf32> to vector<16xf32>
      %swap3A_181 = vector.shape_cast %scan3A_176#0 : vector<16xf32> to vector<1x16xf32>
      tpu.vector_store %arg7[%swap3A, %swap3A_178], %swap3A_181 {strides = array<i32>} : memref<128x64xf32, #tpu.memory_space<vmem>>, vector<1x16xf32>,
      %swap3A_182 = arith.index_cast %add3A_113 : i32 to index
      %swap3A_183 = arith.constant 16 : index
      %swap3A_184 = tpu.vector_load %arg7[%swap3A_182, %swap3A_183] {strides = array<i32>} : memref<128x64xf32, #tpu.memory_space<vmem>>, vector<1x16xf32>,
      %swap3A_185 = vector.shape_cast %swap3A_184 : vector<1x16xf32> to vector<16xf32>
      %swap3A_186 = vector.shape_cast %scan3A_176#1 : vector<16xf32> to vector<1x16xf32>
      tpu.vector_store %arg7[%swap3A_182, %swap3A_183], %swap3A_186 {strides = array<i32>} : memref<128x64xf32, #tpu.memory_space<vmem>>, vector<1x16xf32>,
      %swap3A_187 = arith.index_cast %add3A_113 : i32 to index
      %swap3A_188 = arith.constant 32 : index
      %swap3A_189 = tpu.vector_load %arg7[%swap3A_187, %swap3A_188] {strides = array<i32>} : memref<128x64xf32, #tpu.memory_space<vmem>>, vector<1x16xf32>,
      %swap3A_190 = vector.shape_cast %swap3A_189 : vector<1x16xf32> to vector<16xf32>
      %swap3A_191 = vector.shape_cast %scan3A_176#2 : vector<16xf32> to vector<1x16xf32>
      tpu.vector_store %arg7[%swap3A_187, %swap3A_188], %swap3A_191 {strides = array<i32>} : memref<128x64xf32, #tpu.memory_space<vmem>>, vector<1x16xf32>,
      %swap3A_192 = arith.index_cast %add3A_113 : i32 to index
      %swap3A_193 = arith.constant 48 : index
      %swap3A_194 = tpu.vector_load %arg7[%swap3A_192, %swap3A_193] {strides = array<i32>} : memref<128x64xf32, #tpu.memory_space<vmem>>, vector<1x16xf32>,
      %swap3A_195 = vector.shape_cast %swap3A_194 : vector<1x16xf32> to vector<16xf32>
      %swap3A_196 = vector.shape_cast %scan3A_176#3 : vector<16xf32> to vector<1x16xf32>
      tpu.vector_store %arg7[%swap3A_192, %swap3A_193], %swap3A_196 {strides = array<i32>} : memref<128x64xf32, #tpu.memory_space<vmem>>, vector<1x16xf32>,
      %mul3A_197 = arith.constant 4 : i32
      %mul3A_198 = arith.muli %mul3A_197, %scan3A_109 : i32
      %add3A_199 = arith.constant 1 : i32
      %add3A_200 = arith.addi %mul3A_198, %add3A_199 : i32
      %broadcast_in_dim3A_201 = arith.constant 0.000000e+00 : f32
      %broadcast_in_dim3A_202 = vector.broadcast %broadcast_in_dim3A_201 : f32 to vector<16xf32>
      %broadcast_in_dim3A_203 = arith.constant 0.000000e+00 : f32
      %broadcast_in_dim3A_204 = vector.broadcast %broadcast_in_dim3A_203 : f32 to vector<16xf32>
      %broadcast_in_dim3A_205 = arith.constant 0.000000e+00 : f32
      %broadcast_in_dim3A_206 = vector.broadcast %broadcast_in_dim3A_205 : f32 to vector<16xf32>
      %broadcast_in_dim3A_207 = arith.constant 0.000000e+00 : f32
      %broadcast_in_dim3A_208 = vector.broadcast %broadcast_in_dim3A_207 : f32 to vector<16xf32>
      %dma_wait3A_209 = arith.constant 0 : i32
      %dma_wait3A_210 = arith.constant 1 : i32
      %dma_wait3A_211 = arith.constant 1 : i32
      %dma_wait3A_212 = arith.constant 0 : i32
      %dma_wait3A_213 = arith.constant 0 : i32
      %dma_wait3A_214 = arith.constant 0 : i32
      %dma_wait3A_215 = tpu.memref_slice %arg6[%dma_wait3A_210, %dma_wait3A_213, %dma_wait3A_214] : memref<4x200x64xf32, #tpu.memory_space<vmem>> -> memref<1x104x64xf32, #tpu.memory_space<vmem>>
      %dma_wait3A_216 = tpu.memref_squeeze %dma_wait3A_215 : memref<1x104x64xf32, #tpu.memory_space<vmem>> -> memref<104x64xf32, #tpu.memory_space<vmem>>
      %dma_wait3A_217 = arith.constant 0 : i32
      %dma_wait3A_218 = tpu.memref_slice %arg5[%dma_wait3A_209, %dma_wait3A_217] : memref<128x200xi32, #tpu.memory_space<vmem>> -> memref<1x104xi32, #tpu.memory_space<vmem>>
      %dma_wait3A_219 = tpu.memref_squeeze %dma_wait3A_218 : memref<1x104xi32, #tpu.memory_space<vmem>> -> memref<104xi32, #tpu.memory_space<vmem>>
      %dma_wait3A_220 = arith.constant 0 : i32
      %dma_wait3A_221 = arith.constant 0 : i32
      %dma_wait3A_222 = tpu.memref_slice %arg3[%dma_wait3A_220, %dma_wait3A_221] : memref<100000x64xf32, #tpu.memory_space<hbm>> -> memref<100000x64xf32, #tpu.memory_space<hbm>>
      %dma_wait3A_223 = tpu.memref_slice %arg8[%dma_wait3A_211, %dma_wait3A_212] : memref<4x2x!tpu.dma_semaphore, #tpu.memory_space<semaphore_mem>> -> memref<1x1x!tpu.dma_semaphore, #tpu.memory_space<semaphore_mem>>
      %dma_wait3A_224 = tpu.memref_squeeze %dma_wait3A_223 : memref<1x1x!tpu.dma_semaphore, #tpu.memory_space<semaphore_mem>> -> memref<!tpu.dma_semaphore, #tpu.memory_space<semaphore_mem>>
      tpu.wait_indirect_dma semaphore(%dma_wait3A_224 : memref<!tpu.dma_semaphore, #tpu.memory_space<semaphore_mem>>) src(%dma_wait3A_222 : memref<100000x64xf32, #tpu.memory_space<hbm>>) dst(%dma_wait3A_216 : memref<104x64xf32, #tpu.memory_space<vmem>>)
      %add3A_225 = arith.constant 4 : i32
      %add3A_226 = arith.addi %add3A_200, %add3A_225 : i32
      %sub3A_227 = arith.constant 1 : i32
      %sub3A_228 = arith.subi %add3A_226, %sub3A_227 : i32
      %lt3A_229 = arith.constant 128 : i32
      %lt3A_230 = arith.cmpi slt, %sub3A_228, %lt3A_229 : i32
      %convert_element_type3A_231 = arith.extui %lt3A_230 : i1 to i32
      %cond3A_232 = arith.constant 0 : i32
      %cond3A_233 = arith.cmpi ne, %convert_element_type3A_231, %cond3A_232 : i32
      scf.if %cond3A_233 {
        %add3A_479 = arith.constant 4 : i32
        %add3A_480 = arith.addi %add3A_200, %add3A_479 : i32
        %sub3A_481 = arith.constant 1 : i32
        %sub3A_482 = arith.subi %add3A_480, %sub3A_481 : i32
        %dma_start3A_483 = arith.constant 0 : i32
        %dma_start3A_484 = arith.constant 0 : i32
        %dma_start3A_485 = arith.constant 0 : i32
        %dma_start3A_486 = arith.constant 0 : i32
        %dma_start3A_487 = arith.constant 0 : i32
        %dma_start3A_488 = tpu.memref_slice %arg6[%dma_start3A_483, %dma_start3A_486, %dma_start3A_487] : memref<4x200x64xf32, #tpu.memory_space<vmem>> -> memref<1x104x64xf32, #tpu.memory_space<vmem>>
        %dma_start3A_489 = tpu.memref_squeeze %dma_start3A_488 : memref<1x104x64xf32, #tpu.memory_space<vmem>> -> memref<104x64xf32, #tpu.memory_space<vmem>>
        %dma_start3A_490 = arith.constant 0 : i32
        %dma_start3A_491 = tpu.memref_slice %arg5[%sub3A_482, %dma_start3A_490] : memref<128x200xi32, #tpu.memory_space<vmem>> -> memref<1x104xi32, #tpu.memory_space<vmem>>
        %dma_start3A_492 = tpu.memref_squeeze %dma_start3A_491 : memref<1x104xi32, #tpu.memory_space<vmem>> -> memref<104xi32, #tpu.memory_space<vmem>>
        %dma_start3A_493 = arith.constant 0 : i32
        %dma_start3A_494 = arith.constant 0 : i32
        %dma_start3A_495 = tpu.memref_slice %arg3[%dma_start3A_493, %dma_start3A_494] : memref<100000x64xf32, #tpu.memory_space<hbm>> -> memref<100000x64xf32, #tpu.memory_space<hbm>>
        %dma_start3A_496 = tpu.memref_slice %arg8[%dma_start3A_484, %dma_start3A_485] : memref<4x2x!tpu.dma_semaphore, #tpu.memory_space<semaphore_mem>> -> memref<1x1x!tpu.dma_semaphore, #tpu.memory_space<semaphore_mem>>
        %dma_start3A_497 = tpu.memref_squeeze %dma_start3A_496 : memref<1x1x!tpu.dma_semaphore, #tpu.memory_space<semaphore_mem>> -> memref<!tpu.dma_semaphore, #tpu.memory_space<semaphore_mem>>
        tpu.enqueue_indirect_dma source(%dma_start3A_495 : memref<100000x64xf32, #tpu.memory_space<hbm>>) target(%dma_start3A_489 : memref<104x64xf32, #tpu.memory_space<vmem>>) offsets(%dma_start3A_492 : memref<104xi32, #tpu.memory_space<vmem>>) semaphore(%dma_start3A_497 : memref<!tpu.dma_semaphore, #tpu.memory_space<semaphore_mem>>)
      } else {
      }
      %scan3A_234 = arith.constant 0 : i32
      %scan3A_235 = arith.constant 104 : i32
      %scan3A_236 = arith.addi %scan3A_234, %scan3A_235 : i32
      %scan3A_237 = arith.constant 13 : i32
      %scan3A_238:4 = scf.for %scan3A_479 = %scan3A_234 to %scan3A_236 step %scan3A_237 iter_args(%scan3A_480 = %broadcast_in_dim3A_202, %scan3A_481 = %broadcast_in_dim3A_204, %scan3A_482 = %broadcast_in_dim3A_206, %scan3A_483 = %broadcast_in_dim3A_208) -> (vector<16xf32>, vector<16xf32>, vector<16xf32>, vector<16xf32>)  : i32 {
        %get3A = arith.constant 1 : i32
        %get3A_484 = arith.index_cast %get3A : i32 to index
        %get3A_485 = arith.index_cast %scan3A_479 : i32 to index
        %get3A_486 = arith.constant 0 : index
        %get3A_487 = tpu.vector_load %arg6[%get3A_484, %get3A_485, %get3A_486] {strides = array<i32>} : memref<4x200x64xf32, #tpu.memory_space<vmem>>, vector<1x1x16xf32>,
        %get3A_488 = vector.shape_cast %get3A_487 : vector<1x1x16xf32> to vector<16xf32>
        %add3A_489 = arith.addf %scan3A_480, %get3A_488 : vector<16xf32>
        %get3A_490 = arith.constant 1 : i32
        %get3A_491 = arith.index_cast %get3A_490 : i32 to index
        %get3A_492 = arith.index_cast %scan3A_479 : i32 to index
        %get3A_493 = arith.constant 16 : index
        %get3A_494 = tpu.vector_load %arg6[%get3A_491, %get3A_492, %get3A_493] {strides = array<i32>} : memref<4x200x64xf32, #tpu.memory_space<vmem>>, vector<1x1x16xf32>,
        %get3A_495 = vector.shape_cast %get3A_494 : vector<1x1x16xf32> to vector<16xf32>
        %add3A_496 = arith.addf %scan3A_481, %get3A_495 : vector<16xf32>
        %get3A_497 = arith.constant 1 : i32
        %get3A_498 = arith.index_cast %get3A_497 : i32 to index
        %get3A_499 = arith.index_cast %scan3A_479 : i32 to index
        %get3A_500 = arith.constant 32 : index
        %get3A_501 = tpu.vector_load %arg6[%get3A_498, %get3A_499, %get3A_500] {strides = array<i32>} : memref<4x200x64xf32, #tpu.memory_space<vmem>>, vector<1x1x16xf32>,
        %get3A_502 = vector.shape_cast %get3A_501 : vector<1x1x16xf32> to vector<16xf32>
        %add3A_503 = arith.addf %scan3A_482, %get3A_502 : vector<16xf32>
        %get3A_504 = arith.constant 1 : i32
        %get3A_505 = arith.index_cast %get3A_504 : i32 to index
        %get3A_506 = arith.index_cast %scan3A_479 : i32 to index
        %get3A_507 = arith.constant 48 : index
        %get3A_508 = tpu.vector_load %arg6[%get3A_505, %get3A_506, %get3A_507] {strides = array<i32>} : memref<4x200x64xf32, #tpu.memory_space<vmem>>, vector<1x1x16xf32>,
        %get3A_509 = vector.shape_cast %get3A_508 : vector<1x1x16xf32> to vector<16xf32>
        %add3A_510 = arith.addf %scan3A_483, %get3A_509 : vector<16xf32>
        %scan3A_511 = arith.constant 1 : i32
        %scan3A_512 = arith.addi %scan3A_479, %scan3A_511 : i32
        %get3A_513 = arith.constant 1 : i32
        %get3A_514 = arith.index_cast %get3A_513 : i32 to index
        %get3A_515 = arith.index_cast %scan3A_512 : i32 to index
        %get3A_516 = arith.constant 0 : index
        %get3A_517 = tpu.vector_load %arg6[%get3A_514, %get3A_515, %get3A_516] {strides = array<i32>} : memref<4x200x64xf32, #tpu.memory_space<vmem>>, vector<1x1x16xf32>,
        %get3A_518 = vector.shape_cast %get3A_517 : vector<1x1x16xf32> to vector<16xf32>
        %add3A_519 = arith.addf %add3A_489, %get3A_518 : vector<16xf32>
        %get3A_520 = arith.constant 1 : i32
        %get3A_521 = arith.index_cast %get3A_520 : i32 to index
        %get3A_522 = arith.index_cast %scan3A_512 : i32 to index
        %get3A_523 = arith.constant 16 : index
        %get3A_524 = tpu.vector_load %arg6[%get3A_521, %get3A_522, %get3A_523] {strides = array<i32>} : memref<4x200x64xf32, #tpu.memory_space<vmem>>, vector<1x1x16xf32>,
        %get3A_525 = vector.shape_cast %get3A_524 : vector<1x1x16xf32> to vector<16xf32>
        %add3A_526 = arith.addf %add3A_496, %get3A_525 : vector<16xf32>
        %get3A_527 = arith.constant 1 : i32
        %get3A_528 = arith.index_cast %get3A_527 : i32 to index
        %get3A_529 = arith.index_cast %scan3A_512 : i32 to index
        %get3A_530 = arith.constant 32 : index
        %get3A_531 = tpu.vector_load %arg6[%get3A_528, %get3A_529, %get3A_530] {strides = array<i32>} : memref<4x200x64xf32, #tpu.memory_space<vmem>>, vector<1x1x16xf32>,
        %get3A_532 = vector.shape_cast %get3A_531 : vector<1x1x16xf32> to vector<16xf32>
        %add3A_533 = arith.addf %add3A_503, %get3A_532 : vector<16xf32>
        %get3A_534 = arith.constant 1 : i32
        %get3A_535 = arith.index_cast %get3A_534 : i32 to index
        %get3A_536 = arith.index_cast %scan3A_512 : i32 to index
        %get3A_537 = arith.constant 48 : index
        %get3A_538 = tpu.vector_load %arg6[%get3A_535, %get3A_536, %get3A_537] {strides = array<i32>} : memref<4x200x64xf32, #tpu.memory_space<vmem>>, vector<1x1x16xf32>,
        %get3A_539 = vector.shape_cast %get3A_538 : vector<1x1x16xf32> to vector<16xf32>
        %add3A_540 = arith.addf %add3A_510, %get3A_539 : vector<16xf32>
        %scan3A_541 = arith.constant 2 : i32
        %scan3A_542 = arith.addi %scan3A_479, %scan3A_541 : i32
        %get3A_543 = arith.constant 1 : i32
        %get3A_544 = arith.index_cast %get3A_543 : i32 to index
        %get3A_545 = arith.index_cast %scan3A_542 : i32 to index
        %get3A_546 = arith.constant 0 : index
        %get3A_547 = tpu.vector_load %arg6[%get3A_544, %get3A_545, %get3A_546] {strides = array<i32>} : memref<4x200x64xf32, #tpu.memory_space<vmem>>, vector<1x1x16xf32>,
        %get3A_548 = vector.shape_cast %get3A_547 : vector<1x1x16xf32> to vector<16xf32>
        %add3A_549 = arith.addf %add3A_519, %get3A_548 : vector<16xf32>
        %get3A_550 = arith.constant 1 : i32
        %get3A_551 = arith.index_cast %get3A_550 : i32 to index
        %get3A_552 = arith.index_cast %scan3A_542 : i32 to index
        %get3A_553 = arith.constant 16 : index
        %get3A_554 = tpu.vector_load %arg6[%get3A_551, %get3A_552, %get3A_553] {strides = array<i32>} : memref<4x200x64xf32, #tpu.memory_space<vmem>>, vector<1x1x16xf32>,
        %get3A_555 = vector.shape_cast %get3A_554 : vector<1x1x16xf32> to vector<16xf32>
        %add3A_556 = arith.addf %add3A_526, %get3A_555 : vector<16xf32>
        %get3A_557 = arith.constant 1 : i32
        %get3A_558 = arith.index_cast %get3A_557 : i32 to index
        %get3A_559 = arith.index_cast %scan3A_542 : i32 to index
        %get3A_560 = arith.constant 32 : index
        %get3A_561 = tpu.vector_load %arg6[%get3A_558, %get3A_559, %get3A_560] {strides = array<i32>} : memref<4x200x64xf32, #tpu.memory_space<vmem>>, vector<1x1x16xf32>,
        %get3A_562 = vector.shape_cast %get3A_561 : vector<1x1x16xf32> to vector<16xf32>
        %add3A_563 = arith.addf %add3A_533, %get3A_562 : vector<16xf32>
        %get3A_564 = arith.constant 1 : i32
        %get3A_565 = arith.index_cast %get3A_564 : i32 to index
        %get3A_566 = arith.index_cast %scan3A_542 : i32 to index
        %get3A_567 = arith.constant 48 : index
        %get3A_568 = tpu.vector_load %arg6[%get3A_565, %get3A_566, %get3A_567] {strides = array<i32>} : memref<4x200x64xf32, #tpu.memory_space<vmem>>, vector<1x1x16xf32>,
        %get3A_569 = vector.shape_cast %get3A_568 : vector<1x1x16xf32> to vector<16xf32>
        %add3A_570 = arith.addf %add3A_540, %get3A_569 : vector<16xf32>
        %scan3A_571 = arith.constant 3 : i32
        %scan3A_572 = arith.addi %scan3A_479, %scan3A_571 : i32
        %get3A_573 = arith.constant 1 : i32
        %get3A_574 = arith.index_cast %get3A_573 : i32 to index
        %get3A_575 = arith.index_cast %scan3A_572 : i32 to index
        %get3A_576 = arith.constant 0 : index
        %get3A_577 = tpu.vector_load %arg6[%get3A_574, %get3A_575, %get3A_576] {strides = array<i32>} : memref<4x200x64xf32, #tpu.memory_space<vmem>>, vector<1x1x16xf32>,
        %get3A_578 = vector.shape_cast %get3A_577 : vector<1x1x16xf32> to vector<16xf32>
        %add3A_579 = arith.addf %add3A_549, %get3A_578 : vector<16xf32>
        %get3A_580 = arith.constant 1 : i32
        %get3A_581 = arith.index_cast %get3A_580 : i32 to index
        %get3A_582 = arith.index_cast %scan3A_572 : i32 to index
        %get3A_583 = arith.constant 16 : index
        %get3A_584 = tpu.vector_load %arg6[%get3A_581, %get3A_582, %get3A_583] {strides = array<i32>} : memref<4x200x64xf32, #tpu.memory_space<vmem>>, vector<1x1x16xf32>,
        %get3A_585 = vector.shape_cast %get3A_584 : vector<1x1x16xf32> to vector<16xf32>
        %add3A_586 = arith.addf %add3A_556, %get3A_585 : vector<16xf32>
        %get3A_587 = arith.constant 1 : i32
        %get3A_588 = arith.index_cast %get3A_587 : i32 to index
        %get3A_589 = arith.index_cast %scan3A_572 : i32 to index
        %get3A_590 = arith.constant 32 : index
        %get3A_591 = tpu.vector_load %arg6[%get3A_588, %get3A_589, %get3A_590] {strides = array<i32>} : memref<4x200x64xf32, #tpu.memory_space<vmem>>, vector<1x1x16xf32>,
        %get3A_592 = vector.shape_cast %get3A_591 : vector<1x1x16xf32> to vector<16xf32>
        %add3A_593 = arith.addf %add3A_563, %get3A_592 : vector<16xf32>
        %get3A_594 = arith.constant 1 : i32
        %get3A_595 = arith.index_cast %get3A_594 : i32 to index
        %get3A_596 = arith.index_cast %scan3A_572 : i32 to index
        %get3A_597 = arith.constant 48 : index
        %get3A_598 = tpu.vector_load %arg6[%get3A_595, %get3A_596, %get3A_597] {strides = array<i32>} : memref<4x200x64xf32, #tpu.memory_space<vmem>>, vector<1x1x16xf32>,
        %get3A_599 = vector.shape_cast %get3A_598 : vector<1x1x16xf32> to vector<16xf32>
        %add3A_600 = arith.addf %add3A_570, %get3A_599 : vector<16xf32>
        %scan3A_601 = arith.constant 4 : i32
        %scan3A_602 = arith.addi %scan3A_479, %scan3A_601 : i32
        %get3A_603 = arith.constant 1 : i32
        %get3A_604 = arith.index_cast %get3A_603 : i32 to index
        %get3A_605 = arith.index_cast %scan3A_602 : i32 to index
        %get3A_606 = arith.constant 0 : index
        %get3A_607 = tpu.vector_load %arg6[%get3A_604, %get3A_605, %get3A_606] {strides = array<i32>} : memref<4x200x64xf32, #tpu.memory_space<vmem>>, vector<1x1x16xf32>,
        %get3A_608 = vector.shape_cast %get3A_607 : vector<1x1x16xf32> to vector<16xf32>
        %add3A_609 = arith.addf %add3A_579, %get3A_608 : vector<16xf32>
        %get3A_610 = arith.constant 1 : i32
        %get3A_611 = arith.index_cast %get3A_610 : i32 to index
        %get3A_612 = arith.index_cast %scan3A_602 : i32 to index
        %get3A_613 = arith.constant 16 : index
        %get3A_614 = tpu.vector_load %arg6[%get3A_611, %get3A_612, %get3A_613] {strides = array<i32>} : memref<4x200x64xf32, #tpu.memory_space<vmem>>, vector<1x1x16xf32>,
        %get3A_615 = vector.shape_cast %get3A_614 : vector<1x1x16xf32> to vector<16xf32>
        %add3A_616 = arith.addf %add3A_586, %get3A_615 : vector<16xf32>
        %get3A_617 = arith.constant 1 : i32
        %get3A_618 = arith.index_cast %get3A_617 : i32 to index
        %get3A_619 = arith.index_cast %scan3A_602 : i32 to index
        %get3A_620 = arith.constant 32 : index
        %get3A_621 = tpu.vector_load %arg6[%get3A_618, %get3A_619, %get3A_620] {strides = array<i32>} : memref<4x200x64xf32, #tpu.memory_space<vmem>>, vector<1x1x16xf32>,
        %get3A_622 = vector.shape_cast %get3A_621 : vector<1x1x16xf32> to vector<16xf32>
        %add3A_623 = arith.addf %add3A_593, %get3A_622 : vector<16xf32>
        %get3A_624 = arith.constant 1 : i32
        %get3A_625 = arith.index_cast %get3A_624 : i32 to index
        %get3A_626 = arith.index_cast %scan3A_602 : i32 to index
        %get3A_627 = arith.constant 48 : index
        %get3A_628 = tpu.vector_load %arg6[%get3A_625, %get3A_626, %get3A_627] {strides = array<i32>} : memref<4x200x64xf32, #tpu.memory_space<vmem>>, vector<1x1x16xf32>,
        %get3A_629 = vector.shape_cast %get3A_628 : vector<1x1x16xf32> to vector<16xf32>
        %add3A_630 = arith.addf %add3A_600, %get3A_629 : vector<16xf32>
        %scan3A_631 = arith.constant 5 : i32
        %scan3A_632 = arith.addi %scan3A_479, %scan3A_631 : i32
        %get3A_633 = arith.constant 1 : i32
        %get3A_634 = arith.index_cast %get3A_633 : i32 to index
        %get3A_635 = arith.index_cast %scan3A_632 : i32 to index
        %get3A_636 = arith.constant 0 : index
        %get3A_637 = tpu.vector_load %arg6[%get3A_634, %get3A_635, %get3A_636] {strides = array<i32>} : memref<4x200x64xf32, #tpu.memory_space<vmem>>, vector<1x1x16xf32>,
        %get3A_638 = vector.shape_cast %get3A_637 : vector<1x1x16xf32> to vector<16xf32>
        %add3A_639 = arith.addf %add3A_609, %get3A_638 : vector<16xf32>
        %get3A_640 = arith.constant 1 : i32
        %get3A_641 = arith.index_cast %get3A_640 : i32 to index
        %get3A_642 = arith.index_cast %scan3A_632 : i32 to index
        %get3A_643 = arith.constant 16 : index
        %get3A_644 = tpu.vector_load %arg6[%get3A_641, %get3A_642, %get3A_643] {strides = array<i32>} : memref<4x200x64xf32, #tpu.memory_space<vmem>>, vector<1x1x16xf32>,
        %get3A_645 = vector.shape_cast %get3A_644 : vector<1x1x16xf32> to vector<16xf32>
        %add3A_646 = arith.addf %add3A_616, %get3A_645 : vector<16xf32>
        %get3A_647 = arith.constant 1 : i32
        %get3A_648 = arith.index_cast %get3A_647 : i32 to index
        %get3A_649 = arith.index_cast %scan3A_632 : i32 to index
        %get3A_650 = arith.constant 32 : index
        %get3A_651 = tpu.vector_load %arg6[%get3A_648, %get3A_649, %get3A_650] {strides = array<i32>} : memref<4x200x64xf32, #tpu.memory_space<vmem>>, vector<1x1x16xf32>,
        %get3A_652 = vector.shape_cast %get3A_651 : vector<1x1x16xf32> to vector<16xf32>
        %add3A_653 = arith.addf %add3A_623, %get3A_652 : vector<16xf32>
        %get3A_654 = arith.constant 1 : i32
        %get3A_655 = arith.index_cast %get3A_654 : i32 to index
        %get3A_656 = arith.index_cast %scan3A_632 : i32 to index
        %get3A_657 = arith.constant 48 : index
        %get3A_658 = tpu.vector_load %arg6[%get3A_655, %get3A_656, %get3A_657] {strides = array<i32>} : memref<4x200x64xf32, #tpu.memory_space<vmem>>, vector<1x1x16xf32>,
        %get3A_659 = vector.shape_cast %get3A_658 : vector<1x1x16xf32> to vector<16xf32>
        %add3A_660 = arith.addf %add3A_630, %get3A_659 : vector<16xf32>
        %scan3A_661 = arith.constant 6 : i32
        %scan3A_662 = arith.addi %scan3A_479, %scan3A_661 : i32
        %get3A_663 = arith.constant 1 : i32
        %get3A_664 = arith.index_cast %get3A_663 : i32 to index
        %get3A_665 = arith.index_cast %scan3A_662 : i32 to index
        %get3A_666 = arith.constant 0 : index
        %get3A_667 = tpu.vector_load %arg6[%get3A_664, %get3A_665, %get3A_666] {strides = array<i32>} : memref<4x200x64xf32, #tpu.memory_space<vmem>>, vector<1x1x16xf32>,
        %get3A_668 = vector.shape_cast %get3A_667 : vector<1x1x16xf32> to vector<16xf32>
        %add3A_669 = arith.addf %add3A_639, %get3A_668 : vector<16xf32>
        %get3A_670 = arith.constant 1 : i32
        %get3A_671 = arith.index_cast %get3A_670 : i32 to index
        %get3A_672 = arith.index_cast %scan3A_662 : i32 to index
        %get3A_673 = arith.constant 16 : index
        %get3A_674 = tpu.vector_load %arg6[%get3A_671, %get3A_672, %get3A_673] {strides = array<i32>} : memref<4x200x64xf32, #tpu.memory_space<vmem>>, vector<1x1x16xf32>,
        %get3A_675 = vector.shape_cast %get3A_674 : vector<1x1x16xf32> to vector<16xf32>
        %add3A_676 = arith.addf %add3A_646, %get3A_675 : vector<16xf32>
        %get3A_677 = arith.constant 1 : i32
        %get3A_678 = arith.index_cast %get3A_677 : i32 to index
        %get3A_679 = arith.index_cast %scan3A_662 : i32 to index
        %get3A_680 = arith.constant 32 : index
        %get3A_681 = tpu.vector_load %arg6[%get3A_678, %get3A_679, %get3A_680] {strides = array<i32>} : memref<4x200x64xf32, #tpu.memory_space<vmem>>, vector<1x1x16xf32>,
        %get3A_682 = vector.shape_cast %get3A_681 : vector<1x1x16xf32> to vector<16xf32>
        %add3A_683 = arith.addf %add3A_653, %get3A_682 : vector<16xf32>
        %get3A_684 = arith.constant 1 : i32
        %get3A_685 = arith.index_cast %get3A_684 : i32 to index
        %get3A_686 = arith.index_cast %scan3A_662 : i32 to index
        %get3A_687 = arith.constant 48 : index
        %get3A_688 = tpu.vector_load %arg6[%get3A_685, %get3A_686, %get3A_687] {strides = array<i32>} : memref<4x200x64xf32, #tpu.memory_space<vmem>>, vector<1x1x16xf32>,
        %get3A_689 = vector.shape_cast %get3A_688 : vector<1x1x16xf32> to vector<16xf32>
        %add3A_690 = arith.addf %add3A_660, %get3A_689 : vector<16xf32>
        %scan3A_691 = arith.constant 7 : i32
        %scan3A_692 = arith.addi %scan3A_479, %scan3A_691 : i32
        %get3A_693 = arith.constant 1 : i32
        %get3A_694 = arith.index_cast %get3A_693 : i32 to index
        %get3A_695 = arith.index_cast %scan3A_692 : i32 to index
        %get3A_696 = arith.constant 0 : index
        %get3A_697 = tpu.vector_load %arg6[%get3A_694, %get3A_695, %get3A_696] {strides = array<i32>} : memref<4x200x64xf32, #tpu.memory_space<vmem>>, vector<1x1x16xf32>,
        %get3A_698 = vector.shape_cast %get3A_697 : vector<1x1x16xf32> to vector<16xf32>
        %add3A_699 = arith.addf %add3A_669, %get3A_698 : vector<16xf32>
        %get3A_700 = arith.constant 1 : i32
        %get3A_701 = arith.index_cast %get3A_700 : i32 to index
        %get3A_702 = arith.index_cast %scan3A_692 : i32 to index
        %get3A_703 = arith.constant 16 : index
        %get3A_704 = tpu.vector_load %arg6[%get3A_701, %get3A_702, %get3A_703] {strides = array<i32>} : memref<4x200x64xf32, #tpu.memory_space<vmem>>, vector<1x1x16xf32>,
        %get3A_705 = vector.shape_cast %get3A_704 : vector<1x1x16xf32> to vector<16xf32>
        %add3A_706 = arith.addf %add3A_676, %get3A_705 : vector<16xf32>
        %get3A_707 = arith.constant 1 : i32
        %get3A_708 = arith.index_cast %get3A_707 : i32 to index
        %get3A_709 = arith.index_cast %scan3A_692 : i32 to index
        %get3A_710 = arith.constant 32 : index
        %get3A_711 = tpu.vector_load %arg6[%get3A_708, %get3A_709, %get3A_710] {strides = array<i32>} : memref<4x200x64xf32, #tpu.memory_space<vmem>>, vector<1x1x16xf32>,
        %get3A_712 = vector.shape_cast %get3A_711 : vector<1x1x16xf32> to vector<16xf32>
        %add3A_713 = arith.addf %add3A_683, %get3A_712 : vector<16xf32>
        %get3A_714 = arith.constant 1 : i32
        %get3A_715 = arith.index_cast %get3A_714 : i32 to index
        %get3A_716 = arith.index_cast %scan3A_692 : i32 to index
        %get3A_717 = arith.constant 48 : index
        %get3A_718 = tpu.vector_load %arg6[%get3A_715, %get3A_716, %get3A_717] {strides = array<i32>} : memref<4x200x64xf32, #tpu.memory_space<vmem>>, vector<1x1x16xf32>,
        %get3A_719 = vector.shape_cast %get3A_718 : vector<1x1x16xf32> to vector<16xf32>
        %add3A_720 = arith.addf %add3A_690, %get3A_719 : vector<16xf32>
        %scan3A_721 = arith.constant 8 : i32
        %scan3A_722 = arith.addi %scan3A_479, %scan3A_721 : i32
        %get3A_723 = arith.constant 1 : i32
        %get3A_724 = arith.index_cast %get3A_723 : i32 to index
        %get3A_725 = arith.index_cast %scan3A_722 : i32 to index
        %get3A_726 = arith.constant 0 : index
        %get3A_727 = tpu.vector_load %arg6[%get3A_724, %get3A_725, %get3A_726] {strides = array<i32>} : memref<4x200x64xf32, #tpu.memory_space<vmem>>, vector<1x1x16xf32>,
        %get3A_728 = vector.shape_cast %get3A_727 : vector<1x1x16xf32> to vector<16xf32>
        %add3A_729 = arith.addf %add3A_699, %get3A_728 : vector<16xf32>
        %get3A_730 = arith.constant 1 : i32
        %get3A_731 = arith.index_cast %get3A_730 : i32 to index
        %get3A_732 = arith.index_cast %scan3A_722 : i32 to index
        %get3A_733 = arith.constant 16 : index
        %get3A_734 = tpu.vector_load %arg6[%get3A_731, %get3A_732, %get3A_733] {strides = array<i32>} : memref<4x200x64xf32, #tpu.memory_space<vmem>>, vector<1x1x16xf32>,
        %get3A_735 = vector.shape_cast %get3A_734 : vector<1x1x16xf32> to vector<16xf32>
        %add3A_736 = arith.addf %add3A_706, %get3A_735 : vector<16xf32>
        %get3A_737 = arith.constant 1 : i32
        %get3A_738 = arith.index_cast %get3A_737 : i32 to index
        %get3A_739 = arith.index_cast %scan3A_722 : i32 to index
        %get3A_740 = arith.constant 32 : index
        %get3A_741 = tpu.vector_load %arg6[%get3A_738, %get3A_739, %get3A_740] {strides = array<i32>} : memref<4x200x64xf32, #tpu.memory_space<vmem>>, vector<1x1x16xf32>,
        %get3A_742 = vector.shape_cast %get3A_741 : vector<1x1x16xf32> to vector<16xf32>
        %add3A_743 = arith.addf %add3A_713, %get3A_742 : vector<16xf32>
        %get3A_744 = arith.constant 1 : i32
        %get3A_745 = arith.index_cast %get3A_744 : i32 to index
        %get3A_746 = arith.index_cast %scan3A_722 : i32 to index
        %get3A_747 = arith.constant 48 : index
        %get3A_748 = tpu.vector_load %arg6[%get3A_745, %get3A_746, %get3A_747] {strides = array<i32>} : memref<4x200x64xf32, #tpu.memory_space<vmem>>, vector<1x1x16xf32>,
        %get3A_749 = vector.shape_cast %get3A_748 : vector<1x1x16xf32> to vector<16xf32>
        %add3A_750 = arith.addf %add3A_720, %get3A_749 : vector<16xf32>
        %scan3A_751 = arith.constant 9 : i32
        %scan3A_752 = arith.addi %scan3A_479, %scan3A_751 : i32
        %get3A_753 = arith.constant 1 : i32
        %get3A_754 = arith.index_cast %get3A_753 : i32 to index
        %get3A_755 = arith.index_cast %scan3A_752 : i32 to index
        %get3A_756 = arith.constant 0 : index
        %get3A_757 = tpu.vector_load %arg6[%get3A_754, %get3A_755, %get3A_756] {strides = array<i32>} : memref<4x200x64xf32, #tpu.memory_space<vmem>>, vector<1x1x16xf32>,
        %get3A_758 = vector.shape_cast %get3A_757 : vector<1x1x16xf32> to vector<16xf32>
        %add3A_759 = arith.addf %add3A_729, %get3A_758 : vector<16xf32>
        %get3A_760 = arith.constant 1 : i32
        %get3A_761 = arith.index_cast %get3A_760 : i32 to index
        %get3A_762 = arith.index_cast %scan3A_752 : i32 to index
        %get3A_763 = arith.constant 16 : index
        %get3A_764 = tpu.vector_load %arg6[%get3A_761, %get3A_762, %get3A_763] {strides = array<i32>} : memref<4x200x64xf32, #tpu.memory_space<vmem>>, vector<1x1x16xf32>,
        %get3A_765 = vector.shape_cast %get3A_764 : vector<1x1x16xf32> to vector<16xf32>
        %add3A_766 = arith.addf %add3A_736, %get3A_765 : vector<16xf32>
        %get3A_767 = arith.constant 1 : i32
        %get3A_768 = arith.index_cast %get3A_767 : i32 to index
        %get3A_769 = arith.index_cast %scan3A_752 : i32 to index
        %get3A_770 = arith.constant 32 : index
        %get3A_771 = tpu.vector_load %arg6[%get3A_768, %get3A_769, %get3A_770] {strides = array<i32>} : memref<4x200x64xf32, #tpu.memory_space<vmem>>, vector<1x1x16xf32>,
        %get3A_772 = vector.shape_cast %get3A_771 : vector<1x1x16xf32> to vector<16xf32>
        %add3A_773 = arith.addf %add3A_743, %get3A_772 : vector<16xf32>
        %get3A_774 = arith.constant 1 : i32
        %get3A_775 = arith.index_cast %get3A_774 : i32 to index
        %get3A_776 = arith.index_cast %scan3A_752 : i32 to index
        %get3A_777 = arith.constant 48 : index
        %get3A_778 = tpu.vector_load %arg6[%get3A_775, %get3A_776, %get3A_777] {strides = array<i32>} : memref<4x200x64xf32, #tpu.memory_space<vmem>>, vector<1x1x16xf32>,
        %get3A_779 = vector.shape_cast %get3A_778 : vector<1x1x16xf32> to vector<16xf32>
        %add3A_780 = arith.addf %add3A_750, %get3A_779 : vector<16xf32>
        %scan3A_781 = arith.constant 10 : i32
        %scan3A_782 = arith.addi %scan3A_479, %scan3A_781 : i32
        %get3A_783 = arith.constant 1 : i32
        %get3A_784 = arith.index_cast %get3A_783 : i32 to index
        %get3A_785 = arith.index_cast %scan3A_782 : i32 to index
        %get3A_786 = arith.constant 0 : index
        %get3A_787 = tpu.vector_load %arg6[%get3A_784, %get3A_785, %get3A_786] {strides = array<i32>} : memref<4x200x64xf32, #tpu.memory_space<vmem>>, vector<1x1x16xf32>,
        %get3A_788 = vector.shape_cast %get3A_787 : vector<1x1x16xf32> to vector<16xf32>
        %add3A_789 = arith.addf %add3A_759, %get3A_788 : vector<16xf32>
        %get3A_790 = arith.constant 1 : i32
        %get3A_791 = arith.index_cast %get3A_790 : i32 to index
        %get3A_792 = arith.index_cast %scan3A_782 : i32 to index
        %get3A_793 = arith.constant 16 : index
        %get3A_794 = tpu.vector_load %arg6[%get3A_791, %get3A_792, %get3A_793] {strides = array<i32>} : memref<4x200x64xf32, #tpu.memory_space<vmem>>, vector<1x1x16xf32>,
        %get3A_795 = vector.shape_cast %get3A_794 : vector<1x1x16xf32> to vector<16xf32>
        %add3A_796 = arith.addf %add3A_766, %get3A_795 : vector<16xf32>
        %get3A_797 = arith.constant 1 : i32
        %get3A_798 = arith.index_cast %get3A_797 : i32 to index
        %get3A_799 = arith.index_cast %scan3A_782 : i32 to index
        %get3A_800 = arith.constant 32 : index
        %get3A_801 = tpu.vector_load %arg6[%get3A_798, %get3A_799, %get3A_800] {strides = array<i32>} : memref<4x200x64xf32, #tpu.memory_space<vmem>>, vector<1x1x16xf32>,
        %get3A_802 = vector.shape_cast %get3A_801 : vector<1x1x16xf32> to vector<16xf32>
        %add3A_803 = arith.addf %add3A_773, %get3A_802 : vector<16xf32>
        %get3A_804 = arith.constant 1 : i32
        %get3A_805 = arith.index_cast %get3A_804 : i32 to index
        %get3A_806 = arith.index_cast %scan3A_782 : i32 to index
        %get3A_807 = arith.constant 48 : index
        %get3A_808 = tpu.vector_load %arg6[%get3A_805, %get3A_806, %get3A_807] {strides = array<i32>} : memref<4x200x64xf32, #tpu.memory_space<vmem>>, vector<1x1x16xf32>,
        %get3A_809 = vector.shape_cast %get3A_808 : vector<1x1x16xf32> to vector<16xf32>
        %add3A_810 = arith.addf %add3A_780, %get3A_809 : vector<16xf32>
        %scan3A_811 = arith.constant 11 : i32
        %scan3A_812 = arith.addi %scan3A_479, %scan3A_811 : i32
        %get3A_813 = arith.constant 1 : i32
        %get3A_814 = arith.index_cast %get3A_813 : i32 to index
        %get3A_815 = arith.index_cast %scan3A_812 : i32 to index
        %get3A_816 = arith.constant 0 : index
        %get3A_817 = tpu.vector_load %arg6[%get3A_814, %get3A_815, %get3A_816] {strides = array<i32>} : memref<4x200x64xf32, #tpu.memory_space<vmem>>, vector<1x1x16xf32>,
        %get3A_818 = vector.shape_cast %get3A_817 : vector<1x1x16xf32> to vector<16xf32>
        %add3A_819 = arith.addf %add3A_789, %get3A_818 : vector<16xf32>
        %get3A_820 = arith.constant 1 : i32
        %get3A_821 = arith.index_cast %get3A_820 : i32 to index
        %get3A_822 = arith.index_cast %scan3A_812 : i32 to index
        %get3A_823 = arith.constant 16 : index
        %get3A_824 = tpu.vector_load %arg6[%get3A_821, %get3A_822, %get3A_823] {strides = array<i32>} : memref<4x200x64xf32, #tpu.memory_space<vmem>>, vector<1x1x16xf32>,
        %get3A_825 = vector.shape_cast %get3A_824 : vector<1x1x16xf32> to vector<16xf32>
        %add3A_826 = arith.addf %add3A_796, %get3A_825 : vector<16xf32>
        %get3A_827 = arith.constant 1 : i32
        %get3A_828 = arith.index_cast %get3A_827 : i32 to index
        %get3A_829 = arith.index_cast %scan3A_812 : i32 to index
        %get3A_830 = arith.constant 32 : index
        %get3A_831 = tpu.vector_load %arg6[%get3A_828, %get3A_829, %get3A_830] {strides = array<i32>} : memref<4x200x64xf32, #tpu.memory_space<vmem>>, vector<1x1x16xf32>,
        %get3A_832 = vector.shape_cast %get3A_831 : vector<1x1x16xf32> to vector<16xf32>
        %add3A_833 = arith.addf %add3A_803, %get3A_832 : vector<16xf32>
        %get3A_834 = arith.constant 1 : i32
        %get3A_835 = arith.index_cast %get3A_834 : i32 to index
        %get3A_836 = arith.index_cast %scan3A_812 : i32 to index
        %get3A_837 = arith.constant 48 : index
        %get3A_838 = tpu.vector_load %arg6[%get3A_835, %get3A_836, %get3A_837] {strides = array<i32>} : memref<4x200x64xf32, #tpu.memory_space<vmem>>, vector<1x1x16xf32>,
        %get3A_839 = vector.shape_cast %get3A_838 : vector<1x1x16xf32> to vector<16xf32>
        %add3A_840 = arith.addf %add3A_810, %get3A_839 : vector<16xf32>
        %scan3A_841 = arith.constant 12 : i32
        %scan3A_842 = arith.addi %scan3A_479, %scan3A_841 : i32
        %get3A_843 = arith.constant 1 : i32
        %get3A_844 = arith.index_cast %get3A_843 : i32 to index
        %get3A_845 = arith.index_cast %scan3A_842 : i32 to index
        %get3A_846 = arith.constant 0 : index
        %get3A_847 = tpu.vector_load %arg6[%get3A_844, %get3A_845, %get3A_846] {strides = array<i32>} : memref<4x200x64xf32, #tpu.memory_space<vmem>>, vector<1x1x16xf32>,
        %get3A_848 = vector.shape_cast %get3A_847 : vector<1x1x16xf32> to vector<16xf32>
        %add3A_849 = arith.addf %add3A_819, %get3A_848 : vector<16xf32>
        %get3A_850 = arith.constant 1 : i32
        %get3A_851 = arith.index_cast %get3A_850 : i32 to index
        %get3A_852 = arith.index_cast %scan3A_842 : i32 to index
        %get3A_853 = arith.constant 16 : index
        %get3A_854 = tpu.vector_load %arg6[%get3A_851, %get3A_852, %get3A_853] {strides = array<i32>} : memref<4x200x64xf32, #tpu.memory_space<vmem>>, vector<1x1x16xf32>,
        %get3A_855 = vector.shape_cast %get3A_854 : vector<1x1x16xf32> to vector<16xf32>
        %add3A_856 = arith.addf %add3A_826, %get3A_855 : vector<16xf32>
        %get3A_857 = arith.constant 1 : i32
        %get3A_858 = arith.index_cast %get3A_857 : i32 to index
        %get3A_859 = arith.index_cast %scan3A_842 : i32 to index
        %get3A_860 = arith.constant 32 : index
        %get3A_861 = tpu.vector_load %arg6[%get3A_858, %get3A_859, %get3A_860] {strides = array<i32>} : memref<4x200x64xf32, #tpu.memory_space<vmem>>, vector<1x1x16xf32>,
        %get3A_862 = vector.shape_cast %get3A_861 : vector<1x1x16xf32> to vector<16xf32>
        %add3A_863 = arith.addf %add3A_833, %get3A_862 : vector<16xf32>
        %get3A_864 = arith.constant 1 : i32
        %get3A_865 = arith.index_cast %get3A_864 : i32 to index
        %get3A_866 = arith.index_cast %scan3A_842 : i32 to index
        %get3A_867 = arith.constant 48 : index
        %get3A_868 = tpu.vector_load %arg6[%get3A_865, %get3A_866, %get3A_867] {strides = array<i32>} : memref<4x200x64xf32, #tpu.memory_space<vmem>>, vector<1x1x16xf32>,
        %get3A_869 = vector.shape_cast %get3A_868 : vector<1x1x16xf32> to vector<16xf32>
        %add3A_870 = arith.addf %add3A_840, %get3A_869 : vector<16xf32>
        scf.yield %add3A_849, %add3A_856, %add3A_863, %add3A_870 : vector<16xf32>, vector<16xf32>, vector<16xf32>, vector<16xf32>
      }
      %scan3A_239 = arith.constant 104 : i32
      %dma_wait3A_240 = arith.constant 0 : i32
      %dma_wait3A_241 = arith.constant 1 : i32
      %dma_wait3A_242 = arith.constant 1 : i32
      %dma_wait3A_243 = arith.constant 1 : i32
      %dma_wait3A_244 = arith.constant 104 : i32
      %dma_wait3A_245 = arith.constant 0 : i32
      %dma_wait3A_246 = tpu.memref_slice %arg6[%dma_wait3A_241, %dma_wait3A_244, %dma_wait3A_245] : memref<4x200x64xf32, #tpu.memory_space<vmem>> -> memref<1x96x64xf32, #tpu.memory_space<vmem>>
      %dma_wait3A_247 = tpu.memref_squeeze %dma_wait3A_246 : memref<1x96x64xf32, #tpu.memory_space<vmem>> -> memref<96x64xf32, #tpu.memory_space<vmem>>
      %dma_wait3A_248 = arith.constant 0 : i32
      %dma_wait3A_249 = tpu.memref_slice %arg5[%dma_wait3A_240, %dma_wait3A_248] : memref<128x200xi32, #tpu.memory_space<vmem>> -> memref<1x96xi32, #tpu.memory_space<vmem>>
      %dma_wait3A_250 = tpu.memref_squeeze %dma_wait3A_249 : memref<1x96xi32, #tpu.memory_space<vmem>> -> memref<96xi32, #tpu.memory_space<vmem>>
      %dma_wait3A_251 = arith.constant 0 : i32
      %dma_wait3A_252 = arith.constant 0 : i32
      %dma_wait3A_253 = tpu.memref_slice %arg3[%dma_wait3A_251, %dma_wait3A_252] : memref<100000x64xf32, #tpu.memory_space<hbm>> -> memref<100000x64xf32, #tpu.memory_space<hbm>>
      %dma_wait3A_254 = tpu.memref_slice %arg8[%dma_wait3A_242, %dma_wait3A_243] : memref<4x2x!tpu.dma_semaphore, #tpu.memory_space<semaphore_mem>> -> memref<1x1x!tpu.dma_semaphore, #tpu.memory_space<semaphore_mem>>
      %dma_wait3A_255 = tpu.memref_squeeze %dma_wait3A_254 : memref<1x1x!tpu.dma_semaphore, #tpu.memory_space<semaphore_mem>> -> memref<!tpu.dma_semaphore, #tpu.memory_space<semaphore_mem>>
      tpu.wait_indirect_dma semaphore(%dma_wait3A_255 : memref<!tpu.dma_semaphore, #tpu.memory_space<semaphore_mem>>) src(%dma_wait3A_253 : memref<100000x64xf32, #tpu.memory_space<hbm>>) dst(%dma_wait3A_247 : memref<96x64xf32, #tpu.memory_space<vmem>>)
      %add3A_256 = arith.constant 4 : i32
      %add3A_257 = arith.addi %add3A_200, %add3A_256 : i32
      %sub3A_258 = arith.constant 1 : i32
      %sub3A_259 = arith.subi %add3A_257, %sub3A_258 : i32
      %lt3A_260 = arith.constant 128 : i32
      %lt3A_261 = arith.cmpi slt, %sub3A_259, %lt3A_260 : i32
      %convert_element_type3A_262 = arith.extui %lt3A_261 : i1 to i32
      %cond3A_263 = arith.constant 0 : i32
      %cond3A_264 = arith.cmpi ne, %convert_element_type3A_262, %cond3A_263 : i32
      scf.if %cond3A_264 {
        %add3A_479 = arith.constant 4 : i32
        %add3A_480 = arith.addi %add3A_200, %add3A_479 : i32
        %sub3A_481 = arith.constant 1 : i32
        %sub3A_482 = arith.subi %add3A_480, %sub3A_481 : i32
        %dma_start3A_483 = arith.constant 0 : i32
        %dma_start3A_484 = arith.constant 0 : i32
        %dma_start3A_485 = arith.constant 1 : i32
        %dma_start3A_486 = arith.constant 104 : i32
        %dma_start3A_487 = arith.constant 0 : i32
        %dma_start3A_488 = tpu.memref_slice %arg6[%dma_start3A_483, %dma_start3A_486, %dma_start3A_487] : memref<4x200x64xf32, #tpu.memory_space<vmem>> -> memref<1x96x64xf32, #tpu.memory_space<vmem>>
        %dma_start3A_489 = tpu.memref_squeeze %dma_start3A_488 : memref<1x96x64xf32, #tpu.memory_space<vmem>> -> memref<96x64xf32, #tpu.memory_space<vmem>>
        %dma_start3A_490 = arith.constant 104 : i32
        %dma_start3A_491 = tpu.memref_slice %arg5[%sub3A_482, %dma_start3A_490] : memref<128x200xi32, #tpu.memory_space<vmem>> -> memref<1x96xi32, #tpu.memory_space<vmem>>
        %dma_start3A_492 = tpu.memref_squeeze %dma_start3A_491 : memref<1x96xi32, #tpu.memory_space<vmem>> -> memref<96xi32, #tpu.memory_space<vmem>>
        %dma_start3A_493 = arith.constant 0 : i32
        %dma_start3A_494 = arith.constant 0 : i32
        %dma_start3A_495 = tpu.memref_slice %arg3[%dma_start3A_493, %dma_start3A_494] : memref<100000x64xf32, #tpu.memory_space<hbm>> -> memref<100000x64xf32, #tpu.memory_space<hbm>>
        %dma_start3A_496 = tpu.memref_slice %arg8[%dma_start3A_484, %dma_start3A_485] : memref<4x2x!tpu.dma_semaphore, #tpu.memory_space<semaphore_mem>> -> memref<1x1x!tpu.dma_semaphore, #tpu.memory_space<semaphore_mem>>
        %dma_start3A_497 = tpu.memref_squeeze %dma_start3A_496 : memref<1x1x!tpu.dma_semaphore, #tpu.memory_space<semaphore_mem>> -> memref<!tpu.dma_semaphore, #tpu.memory_space<semaphore_mem>>
        tpu.enqueue_indirect_dma source(%dma_start3A_495 : memref<100000x64xf32, #tpu.memory_space<hbm>>) target(%dma_start3A_489 : memref<96x64xf32, #tpu.memory_space<vmem>>) offsets(%dma_start3A_492 : memref<96xi32, #tpu.memory_space<vmem>>) semaphore(%dma_start3A_497 : memref<!tpu.dma_semaphore, #tpu.memory_space<semaphore_mem>>)
      } else {
      }
      %scan3A_265 = arith.constant 104 : i32
      %scan3A_266 = arith.constant 96 : i32
      %scan3A_267 = arith.addi %scan3A_265, %scan3A_266 : i32
      %scan3A_268 = arith.constant 12 : i32
      %scan3A_269:4 = scf.for %scan3A_479 = %scan3A_265 to %scan3A_267 step %scan3A_268 iter_args(%scan3A_480 = %scan3A_238#0, %scan3A_481 = %scan3A_238#1, %scan3A_482 = %scan3A_238#2, %scan3A_483 = %scan3A_238#3) -> (vector<16xf32>, vector<16xf32>, vector<16xf32>, vector<16xf32>)  : i32 {
        %get3A = arith.constant 1 : i32
        %get3A_484 = arith.index_cast %get3A : i32 to index
        %get3A_485 = arith.index_cast %scan3A_479 : i32 to index
        %get3A_486 = arith.constant 0 : index
        %get3A_487 = tpu.vector_load %arg6[%get3A_484, %get3A_485, %get3A_486] {strides = array<i32>} : memref<4x200x64xf32, #tpu.memory_space<vmem>>, vector<1x1x16xf32>,
        %get3A_488 = vector.shape_cast %get3A_487 : vector<1x1x16xf32> to vector<16xf32>
        %add3A_489 = arith.addf %scan3A_480, %get3A_488 : vector<16xf32>
        %get3A_490 = arith.constant 1 : i32
        %get3A_491 = arith.index_cast %get3A_490 : i32 to index
        %get3A_492 = arith.index_cast %scan3A_479 : i32 to index
        %get3A_493 = arith.constant 16 : index
        %get3A_494 = tpu.vector_load %arg6[%get3A_491, %get3A_492, %get3A_493] {strides = array<i32>} : memref<4x200x64xf32, #tpu.memory_space<vmem>>, vector<1x1x16xf32>,
        %get3A_495 = vector.shape_cast %get3A_494 : vector<1x1x16xf32> to vector<16xf32>
        %add3A_496 = arith.addf %scan3A_481, %get3A_495 : vector<16xf32>
        %get3A_497 = arith.constant 1 : i32
        %get3A_498 = arith.index_cast %get3A_497 : i32 to index
        %get3A_499 = arith.index_cast %scan3A_479 : i32 to index
        %get3A_500 = arith.constant 32 : index
        %get3A_501 = tpu.vector_load %arg6[%get3A_498, %get3A_499, %get3A_500] {strides = array<i32>} : memref<4x200x64xf32, #tpu.memory_space<vmem>>, vector<1x1x16xf32>,
        %get3A_502 = vector.shape_cast %get3A_501 : vector<1x1x16xf32> to vector<16xf32>
        %add3A_503 = arith.addf %scan3A_482, %get3A_502 : vector<16xf32>
        %get3A_504 = arith.constant 1 : i32
        %get3A_505 = arith.index_cast %get3A_504 : i32 to index
        %get3A_506 = arith.index_cast %scan3A_479 : i32 to index
        %get3A_507 = arith.constant 48 : index
        %get3A_508 = tpu.vector_load %arg6[%get3A_505, %get3A_506, %get3A_507] {strides = array<i32>} : memref<4x200x64xf32, #tpu.memory_space<vmem>>, vector<1x1x16xf32>,
        %get3A_509 = vector.shape_cast %get3A_508 : vector<1x1x16xf32> to vector<16xf32>
        %add3A_510 = arith.addf %scan3A_483, %get3A_509 : vector<16xf32>
        %scan3A_511 = arith.constant 1 : i32
        %scan3A_512 = arith.addi %scan3A_479, %scan3A_511 : i32
        %get3A_513 = arith.constant 1 : i32
        %get3A_514 = arith.index_cast %get3A_513 : i32 to index
        %get3A_515 = arith.index_cast %scan3A_512 : i32 to index
        %get3A_516 = arith.constant 0 : index
        %get3A_517 = tpu.vector_load %arg6[%get3A_514, %get3A_515, %get3A_516] {strides = array<i32>} : memref<4x200x64xf32, #tpu.memory_space<vmem>>, vector<1x1x16xf32>,
        %get3A_518 = vector.shape_cast %get3A_517 : vector<1x1x16xf32> to vector<16xf32>
        %add3A_519 = arith.addf %add3A_489, %get3A_518 : vector<16xf32>
        %get3A_520 = arith.constant 1 : i32
        %get3A_521 = arith.index_cast %get3A_520 : i32 to index
        %get3A_522 = arith.index_cast %scan3A_512 : i32 to index
        %get3A_523 = arith.constant 16 : index
        %get3A_524 = tpu.vector_load %arg6[%get3A_521, %get3A_522, %get3A_523] {strides = array<i32>} : memref<4x200x64xf32, #tpu.memory_space<vmem>>, vector<1x1x16xf32>,
        %get3A_525 = vector.shape_cast %get3A_524 : vector<1x1x16xf32> to vector<16xf32>
        %add3A_526 = arith.addf %add3A_496, %get3A_525 : vector<16xf32>
        %get3A_527 = arith.constant 1 : i32
        %get3A_528 = arith.index_cast %get3A_527 : i32 to index
        %get3A_529 = arith.index_cast %scan3A_512 : i32 to index
        %get3A_530 = arith.constant 32 : index
        %get3A_531 = tpu.vector_load %arg6[%get3A_528, %get3A_529, %get3A_530] {strides = array<i32>} : memref<4x200x64xf32, #tpu.memory_space<vmem>>, vector<1x1x16xf32>,
        %get3A_532 = vector.shape_cast %get3A_531 : vector<1x1x16xf32> to vector<16xf32>
        %add3A_533 = arith.addf %add3A_503, %get3A_532 : vector<16xf32>
        %get3A_534 = arith.constant 1 : i32
        %get3A_535 = arith.index_cast %get3A_534 : i32 to index
        %get3A_536 = arith.index_cast %scan3A_512 : i32 to index
        %get3A_537 = arith.constant 48 : index
        %get3A_538 = tpu.vector_load %arg6[%get3A_535, %get3A_536, %get3A_537] {strides = array<i32>} : memref<4x200x64xf32, #tpu.memory_space<vmem>>, vector<1x1x16xf32>,
        %get3A_539 = vector.shape_cast %get3A_538 : vector<1x1x16xf32> to vector<16xf32>
        %add3A_540 = arith.addf %add3A_510, %get3A_539 : vector<16xf32>
        %scan3A_541 = arith.constant 2 : i32
        %scan3A_542 = arith.addi %scan3A_479, %scan3A_541 : i32
        %get3A_543 = arith.constant 1 : i32
        %get3A_544 = arith.index_cast %get3A_543 : i32 to index
        %get3A_545 = arith.index_cast %scan3A_542 : i32 to index
        %get3A_546 = arith.constant 0 : index
        %get3A_547 = tpu.vector_load %arg6[%get3A_544, %get3A_545, %get3A_546] {strides = array<i32>} : memref<4x200x64xf32, #tpu.memory_space<vmem>>, vector<1x1x16xf32>,
        %get3A_548 = vector.shape_cast %get3A_547 : vector<1x1x16xf32> to vector<16xf32>
        %add3A_549 = arith.addf %add3A_519, %get3A_548 : vector<16xf32>
        %get3A_550 = arith.constant 1 : i32
        %get3A_551 = arith.index_cast %get3A_550 : i32 to index
        %get3A_552 = arith.index_cast %scan3A_542 : i32 to index
        %get3A_553 = arith.constant 16 : index
        %get3A_554 = tpu.vector_load %arg6[%get3A_551, %get3A_552, %get3A_553] {strides = array<i32>} : memref<4x200x64xf32, #tpu.memory_space<vmem>>, vector<1x1x16xf32>,
        %get3A_555 = vector.shape_cast %get3A_554 : vector<1x1x16xf32> to vector<16xf32>
        %add3A_556 = arith.addf %add3A_526, %get3A_555 : vector<16xf32>
        %get3A_557 = arith.constant 1 : i32
        %get3A_558 = arith.index_cast %get3A_557 : i32 to index
        %get3A_559 = arith.index_cast %scan3A_542 : i32 to index
        %get3A_560 = arith.constant 32 : index
        %get3A_561 = tpu.vector_load %arg6[%get3A_558, %get3A_559, %get3A_560] {strides = array<i32>} : memref<4x200x64xf32, #tpu.memory_space<vmem>>, vector<1x1x16xf32>,
        %get3A_562 = vector.shape_cast %get3A_561 : vector<1x1x16xf32> to vector<16xf32>
        %add3A_563 = arith.addf %add3A_533, %get3A_562 : vector<16xf32>
        %get3A_564 = arith.constant 1 : i32
        %get3A_565 = arith.index_cast %get3A_564 : i32 to index
        %get3A_566 = arith.index_cast %scan3A_542 : i32 to index
        %get3A_567 = arith.constant 48 : index
        %get3A_568 = tpu.vector_load %arg6[%get3A_565, %get3A_566, %get3A_567] {strides = array<i32>} : memref<4x200x64xf32, #tpu.memory_space<vmem>>, vector<1x1x16xf32>,
        %get3A_569 = vector.shape_cast %get3A_568 : vector<1x1x16xf32> to vector<16xf32>
        %add3A_570 = arith.addf %add3A_540, %get3A_569 : vector<16xf32>
        %scan3A_571 = arith.constant 3 : i32
        %scan3A_572 = arith.addi %scan3A_479, %scan3A_571 : i32
        %get3A_573 = arith.constant 1 : i32
        %get3A_574 = arith.index_cast %get3A_573 : i32 to index
        %get3A_575 = arith.index_cast %scan3A_572 : i32 to index
        %get3A_576 = arith.constant 0 : index
        %get3A_577 = tpu.vector_load %arg6[%get3A_574, %get3A_575, %get3A_576] {strides = array<i32>} : memref<4x200x64xf32, #tpu.memory_space<vmem>>, vector<1x1x16xf32>,
        %get3A_578 = vector.shape_cast %get3A_577 : vector<1x1x16xf32> to vector<16xf32>
        %add3A_579 = arith.addf %add3A_549, %get3A_578 : vector<16xf32>
        %get3A_580 = arith.constant 1 : i32
        %get3A_581 = arith.index_cast %get3A_580 : i32 to index
        %get3A_582 = arith.index_cast %scan3A_572 : i32 to index
        %get3A_583 = arith.constant 16 : index
        %get3A_584 = tpu.vector_load %arg6[%get3A_581, %get3A_582, %get3A_583] {strides = array<i32>} : memref<4x200x64xf32, #tpu.memory_space<vmem>>, vector<1x1x16xf32>,
        %get3A_585 = vector.shape_cast %get3A_584 : vector<1x1x16xf32> to vector<16xf32>
        %add3A_586 = arith.addf %add3A_556, %get3A_585 : vector<16xf32>
        %get3A_587 = arith.constant 1 : i32
        %get3A_588 = arith.index_cast %get3A_587 : i32 to index
        %get3A_589 = arith.index_cast %scan3A_572 : i32 to index
        %get3A_590 = arith.constant 32 : index
        %get3A_591 = tpu.vector_load %arg6[%get3A_588, %get3A_589, %get3A_590] {strides = array<i32>} : memref<4x200x64xf32, #tpu.memory_space<vmem>>, vector<1x1x16xf32>,
        %get3A_592 = vector.shape_cast %get3A_591 : vector<1x1x16xf32> to vector<16xf32>
        %add3A_593 = arith.addf %add3A_563, %get3A_592 : vector<16xf32>
        %get3A_594 = arith.constant 1 : i32
        %get3A_595 = arith.index_cast %get3A_594 : i32 to index
        %get3A_596 = arith.index_cast %scan3A_572 : i32 to index
        %get3A_597 = arith.constant 48 : index
        %get3A_598 = tpu.vector_load %arg6[%get3A_595, %get3A_596, %get3A_597] {strides = array<i32>} : memref<4x200x64xf32, #tpu.memory_space<vmem>>, vector<1x1x16xf32>,
        %get3A_599 = vector.shape_cast %get3A_598 : vector<1x1x16xf32> to vector<16xf32>
        %add3A_600 = arith.addf %add3A_570, %get3A_599 : vector<16xf32>
        %scan3A_601 = arith.constant 4 : i32
        %scan3A_602 = arith.addi %scan3A_479, %scan3A_601 : i32
        %get3A_603 = arith.constant 1 : i32
        %get3A_604 = arith.index_cast %get3A_603 : i32 to index
        %get3A_605 = arith.index_cast %scan3A_602 : i32 to index
        %get3A_606 = arith.constant 0 : index
        %get3A_607 = tpu.vector_load %arg6[%get3A_604, %get3A_605, %get3A_606] {strides = array<i32>} : memref<4x200x64xf32, #tpu.memory_space<vmem>>, vector<1x1x16xf32>,
        %get3A_608 = vector.shape_cast %get3A_607 : vector<1x1x16xf32> to vector<16xf32>
        %add3A_609 = arith.addf %add3A_579, %get3A_608 : vector<16xf32>
        %get3A_610 = arith.constant 1 : i32
        %get3A_611 = arith.index_cast %get3A_610 : i32 to index
        %get3A_612 = arith.index_cast %scan3A_602 : i32 to index
        %get3A_613 = arith.constant 16 : index
        %get3A_614 = tpu.vector_load %arg6[%get3A_611, %get3A_612, %get3A_613] {strides = array<i32>} : memref<4x200x64xf32, #tpu.memory_space<vmem>>, vector<1x1x16xf32>,
        %get3A_615 = vector.shape_cast %get3A_614 : vector<1x1x16xf32> to vector<16xf32>
        %add3A_616 = arith.addf %add3A_586, %get3A_615 : vector<16xf32>
        %get3A_617 = arith.constant 1 : i32
        %get3A_618 = arith.index_cast %get3A_617 : i32 to index
        %get3A_619 = arith.index_cast %scan3A_602 : i32 to index
        %get3A_620 = arith.constant 32 : index
        %get3A_621 = tpu.vector_load %arg6[%get3A_618, %get3A_619, %get3A_620] {strides = array<i32>} : memref<4x200x64xf32, #tpu.memory_space<vmem>>, vector<1x1x16xf32>,
        %get3A_622 = vector.shape_cast %get3A_621 : vector<1x1x16xf32> to vector<16xf32>
        %add3A_623 = arith.addf %add3A_593, %get3A_622 : vector<16xf32>
        %get3A_624 = arith.constant 1 : i32
        %get3A_625 = arith.index_cast %get3A_624 : i32 to index
        %get3A_626 = arith.index_cast %scan3A_602 : i32 to index
        %get3A_627 = arith.constant 48 : index
        %get3A_628 = tpu.vector_load %arg6[%get3A_625, %get3A_626, %get3A_627] {strides = array<i32>} : memref<4x200x64xf32, #tpu.memory_space<vmem>>, vector<1x1x16xf32>,
        %get3A_629 = vector.shape_cast %get3A_628 : vector<1x1x16xf32> to vector<16xf32>
        %add3A_630 = arith.addf %add3A_600, %get3A_629 : vector<16xf32>
        %scan3A_631 = arith.constant 5 : i32
        %scan3A_632 = arith.addi %scan3A_479, %scan3A_631 : i32
        %get3A_633 = arith.constant 1 : i32
        %get3A_634 = arith.index_cast %get3A_633 : i32 to index
        %get3A_635 = arith.index_cast %scan3A_632 : i32 to index
        %get3A_636 = arith.constant 0 : index
        %get3A_637 = tpu.vector_load %arg6[%get3A_634, %get3A_635, %get3A_636] {strides = array<i32>} : memref<4x200x64xf32, #tpu.memory_space<vmem>>, vector<1x1x16xf32>,
        %get3A_638 = vector.shape_cast %get3A_637 : vector<1x1x16xf32> to vector<16xf32>
        %add3A_639 = arith.addf %add3A_609, %get3A_638 : vector<16xf32>
        %get3A_640 = arith.constant 1 : i32
        %get3A_641 = arith.index_cast %get3A_640 : i32 to index
        %get3A_642 = arith.index_cast %scan3A_632 : i32 to index
        %get3A_643 = arith.constant 16 : index
        %get3A_644 = tpu.vector_load %arg6[%get3A_641, %get3A_642, %get3A_643] {strides = array<i32>} : memref<4x200x64xf32, #tpu.memory_space<vmem>>, vector<1x1x16xf32>,
        %get3A_645 = vector.shape_cast %get3A_644 : vector<1x1x16xf32> to vector<16xf32>
        %add3A_646 = arith.addf %add3A_616, %get3A_645 : vector<16xf32>
        %get3A_647 = arith.constant 1 : i32
        %get3A_648 = arith.index_cast %get3A_647 : i32 to index
        %get3A_649 = arith.index_cast %scan3A_632 : i32 to index
        %get3A_650 = arith.constant 32 : index
        %get3A_651 = tpu.vector_load %arg6[%get3A_648, %get3A_649, %get3A_650] {strides = array<i32>} : memref<4x200x64xf32, #tpu.memory_space<vmem>>, vector<1x1x16xf32>,
        %get3A_652 = vector.shape_cast %get3A_651 : vector<1x1x16xf32> to vector<16xf32>
        %add3A_653 = arith.addf %add3A_623, %get3A_652 : vector<16xf32>
        %get3A_654 = arith.constant 1 : i32
        %get3A_655 = arith.index_cast %get3A_654 : i32 to index
        %get3A_656 = arith.index_cast %scan3A_632 : i32 to index
        %get3A_657 = arith.constant 48 : index
        %get3A_658 = tpu.vector_load %arg6[%get3A_655, %get3A_656, %get3A_657] {strides = array<i32>} : memref<4x200x64xf32, #tpu.memory_space<vmem>>, vector<1x1x16xf32>,
        %get3A_659 = vector.shape_cast %get3A_658 : vector<1x1x16xf32> to vector<16xf32>
        %add3A_660 = arith.addf %add3A_630, %get3A_659 : vector<16xf32>
        %scan3A_661 = arith.constant 6 : i32
        %scan3A_662 = arith.addi %scan3A_479, %scan3A_661 : i32
        %get3A_663 = arith.constant 1 : i32
        %get3A_664 = arith.index_cast %get3A_663 : i32 to index
        %get3A_665 = arith.index_cast %scan3A_662 : i32 to index
        %get3A_666 = arith.constant 0 : index
        %get3A_667 = tpu.vector_load %arg6[%get3A_664, %get3A_665, %get3A_666] {strides = array<i32>} : memref<4x200x64xf32, #tpu.memory_space<vmem>>, vector<1x1x16xf32>,
        %get3A_668 = vector.shape_cast %get3A_667 : vector<1x1x16xf32> to vector<16xf32>
        %add3A_669 = arith.addf %add3A_639, %get3A_668 : vector<16xf32>
        %get3A_670 = arith.constant 1 : i32
        %get3A_671 = arith.index_cast %get3A_670 : i32 to index
        %get3A_672 = arith.index_cast %scan3A_662 : i32 to index
        %get3A_673 = arith.constant 16 : index
        %get3A_674 = tpu.vector_load %arg6[%get3A_671, %get3A_672, %get3A_673] {strides = array<i32>} : memref<4x200x64xf32, #tpu.memory_space<vmem>>, vector<1x1x16xf32>,
        %get3A_675 = vector.shape_cast %get3A_674 : vector<1x1x16xf32> to vector<16xf32>
        %add3A_676 = arith.addf %add3A_646, %get3A_675 : vector<16xf32>
        %get3A_677 = arith.constant 1 : i32
        %get3A_678 = arith.index_cast %get3A_677 : i32 to index
        %get3A_679 = arith.index_cast %scan3A_662 : i32 to index
        %get3A_680 = arith.constant 32 : index
        %get3A_681 = tpu.vector_load %arg6[%get3A_678, %get3A_679, %get3A_680] {strides = array<i32>} : memref<4x200x64xf32, #tpu.memory_space<vmem>>, vector<1x1x16xf32>,
        %get3A_682 = vector.shape_cast %get3A_681 : vector<1x1x16xf32> to vector<16xf32>
        %add3A_683 = arith.addf %add3A_653, %get3A_682 : vector<16xf32>
        %get3A_684 = arith.constant 1 : i32
        %get3A_685 = arith.index_cast %get3A_684 : i32 to index
        %get3A_686 = arith.index_cast %scan3A_662 : i32 to index
        %get3A_687 = arith.constant 48 : index
        %get3A_688 = tpu.vector_load %arg6[%get3A_685, %get3A_686, %get3A_687] {strides = array<i32>} : memref<4x200x64xf32, #tpu.memory_space<vmem>>, vector<1x1x16xf32>,
        %get3A_689 = vector.shape_cast %get3A_688 : vector<1x1x16xf32> to vector<16xf32>
        %add3A_690 = arith.addf %add3A_660, %get3A_689 : vector<16xf32>
        %scan3A_691 = arith.constant 7 : i32
        %scan3A_692 = arith.addi %scan3A_479, %scan3A_691 : i32
        %get3A_693 = arith.constant 1 : i32
        %get3A_694 = arith.index_cast %get3A_693 : i32 to index
        %get3A_695 = arith.index_cast %scan3A_692 : i32 to index
        %get3A_696 = arith.constant 0 : index
        %get3A_697 = tpu.vector_load %arg6[%get3A_694, %get3A_695, %get3A_696] {strides = array<i32>} : memref<4x200x64xf32, #tpu.memory_space<vmem>>, vector<1x1x16xf32>,
        %get3A_698 = vector.shape_cast %get3A_697 : vector<1x1x16xf32> to vector<16xf32>
        %add3A_699 = arith.addf %add3A_669, %get3A_698 : vector<16xf32>
        %get3A_700 = arith.constant 1 : i32
        %get3A_701 = arith.index_cast %get3A_700 : i32 to index
        %get3A_702 = arith.index_cast %scan3A_692 : i32 to index
        %get3A_703 = arith.constant 16 : index
        %get3A_704 = tpu.vector_load %arg6[%get3A_701, %get3A_702, %get3A_703] {strides = array<i32>} : memref<4x200x64xf32, #tpu.memory_space<vmem>>, vector<1x1x16xf32>,
        %get3A_705 = vector.shape_cast %get3A_704 : vector<1x1x16xf32> to vector<16xf32>
        %add3A_706 = arith.addf %add3A_676, %get3A_705 : vector<16xf32>
        %get3A_707 = arith.constant 1 : i32
        %get3A_708 = arith.index_cast %get3A_707 : i32 to index
        %get3A_709 = arith.index_cast %scan3A_692 : i32 to index
        %get3A_710 = arith.constant 32 : index
        %get3A_711 = tpu.vector_load %arg6[%get3A_708, %get3A_709, %get3A_710] {strides = array<i32>} : memref<4x200x64xf32, #tpu.memory_space<vmem>>, vector<1x1x16xf32>,
        %get3A_712 = vector.shape_cast %get3A_711 : vector<1x1x16xf32> to vector<16xf32>
        %add3A_713 = arith.addf %add3A_683, %get3A_712 : vector<16xf32>
        %get3A_714 = arith.constant 1 : i32
        %get3A_715 = arith.index_cast %get3A_714 : i32 to index
        %get3A_716 = arith.index_cast %scan3A_692 : i32 to index
        %get3A_717 = arith.constant 48 : index
        %get3A_718 = tpu.vector_load %arg6[%get3A_715, %get3A_716, %get3A_717] {strides = array<i32>} : memref<4x200x64xf32, #tpu.memory_space<vmem>>, vector<1x1x16xf32>,
        %get3A_719 = vector.shape_cast %get3A_718 : vector<1x1x16xf32> to vector<16xf32>
        %add3A_720 = arith.addf %add3A_690, %get3A_719 : vector<16xf32>
        %scan3A_721 = arith.constant 8 : i32
        %scan3A_722 = arith.addi %scan3A_479, %scan3A_721 : i32
        %get3A_723 = arith.constant 1 : i32
        %get3A_724 = arith.index_cast %get3A_723 : i32 to index
        %get3A_725 = arith.index_cast %scan3A_722 : i32 to index
        %get3A_726 = arith.constant 0 : index
        %get3A_727 = tpu.vector_load %arg6[%get3A_724, %get3A_725, %get3A_726] {strides = array<i32>} : memref<4x200x64xf32, #tpu.memory_space<vmem>>, vector<1x1x16xf32>,
        %get3A_728 = vector.shape_cast %get3A_727 : vector<1x1x16xf32> to vector<16xf32>
        %add3A_729 = arith.addf %add3A_699, %get3A_728 : vector<16xf32>
        %get3A_730 = arith.constant 1 : i32
        %get3A_731 = arith.index_cast %get3A_730 : i32 to index
        %get3A_732 = arith.index_cast %scan3A_722 : i32 to index
        %get3A_733 = arith.constant 16 : index
        %get3A_734 = tpu.vector_load %arg6[%get3A_731, %get3A_732, %get3A_733] {strides = array<i32>} : memref<4x200x64xf32, #tpu.memory_space<vmem>>, vector<1x1x16xf32>,
        %get3A_735 = vector.shape_cast %get3A_734 : vector<1x1x16xf32> to vector<16xf32>
        %add3A_736 = arith.addf %add3A_706, %get3A_735 : vector<16xf32>
        %get3A_737 = arith.constant 1 : i32
        %get3A_738 = arith.index_cast %get3A_737 : i32 to index
        %get3A_739 = arith.index_cast %scan3A_722 : i32 to index
        %get3A_740 = arith.constant 32 : index
        %get3A_741 = tpu.vector_load %arg6[%get3A_738, %get3A_739, %get3A_740] {strides = array<i32>} : memref<4x200x64xf32, #tpu.memory_space<vmem>>, vector<1x1x16xf32>,
        %get3A_742 = vector.shape_cast %get3A_741 : vector<1x1x16xf32> to vector<16xf32>
        %add3A_743 = arith.addf %add3A_713, %get3A_742 : vector<16xf32>
        %get3A_744 = arith.constant 1 : i32
        %get3A_745 = arith.index_cast %get3A_744 : i32 to index
        %get3A_746 = arith.index_cast %scan3A_722 : i32 to index
        %get3A_747 = arith.constant 48 : index
        %get3A_748 = tpu.vector_load %arg6[%get3A_745, %get3A_746, %get3A_747] {strides = array<i32>} : memref<4x200x64xf32, #tpu.memory_space<vmem>>, vector<1x1x16xf32>,
        %get3A_749 = vector.shape_cast %get3A_748 : vector<1x1x16xf32> to vector<16xf32>
        %add3A_750 = arith.addf %add3A_720, %get3A_749 : vector<16xf32>
        %scan3A_751 = arith.constant 9 : i32
        %scan3A_752 = arith.addi %scan3A_479, %scan3A_751 : i32
        %get3A_753 = arith.constant 1 : i32
        %get3A_754 = arith.index_cast %get3A_753 : i32 to index
        %get3A_755 = arith.index_cast %scan3A_752 : i32 to index
        %get3A_756 = arith.constant 0 : index
        %get3A_757 = tpu.vector_load %arg6[%get3A_754, %get3A_755, %get3A_756] {strides = array<i32>} : memref<4x200x64xf32, #tpu.memory_space<vmem>>, vector<1x1x16xf32>,
        %get3A_758 = vector.shape_cast %get3A_757 : vector<1x1x16xf32> to vector<16xf32>
        %add3A_759 = arith.addf %add3A_729, %get3A_758 : vector<16xf32>
        %get3A_760 = arith.constant 1 : i32
        %get3A_761 = arith.index_cast %get3A_760 : i32 to index
        %get3A_762 = arith.index_cast %scan3A_752 : i32 to index
        %get3A_763 = arith.constant 16 : index
        %get3A_764 = tpu.vector_load %arg6[%get3A_761, %get3A_762, %get3A_763] {strides = array<i32>} : memref<4x200x64xf32, #tpu.memory_space<vmem>>, vector<1x1x16xf32>,
        %get3A_765 = vector.shape_cast %get3A_764 : vector<1x1x16xf32> to vector<16xf32>
        %add3A_766 = arith.addf %add3A_736, %get3A_765 : vector<16xf32>
        %get3A_767 = arith.constant 1 : i32
        %get3A_768 = arith.index_cast %get3A_767 : i32 to index
        %get3A_769 = arith.index_cast %scan3A_752 : i32 to index
        %get3A_770 = arith.constant 32 : index
        %get3A_771 = tpu.vector_load %arg6[%get3A_768, %get3A_769, %get3A_770] {strides = array<i32>} : memref<4x200x64xf32, #tpu.memory_space<vmem>>, vector<1x1x16xf32>,
        %get3A_772 = vector.shape_cast %get3A_771 : vector<1x1x16xf32> to vector<16xf32>
        %add3A_773 = arith.addf %add3A_743, %get3A_772 : vector<16xf32>
        %get3A_774 = arith.constant 1 : i32
        %get3A_775 = arith.index_cast %get3A_774 : i32 to index
        %get3A_776 = arith.index_cast %scan3A_752 : i32 to index
        %get3A_777 = arith.constant 48 : index
        %get3A_778 = tpu.vector_load %arg6[%get3A_775, %get3A_776, %get3A_777] {strides = array<i32>} : memref<4x200x64xf32, #tpu.memory_space<vmem>>, vector<1x1x16xf32>,
        %get3A_779 = vector.shape_cast %get3A_778 : vector<1x1x16xf32> to vector<16xf32>
        %add3A_780 = arith.addf %add3A_750, %get3A_779 : vector<16xf32>
        %scan3A_781 = arith.constant 10 : i32
        %scan3A_782 = arith.addi %scan3A_479, %scan3A_781 : i32
        %get3A_783 = arith.constant 1 : i32
        %get3A_784 = arith.index_cast %get3A_783 : i32 to index
        %get3A_785 = arith.index_cast %scan3A_782 : i32 to index
        %get3A_786 = arith.constant 0 : index
        %get3A_787 = tpu.vector_load %arg6[%get3A_784, %get3A_785, %get3A_786] {strides = array<i32>} : memref<4x200x64xf32, #tpu.memory_space<vmem>>, vector<1x1x16xf32>,
        %get3A_788 = vector.shape_cast %get3A_787 : vector<1x1x16xf32> to vector<16xf32>
        %add3A_789 = arith.addf %add3A_759, %get3A_788 : vector<16xf32>
        %get3A_790 = arith.constant 1 : i32
        %get3A_791 = arith.index_cast %get3A_790 : i32 to index
        %get3A_792 = arith.index_cast %scan3A_782 : i32 to index
        %get3A_793 = arith.constant 16 : index
        %get3A_794 = tpu.vector_load %arg6[%get3A_791, %get3A_792, %get3A_793] {strides = array<i32>} : memref<4x200x64xf32, #tpu.memory_space<vmem>>, vector<1x1x16xf32>,
        %get3A_795 = vector.shape_cast %get3A_794 : vector<1x1x16xf32> to vector<16xf32>
        %add3A_796 = arith.addf %add3A_766, %get3A_795 : vector<16xf32>
        %get3A_797 = arith.constant 1 : i32
        %get3A_798 = arith.index_cast %get3A_797 : i32 to index
        %get3A_799 = arith.index_cast %scan3A_782 : i32 to index
        %get3A_800 = arith.constant 32 : index
        %get3A_801 = tpu.vector_load %arg6[%get3A_798, %get3A_799, %get3A_800] {strides = array<i32>} : memref<4x200x64xf32, #tpu.memory_space<vmem>>, vector<1x1x16xf32>,
        %get3A_802 = vector.shape_cast %get3A_801 : vector<1x1x16xf32> to vector<16xf32>
        %add3A_803 = arith.addf %add3A_773, %get3A_802 : vector<16xf32>
        %get3A_804 = arith.constant 1 : i32
        %get3A_805 = arith.index_cast %get3A_804 : i32 to index
        %get3A_806 = arith.index_cast %scan3A_782 : i32 to index
        %get3A_807 = arith.constant 48 : index
        %get3A_808 = tpu.vector_load %arg6[%get3A_805, %get3A_806, %get3A_807] {strides = array<i32>} : memref<4x200x64xf32, #tpu.memory_space<vmem>>, vector<1x1x16xf32>,
        %get3A_809 = vector.shape_cast %get3A_808 : vector<1x1x16xf32> to vector<16xf32>
        %add3A_810 = arith.addf %add3A_780, %get3A_809 : vector<16xf32>
        %scan3A_811 = arith.constant 11 : i32
        %scan3A_812 = arith.addi %scan3A_479, %scan3A_811 : i32
        %get3A_813 = arith.constant 1 : i32
        %get3A_814 = arith.index_cast %get3A_813 : i32 to index
        %get3A_815 = arith.index_cast %scan3A_812 : i32 to index
        %get3A_816 = arith.constant 0 : index
        %get3A_817 = tpu.vector_load %arg6[%get3A_814, %get3A_815, %get3A_816] {strides = array<i32>} : memref<4x200x64xf32, #tpu.memory_space<vmem>>, vector<1x1x16xf32>,
        %get3A_818 = vector.shape_cast %get3A_817 : vector<1x1x16xf32> to vector<16xf32>
        %add3A_819 = arith.addf %add3A_789, %get3A_818 : vector<16xf32>
        %get3A_820 = arith.constant 1 : i32
        %get3A_821 = arith.index_cast %get3A_820 : i32 to index
        %get3A_822 = arith.index_cast %scan3A_812 : i32 to index
        %get3A_823 = arith.constant 16 : index
        %get3A_824 = tpu.vector_load %arg6[%get3A_821, %get3A_822, %get3A_823] {strides = array<i32>} : memref<4x200x64xf32, #tpu.memory_space<vmem>>, vector<1x1x16xf32>,
        %get3A_825 = vector.shape_cast %get3A_824 : vector<1x1x16xf32> to vector<16xf32>
        %add3A_826 = arith.addf %add3A_796, %get3A_825 : vector<16xf32>
        %get3A_827 = arith.constant 1 : i32
        %get3A_828 = arith.index_cast %get3A_827 : i32 to index
        %get3A_829 = arith.index_cast %scan3A_812 : i32 to index
        %get3A_830 = arith.constant 32 : index
        %get3A_831 = tpu.vector_load %arg6[%get3A_828, %get3A_829, %get3A_830] {strides = array<i32>} : memref<4x200x64xf32, #tpu.memory_space<vmem>>, vector<1x1x16xf32>,
        %get3A_832 = vector.shape_cast %get3A_831 : vector<1x1x16xf32> to vector<16xf32>
        %add3A_833 = arith.addf %add3A_803, %get3A_832 : vector<16xf32>
        %get3A_834 = arith.constant 1 : i32
        %get3A_835 = arith.index_cast %get3A_834 : i32 to index
        %get3A_836 = arith.index_cast %scan3A_812 : i32 to index
        %get3A_837 = arith.constant 48 : index
        %get3A_838 = tpu.vector_load %arg6[%get3A_835, %get3A_836, %get3A_837] {strides = array<i32>} : memref<4x200x64xf32, #tpu.memory_space<vmem>>, vector<1x1x16xf32>,
        %get3A_839 = vector.shape_cast %get3A_838 : vector<1x1x16xf32> to vector<16xf32>
        %add3A_840 = arith.addf %add3A_810, %get3A_839 : vector<16xf32>
        scf.yield %add3A_819, %add3A_826, %add3A_833, %add3A_840 : vector<16xf32>, vector<16xf32>, vector<16xf32>, vector<16xf32>
      }
      %scan3A_270 = arith.constant 96 : i32
      %swap3A_271 = arith.index_cast %add3A_200 : i32 to index
      %swap3A_272 = arith.constant 0 : index
      %swap3A_273 = tpu.vector_load %arg7[%swap3A_271, %swap3A_272] {strides = array<i32>} : memref<128x64xf32, #tpu.memory_space<vmem>>, vector<1x16xf32>,
      %swap3A_274 = vector.shape_cast %swap3A_273 : vector<1x16xf32> to vector<16xf32>
      %swap3A_275 = vector.shape_cast %scan3A_269#0 : vector<16xf32> to vector<1x16xf32>
      tpu.vector_store %arg7[%swap3A_271, %swap3A_272], %swap3A_275 {strides = array<i32>} : memref<128x64xf32, #tpu.memory_space<vmem>>, vector<1x16xf32>,
      %swap3A_276 = arith.index_cast %add3A_200 : i32 to index
      %swap3A_277 = arith.constant 16 : index
      %swap3A_278 = tpu.vector_load %arg7[%swap3A_276, %swap3A_277] {strides = array<i32>} : memref<128x64xf32, #tpu.memory_space<vmem>>, vector<1x16xf32>,
      %swap3A_279 = vector.shape_cast %swap3A_278 : vector<1x16xf32> to vector<16xf32>
      %swap3A_280 = vector.shape_cast %scan3A_269#1 : vector<16xf32> to vector<1x16xf32>
      tpu.vector_store %arg7[%swap3A_276, %swap3A_277], %swap3A_280 {strides = array<i32>} : memref<128x64xf32, #tpu.memory_space<vmem>>, vector<1x16xf32>,
      %swap3A_281 = arith.index_cast %add3A_200 : i32 to index
      %swap3A_282 = arith.constant 32 : index
      %swap3A_283 = tpu.vector_load %arg7[%swap3A_281, %swap3A_282] {strides = array<i32>} : memref<128x64xf32, #tpu.memory_space<vmem>>, vector<1x16xf32>,
      %swap3A_284 = vector.shape_cast %swap3A_283 : vector<1x16xf32> to vector<16xf32>
      %swap3A_285 = vector.shape_cast %scan3A_269#2 : vector<16xf32> to vector<1x16xf32>
      tpu.vector_store %arg7[%swap3A_281, %swap3A_282], %swap3A_285 {strides = array<i32>} : memref<128x64xf32, #tpu.memory_space<vmem>>, vector<1x16xf32>,
      %swap3A_286 = arith.index_cast %add3A_200 : i32 to index
      %swap3A_287 = arith.constant 48 : index
      %swap3A_288 = tpu.vector_load %arg7[%swap3A_286, %swap3A_287] {strides = array<i32>} : memref<128x64xf32, #tpu.memory_space<vmem>>, vector<1x16xf32>,
      %swap3A_289 = vector.shape_cast %swap3A_288 : vector<1x16xf32> to vector<16xf32>
      %swap3A_290 = vector.shape_cast %scan3A_269#3 : vector<16xf32> to vector<1x16xf32>
      tpu.vector_store %arg7[%swap3A_286, %swap3A_287], %swap3A_290 {strides = array<i32>} : memref<128x64xf32, #tpu.memory_space<vmem>>, vector<1x16xf32>,
      %mul3A_291 = arith.constant 4 : i32
      %mul3A_292 = arith.muli %mul3A_291, %scan3A_109 : i32
      %add3A_293 = arith.constant 2 : i32
      %add3A_294 = arith.addi %mul3A_292, %add3A_293 : i32
      %broadcast_in_dim3A_295 = arith.constant 0.000000e+00 : f32
      %broadcast_in_dim3A_296 = vector.broadcast %broadcast_in_dim3A_295 : f32 to vector<16xf32>
      %broadcast_in_dim3A_297 = arith.constant 0.000000e+00 : f32
      %broadcast_in_dim3A_298 = vector.broadcast %broadcast_in_dim3A_297 : f32 to vector<16xf32>
      %broadcast_in_dim3A_299 = arith.constant 0.000000e+00 : f32
      %broadcast_in_dim3A_300 = vector.broadcast %broadcast_in_dim3A_299 : f32 to vector<16xf32>
      %broadcast_in_dim3A_301 = arith.constant 0.000000e+00 : f32
      %broadcast_in_dim3A_302 = vector.broadcast %broadcast_in_dim3A_301 : f32 to vector<16xf32>
      %dma_wait3A_303 = arith.constant 0 : i32
      %dma_wait3A_304 = arith.constant 2 : i32
      %dma_wait3A_305 = arith.constant 2 : i32
      %dma_wait3A_306 = arith.constant 0 : i32
      %dma_wait3A_307 = arith.constant 0 : i32
      %dma_wait3A_308 = arith.constant 0 : i32
      %dma_wait3A_309 = tpu.memref_slice %arg6[%dma_wait3A_304, %dma_wait3A_307, %dma_wait3A_308] : memref<4x200x64xf32, #tpu.memory_space<vmem>> -> memref<1x104x64xf32, #tpu.memory_space<vmem>>
      %dma_wait3A_310 = tpu.memref_squeeze %dma_wait3A_309 : memref<1x104x64xf32, #tpu.memory_space<vmem>> -> memref<104x64xf32, #tpu.memory_space<vmem>>
      %dma_wait3A_311 = arith.constant 0 : i32
      %dma_wait3A_312 = tpu.memref_slice %arg5[%dma_wait3A_303, %dma_wait3A_311] : memref<128x200xi32, #tpu.memory_space<vmem>> -> memref<1x104xi32, #tpu.memory_space<vmem>>
      %dma_wait3A_313 = tpu.memref_squeeze %dma_wait3A_312 : memref<1x104xi32, #tpu.memory_space<vmem>> -> memref<104xi32, #tpu.memory_space<vmem>>
      %dma_wait3A_314 = arith.constant 0 : i32
      %dma_wait3A_315 = arith.constant 0 : i32
      %dma_wait3A_316 = tpu.memref_slice %arg3[%dma_wait3A_314, %dma_wait3A_315] : memref<100000x64xf32, #tpu.memory_space<hbm>> -> memref<100000x64xf32, #tpu.memory_space<hbm>>
      %dma_wait3A_317 = tpu.memref_slice %arg8[%dma_wait3A_305, %dma_wait3A_306] : memref<4x2x!tpu.dma_semaphore, #tpu.memory_space<semaphore_mem>> -> memref<1x1x!tpu.dma_semaphore, #tpu.memory_space<semaphore_mem>>
      %dma_wait3A_318 = tpu.memref_squeeze %dma_wait3A_317 : memref<1x1x!tpu.dma_semaphore, #tpu.memory_space<semaphore_mem>> -> memref<!tpu.dma_semaphore, #tpu.memory_space<semaphore_mem>>
      tpu.wait_indirect_dma semaphore(%dma_wait3A_318 : memref<!tpu.dma_semaphore, #tpu.memory_space<semaphore_mem>>) src(%dma_wait3A_316 : memref<100000x64xf32, #tpu.memory_space<hbm>>) dst(%dma_wait3A_310 : memref<104x64xf32, #tpu.memory_space<vmem>>)
      %add3A_319 = arith.constant 4 : i32
      %add3A_320 = arith.addi %add3A_294, %add3A_319 : i32
      %sub3A_321 = arith.constant 1 : i32
      %sub3A_322 = arith.subi %add3A_320, %sub3A_321 : i32
      %lt3A_323 = arith.constant 128 : i32
      %lt3A_324 = arith.cmpi slt, %sub3A_322, %lt3A_323 : i32
      %convert_element_type3A_325 = arith.extui %lt3A_324 : i1 to i32
      %cond3A_326 = arith.constant 0 : i32
      %cond3A_327 = arith.cmpi ne, %convert_element_type3A_325, %cond3A_326 : i32
      scf.if %cond3A_327 {
        %add3A_479 = arith.constant 4 : i32
        %add3A_480 = arith.addi %add3A_294, %add3A_479 : i32
        %sub3A_481 = arith.constant 1 : i32
        %sub3A_482 = arith.subi %add3A_480, %sub3A_481 : i32
        %dma_start3A_483 = arith.constant 1 : i32
        %dma_start3A_484 = arith.constant 1 : i32
        %dma_start3A_485 = arith.constant 0 : i32
        %dma_start3A_486 = arith.constant 0 : i32
        %dma_start3A_487 = arith.constant 0 : i32
        %dma_start3A_488 = tpu.memref_slice %arg6[%dma_start3A_483, %dma_start3A_486, %dma_start3A_487] : memref<4x200x64xf32, #tpu.memory_space<vmem>> -> memref<1x104x64xf32, #tpu.memory_space<vmem>>
        %dma_start3A_489 = tpu.memref_squeeze %dma_start3A_488 : memref<1x104x64xf32, #tpu.memory_space<vmem>> -> memref<104x64xf32, #tpu.memory_space<vmem>>
        %dma_start3A_490 = arith.constant 0 : i32
        %dma_start3A_491 = tpu.memref_slice %arg5[%sub3A_482, %dma_start3A_490] : memref<128x200xi32, #tpu.memory_space<vmem>> -> memref<1x104xi32, #tpu.memory_space<vmem>>
        %dma_start3A_492 = tpu.memref_squeeze %dma_start3A_491 : memref<1x104xi32, #tpu.memory_space<vmem>> -> memref<104xi32, #tpu.memory_space<vmem>>
        %dma_start3A_493 = arith.constant 0 : i32
        %dma_start3A_494 = arith.constant 0 : i32
        %dma_start3A_495 = tpu.memref_slice %arg3[%dma_start3A_493, %dma_start3A_494] : memref<100000x64xf32, #tpu.memory_space<hbm>> -> memref<100000x64xf32, #tpu.memory_space<hbm>>
        %dma_start3A_496 = tpu.memref_slice %arg8[%dma_start3A_484, %dma_start3A_485] : memref<4x2x!tpu.dma_semaphore, #tpu.memory_space<semaphore_mem>> -> memref<1x1x!tpu.dma_semaphore, #tpu.memory_space<semaphore_mem>>
        %dma_start3A_497 = tpu.memref_squeeze %dma_start3A_496 : memref<1x1x!tpu.dma_semaphore, #tpu.memory_space<semaphore_mem>> -> memref<!tpu.dma_semaphore, #tpu.memory_space<semaphore_mem>>
        tpu.enqueue_indirect_dma source(%dma_start3A_495 : memref<100000x64xf32, #tpu.memory_space<hbm>>) target(%dma_start3A_489 : memref<104x64xf32, #tpu.memory_space<vmem>>) offsets(%dma_start3A_492 : memref<104xi32, #tpu.memory_space<vmem>>) semaphore(%dma_start3A_497 : memref<!tpu.dma_semaphore, #tpu.memory_space<semaphore_mem>>)
      } else {
      }
      %scan3A_328 = arith.constant 0 : i32
      %scan3A_329 = arith.constant 104 : i32
      %scan3A_330 = arith.addi %scan3A_328, %scan3A_329 : i32
      %scan3A_331 = arith.constant 13 : i32
      %scan3A_332:4 = scf.for %scan3A_479 = %scan3A_328 to %scan3A_330 step %scan3A_331 iter_args(%scan3A_480 = %broadcast_in_dim3A_296, %scan3A_481 = %broadcast_in_dim3A_298, %scan3A_482 = %broadcast_in_dim3A_300, %scan3A_483 = %broadcast_in_dim3A_302) -> (vector<16xf32>, vector<16xf32>, vector<16xf32>, vector<16xf32>)  : i32 {
        %get3A = arith.constant 2 : i32
        %get3A_484 = arith.index_cast %get3A : i32 to index
        %get3A_485 = arith.index_cast %scan3A_479 : i32 to index
        %get3A_486 = arith.constant 0 : index
        %get3A_487 = tpu.vector_load %arg6[%get3A_484, %get3A_485, %get3A_486] {strides = array<i32>} : memref<4x200x64xf32, #tpu.memory_space<vmem>>, vector<1x1x16xf32>,
        %get3A_488 = vector.shape_cast %get3A_487 : vector<1x1x16xf32> to vector<16xf32>
        %add3A_489 = arith.addf %scan3A_480, %get3A_488 : vector<16xf32>
        %get3A_490 = arith.constant 2 : i32
        %get3A_491 = arith.index_cast %get3A_490 : i32 to index
        %get3A_492 = arith.index_cast %scan3A_479 : i32 to index
        %get3A_493 = arith.constant 16 : index
        %get3A_494 = tpu.vector_load %arg6[%get3A_491, %get3A_492, %get3A_493] {strides = array<i32>} : memref<4x200x64xf32, #tpu.memory_space<vmem>>, vector<1x1x16xf32>,
        %get3A_495 = vector.shape_cast %get3A_494 : vector<1x1x16xf32> to vector<16xf32>
        %add3A_496 = arith.addf %scan3A_481, %get3A_495 : vector<16xf32>
        %get3A_497 = arith.constant 2 : i32
        %get3A_498 = arith.index_cast %get3A_497 : i32 to index
        %get3A_499 = arith.index_cast %scan3A_479 : i32 to index
        %get3A_500 = arith.constant 32 : index
        %get3A_501 = tpu.vector_load %arg6[%get3A_498, %get3A_499, %get3A_500] {strides = array<i32>} : memref<4x200x64xf32, #tpu.memory_space<vmem>>, vector<1x1x16xf32>,
        %get3A_502 = vector.shape_cast %get3A_501 : vector<1x1x16xf32> to vector<16xf32>
        %add3A_503 = arith.addf %scan3A_482, %get3A_502 : vector<16xf32>
        %get3A_504 = arith.constant 2 : i32
        %get3A_505 = arith.index_cast %get3A_504 : i32 to index
        %get3A_506 = arith.index_cast %scan3A_479 : i32 to index
        %get3A_507 = arith.constant 48 : index
        %get3A_508 = tpu.vector_load %arg6[%get3A_505, %get3A_506, %get3A_507] {strides = array<i32>} : memref<4x200x64xf32, #tpu.memory_space<vmem>>, vector<1x1x16xf32>,
        %get3A_509 = vector.shape_cast %get3A_508 : vector<1x1x16xf32> to vector<16xf32>
        %add3A_510 = arith.addf %scan3A_483, %get3A_509 : vector<16xf32>
        %scan3A_511 = arith.constant 1 : i32
        %scan3A_512 = arith.addi %scan3A_479, %scan3A_511 : i32
        %get3A_513 = arith.constant 2 : i32
        %get3A_514 = arith.index_cast %get3A_513 : i32 to index
        %get3A_515 = arith.index_cast %scan3A_512 : i32 to index
        %get3A_516 = arith.constant 0 : index
        %get3A_517 = tpu.vector_load %arg6[%get3A_514, %get3A_515, %get3A_516] {strides = array<i32>} : memref<4x200x64xf32, #tpu.memory_space<vmem>>, vector<1x1x16xf32>,
        %get3A_518 = vector.shape_cast %get3A_517 : vector<1x1x16xf32> to vector<16xf32>
        %add3A_519 = arith.addf %add3A_489, %get3A_518 : vector<16xf32>
        %get3A_520 = arith.constant 2 : i32
        %get3A_521 = arith.index_cast %get3A_520 : i32 to index
        %get3A_522 = arith.index_cast %scan3A_512 : i32 to index
        %get3A_523 = arith.constant 16 : index
        %get3A_524 = tpu.vector_load %arg6[%get3A_521, %get3A_522, %get3A_523] {strides = array<i32>} : memref<4x200x64xf32, #tpu.memory_space<vmem>>, vector<1x1x16xf32>,
        %get3A_525 = vector.shape_cast %get3A_524 : vector<1x1x16xf32> to vector<16xf32>
        %add3A_526 = arith.addf %add3A_496, %get3A_525 : vector<16xf32>
        %get3A_527 = arith.constant 2 : i32
        %get3A_528 = arith.index_cast %get3A_527 : i32 to index
        %get3A_529 = arith.index_cast %scan3A_512 : i32 to index
        %get3A_530 = arith.constant 32 : index
        %get3A_531 = tpu.vector_load %arg6[%get3A_528, %get3A_529, %get3A_530] {strides = array<i32>} : memref<4x200x64xf32, #tpu.memory_space<vmem>>, vector<1x1x16xf32>,
        %get3A_532 = vector.shape_cast %get3A_531 : vector<1x1x16xf32> to vector<16xf32>
        %add3A_533 = arith.addf %add3A_503, %get3A_532 : vector<16xf32>
        %get3A_534 = arith.constant 2 : i32
        %get3A_535 = arith.index_cast %get3A_534 : i32 to index
        %get3A_536 = arith.index_cast %scan3A_512 : i32 to index
        %get3A_537 = arith.constant 48 : index
        %get3A_538 = tpu.vector_load %arg6[%get3A_535, %get3A_536, %get3A_537] {strides = array<i32>} : memref<4x200x64xf32, #tpu.memory_space<vmem>>, vector<1x1x16xf32>,
        %get3A_539 = vector.shape_cast %get3A_538 : vector<1x1x16xf32> to vector<16xf32>
        %add3A_540 = arith.addf %add3A_510, %get3A_539 : vector<16xf32>
        %scan3A_541 = arith.constant 2 : i32
        %scan3A_542 = arith.addi %scan3A_479, %scan3A_541 : i32
        %get3A_543 = arith.constant 2 : i32
        %get3A_544 = arith.index_cast %get3A_543 : i32 to index
        %get3A_545 = arith.index_cast %scan3A_542 : i32 to index
        %get3A_546 = arith.constant 0 : index
        %get3A_547 = tpu.vector_load %arg6[%get3A_544, %get3A_545, %get3A_546] {strides = array<i32>} : memref<4x200x64xf32, #tpu.memory_space<vmem>>, vector<1x1x16xf32>,
        %get3A_548 = vector.shape_cast %get3A_547 : vector<1x1x16xf32> to vector<16xf32>
        %add3A_549 = arith.addf %add3A_519, %get3A_548 : vector<16xf32>
        %get3A_550 = arith.constant 2 : i32
        %get3A_551 = arith.index_cast %get3A_550 : i32 to index
        %get3A_552 = arith.index_cast %scan3A_542 : i32 to index
        %get3A_553 = arith.constant 16 : index
        %get3A_554 = tpu.vector_load %arg6[%get3A_551, %get3A_552, %get3A_553] {strides = array<i32>} : memref<4x200x64xf32, #tpu.memory_space<vmem>>, vector<1x1x16xf32>,
        %get3A_555 = vector.shape_cast %get3A_554 : vector<1x1x16xf32> to vector<16xf32>
        %add3A_556 = arith.addf %add3A_526, %get3A_555 : vector<16xf32>
        %get3A_557 = arith.constant 2 : i32
        %get3A_558 = arith.index_cast %get3A_557 : i32 to index
        %get3A_559 = arith.index_cast %scan3A_542 : i32 to index
        %get3A_560 = arith.constant 32 : index
        %get3A_561 = tpu.vector_load %arg6[%get3A_558, %get3A_559, %get3A_560] {strides = array<i32>} : memref<4x200x64xf32, #tpu.memory_space<vmem>>, vector<1x1x16xf32>,
        %get3A_562 = vector.shape_cast %get3A_561 : vector<1x1x16xf32> to vector<16xf32>
        %add3A_563 = arith.addf %add3A_533, %get3A_562 : vector<16xf32>
        %get3A_564 = arith.constant 2 : i32
        %get3A_565 = arith.index_cast %get3A_564 : i32 to index
        %get3A_566 = arith.index_cast %scan3A_542 : i32 to index
        %get3A_567 = arith.constant 48 : index
        %get3A_568 = tpu.vector_load %arg6[%get3A_565, %get3A_566, %get3A_567] {strides = array<i32>} : memref<4x200x64xf32, #tpu.memory_space<vmem>>, vector<1x1x16xf32>,
        %get3A_569 = vector.shape_cast %get3A_568 : vector<1x1x16xf32> to vector<16xf32>
        %add3A_570 = arith.addf %add3A_540, %get3A_569 : vector<16xf32>
        %scan3A_571 = arith.constant 3 : i32
        %scan3A_572 = arith.addi %scan3A_479, %scan3A_571 : i32
        %get3A_573 = arith.constant 2 : i32
        %get3A_574 = arith.index_cast %get3A_573 : i32 to index
        %get3A_575 = arith.index_cast %scan3A_572 : i32 to index
        %get3A_576 = arith.constant 0 : index
        %get3A_577 = tpu.vector_load %arg6[%get3A_574, %get3A_575, %get3A_576] {strides = array<i32>} : memref<4x200x64xf32, #tpu.memory_space<vmem>>, vector<1x1x16xf32>,
        %get3A_578 = vector.shape_cast %get3A_577 : vector<1x1x16xf32> to vector<16xf32>
        %add3A_579 = arith.addf %add3A_549, %get3A_578 : vector<16xf32>
        %get3A_580 = arith.constant 2 : i32
        %get3A_581 = arith.index_cast %get3A_580 : i32 to index
        %get3A_582 = arith.index_cast %scan3A_572 : i32 to index
        %get3A_583 = arith.constant 16 : index
        %get3A_584 = tpu.vector_load %arg6[%get3A_581, %get3A_582, %get3A_583] {strides = array<i32>} : memref<4x200x64xf32, #tpu.memory_space<vmem>>, vector<1x1x16xf32>,
        %get3A_585 = vector.shape_cast %get3A_584 : vector<1x1x16xf32> to vector<16xf32>
        %add3A_586 = arith.addf %add3A_556, %get3A_585 : vector<16xf32>
        %get3A_587 = arith.constant 2 : i32
        %get3A_588 = arith.index_cast %get3A_587 : i32 to index
        %get3A_589 = arith.index_cast %scan3A_572 : i32 to index
        %get3A_590 = arith.constant 32 : index
        %get3A_591 = tpu.vector_load %arg6[%get3A_588, %get3A_589, %get3A_590] {strides = array<i32>} : memref<4x200x64xf32, #tpu.memory_space<vmem>>, vector<1x1x16xf32>,
        %get3A_592 = vector.shape_cast %get3A_591 : vector<1x1x16xf32> to vector<16xf32>
        %add3A_593 = arith.addf %add3A_563, %get3A_592 : vector<16xf32>
        %get3A_594 = arith.constant 2 : i32
        %get3A_595 = arith.index_cast %get3A_594 : i32 to index
        %get3A_596 = arith.index_cast %scan3A_572 : i32 to index
        %get3A_597 = arith.constant 48 : index
        %get3A_598 = tpu.vector_load %arg6[%get3A_595, %get3A_596, %get3A_597] {strides = array<i32>} : memref<4x200x64xf32, #tpu.memory_space<vmem>>, vector<1x1x16xf32>,
        %get3A_599 = vector.shape_cast %get3A_598 : vector<1x1x16xf32> to vector<16xf32>
        %add3A_600 = arith.addf %add3A_570, %get3A_599 : vector<16xf32>
        %scan3A_601 = arith.constant 4 : i32
        %scan3A_602 = arith.addi %scan3A_479, %scan3A_601 : i32
        %get3A_603 = arith.constant 2 : i32
        %get3A_604 = arith.index_cast %get3A_603 : i32 to index
        %get3A_605 = arith.index_cast %scan3A_602 : i32 to index
        %get3A_606 = arith.constant 0 : index
        %get3A_607 = tpu.vector_load %arg6[%get3A_604, %get3A_605, %get3A_606] {strides = array<i32>} : memref<4x200x64xf32, #tpu.memory_space<vmem>>, vector<1x1x16xf32>,
        %get3A_608 = vector.shape_cast %get3A_607 : vector<1x1x16xf32> to vector<16xf32>
        %add3A_609 = arith.addf %add3A_579, %get3A_608 : vector<16xf32>
        %get3A_610 = arith.constant 2 : i32
        %get3A_611 = arith.index_cast %get3A_610 : i32 to index
        %get3A_612 = arith.index_cast %scan3A_602 : i32 to index
        %get3A_613 = arith.constant 16 : index
        %get3A_614 = tpu.vector_load %arg6[%get3A_611, %get3A_612, %get3A_613] {strides = array<i32>} : memref<4x200x64xf32, #tpu.memory_space<vmem>>, vector<1x1x16xf32>,
        %get3A_615 = vector.shape_cast %get3A_614 : vector<1x1x16xf32> to vector<16xf32>
        %add3A_616 = arith.addf %add3A_586, %get3A_615 : vector<16xf32>
        %get3A_617 = arith.constant 2 : i32
        %get3A_618 = arith.index_cast %get3A_617 : i32 to index
        %get3A_619 = arith.index_cast %scan3A_602 : i32 to index
        %get3A_620 = arith.constant 32 : index
        %get3A_621 = tpu.vector_load %arg6[%get3A_618, %get3A_619, %get3A_620] {strides = array<i32>} : memref<4x200x64xf32, #tpu.memory_space<vmem>>, vector<1x1x16xf32>,
        %get3A_622 = vector.shape_cast %get3A_621 : vector<1x1x16xf32> to vector<16xf32>
        %add3A_623 = arith.addf %add3A_593, %get3A_622 : vector<16xf32>
        %get3A_624 = arith.constant 2 : i32
        %get3A_625 = arith.index_cast %get3A_624 : i32 to index
        %get3A_626 = arith.index_cast %scan3A_602 : i32 to index
        %get3A_627 = arith.constant 48 : index
        %get3A_628 = tpu.vector_load %arg6[%get3A_625, %get3A_626, %get3A_627] {strides = array<i32>} : memref<4x200x64xf32, #tpu.memory_space<vmem>>, vector<1x1x16xf32>,
        %get3A_629 = vector.shape_cast %get3A_628 : vector<1x1x16xf32> to vector<16xf32>
        %add3A_630 = arith.addf %add3A_600, %get3A_629 : vector<16xf32>
        %scan3A_631 = arith.constant 5 : i32
        %scan3A_632 = arith.addi %scan3A_479, %scan3A_631 : i32
        %get3A_633 = arith.constant 2 : i32
        %get3A_634 = arith.index_cast %get3A_633 : i32 to index
        %get3A_635 = arith.index_cast %scan3A_632 : i32 to index
        %get3A_636 = arith.constant 0 : index
        %get3A_637 = tpu.vector_load %arg6[%get3A_634, %get3A_635, %get3A_636] {strides = array<i32>} : memref<4x200x64xf32, #tpu.memory_space<vmem>>, vector<1x1x16xf32>,
        %get3A_638 = vector.shape_cast %get3A_637 : vector<1x1x16xf32> to vector<16xf32>
        %add3A_639 = arith.addf %add3A_609, %get3A_638 : vector<16xf32>
        %get3A_640 = arith.constant 2 : i32
        %get3A_641 = arith.index_cast %get3A_640 : i32 to index
        %get3A_642 = arith.index_cast %scan3A_632 : i32 to index
        %get3A_643 = arith.constant 16 : index
        %get3A_644 = tpu.vector_load %arg6[%get3A_641, %get3A_642, %get3A_643] {strides = array<i32>} : memref<4x200x64xf32, #tpu.memory_space<vmem>>, vector<1x1x16xf32>,
        %get3A_645 = vector.shape_cast %get3A_644 : vector<1x1x16xf32> to vector<16xf32>
        %add3A_646 = arith.addf %add3A_616, %get3A_645 : vector<16xf32>
        %get3A_647 = arith.constant 2 : i32
        %get3A_648 = arith.index_cast %get3A_647 : i32 to index
        %get3A_649 = arith.index_cast %scan3A_632 : i32 to index
        %get3A_650 = arith.constant 32 : index
        %get3A_651 = tpu.vector_load %arg6[%get3A_648, %get3A_649, %get3A_650] {strides = array<i32>} : memref<4x200x64xf32, #tpu.memory_space<vmem>>, vector<1x1x16xf32>,
        %get3A_652 = vector.shape_cast %get3A_651 : vector<1x1x16xf32> to vector<16xf32>
        %add3A_653 = arith.addf %add3A_623, %get3A_652 : vector<16xf32>
        %get3A_654 = arith.constant 2 : i32
        %get3A_655 = arith.index_cast %get3A_654 : i32 to index
        %get3A_656 = arith.index_cast %scan3A_632 : i32 to index
        %get3A_657 = arith.constant 48 : index
        %get3A_658 = tpu.vector_load %arg6[%get3A_655, %get3A_656, %get3A_657] {strides = array<i32>} : memref<4x200x64xf32, #tpu.memory_space<vmem>>, vector<1x1x16xf32>,
        %get3A_659 = vector.shape_cast %get3A_658 : vector<1x1x16xf32> to vector<16xf32>
        %add3A_660 = arith.addf %add3A_630, %get3A_659 : vector<16xf32>
        %scan3A_661 = arith.constant 6 : i32
        %scan3A_662 = arith.addi %scan3A_479, %scan3A_661 : i32
        %get3A_663 = arith.constant 2 : i32
        %get3A_664 = arith.index_cast %get3A_663 : i32 to index
        %get3A_665 = arith.index_cast %scan3A_662 : i32 to index
        %get3A_666 = arith.constant 0 : index
        %get3A_667 = tpu.vector_load %arg6[%get3A_664, %get3A_665, %get3A_666] {strides = array<i32>} : memref<4x200x64xf32, #tpu.memory_space<vmem>>, vector<1x1x16xf32>,
        %get3A_668 = vector.shape_cast %get3A_667 : vector<1x1x16xf32> to vector<16xf32>
        %add3A_669 = arith.addf %add3A_639, %get3A_668 : vector<16xf32>
        %get3A_670 = arith.constant 2 : i32
        %get3A_671 = arith.index_cast %get3A_670 : i32 to index
        %get3A_672 = arith.index_cast %scan3A_662 : i32 to index
        %get3A_673 = arith.constant 16 : index
        %get3A_674 = tpu.vector_load %arg6[%get3A_671, %get3A_672, %get3A_673] {strides = array<i32>} : memref<4x200x64xf32, #tpu.memory_space<vmem>>, vector<1x1x16xf32>,
        %get3A_675 = vector.shape_cast %get3A_674 : vector<1x1x16xf32> to vector<16xf32>
        %add3A_676 = arith.addf %add3A_646, %get3A_675 : vector<16xf32>
        %get3A_677 = arith.constant 2 : i32
        %get3A_678 = arith.index_cast %get3A_677 : i32 to index
        %get3A_679 = arith.index_cast %scan3A_662 : i32 to index
        %get3A_680 = arith.constant 32 : index
        %get3A_681 = tpu.vector_load %arg6[%get3A_678, %get3A_679, %get3A_680] {strides = array<i32>} : memref<4x200x64xf32, #tpu.memory_space<vmem>>, vector<1x1x16xf32>,
        %get3A_682 = vector.shape_cast %get3A_681 : vector<1x1x16xf32> to vector<16xf32>
        %add3A_683 = arith.addf %add3A_653, %get3A_682 : vector<16xf32>
        %get3A_684 = arith.constant 2 : i32
        %get3A_685 = arith.index_cast %get3A_684 : i32 to index
        %get3A_686 = arith.index_cast %scan3A_662 : i32 to index
        %get3A_687 = arith.constant 48 : index
        %get3A_688 = tpu.vector_load %arg6[%get3A_685, %get3A_686, %get3A_687] {strides = array<i32>} : memref<4x200x64xf32, #tpu.memory_space<vmem>>, vector<1x1x16xf32>,
        %get3A_689 = vector.shape_cast %get3A_688 : vector<1x1x16xf32> to vector<16xf32>
        %add3A_690 = arith.addf %add3A_660, %get3A_689 : vector<16xf32>
        %scan3A_691 = arith.constant 7 : i32
        %scan3A_692 = arith.addi %scan3A_479, %scan3A_691 : i32
        %get3A_693 = arith.constant 2 : i32
        %get3A_694 = arith.index_cast %get3A_693 : i32 to index
        %get3A_695 = arith.index_cast %scan3A_692 : i32 to index
        %get3A_696 = arith.constant 0 : index
        %get3A_697 = tpu.vector_load %arg6[%get3A_694, %get3A_695, %get3A_696] {strides = array<i32>} : memref<4x200x64xf32, #tpu.memory_space<vmem>>, vector<1x1x16xf32>,
        %get3A_698 = vector.shape_cast %get3A_697 : vector<1x1x16xf32> to vector<16xf32>
        %add3A_699 = arith.addf %add3A_669, %get3A_698 : vector<16xf32>
        %get3A_700 = arith.constant 2 : i32
        %get3A_701 = arith.index_cast %get3A_700 : i32 to index
        %get3A_702 = arith.index_cast %scan3A_692 : i32 to index
        %get3A_703 = arith.constant 16 : index
        %get3A_704 = tpu.vector_load %arg6[%get3A_701, %get3A_702, %get3A_703] {strides = array<i32>} : memref<4x200x64xf32, #tpu.memory_space<vmem>>, vector<1x1x16xf32>,
        %get3A_705 = vector.shape_cast %get3A_704 : vector<1x1x16xf32> to vector<16xf32>
        %add3A_706 = arith.addf %add3A_676, %get3A_705 : vector<16xf32>
        %get3A_707 = arith.constant 2 : i32
        %get3A_708 = arith.index_cast %get3A_707 : i32 to index
        %get3A_709 = arith.index_cast %scan3A_692 : i32 to index
        %get3A_710 = arith.constant 32 : index
        %get3A_711 = tpu.vector_load %arg6[%get3A_708, %get3A_709, %get3A_710] {strides = array<i32>} : memref<4x200x64xf32, #tpu.memory_space<vmem>>, vector<1x1x16xf32>,
        %get3A_712 = vector.shape_cast %get3A_711 : vector<1x1x16xf32> to vector<16xf32>
        %add3A_713 = arith.addf %add3A_683, %get3A_712 : vector<16xf32>
        %get3A_714 = arith.constant 2 : i32
        %get3A_715 = arith.index_cast %get3A_714 : i32 to index
        %get3A_716 = arith.index_cast %scan3A_692 : i32 to index
        %get3A_717 = arith.constant 48 : index
        %get3A_718 = tpu.vector_load %arg6[%get3A_715, %get3A_716, %get3A_717] {strides = array<i32>} : memref<4x200x64xf32, #tpu.memory_space<vmem>>, vector<1x1x16xf32>,
        %get3A_719 = vector.shape_cast %get3A_718 : vector<1x1x16xf32> to vector<16xf32>
        %add3A_720 = arith.addf %add3A_690, %get3A_719 : vector<16xf32>
        %scan3A_721 = arith.constant 8 : i32
        %scan3A_722 = arith.addi %scan3A_479, %scan3A_721 : i32
        %get3A_723 = arith.constant 2 : i32
        %get3A_724 = arith.index_cast %get3A_723 : i32 to index
        %get3A_725 = arith.index_cast %scan3A_722 : i32 to index
        %get3A_726 = arith.constant 0 : index
        %get3A_727 = tpu.vector_load %arg6[%get3A_724, %get3A_725, %get3A_726] {strides = array<i32>} : memref<4x200x64xf32, #tpu.memory_space<vmem>>, vector<1x1x16xf32>,
        %get3A_728 = vector.shape_cast %get3A_727 : vector<1x1x16xf32> to vector<16xf32>
        %add3A_729 = arith.addf %add3A_699, %get3A_728 : vector<16xf32>
        %get3A_730 = arith.constant 2 : i32
        %get3A_731 = arith.index_cast %get3A_730 : i32 to index
        %get3A_732 = arith.index_cast %scan3A_722 : i32 to index
        %get3A_733 = arith.constant 16 : index
        %get3A_734 = tpu.vector_load %arg6[%get3A_731, %get3A_732, %get3A_733] {strides = array<i32>} : memref<4x200x64xf32, #tpu.memory_space<vmem>>, vector<1x1x16xf32>,
        %get3A_735 = vector.shape_cast %get3A_734 : vector<1x1x16xf32> to vector<16xf32>
        %add3A_736 = arith.addf %add3A_706, %get3A_735 : vector<16xf32>
        %get3A_737 = arith.constant 2 : i32
        %get3A_738 = arith.index_cast %get3A_737 : i32 to index
        %get3A_739 = arith.index_cast %scan3A_722 : i32 to index
        %get3A_740 = arith.constant 32 : index
        %get3A_741 = tpu.vector_load %arg6[%get3A_738, %get3A_739, %get3A_740] {strides = array<i32>} : memref<4x200x64xf32, #tpu.memory_space<vmem>>, vector<1x1x16xf32>,
        %get3A_742 = vector.shape_cast %get3A_741 : vector<1x1x16xf32> to vector<16xf32>
        %add3A_743 = arith.addf %add3A_713, %get3A_742 : vector<16xf32>
        %get3A_744 = arith.constant 2 : i32
        %get3A_745 = arith.index_cast %get3A_744 : i32 to index
        %get3A_746 = arith.index_cast %scan3A_722 : i32 to index
        %get3A_747 = arith.constant 48 : index
        %get3A_748 = tpu.vector_load %arg6[%get3A_745, %get3A_746, %get3A_747] {strides = array<i32>} : memref<4x200x64xf32, #tpu.memory_space<vmem>>, vector<1x1x16xf32>,
        %get3A_749 = vector.shape_cast %get3A_748 : vector<1x1x16xf32> to vector<16xf32>
        %add3A_750 = arith.addf %add3A_720, %get3A_749 : vector<16xf32>
        %scan3A_751 = arith.constant 9 : i32
        %scan3A_752 = arith.addi %scan3A_479, %scan3A_751 : i32
        %get3A_753 = arith.constant 2 : i32
        %get3A_754 = arith.index_cast %get3A_753 : i32 to index
        %get3A_755 = arith.index_cast %scan3A_752 : i32 to index
        %get3A_756 = arith.constant 0 : index
        %get3A_757 = tpu.vector_load %arg6[%get3A_754, %get3A_755, %get3A_756] {strides = array<i32>} : memref<4x200x64xf32, #tpu.memory_space<vmem>>, vector<1x1x16xf32>,
        %get3A_758 = vector.shape_cast %get3A_757 : vector<1x1x16xf32> to vector<16xf32>
        %add3A_759 = arith.addf %add3A_729, %get3A_758 : vector<16xf32>
        %get3A_760 = arith.constant 2 : i32
        %get3A_761 = arith.index_cast %get3A_760 : i32 to index
        %get3A_762 = arith.index_cast %scan3A_752 : i32 to index
        %get3A_763 = arith.constant 16 : index
        %get3A_764 = tpu.vector_load %arg6[%get3A_761, %get3A_762, %get3A_763] {strides = array<i32>} : memref<4x200x64xf32, #tpu.memory_space<vmem>>, vector<1x1x16xf32>,
        %get3A_765 = vector.shape_cast %get3A_764 : vector<1x1x16xf32> to vector<16xf32>
        %add3A_766 = arith.addf %add3A_736, %get3A_765 : vector<16xf32>
        %get3A_767 = arith.constant 2 : i32
        %get3A_768 = arith.index_cast %get3A_767 : i32 to index
        %get3A_769 = arith.index_cast %scan3A_752 : i32 to index
        %get3A_770 = arith.constant 32 : index
        %get3A_771 = tpu.vector_load %arg6[%get3A_768, %get3A_769, %get3A_770] {strides = array<i32>} : memref<4x200x64xf32, #tpu.memory_space<vmem>>, vector<1x1x16xf32>,
        %get3A_772 = vector.shape_cast %get3A_771 : vector<1x1x16xf32> to vector<16xf32>
        %add3A_773 = arith.addf %add3A_743, %get3A_772 : vector<16xf32>
        %get3A_774 = arith.constant 2 : i32
        %get3A_775 = arith.index_cast %get3A_774 : i32 to index
        %get3A_776 = arith.index_cast %scan3A_752 : i32 to index
        %get3A_777 = arith.constant 48 : index
        %get3A_778 = tpu.vector_load %arg6[%get3A_775, %get3A_776, %get3A_777] {strides = array<i32>} : memref<4x200x64xf32, #tpu.memory_space<vmem>>, vector<1x1x16xf32>,
        %get3A_779 = vector.shape_cast %get3A_778 : vector<1x1x16xf32> to vector<16xf32>
        %add3A_780 = arith.addf %add3A_750, %get3A_779 : vector<16xf32>
        %scan3A_781 = arith.constant 10 : i32
        %scan3A_782 = arith.addi %scan3A_479, %scan3A_781 : i32
        %get3A_783 = arith.constant 2 : i32
        %get3A_784 = arith.index_cast %get3A_783 : i32 to index
        %get3A_785 = arith.index_cast %scan3A_782 : i32 to index
        %get3A_786 = arith.constant 0 : index
        %get3A_787 = tpu.vector_load %arg6[%get3A_784, %get3A_785, %get3A_786] {strides = array<i32>} : memref<4x200x64xf32, #tpu.memory_space<vmem>>, vector<1x1x16xf32>,
        %get3A_788 = vector.shape_cast %get3A_787 : vector<1x1x16xf32> to vector<16xf32>
        %add3A_789 = arith.addf %add3A_759, %get3A_788 : vector<16xf32>
        %get3A_790 = arith.constant 2 : i32
        %get3A_791 = arith.index_cast %get3A_790 : i32 to index
        %get3A_792 = arith.index_cast %scan3A_782 : i32 to index
        %get3A_793 = arith.constant 16 : index
        %get3A_794 = tpu.vector_load %arg6[%get3A_791, %get3A_792, %get3A_793] {strides = array<i32>} : memref<4x200x64xf32, #tpu.memory_space<vmem>>, vector<1x1x16xf32>,
        %get3A_795 = vector.shape_cast %get3A_794 : vector<1x1x16xf32> to vector<16xf32>
        %add3A_796 = arith.addf %add3A_766, %get3A_795 : vector<16xf32>
        %get3A_797 = arith.constant 2 : i32
        %get3A_798 = arith.index_cast %get3A_797 : i32 to index
        %get3A_799 = arith.index_cast %scan3A_782 : i32 to index
        %get3A_800 = arith.constant 32 : index
        %get3A_801 = tpu.vector_load %arg6[%get3A_798, %get3A_799, %get3A_800] {strides = array<i32>} : memref<4x200x64xf32, #tpu.memory_space<vmem>>, vector<1x1x16xf32>,
        %get3A_802 = vector.shape_cast %get3A_801 : vector<1x1x16xf32> to vector<16xf32>
        %add3A_803 = arith.addf %add3A_773, %get3A_802 : vector<16xf32>
        %get3A_804 = arith.constant 2 : i32
        %get3A_805 = arith.index_cast %get3A_804 : i32 to index
        %get3A_806 = arith.index_cast %scan3A_782 : i32 to index
        %get3A_807 = arith.constant 48 : index
        %get3A_808 = tpu.vector_load %arg6[%get3A_805, %get3A_806, %get3A_807] {strides = array<i32>} : memref<4x200x64xf32, #tpu.memory_space<vmem>>, vector<1x1x16xf32>,
        %get3A_809 = vector.shape_cast %get3A_808 : vector<1x1x16xf32> to vector<16xf32>
        %add3A_810 = arith.addf %add3A_780, %get3A_809 : vector<16xf32>
        %scan3A_811 = arith.constant 11 : i32
        %scan3A_812 = arith.addi %scan3A_479, %scan3A_811 : i32
        %get3A_813 = arith.constant 2 : i32
        %get3A_814 = arith.index_cast %get3A_813 : i32 to index
        %get3A_815 = arith.index_cast %scan3A_812 : i32 to index
        %get3A_816 = arith.constant 0 : index
        %get3A_817 = tpu.vector_load %arg6[%get3A_814, %get3A_815, %get3A_816] {strides = array<i32>} : memref<4x200x64xf32, #tpu.memory_space<vmem>>, vector<1x1x16xf32>,
        %get3A_818 = vector.shape_cast %get3A_817 : vector<1x1x16xf32> to vector<16xf32>
        %add3A_819 = arith.addf %add3A_789, %get3A_818 : vector<16xf32>
        %get3A_820 = arith.constant 2 : i32
        %get3A_821 = arith.index_cast %get3A_820 : i32 to index
        %get3A_822 = arith.index_cast %scan3A_812 : i32 to index
        %get3A_823 = arith.constant 16 : index
        %get3A_824 = tpu.vector_load %arg6[%get3A_821, %get3A_822, %get3A_823] {strides = array<i32>} : memref<4x200x64xf32, #tpu.memory_space<vmem>>, vector<1x1x16xf32>,
        %get3A_825 = vector.shape_cast %get3A_824 : vector<1x1x16xf32> to vector<16xf32>
        %add3A_826 = arith.addf %add3A_796, %get3A_825 : vector<16xf32>
        %get3A_827 = arith.constant 2 : i32
        %get3A_828 = arith.index_cast %get3A_827 : i32 to index
        %get3A_829 = arith.index_cast %scan3A_812 : i32 to index
        %get3A_830 = arith.constant 32 : index
        %get3A_831 = tpu.vector_load %arg6[%get3A_828, %get3A_829, %get3A_830] {strides = array<i32>} : memref<4x200x64xf32, #tpu.memory_space<vmem>>, vector<1x1x16xf32>,
        %get3A_832 = vector.shape_cast %get3A_831 : vector<1x1x16xf32> to vector<16xf32>
        %add3A_833 = arith.addf %add3A_803, %get3A_832 : vector<16xf32>
        %get3A_834 = arith.constant 2 : i32
        %get3A_835 = arith.index_cast %get3A_834 : i32 to index
        %get3A_836 = arith.index_cast %scan3A_812 : i32 to index
        %get3A_837 = arith.constant 48 : index
        %get3A_838 = tpu.vector_load %arg6[%get3A_835, %get3A_836, %get3A_837] {strides = array<i32>} : memref<4x200x64xf32, #tpu.memory_space<vmem>>, vector<1x1x16xf32>,
        %get3A_839 = vector.shape_cast %get3A_838 : vector<1x1x16xf32> to vector<16xf32>
        %add3A_840 = arith.addf %add3A_810, %get3A_839 : vector<16xf32>
        %scan3A_841 = arith.constant 12 : i32
        %scan3A_842 = arith.addi %scan3A_479, %scan3A_841 : i32
        %get3A_843 = arith.constant 2 : i32
        %get3A_844 = arith.index_cast %get3A_843 : i32 to index
        %get3A_845 = arith.index_cast %scan3A_842 : i32 to index
        %get3A_846 = arith.constant 0 : index
        %get3A_847 = tpu.vector_load %arg6[%get3A_844, %get3A_845, %get3A_846] {strides = array<i32>} : memref<4x200x64xf32, #tpu.memory_space<vmem>>, vector<1x1x16xf32>,
        %get3A_848 = vector.shape_cast %get3A_847 : vector<1x1x16xf32> to vector<16xf32>
        %add3A_849 = arith.addf %add3A_819, %get3A_848 : vector<16xf32>
        %get3A_850 = arith.constant 2 : i32
        %get3A_851 = arith.index_cast %get3A_850 : i32 to index
        %get3A_852 = arith.index_cast %scan3A_842 : i32 to index
        %get3A_853 = arith.constant 16 : index
        %get3A_854 = tpu.vector_load %arg6[%get3A_851, %get3A_852, %get3A_853] {strides = array<i32>} : memref<4x200x64xf32, #tpu.memory_space<vmem>>, vector<1x1x16xf32>,
        %get3A_855 = vector.shape_cast %get3A_854 : vector<1x1x16xf32> to vector<16xf32>
        %add3A_856 = arith.addf %add3A_826, %get3A_855 : vector<16xf32>
        %get3A_857 = arith.constant 2 : i32
        %get3A_858 = arith.index_cast %get3A_857 : i32 to index
        %get3A_859 = arith.index_cast %scan3A_842 : i32 to index
        %get3A_860 = arith.constant 32 : index
        %get3A_861 = tpu.vector_load %arg6[%get3A_858, %get3A_859, %get3A_860] {strides = array<i32>} : memref<4x200x64xf32, #tpu.memory_space<vmem>>, vector<1x1x16xf32>,
        %get3A_862 = vector.shape_cast %get3A_861 : vector<1x1x16xf32> to vector<16xf32>
        %add3A_863 = arith.addf %add3A_833, %get3A_862 : vector<16xf32>
        %get3A_864 = arith.constant 2 : i32
        %get3A_865 = arith.index_cast %get3A_864 : i32 to index
        %get3A_866 = arith.index_cast %scan3A_842 : i32 to index
        %get3A_867 = arith.constant 48 : index
        %get3A_868 = tpu.vector_load %arg6[%get3A_865, %get3A_866, %get3A_867] {strides = array<i32>} : memref<4x200x64xf32, #tpu.memory_space<vmem>>, vector<1x1x16xf32>,
        %get3A_869 = vector.shape_cast %get3A_868 : vector<1x1x16xf32> to vector<16xf32>
        %add3A_870 = arith.addf %add3A_840, %get3A_869 : vector<16xf32>
        scf.yield %add3A_849, %add3A_856, %add3A_863, %add3A_870 : vector<16xf32>, vector<16xf32>, vector<16xf32>, vector<16xf32>
      }
      %scan3A_333 = arith.constant 104 : i32
      %dma_wait3A_334 = arith.constant 0 : i32
      %dma_wait3A_335 = arith.constant 2 : i32
      %dma_wait3A_336 = arith.constant 2 : i32
      %dma_wait3A_337 = arith.constant 1 : i32
      %dma_wait3A_338 = arith.constant 104 : i32
      %dma_wait3A_339 = arith.constant 0 : i32
      %dma_wait3A_340 = tpu.memref_slice %arg6[%dma_wait3A_335, %dma_wait3A_338, %dma_wait3A_339] : memref<4x200x64xf32, #tpu.memory_space<vmem>> -> memref<1x96x64xf32, #tpu.memory_space<vmem>>
      %dma_wait3A_341 = tpu.memref_squeeze %dma_wait3A_340 : memref<1x96x64xf32, #tpu.memory_space<vmem>> -> memref<96x64xf32, #tpu.memory_space<vmem>>
      %dma_wait3A_342 = arith.constant 0 : i32
      %dma_wait3A_343 = tpu.memref_slice %arg5[%dma_wait3A_334, %dma_wait3A_342] : memref<128x200xi32, #tpu.memory_space<vmem>> -> memref<1x96xi32, #tpu.memory_space<vmem>>
      %dma_wait3A_344 = tpu.memref_squeeze %dma_wait3A_343 : memref<1x96xi32, #tpu.memory_space<vmem>> -> memref<96xi32, #tpu.memory_space<vmem>>
      %dma_wait3A_345 = arith.constant 0 : i32
      %dma_wait3A_346 = arith.constant 0 : i32
      %dma_wait3A_347 = tpu.memref_slice %arg3[%dma_wait3A_345, %dma_wait3A_346] : memref<100000x64xf32, #tpu.memory_space<hbm>> -> memref<100000x64xf32, #tpu.memory_space<hbm>>
      %dma_wait3A_348 = tpu.memref_slice %arg8[%dma_wait3A_336, %dma_wait3A_337] : memref<4x2x!tpu.dma_semaphore, #tpu.memory_space<semaphore_mem>> -> memref<1x1x!tpu.dma_semaphore, #tpu.memory_space<semaphore_mem>>
      %dma_wait3A_349 = tpu.memref_squeeze %dma_wait3A_348 : memref<1x1x!tpu.dma_semaphore, #tpu.memory_space<semaphore_mem>> -> memref<!tpu.dma_semaphore, #tpu.memory_space<semaphore_mem>>
      tpu.wait_indirect_dma semaphore(%dma_wait3A_349 : memref<!tpu.dma_semaphore, #tpu.memory_space<semaphore_mem>>) src(%dma_wait3A_347 : memref<100000x64xf32, #tpu.memory_space<hbm>>) dst(%dma_wait3A_341 : memref<96x64xf32, #tpu.memory_space<vmem>>)
      %add3A_350 = arith.constant 4 : i32
      %add3A_351 = arith.addi %add3A_294, %add3A_350 : i32
      %sub3A_352 = arith.constant 1 : i32
      %sub3A_353 = arith.subi %add3A_351, %sub3A_352 : i32
      %lt3A_354 = arith.constant 128 : i32
      %lt3A_355 = arith.cmpi slt, %sub3A_353, %lt3A_354 : i32
      %convert_element_type3A_356 = arith.extui %lt3A_355 : i1 to i32
      %cond3A_357 = arith.constant 0 : i32
      %cond3A_358 = arith.cmpi ne, %convert_element_type3A_356, %cond3A_357 : i32
      scf.if %cond3A_358 {
        %add3A_479 = arith.constant 4 : i32
        %add3A_480 = arith.addi %add3A_294, %add3A_479 : i32
        %sub3A_481 = arith.constant 1 : i32
        %sub3A_482 = arith.subi %add3A_480, %sub3A_481 : i32
        %dma_start3A_483 = arith.constant 1 : i32
        %dma_start3A_484 = arith.constant 1 : i32
        %dma_start3A_485 = arith.constant 1 : i32
        %dma_start3A_486 = arith.constant 104 : i32
        %dma_start3A_487 = arith.constant 0 : i32
        %dma_start3A_488 = tpu.memref_slice %arg6[%dma_start3A_483, %dma_start3A_486, %dma_start3A_487] : memref<4x200x64xf32, #tpu.memory_space<vmem>> -> memref<1x96x64xf32, #tpu.memory_space<vmem>>
        %dma_start3A_489 = tpu.memref_squeeze %dma_start3A_488 : memref<1x96x64xf32, #tpu.memory_space<vmem>> -> memref<96x64xf32, #tpu.memory_space<vmem>>
        %dma_start3A_490 = arith.constant 104 : i32
        %dma_start3A_491 = tpu.memref_slice %arg5[%sub3A_482, %dma_start3A_490] : memref<128x200xi32, #tpu.memory_space<vmem>> -> memref<1x96xi32, #tpu.memory_space<vmem>>
        %dma_start3A_492 = tpu.memref_squeeze %dma_start3A_491 : memref<1x96xi32, #tpu.memory_space<vmem>> -> memref<96xi32, #tpu.memory_space<vmem>>
        %dma_start3A_493 = arith.constant 0 : i32
        %dma_start3A_494 = arith.constant 0 : i32
        %dma_start3A_495 = tpu.memref_slice %arg3[%dma_start3A_493, %dma_start3A_494] : memref<100000x64xf32, #tpu.memory_space<hbm>> -> memref<100000x64xf32, #tpu.memory_space<hbm>>
        %dma_start3A_496 = tpu.memref_slice %arg8[%dma_start3A_484, %dma_start3A_485] : memref<4x2x!tpu.dma_semaphore, #tpu.memory_space<semaphore_mem>> -> memref<1x1x!tpu.dma_semaphore, #tpu.memory_space<semaphore_mem>>
        %dma_start3A_497 = tpu.memref_squeeze %dma_start3A_496 : memref<1x1x!tpu.dma_semaphore, #tpu.memory_space<semaphore_mem>> -> memref<!tpu.dma_semaphore, #tpu.memory_space<semaphore_mem>>
        tpu.enqueue_indirect_dma source(%dma_start3A_495 : memref<100000x64xf32, #tpu.memory_space<hbm>>) target(%dma_start3A_489 : memref<96x64xf32, #tpu.memory_space<vmem>>) offsets(%dma_start3A_492 : memref<96xi32, #tpu.memory_space<vmem>>) semaphore(%dma_start3A_497 : memref<!tpu.dma_semaphore, #tpu.memory_space<semaphore_mem>>)
      } else {
      }
      %scan3A_359 = arith.constant 104 : i32
      %scan3A_360 = arith.constant 96 : i32
      %scan3A_361 = arith.addi %scan3A_359, %scan3A_360 : i32
      %scan3A_362 = arith.constant 12 : i32
      %scan3A_363:4 = scf.for %scan3A_479 = %scan3A_359 to %scan3A_361 step %scan3A_362 iter_args(%scan3A_480 = %scan3A_332#0, %scan3A_481 = %scan3A_332#1, %scan3A_482 = %scan3A_332#2, %scan3A_483 = %scan3A_332#3) -> (vector<16xf32>, vector<16xf32>, vector<16xf32>, vector<16xf32>)  : i32 {
        %get3A = arith.constant 2 : i32
        %get3A_484 = arith.index_cast %get3A : i32 to index
        %get3A_485 = arith.index_cast %scan3A_479 : i32 to index
        %get3A_486 = arith.constant 0 : index
        %get3A_487 = tpu.vector_load %arg6[%get3A_484, %get3A_485, %get3A_486] {strides = array<i32>} : memref<4x200x64xf32, #tpu.memory_space<vmem>>, vector<1x1x16xf32>,
        %get3A_488 = vector.shape_cast %get3A_487 : vector<1x1x16xf32> to vector<16xf32>
        %add3A_489 = arith.addf %scan3A_480, %get3A_488 : vector<16xf32>
        %get3A_490 = arith.constant 2 : i32
        %get3A_491 = arith.index_cast %get3A_490 : i32 to index
        %get3A_492 = arith.index_cast %scan3A_479 : i32 to index
        %get3A_493 = arith.constant 16 : index
        %get3A_494 = tpu.vector_load %arg6[%get3A_491, %get3A_492, %get3A_493] {strides = array<i32>} : memref<4x200x64xf32, #tpu.memory_space<vmem>>, vector<1x1x16xf32>,
        %get3A_495 = vector.shape_cast %get3A_494 : vector<1x1x16xf32> to vector<16xf32>
        %add3A_496 = arith.addf %scan3A_481, %get3A_495 : vector<16xf32>
        %get3A_497 = arith.constant 2 : i32
        %get3A_498 = arith.index_cast %get3A_497 : i32 to index
        %get3A_499 = arith.index_cast %scan3A_479 : i32 to index
        %get3A_500 = arith.constant 32 : index
        %get3A_501 = tpu.vector_load %arg6[%get3A_498, %get3A_499, %get3A_500] {strides = array<i32>} : memref<4x200x64xf32, #tpu.memory_space<vmem>>, vector<1x1x16xf32>,
        %get3A_502 = vector.shape_cast %get3A_501 : vector<1x1x16xf32> to vector<16xf32>
        %add3A_503 = arith.addf %scan3A_482, %get3A_502 : vector<16xf32>
        %get3A_504 = arith.constant 2 : i32
        %get3A_505 = arith.index_cast %get3A_504 : i32 to index
        %get3A_506 = arith.index_cast %scan3A_479 : i32 to index
        %get3A_507 = arith.constant 48 : index
        %get3A_508 = tpu.vector_load %arg6[%get3A_505, %get3A_506, %get3A_507] {strides = array<i32>} : memref<4x200x64xf32, #tpu.memory_space<vmem>>, vector<1x1x16xf32>,
        %get3A_509 = vector.shape_cast %get3A_508 : vector<1x1x16xf32> to vector<16xf32>
        %add3A_510 = arith.addf %scan3A_483, %get3A_509 : vector<16xf32>
        %scan3A_511 = arith.constant 1 : i32
        %scan3A_512 = arith.addi %scan3A_479, %scan3A_511 : i32
        %get3A_513 = arith.constant 2 : i32
        %get3A_514 = arith.index_cast %get3A_513 : i32 to index
        %get3A_515 = arith.index_cast %scan3A_512 : i32 to index
        %get3A_516 = arith.constant 0 : index
        %get3A_517 = tpu.vector_load %arg6[%get3A_514, %get3A_515, %get3A_516] {strides = array<i32>} : memref<4x200x64xf32, #tpu.memory_space<vmem>>, vector<1x1x16xf32>,
        %get3A_518 = vector.shape_cast %get3A_517 : vector<1x1x16xf32> to vector<16xf32>
        %add3A_519 = arith.addf %add3A_489, %get3A_518 : vector<16xf32>
        %get3A_520 = arith.constant 2 : i32
        %get3A_521 = arith.index_cast %get3A_520 : i32 to index
        %get3A_522 = arith.index_cast %scan3A_512 : i32 to index
        %get3A_523 = arith.constant 16 : index
        %get3A_524 = tpu.vector_load %arg6[%get3A_521, %get3A_522, %get3A_523] {strides = array<i32>} : memref<4x200x64xf32, #tpu.memory_space<vmem>>, vector<1x1x16xf32>,
        %get3A_525 = vector.shape_cast %get3A_524 : vector<1x1x16xf32> to vector<16xf32>
        %add3A_526 = arith.addf %add3A_496, %get3A_525 : vector<16xf32>
        %get3A_527 = arith.constant 2 : i32
        %get3A_528 = arith.index_cast %get3A_527 : i32 to index
        %get3A_529 = arith.index_cast %scan3A_512 : i32 to index
        %get3A_530 = arith.constant 32 : index
        %get3A_531 = tpu.vector_load %arg6[%get3A_528, %get3A_529, %get3A_530] {strides = array<i32>} : memref<4x200x64xf32, #tpu.memory_space<vmem>>, vector<1x1x16xf32>,
        %get3A_532 = vector.shape_cast %get3A_531 : vector<1x1x16xf32> to vector<16xf32>
        %add3A_533 = arith.addf %add3A_503, %get3A_532 : vector<16xf32>
        %get3A_534 = arith.constant 2 : i32
        %get3A_535 = arith.index_cast %get3A_534 : i32 to index
        %get3A_536 = arith.index_cast %scan3A_512 : i32 to index
        %get3A_537 = arith.constant 48 : index
        %get3A_538 = tpu.vector_load %arg6[%get3A_535, %get3A_536, %get3A_537] {strides = array<i32>} : memref<4x200x64xf32, #tpu.memory_space<vmem>>, vector<1x1x16xf32>,
        %get3A_539 = vector.shape_cast %get3A_538 : vector<1x1x16xf32> to vector<16xf32>
        %add3A_540 = arith.addf %add3A_510, %get3A_539 : vector<16xf32>
        %scan3A_541 = arith.constant 2 : i32
        %scan3A_542 = arith.addi %scan3A_479, %scan3A_541 : i32
        %get3A_543 = arith.constant 2 : i32
        %get3A_544 = arith.index_cast %get3A_543 : i32 to index
        %get3A_545 = arith.index_cast %scan3A_542 : i32 to index
        %get3A_546 = arith.constant 0 : index
        %get3A_547 = tpu.vector_load %arg6[%get3A_544, %get3A_545, %get3A_546] {strides = array<i32>} : memref<4x200x64xf32, #tpu.memory_space<vmem>>, vector<1x1x16xf32>,
        %get3A_548 = vector.shape_cast %get3A_547 : vector<1x1x16xf32> to vector<16xf32>
        %add3A_549 = arith.addf %add3A_519, %get3A_548 : vector<16xf32>
        %get3A_550 = arith.constant 2 : i32
        %get3A_551 = arith.index_cast %get3A_550 : i32 to index
        %get3A_552 = arith.index_cast %scan3A_542 : i32 to index
        %get3A_553 = arith.constant 16 : index
        %get3A_554 = tpu.vector_load %arg6[%get3A_551, %get3A_552, %get3A_553] {strides = array<i32>} : memref<4x200x64xf32, #tpu.memory_space<vmem>>, vector<1x1x16xf32>,
        %get3A_555 = vector.shape_cast %get3A_554 : vector<1x1x16xf32> to vector<16xf32>
        %add3A_556 = arith.addf %add3A_526, %get3A_555 : vector<16xf32>
        %get3A_557 = arith.constant 2 : i32
        %get3A_558 = arith.index_cast %get3A_557 : i32 to index
        %get3A_559 = arith.index_cast %scan3A_542 : i32 to index
        %get3A_560 = arith.constant 32 : index
        %get3A_561 = tpu.vector_load %arg6[%get3A_558, %get3A_559, %get3A_560] {strides = array<i32>} : memref<4x200x64xf32, #tpu.memory_space<vmem>>, vector<1x1x16xf32>,
        %get3A_562 = vector.shape_cast %get3A_561 : vector<1x1x16xf32> to vector<16xf32>
        %add3A_563 = arith.addf %add3A_533, %get3A_562 : vector<16xf32>
        %get3A_564 = arith.constant 2 : i32
        %get3A_565 = arith.index_cast %get3A_564 : i32 to index
        %get3A_566 = arith.index_cast %scan3A_542 : i32 to index
        %get3A_567 = arith.constant 48 : index
        %get3A_568 = tpu.vector_load %arg6[%get3A_565, %get3A_566, %get3A_567] {strides = array<i32>} : memref<4x200x64xf32, #tpu.memory_space<vmem>>, vector<1x1x16xf32>,
        %get3A_569 = vector.shape_cast %get3A_568 : vector<1x1x16xf32> to vector<16xf32>
        %add3A_570 = arith.addf %add3A_540, %get3A_569 : vector<16xf32>
        %scan3A_571 = arith.constant 3 : i32
        %scan3A_572 = arith.addi %scan3A_479, %scan3A_571 : i32
        %get3A_573 = arith.constant 2 : i32
        %get3A_574 = arith.index_cast %get3A_573 : i32 to index
        %get3A_575 = arith.index_cast %scan3A_572 : i32 to index
        %get3A_576 = arith.constant 0 : index
        %get3A_577 = tpu.vector_load %arg6[%get3A_574, %get3A_575, %get3A_576] {strides = array<i32>} : memref<4x200x64xf32, #tpu.memory_space<vmem>>, vector<1x1x16xf32>,
        %get3A_578 = vector.shape_cast %get3A_577 : vector<1x1x16xf32> to vector<16xf32>
        %add3A_579 = arith.addf %add3A_549, %get3A_578 : vector<16xf32>
        %get3A_580 = arith.constant 2 : i32
        %get3A_581 = arith.index_cast %get3A_580 : i32 to index
        %get3A_582 = arith.index_cast %scan3A_572 : i32 to index
        %get3A_583 = arith.constant 16 : index
        %get3A_584 = tpu.vector_load %arg6[%get3A_581, %get3A_582, %get3A_583] {strides = array<i32>} : memref<4x200x64xf32, #tpu.memory_space<vmem>>, vector<1x1x16xf32>,
        %get3A_585 = vector.shape_cast %get3A_584 : vector<1x1x16xf32> to vector<16xf32>
        %add3A_586 = arith.addf %add3A_556, %get3A_585 : vector<16xf32>
        %get3A_587 = arith.constant 2 : i32
        %get3A_588 = arith.index_cast %get3A_587 : i32 to index
        %get3A_589 = arith.index_cast %scan3A_572 : i32 to index
        %get3A_590 = arith.constant 32 : index
        %get3A_591 = tpu.vector_load %arg6[%get3A_588, %get3A_589, %get3A_590] {strides = array<i32>} : memref<4x200x64xf32, #tpu.memory_space<vmem>>, vector<1x1x16xf32>,
        %get3A_592 = vector.shape_cast %get3A_591 : vector<1x1x16xf32> to vector<16xf32>
        %add3A_593 = arith.addf %add3A_563, %get3A_592 : vector<16xf32>
        %get3A_594 = arith.constant 2 : i32
        %get3A_595 = arith.index_cast %get3A_594 : i32 to index
        %get3A_596 = arith.index_cast %scan3A_572 : i32 to index
        %get3A_597 = arith.constant 48 : index
        %get3A_598 = tpu.vector_load %arg6[%get3A_595, %get3A_596, %get3A_597] {strides = array<i32>} : memref<4x200x64xf32, #tpu.memory_space<vmem>>, vector<1x1x16xf32>,
        %get3A_599 = vector.shape_cast %get3A_598 : vector<1x1x16xf32> to vector<16xf32>
        %add3A_600 = arith.addf %add3A_570, %get3A_599 : vector<16xf32>
        %scan3A_601 = arith.constant 4 : i32
        %scan3A_602 = arith.addi %scan3A_479, %scan3A_601 : i32
        %get3A_603 = arith.constant 2 : i32
        %get3A_604 = arith.index_cast %get3A_603 : i32 to index
        %get3A_605 = arith.index_cast %scan3A_602 : i32 to index
        %get3A_606 = arith.constant 0 : index
        %get3A_607 = tpu.vector_load %arg6[%get3A_604, %get3A_605, %get3A_606] {strides = array<i32>} : memref<4x200x64xf32, #tpu.memory_space<vmem>>, vector<1x1x16xf32>,
        %get3A_608 = vector.shape_cast %get3A_607 : vector<1x1x16xf32> to vector<16xf32>
        %add3A_609 = arith.addf %add3A_579, %get3A_608 : vector<16xf32>
        %get3A_610 = arith.constant 2 : i32
        %get3A_611 = arith.index_cast %get3A_610 : i32 to index
        %get3A_612 = arith.index_cast %scan3A_602 : i32 to index
        %get3A_613 = arith.constant 16 : index
        %get3A_614 = tpu.vector_load %arg6[%get3A_611, %get3A_612, %get3A_613] {strides = array<i32>} : memref<4x200x64xf32, #tpu.memory_space<vmem>>, vector<1x1x16xf32>,
        %get3A_615 = vector.shape_cast %get3A_614 : vector<1x1x16xf32> to vector<16xf32>
        %add3A_616 = arith.addf %add3A_586, %get3A_615 : vector<16xf32>
        %get3A_617 = arith.constant 2 : i32
        %get3A_618 = arith.index_cast %get3A_617 : i32 to index
        %get3A_619 = arith.index_cast %scan3A_602 : i32 to index
        %get3A_620 = arith.constant 32 : index
        %get3A_621 = tpu.vector_load %arg6[%get3A_618, %get3A_619, %get3A_620] {strides = array<i32>} : memref<4x200x64xf32, #tpu.memory_space<vmem>>, vector<1x1x16xf32>,
        %get3A_622 = vector.shape_cast %get3A_621 : vector<1x1x16xf32> to vector<16xf32>
        %add3A_623 = arith.addf %add3A_593, %get3A_622 : vector<16xf32>
        %get3A_624 = arith.constant 2 : i32
        %get3A_625 = arith.index_cast %get3A_624 : i32 to index
        %get3A_626 = arith.index_cast %scan3A_602 : i32 to index
        %get3A_627 = arith.constant 48 : index
        %get3A_628 = tpu.vector_load %arg6[%get3A_625, %get3A_626, %get3A_627] {strides = array<i32>} : memref<4x200x64xf32, #tpu.memory_space<vmem>>, vector<1x1x16xf32>,
        %get3A_629 = vector.shape_cast %get3A_628 : vector<1x1x16xf32> to vector<16xf32>
        %add3A_630 = arith.addf %add3A_600, %get3A_629 : vector<16xf32>
        %scan3A_631 = arith.constant 5 : i32
        %scan3A_632 = arith.addi %scan3A_479, %scan3A_631 : i32
        %get3A_633 = arith.constant 2 : i32
        %get3A_634 = arith.index_cast %get3A_633 : i32 to index
        %get3A_635 = arith.index_cast %scan3A_632 : i32 to index
        %get3A_636 = arith.constant 0 : index
        %get3A_637 = tpu.vector_load %arg6[%get3A_634, %get3A_635, %get3A_636] {strides = array<i32>} : memref<4x200x64xf32, #tpu.memory_space<vmem>>, vector<1x1x16xf32>,
        %get3A_638 = vector.shape_cast %get3A_637 : vector<1x1x16xf32> to vector<16xf32>
        %add3A_639 = arith.addf %add3A_609, %get3A_638 : vector<16xf32>
        %get3A_640 = arith.constant 2 : i32
        %get3A_641 = arith.index_cast %get3A_640 : i32 to index
        %get3A_642 = arith.index_cast %scan3A_632 : i32 to index
        %get3A_643 = arith.constant 16 : index
        %get3A_644 = tpu.vector_load %arg6[%get3A_641, %get3A_642, %get3A_643] {strides = array<i32>} : memref<4x200x64xf32, #tpu.memory_space<vmem>>, vector<1x1x16xf32>,
        %get3A_645 = vector.shape_cast %get3A_644 : vector<1x1x16xf32> to vector<16xf32>
        %add3A_646 = arith.addf %add3A_616, %get3A_645 : vector<16xf32>
        %get3A_647 = arith.constant 2 : i32
        %get3A_648 = arith.index_cast %get3A_647 : i32 to index
        %get3A_649 = arith.index_cast %scan3A_632 : i32 to index
        %get3A_650 = arith.constant 32 : index
        %get3A_651 = tpu.vector_load %arg6[%get3A_648, %get3A_649, %get3A_650] {strides = array<i32>} : memref<4x200x64xf32, #tpu.memory_space<vmem>>, vector<1x1x16xf32>,
        %get3A_652 = vector.shape_cast %get3A_651 : vector<1x1x16xf32> to vector<16xf32>
        %add3A_653 = arith.addf %add3A_623, %get3A_652 : vector<16xf32>
        %get3A_654 = arith.constant 2 : i32
        %get3A_655 = arith.index_cast %get3A_654 : i32 to index
        %get3A_656 = arith.index_cast %scan3A_632 : i32 to index
        %get3A_657 = arith.constant 48 : index
        %get3A_658 = tpu.vector_load %arg6[%get3A_655, %get3A_656, %get3A_657] {strides = array<i32>} : memref<4x200x64xf32, #tpu.memory_space<vmem>>, vector<1x1x16xf32>,
        %get3A_659 = vector.shape_cast %get3A_658 : vector<1x1x16xf32> to vector<16xf32>
        %add3A_660 = arith.addf %add3A_630, %get3A_659 : vector<16xf32>
        %scan3A_661 = arith.constant 6 : i32
        %scan3A_662 = arith.addi %scan3A_479, %scan3A_661 : i32
        %get3A_663 = arith.constant 2 : i32
        %get3A_664 = arith.index_cast %get3A_663 : i32 to index
        %get3A_665 = arith.index_cast %scan3A_662 : i32 to index
        %get3A_666 = arith.constant 0 : index
        %get3A_667 = tpu.vector_load %arg6[%get3A_664, %get3A_665, %get3A_666] {strides = array<i32>} : memref<4x200x64xf32, #tpu.memory_space<vmem>>, vector<1x1x16xf32>,
        %get3A_668 = vector.shape_cast %get3A_667 : vector<1x1x16xf32> to vector<16xf32>
        %add3A_669 = arith.addf %add3A_639, %get3A_668 : vector<16xf32>
        %get3A_670 = arith.constant 2 : i32
        %get3A_671 = arith.index_cast %get3A_670 : i32 to index
        %get3A_672 = arith.index_cast %scan3A_662 : i32 to index
        %get3A_673 = arith.constant 16 : index
        %get3A_674 = tpu.vector_load %arg6[%get3A_671, %get3A_672, %get3A_673] {strides = array<i32>} : memref<4x200x64xf32, #tpu.memory_space<vmem>>, vector<1x1x16xf32>,
        %get3A_675 = vector.shape_cast %get3A_674 : vector<1x1x16xf32> to vector<16xf32>
        %add3A_676 = arith.addf %add3A_646, %get3A_675 : vector<16xf32>
        %get3A_677 = arith.constant 2 : i32
        %get3A_678 = arith.index_cast %get3A_677 : i32 to index
        %get3A_679 = arith.index_cast %scan3A_662 : i32 to index
        %get3A_680 = arith.constant 32 : index
        %get3A_681 = tpu.vector_load %arg6[%get3A_678, %get3A_679, %get3A_680] {strides = array<i32>} : memref<4x200x64xf32, #tpu.memory_space<vmem>>, vector<1x1x16xf32>,
        %get3A_682 = vector.shape_cast %get3A_681 : vector<1x1x16xf32> to vector<16xf32>
        %add3A_683 = arith.addf %add3A_653, %get3A_682 : vector<16xf32>
        %get3A_684 = arith.constant 2 : i32
        %get3A_685 = arith.index_cast %get3A_684 : i32 to index
        %get3A_686 = arith.index_cast %scan3A_662 : i32 to index
        %get3A_687 = arith.constant 48 : index
        %get3A_688 = tpu.vector_load %arg6[%get3A_685, %get3A_686, %get3A_687] {strides = array<i32>} : memref<4x200x64xf32, #tpu.memory_space<vmem>>, vector<1x1x16xf32>,
        %get3A_689 = vector.shape_cast %get3A_688 : vector<1x1x16xf32> to vector<16xf32>
        %add3A_690 = arith.addf %add3A_660, %get3A_689 : vector<16xf32>
        %scan3A_691 = arith.constant 7 : i32
        %scan3A_692 = arith.addi %scan3A_479, %scan3A_691 : i32
        %get3A_693 = arith.constant 2 : i32
        %get3A_694 = arith.index_cast %get3A_693 : i32 to index
        %get3A_695 = arith.index_cast %scan3A_692 : i32 to index
        %get3A_696 = arith.constant 0 : index
        %get3A_697 = tpu.vector_load %arg6[%get3A_694, %get3A_695, %get3A_696] {strides = array<i32>} : memref<4x200x64xf32, #tpu.memory_space<vmem>>, vector<1x1x16xf32>,
        %get3A_698 = vector.shape_cast %get3A_697 : vector<1x1x16xf32> to vector<16xf32>
        %add3A_699 = arith.addf %add3A_669, %get3A_698 : vector<16xf32>
        %get3A_700 = arith.constant 2 : i32
        %get3A_701 = arith.index_cast %get3A_700 : i32 to index
        %get3A_702 = arith.index_cast %scan3A_692 : i32 to index
        %get3A_703 = arith.constant 16 : index
        %get3A_704 = tpu.vector_load %arg6[%get3A_701, %get3A_702, %get3A_703] {strides = array<i32>} : memref<4x200x64xf32, #tpu.memory_space<vmem>>, vector<1x1x16xf32>,
        %get3A_705 = vector.shape_cast %get3A_704 : vector<1x1x16xf32> to vector<16xf32>
        %add3A_706 = arith.addf %add3A_676, %get3A_705 : vector<16xf32>
        %get3A_707 = arith.constant 2 : i32
        %get3A_708 = arith.index_cast %get3A_707 : i32 to index
        %get3A_709 = arith.index_cast %scan3A_692 : i32 to index
        %get3A_710 = arith.constant 32 : index
        %get3A_711 = tpu.vector_load %arg6[%get3A_708, %get3A_709, %get3A_710] {strides = array<i32>} : memref<4x200x64xf32, #tpu.memory_space<vmem>>, vector<1x1x16xf32>,
        %get3A_712 = vector.shape_cast %get3A_711 : vector<1x1x16xf32> to vector<16xf32>
        %add3A_713 = arith.addf %add3A_683, %get3A_712 : vector<16xf32>
        %get3A_714 = arith.constant 2 : i32
        %get3A_715 = arith.index_cast %get3A_714 : i32 to index
        %get3A_716 = arith.index_cast %scan3A_692 : i32 to index
        %get3A_717 = arith.constant 48 : index
        %get3A_718 = tpu.vector_load %arg6[%get3A_715, %get3A_716, %get3A_717] {strides = array<i32>} : memref<4x200x64xf32, #tpu.memory_space<vmem>>, vector<1x1x16xf32>,
        %get3A_719 = vector.shape_cast %get3A_718 : vector<1x1x16xf32> to vector<16xf32>
        %add3A_720 = arith.addf %add3A_690, %get3A_719 : vector<16xf32>
        %scan3A_721 = arith.constant 8 : i32
        %scan3A_722 = arith.addi %scan3A_479, %scan3A_721 : i32
        %get3A_723 = arith.constant 2 : i32
        %get3A_724 = arith.index_cast %get3A_723 : i32 to index
        %get3A_725 = arith.index_cast %scan3A_722 : i32 to index
        %get3A_726 = arith.constant 0 : index
        %get3A_727 = tpu.vector_load %arg6[%get3A_724, %get3A_725, %get3A_726] {strides = array<i32>} : memref<4x200x64xf32, #tpu.memory_space<vmem>>, vector<1x1x16xf32>,
        %get3A_728 = vector.shape_cast %get3A_727 : vector<1x1x16xf32> to vector<16xf32>
        %add3A_729 = arith.addf %add3A_699, %get3A_728 : vector<16xf32>
        %get3A_730 = arith.constant 2 : i32
        %get3A_731 = arith.index_cast %get3A_730 : i32 to index
        %get3A_732 = arith.index_cast %scan3A_722 : i32 to index
        %get3A_733 = arith.constant 16 : index
        %get3A_734 = tpu.vector_load %arg6[%get3A_731, %get3A_732, %get3A_733] {strides = array<i32>} : memref<4x200x64xf32, #tpu.memory_space<vmem>>, vector<1x1x16xf32>,
        %get3A_735 = vector.shape_cast %get3A_734 : vector<1x1x16xf32> to vector<16xf32>
        %add3A_736 = arith.addf %add3A_706, %get3A_735 : vector<16xf32>
        %get3A_737 = arith.constant 2 : i32
        %get3A_738 = arith.index_cast %get3A_737 : i32 to index
        %get3A_739 = arith.index_cast %scan3A_722 : i32 to index
        %get3A_740 = arith.constant 32 : index
        %get3A_741 = tpu.vector_load %arg6[%get3A_738, %get3A_739, %get3A_740] {strides = array<i32>} : memref<4x200x64xf32, #tpu.memory_space<vmem>>, vector<1x1x16xf32>,
        %get3A_742 = vector.shape_cast %get3A_741 : vector<1x1x16xf32> to vector<16xf32>
        %add3A_743 = arith.addf %add3A_713, %get3A_742 : vector<16xf32>
        %get3A_744 = arith.constant 2 : i32
        %get3A_745 = arith.index_cast %get3A_744 : i32 to index
        %get3A_746 = arith.index_cast %scan3A_722 : i32 to index
        %get3A_747 = arith.constant 48 : index
        %get3A_748 = tpu.vector_load %arg6[%get3A_745, %get3A_746, %get3A_747] {strides = array<i32>} : memref<4x200x64xf32, #tpu.memory_space<vmem>>, vector<1x1x16xf32>,
        %get3A_749 = vector.shape_cast %get3A_748 : vector<1x1x16xf32> to vector<16xf32>
        %add3A_750 = arith.addf %add3A_720, %get3A_749 : vector<16xf32>
        %scan3A_751 = arith.constant 9 : i32
        %scan3A_752 = arith.addi %scan3A_479, %scan3A_751 : i32
        %get3A_753 = arith.constant 2 : i32
        %get3A_754 = arith.index_cast %get3A_753 : i32 to index
        %get3A_755 = arith.index_cast %scan3A_752 : i32 to index
        %get3A_756 = arith.constant 0 : index
        %get3A_757 = tpu.vector_load %arg6[%get3A_754, %get3A_755, %get3A_756] {strides = array<i32>} : memref<4x200x64xf32, #tpu.memory_space<vmem>>, vector<1x1x16xf32>,
        %get3A_758 = vector.shape_cast %get3A_757 : vector<1x1x16xf32> to vector<16xf32>
        %add3A_759 = arith.addf %add3A_729, %get3A_758 : vector<16xf32>
        %get3A_760 = arith.constant 2 : i32
        %get3A_761 = arith.index_cast %get3A_760 : i32 to index
        %get3A_762 = arith.index_cast %scan3A_752 : i32 to index
        %get3A_763 = arith.constant 16 : index
        %get3A_764 = tpu.vector_load %arg6[%get3A_761, %get3A_762, %get3A_763] {strides = array<i32>} : memref<4x200x64xf32, #tpu.memory_space<vmem>>, vector<1x1x16xf32>,
        %get3A_765 = vector.shape_cast %get3A_764 : vector<1x1x16xf32> to vector<16xf32>
        %add3A_766 = arith.addf %add3A_736, %get3A_765 : vector<16xf32>
        %get3A_767 = arith.constant 2 : i32
        %get3A_768 = arith.index_cast %get3A_767 : i32 to index
        %get3A_769 = arith.index_cast %scan3A_752 : i32 to index
        %get3A_770 = arith.constant 32 : index
        %get3A_771 = tpu.vector_load %arg6[%get3A_768, %get3A_769, %get3A_770] {strides = array<i32>} : memref<4x200x64xf32, #tpu.memory_space<vmem>>, vector<1x1x16xf32>,
        %get3A_772 = vector.shape_cast %get3A_771 : vector<1x1x16xf32> to vector<16xf32>
        %add3A_773 = arith.addf %add3A_743, %get3A_772 : vector<16xf32>
        %get3A_774 = arith.constant 2 : i32
        %get3A_775 = arith.index_cast %get3A_774 : i32 to index
        %get3A_776 = arith.index_cast %scan3A_752 : i32 to index
        %get3A_777 = arith.constant 48 : index
        %get3A_778 = tpu.vector_load %arg6[%get3A_775, %get3A_776, %get3A_777] {strides = array<i32>} : memref<4x200x64xf32, #tpu.memory_space<vmem>>, vector<1x1x16xf32>,
        %get3A_779 = vector.shape_cast %get3A_778 : vector<1x1x16xf32> to vector<16xf32>
        %add3A_780 = arith.addf %add3A_750, %get3A_779 : vector<16xf32>
        %scan3A_781 = arith.constant 10 : i32
        %scan3A_782 = arith.addi %scan3A_479, %scan3A_781 : i32
        %get3A_783 = arith.constant 2 : i32
        %get3A_784 = arith.index_cast %get3A_783 : i32 to index
        %get3A_785 = arith.index_cast %scan3A_782 : i32 to index
        %get3A_786 = arith.constant 0 : index
        %get3A_787 = tpu.vector_load %arg6[%get3A_784, %get3A_785, %get3A_786] {strides = array<i32>} : memref<4x200x64xf32, #tpu.memory_space<vmem>>, vector<1x1x16xf32>,
        %get3A_788 = vector.shape_cast %get3A_787 : vector<1x1x16xf32> to vector<16xf32>
        %add3A_789 = arith.addf %add3A_759, %get3A_788 : vector<16xf32>
        %get3A_790 = arith.constant 2 : i32
        %get3A_791 = arith.index_cast %get3A_790 : i32 to index
        %get3A_792 = arith.index_cast %scan3A_782 : i32 to index
        %get3A_793 = arith.constant 16 : index
        %get3A_794 = tpu.vector_load %arg6[%get3A_791, %get3A_792, %get3A_793] {strides = array<i32>} : memref<4x200x64xf32, #tpu.memory_space<vmem>>, vector<1x1x16xf32>,
        %get3A_795 = vector.shape_cast %get3A_794 : vector<1x1x16xf32> to vector<16xf32>
        %add3A_796 = arith.addf %add3A_766, %get3A_795 : vector<16xf32>
        %get3A_797 = arith.constant 2 : i32
        %get3A_798 = arith.index_cast %get3A_797 : i32 to index
        %get3A_799 = arith.index_cast %scan3A_782 : i32 to index
        %get3A_800 = arith.constant 32 : index
        %get3A_801 = tpu.vector_load %arg6[%get3A_798, %get3A_799, %get3A_800] {strides = array<i32>} : memref<4x200x64xf32, #tpu.memory_space<vmem>>, vector<1x1x16xf32>,
        %get3A_802 = vector.shape_cast %get3A_801 : vector<1x1x16xf32> to vector<16xf32>
        %add3A_803 = arith.addf %add3A_773, %get3A_802 : vector<16xf32>
        %get3A_804 = arith.constant 2 : i32
        %get3A_805 = arith.index_cast %get3A_804 : i32 to index
        %get3A_806 = arith.index_cast %scan3A_782 : i32 to index
        %get3A_807 = arith.constant 48 : index
        %get3A_808 = tpu.vector_load %arg6[%get3A_805, %get3A_806, %get3A_807] {strides = array<i32>} : memref<4x200x64xf32, #tpu.memory_space<vmem>>, vector<1x1x16xf32>,
        %get3A_809 = vector.shape_cast %get3A_808 : vector<1x1x16xf32> to vector<16xf32>
        %add3A_810 = arith.addf %add3A_780, %get3A_809 : vector<16xf32>
        %scan3A_811 = arith.constant 11 : i32
        %scan3A_812 = arith.addi %scan3A_479, %scan3A_811 : i32
        %get3A_813 = arith.constant 2 : i32
        %get3A_814 = arith.index_cast %get3A_813 : i32 to index
        %get3A_815 = arith.index_cast %scan3A_812 : i32 to index
        %get3A_816 = arith.constant 0 : index
        %get3A_817 = tpu.vector_load %arg6[%get3A_814, %get3A_815, %get3A_816] {strides = array<i32>} : memref<4x200x64xf32, #tpu.memory_space<vmem>>, vector<1x1x16xf32>,
        %get3A_818 = vector.shape_cast %get3A_817 : vector<1x1x16xf32> to vector<16xf32>
        %add3A_819 = arith.addf %add3A_789, %get3A_818 : vector<16xf32>
        %get3A_820 = arith.constant 2 : i32
        %get3A_821 = arith.index_cast %get3A_820 : i32 to index
        %get3A_822 = arith.index_cast %scan3A_812 : i32 to index
        %get3A_823 = arith.constant 16 : index
        %get3A_824 = tpu.vector_load %arg6[%get3A_821, %get3A_822, %get3A_823] {strides = array<i32>} : memref<4x200x64xf32, #tpu.memory_space<vmem>>, vector<1x1x16xf32>,
        %get3A_825 = vector.shape_cast %get3A_824 : vector<1x1x16xf32> to vector<16xf32>
        %add3A_826 = arith.addf %add3A_796, %get3A_825 : vector<16xf32>
        %get3A_827 = arith.constant 2 : i32
        %get3A_828 = arith.index_cast %get3A_827 : i32 to index
        %get3A_829 = arith.index_cast %scan3A_812 : i32 to index
        %get3A_830 = arith.constant 32 : index
        %get3A_831 = tpu.vector_load %arg6[%get3A_828, %get3A_829, %get3A_830] {strides = array<i32>} : memref<4x200x64xf32, #tpu.memory_space<vmem>>, vector<1x1x16xf32>,
        %get3A_832 = vector.shape_cast %get3A_831 : vector<1x1x16xf32> to vector<16xf32>
        %add3A_833 = arith.addf %add3A_803, %get3A_832 : vector<16xf32>
        %get3A_834 = arith.constant 2 : i32
        %get3A_835 = arith.index_cast %get3A_834 : i32 to index
        %get3A_836 = arith.index_cast %scan3A_812 : i32 to index
        %get3A_837 = arith.constant 48 : index
        %get3A_838 = tpu.vector_load %arg6[%get3A_835, %get3A_836, %get3A_837] {strides = array<i32>} : memref<4x200x64xf32, #tpu.memory_space<vmem>>, vector<1x1x16xf32>,
        %get3A_839 = vector.shape_cast %get3A_838 : vector<1x1x16xf32> to vector<16xf32>
        %add3A_840 = arith.addf %add3A_810, %get3A_839 : vector<16xf32>
        scf.yield %add3A_819, %add3A_826, %add3A_833, %add3A_840 : vector<16xf32>, vector<16xf32>, vector<16xf32>, vector<16xf32>
      }
      %scan3A_364 = arith.constant 96 : i32
      %swap3A_365 = arith.index_cast %add3A_294 : i32 to index
      %swap3A_366 = arith.constant 0 : index
      %swap3A_367 = tpu.vector_load %arg7[%swap3A_365, %swap3A_366] {strides = array<i32>} : memref<128x64xf32, #tpu.memory_space<vmem>>, vector<1x16xf32>,
      %swap3A_368 = vector.shape_cast %swap3A_367 : vector<1x16xf32> to vector<16xf32>
      %swap3A_369 = vector.shape_cast %scan3A_363#0 : vector<16xf32> to vector<1x16xf32>
      tpu.vector_store %arg7[%swap3A_365, %swap3A_366], %swap3A_369 {strides = array<i32>} : memref<128x64xf32, #tpu.memory_space<vmem>>, vector<1x16xf32>,
      %swap3A_370 = arith.index_cast %add3A_294 : i32 to index
      %swap3A_371 = arith.constant 16 : index
      %swap3A_372 = tpu.vector_load %arg7[%swap3A_370, %swap3A_371] {strides = array<i32>} : memref<128x64xf32, #tpu.memory_space<vmem>>, vector<1x16xf32>,
      %swap3A_373 = vector.shape_cast %swap3A_372 : vector<1x16xf32> to vector<16xf32>
      %swap3A_374 = vector.shape_cast %scan3A_363#1 : vector<16xf32> to vector<1x16xf32>
      tpu.vector_store %arg7[%swap3A_370, %swap3A_371], %swap3A_374 {strides = array<i32>} : memref<128x64xf32, #tpu.memory_space<vmem>>, vector<1x16xf32>,
      %swap3A_375 = arith.index_cast %add3A_294 : i32 to index
      %swap3A_376 = arith.constant 32 : index
      %swap3A_377 = tpu.vector_load %arg7[%swap3A_375, %swap3A_376] {strides = array<i32>} : memref<128x64xf32, #tpu.memory_space<vmem>>, vector<1x16xf32>,
      %swap3A_378 = vector.shape_cast %swap3A_377 : vector<1x16xf32> to vector<16xf32>
      %swap3A_379 = vector.shape_cast %scan3A_363#2 : vector<16xf32> to vector<1x16xf32>
      tpu.vector_store %arg7[%swap3A_375, %swap3A_376], %swap3A_379 {strides = array<i32>} : memref<128x64xf32, #tpu.memory_space<vmem>>, vector<1x16xf32>,
      %swap3A_380 = arith.index_cast %add3A_294 : i32 to index
      %swap3A_381 = arith.constant 48 : index
      %swap3A_382 = tpu.vector_load %arg7[%swap3A_380, %swap3A_381] {strides = array<i32>} : memref<128x64xf32, #tpu.memory_space<vmem>>, vector<1x16xf32>,
      %swap3A_383 = vector.shape_cast %swap3A_382 : vector<1x16xf32> to vector<16xf32>
      %swap3A_384 = vector.shape_cast %scan3A_363#3 : vector<16xf32> to vector<1x16xf32>
      tpu.vector_store %arg7[%swap3A_380, %swap3A_381], %swap3A_384 {strides = array<i32>} : memref<128x64xf32, #tpu.memory_space<vmem>>, vector<1x16xf32>,
      %mul3A_385 = arith.constant 4 : i32
      %mul3A_386 = arith.muli %mul3A_385, %scan3A_109 : i32
      %add3A_387 = arith.constant 3 : i32
      %add3A_388 = arith.addi %mul3A_386, %add3A_387 : i32
      %broadcast_in_dim3A_389 = arith.constant 0.000000e+00 : f32
      %broadcast_in_dim3A_390 = vector.broadcast %broadcast_in_dim3A_389 : f32 to vector<16xf32>
      %broadcast_in_dim3A_391 = arith.constant 0.000000e+00 : f32
      %broadcast_in_dim3A_392 = vector.broadcast %broadcast_in_dim3A_391 : f32 to vector<16xf32>
      %broadcast_in_dim3A_393 = arith.constant 0.000000e+00 : f32
      %broadcast_in_dim3A_394 = vector.broadcast %broadcast_in_dim3A_393 : f32 to vector<16xf32>
      %broadcast_in_dim3A_395 = arith.constant 0.000000e+00 : f32
      %broadcast_in_dim3A_396 = vector.broadcast %broadcast_in_dim3A_395 : f32 to vector<16xf32>
      %dma_wait3A_397 = arith.constant 0 : i32
      %dma_wait3A_398 = arith.constant 3 : i32
      %dma_wait3A_399 = arith.constant 3 : i32
      %dma_wait3A_400 = arith.constant 0 : i32
      %dma_wait3A_401 = arith.constant 0 : i32
      %dma_wait3A_402 = arith.constant 0 : i32
      %dma_wait3A_403 = tpu.memref_slice %arg6[%dma_wait3A_398, %dma_wait3A_401, %dma_wait3A_402] : memref<4x200x64xf32, #tpu.memory_space<vmem>> -> memref<1x104x64xf32, #tpu.memory_space<vmem>>
      %dma_wait3A_404 = tpu.memref_squeeze %dma_wait3A_403 : memref<1x104x64xf32, #tpu.memory_space<vmem>> -> memref<104x64xf32, #tpu.memory_space<vmem>>
      %dma_wait3A_405 = arith.constant 0 : i32
      %dma_wait3A_406 = tpu.memref_slice %arg5[%dma_wait3A_397, %dma_wait3A_405] : memref<128x200xi32, #tpu.memory_space<vmem>> -> memref<1x104xi32, #tpu.memory_space<vmem>>
      %dma_wait3A_407 = tpu.memref_squeeze %dma_wait3A_406 : memref<1x104xi32, #tpu.memory_space<vmem>> -> memref<104xi32, #tpu.memory_space<vmem>>
      %dma_wait3A_408 = arith.constant 0 : i32
      %dma_wait3A_409 = arith.constant 0 : i32
      %dma_wait3A_410 = tpu.memref_slice %arg3[%dma_wait3A_408, %dma_wait3A_409] : memref<100000x64xf32, #tpu.memory_space<hbm>> -> memref<100000x64xf32, #tpu.memory_space<hbm>>
      %dma_wait3A_411 = tpu.memref_slice %arg8[%dma_wait3A_399, %dma_wait3A_400] : memref<4x2x!tpu.dma_semaphore, #tpu.memory_space<semaphore_mem>> -> memref<1x1x!tpu.dma_semaphore, #tpu.memory_space<semaphore_mem>>
      %dma_wait3A_412 = tpu.memref_squeeze %dma_wait3A_411 : memref<1x1x!tpu.dma_semaphore, #tpu.memory_space<semaphore_mem>> -> memref<!tpu.dma_semaphore, #tpu.memory_space<semaphore_mem>>
      tpu.wait_indirect_dma semaphore(%dma_wait3A_412 : memref<!tpu.dma_semaphore, #tpu.memory_space<semaphore_mem>>) src(%dma_wait3A_410 : memref<100000x64xf32, #tpu.memory_space<hbm>>) dst(%dma_wait3A_404 : memref<104x64xf32, #tpu.memory_space<vmem>>)
      %add3A_413 = arith.constant 4 : i32
      %add3A_414 = arith.addi %add3A_388, %add3A_413 : i32
      %sub3A_415 = arith.constant 1 : i32
      %sub3A_416 = arith.subi %add3A_414, %sub3A_415 : i32
      %lt3A_417 = arith.constant 128 : i32
      %lt3A_418 = arith.cmpi slt, %sub3A_416, %lt3A_417 : i32
      %convert_element_type3A_419 = arith.extui %lt3A_418 : i1 to i32
      %cond3A_420 = arith.constant 0 : i32
      %cond3A_421 = arith.cmpi ne, %convert_element_type3A_419, %cond3A_420 : i32
      scf.if %cond3A_421 {
        %add3A_479 = arith.constant 4 : i32
        %add3A_480 = arith.addi %add3A_388, %add3A_479 : i32
        %sub3A_481 = arith.constant 1 : i32
        %sub3A_482 = arith.subi %add3A_480, %sub3A_481 : i32
        %dma_start3A_483 = arith.constant 2 : i32
        %dma_start3A_484 = arith.constant 2 : i32
        %dma_start3A_485 = arith.constant 0 : i32
        %dma_start3A_486 = arith.constant 0 : i32
        %dma_start3A_487 = arith.constant 0 : i32
        %dma_start3A_488 = tpu.memref_slice %arg6[%dma_start3A_483, %dma_start3A_486, %dma_start3A_487] : memref<4x200x64xf32, #tpu.memory_space<vmem>> -> memref<1x104x64xf32, #tpu.memory_space<vmem>>
        %dma_start3A_489 = tpu.memref_squeeze %dma_start3A_488 : memref<1x104x64xf32, #tpu.memory_space<vmem>> -> memref<104x64xf32, #tpu.memory_space<vmem>>
        %dma_start3A_490 = arith.constant 0 : i32
        %dma_start3A_491 = tpu.memref_slice %arg5[%sub3A_482, %dma_start3A_490] : memref<128x200xi32, #tpu.memory_space<vmem>> -> memref<1x104xi32, #tpu.memory_space<vmem>>
        %dma_start3A_492 = tpu.memref_squeeze %dma_start3A_491 : memref<1x104xi32, #tpu.memory_space<vmem>> -> memref<104xi32, #tpu.memory_space<vmem>>
        %dma_start3A_493 = arith.constant 0 : i32
        %dma_start3A_494 = arith.constant 0 : i32
        %dma_start3A_495 = tpu.memref_slice %arg3[%dma_start3A_493, %dma_start3A_494] : memref<100000x64xf32, #tpu.memory_space<hbm>> -> memref<100000x64xf32, #tpu.memory_space<hbm>>
        %dma_start3A_496 = tpu.memref_slice %arg8[%dma_start3A_484, %dma_start3A_485] : memref<4x2x!tpu.dma_semaphore, #tpu.memory_space<semaphore_mem>> -> memref<1x1x!tpu.dma_semaphore, #tpu.memory_space<semaphore_mem>>
        %dma_start3A_497 = tpu.memref_squeeze %dma_start3A_496 : memref<1x1x!tpu.dma_semaphore, #tpu.memory_space<semaphore_mem>> -> memref<!tpu.dma_semaphore, #tpu.memory_space<semaphore_mem>>
        tpu.enqueue_indirect_dma source(%dma_start3A_495 : memref<100000x64xf32, #tpu.memory_space<hbm>>) target(%dma_start3A_489 : memref<104x64xf32, #tpu.memory_space<vmem>>) offsets(%dma_start3A_492 : memref<104xi32, #tpu.memory_space<vmem>>) semaphore(%dma_start3A_497 : memref<!tpu.dma_semaphore, #tpu.memory_space<semaphore_mem>>)
      } else {
      }
      %scan3A_422 = arith.constant 0 : i32
      %scan3A_423 = arith.constant 104 : i32
      %scan3A_424 = arith.addi %scan3A_422, %scan3A_423 : i32
      %scan3A_425 = arith.constant 13 : i32
      %scan3A_426:4 = scf.for %scan3A_479 = %scan3A_422 to %scan3A_424 step %scan3A_425 iter_args(%scan3A_480 = %broadcast_in_dim3A_390, %scan3A_481 = %broadcast_in_dim3A_392, %scan3A_482 = %broadcast_in_dim3A_394, %scan3A_483 = %broadcast_in_dim3A_396) -> (vector<16xf32>, vector<16xf32>, vector<16xf32>, vector<16xf32>)  : i32 {
        %get3A = arith.constant 3 : i32
        %get3A_484 = arith.index_cast %get3A : i32 to index
        %get3A_485 = arith.index_cast %scan3A_479 : i32 to index
        %get3A_486 = arith.constant 0 : index
        %get3A_487 = tpu.vector_load %arg6[%get3A_484, %get3A_485, %get3A_486] {strides = array<i32>} : memref<4x200x64xf32, #tpu.memory_space<vmem>>, vector<1x1x16xf32>,
        %get3A_488 = vector.shape_cast %get3A_487 : vector<1x1x16xf32> to vector<16xf32>
        %add3A_489 = arith.addf %scan3A_480, %get3A_488 : vector<16xf32>
        %get3A_490 = arith.constant 3 : i32
        %get3A_491 = arith.index_cast %get3A_490 : i32 to index
        %get3A_492 = arith.index_cast %scan3A_479 : i32 to index
        %get3A_493 = arith.constant 16 : index
        %get3A_494 = tpu.vector_load %arg6[%get3A_491, %get3A_492, %get3A_493] {strides = array<i32>} : memref<4x200x64xf32, #tpu.memory_space<vmem>>, vector<1x1x16xf32>,
        %get3A_495 = vector.shape_cast %get3A_494 : vector<1x1x16xf32> to vector<16xf32>
        %add3A_496 = arith.addf %scan3A_481, %get3A_495 : vector<16xf32>
        %get3A_497 = arith.constant 3 : i32
        %get3A_498 = arith.index_cast %get3A_497 : i32 to index
        %get3A_499 = arith.index_cast %scan3A_479 : i32 to index
        %get3A_500 = arith.constant 32 : index
        %get3A_501 = tpu.vector_load %arg6[%get3A_498, %get3A_499, %get3A_500] {strides = array<i32>} : memref<4x200x64xf32, #tpu.memory_space<vmem>>, vector<1x1x16xf32>,
        %get3A_502 = vector.shape_cast %get3A_501 : vector<1x1x16xf32> to vector<16xf32>
        %add3A_503 = arith.addf %scan3A_482, %get3A_502 : vector<16xf32>
        %get3A_504 = arith.constant 3 : i32
        %get3A_505 = arith.index_cast %get3A_504 : i32 to index
        %get3A_506 = arith.index_cast %scan3A_479 : i32 to index
        %get3A_507 = arith.constant 48 : index
        %get3A_508 = tpu.vector_load %arg6[%get3A_505, %get3A_506, %get3A_507] {strides = array<i32>} : memref<4x200x64xf32, #tpu.memory_space<vmem>>, vector<1x1x16xf32>,
        %get3A_509 = vector.shape_cast %get3A_508 : vector<1x1x16xf32> to vector<16xf32>
        %add3A_510 = arith.addf %scan3A_483, %get3A_509 : vector<16xf32>
        %scan3A_511 = arith.constant 1 : i32
        %scan3A_512 = arith.addi %scan3A_479, %scan3A_511 : i32
        %get3A_513 = arith.constant 3 : i32
        %get3A_514 = arith.index_cast %get3A_513 : i32 to index
        %get3A_515 = arith.index_cast %scan3A_512 : i32 to index
        %get3A_516 = arith.constant 0 : index
        %get3A_517 = tpu.vector_load %arg6[%get3A_514, %get3A_515, %get3A_516] {strides = array<i32>} : memref<4x200x64xf32, #tpu.memory_space<vmem>>, vector<1x1x16xf32>,
        %get3A_518 = vector.shape_cast %get3A_517 : vector<1x1x16xf32> to vector<16xf32>
        %add3A_519 = arith.addf %add3A_489, %get3A_518 : vector<16xf32>
        %get3A_520 = arith.constant 3 : i32
        %get3A_521 = arith.index_cast %get3A_520 : i32 to index
        %get3A_522 = arith.index_cast %scan3A_512 : i32 to index
        %get3A_523 = arith.constant 16 : index
        %get3A_524 = tpu.vector_load %arg6[%get3A_521, %get3A_522, %get3A_523] {strides = array<i32>} : memref<4x200x64xf32, #tpu.memory_space<vmem>>, vector<1x1x16xf32>,
        %get3A_525 = vector.shape_cast %get3A_524 : vector<1x1x16xf32> to vector<16xf32>
        %add3A_526 = arith.addf %add3A_496, %get3A_525 : vector<16xf32>
        %get3A_527 = arith.constant 3 : i32
        %get3A_528 = arith.index_cast %get3A_527 : i32 to index
        %get3A_529 = arith.index_cast %scan3A_512 : i32 to index
        %get3A_530 = arith.constant 32 : index
        %get3A_531 = tpu.vector_load %arg6[%get3A_528, %get3A_529, %get3A_530] {strides = array<i32>} : memref<4x200x64xf32, #tpu.memory_space<vmem>>, vector<1x1x16xf32>,
        %get3A_532 = vector.shape_cast %get3A_531 : vector<1x1x16xf32> to vector<16xf32>
        %add3A_533 = arith.addf %add3A_503, %get3A_532 : vector<16xf32>
        %get3A_534 = arith.constant 3 : i32
        %get3A_535 = arith.index_cast %get3A_534 : i32 to index
        %get3A_536 = arith.index_cast %scan3A_512 : i32 to index
        %get3A_537 = arith.constant 48 : index
        %get3A_538 = tpu.vector_load %arg6[%get3A_535, %get3A_536, %get3A_537] {strides = array<i32>} : memref<4x200x64xf32, #tpu.memory_space<vmem>>, vector<1x1x16xf32>,
        %get3A_539 = vector.shape_cast %get3A_538 : vector<1x1x16xf32> to vector<16xf32>
        %add3A_540 = arith.addf %add3A_510, %get3A_539 : vector<16xf32>
        %scan3A_541 = arith.constant 2 : i32
        %scan3A_542 = arith.addi %scan3A_479, %scan3A_541 : i32
        %get3A_543 = arith.constant 3 : i32
        %get3A_544 = arith.index_cast %get3A_543 : i32 to index
        %get3A_545 = arith.index_cast %scan3A_542 : i32 to index
        %get3A_546 = arith.constant 0 : index
        %get3A_547 = tpu.vector_load %arg6[%get3A_544, %get3A_545, %get3A_546] {strides = array<i32>} : memref<4x200x64xf32, #tpu.memory_space<vmem>>, vector<1x1x16xf32>,
        %get3A_548 = vector.shape_cast %get3A_547 : vector<1x1x16xf32> to vector<16xf32>
        %add3A_549 = arith.addf %add3A_519, %get3A_548 : vector<16xf32>
        %get3A_550 = arith.constant 3 : i32
        %get3A_551 = arith.index_cast %get3A_550 : i32 to index
        %get3A_552 = arith.index_cast %scan3A_542 : i32 to index
        %get3A_553 = arith.constant 16 : index
        %get3A_554 = tpu.vector_load %arg6[%get3A_551, %get3A_552, %get3A_553] {strides = array<i32>} : memref<4x200x64xf32, #tpu.memory_space<vmem>>, vector<1x1x16xf32>,
        %get3A_555 = vector.shape_cast %get3A_554 : vector<1x1x16xf32> to vector<16xf32>
        %add3A_556 = arith.addf %add3A_526, %get3A_555 : vector<16xf32>
        %get3A_557 = arith.constant 3 : i32
        %get3A_558 = arith.index_cast %get3A_557 : i32 to index
        %get3A_559 = arith.index_cast %scan3A_542 : i32 to index
        %get3A_560 = arith.constant 32 : index
        %get3A_561 = tpu.vector_load %arg6[%get3A_558, %get3A_559, %get3A_560] {strides = array<i32>} : memref<4x200x64xf32, #tpu.memory_space<vmem>>, vector<1x1x16xf32>,
        %get3A_562 = vector.shape_cast %get3A_561 : vector<1x1x16xf32> to vector<16xf32>
        %add3A_563 = arith.addf %add3A_533, %get3A_562 : vector<16xf32>
        %get3A_564 = arith.constant 3 : i32
        %get3A_565 = arith.index_cast %get3A_564 : i32 to index
        %get3A_566 = arith.index_cast %scan3A_542 : i32 to index
        %get3A_567 = arith.constant 48 : index
        %get3A_568 = tpu.vector_load %arg6[%get3A_565, %get3A_566, %get3A_567] {strides = array<i32>} : memref<4x200x64xf32, #tpu.memory_space<vmem>>, vector<1x1x16xf32>,
        %get3A_569 = vector.shape_cast %get3A_568 : vector<1x1x16xf32> to vector<16xf32>
        %add3A_570 = arith.addf %add3A_540, %get3A_569 : vector<16xf32>
        %scan3A_571 = arith.constant 3 : i32
        %scan3A_572 = arith.addi %scan3A_479, %scan3A_571 : i32
        %get3A_573 = arith.constant 3 : i32
        %get3A_574 = arith.index_cast %get3A_573 : i32 to index
        %get3A_575 = arith.index_cast %scan3A_572 : i32 to index
        %get3A_576 = arith.constant 0 : index
        %get3A_577 = tpu.vector_load %arg6[%get3A_574, %get3A_575, %get3A_576] {strides = array<i32>} : memref<4x200x64xf32, #tpu.memory_space<vmem>>, vector<1x1x16xf32>,
        %get3A_578 = vector.shape_cast %get3A_577 : vector<1x1x16xf32> to vector<16xf32>
        %add3A_579 = arith.addf %add3A_549, %get3A_578 : vector<16xf32>
        %get3A_580 = arith.constant 3 : i32
        %get3A_581 = arith.index_cast %get3A_580 : i32 to index
        %get3A_582 = arith.index_cast %scan3A_572 : i32 to index
        %get3A_583 = arith.constant 16 : index
        %get3A_584 = tpu.vector_load %arg6[%get3A_581, %get3A_582, %get3A_583] {strides = array<i32>} : memref<4x200x64xf32, #tpu.memory_space<vmem>>, vector<1x1x16xf32>,
        %get3A_585 = vector.shape_cast %get3A_584 : vector<1x1x16xf32> to vector<16xf32>
        %add3A_586 = arith.addf %add3A_556, %get3A_585 : vector<16xf32>
        %get3A_587 = arith.constant 3 : i32
        %get3A_588 = arith.index_cast %get3A_587 : i32 to index
        %get3A_589 = arith.index_cast %scan3A_572 : i32 to index
        %get3A_590 = arith.constant 32 : index
        %get3A_591 = tpu.vector_load %arg6[%get3A_588, %get3A_589, %get3A_590] {strides = array<i32>} : memref<4x200x64xf32, #tpu.memory_space<vmem>>, vector<1x1x16xf32>,
        %get3A_592 = vector.shape_cast %get3A_591 : vector<1x1x16xf32> to vector<16xf32>
        %add3A_593 = arith.addf %add3A_563, %get3A_592 : vector<16xf32>
        %get3A_594 = arith.constant 3 : i32
        %get3A_595 = arith.index_cast %get3A_594 : i32 to index
        %get3A_596 = arith.index_cast %scan3A_572 : i32 to index
        %get3A_597 = arith.constant 48 : index
        %get3A_598 = tpu.vector_load %arg6[%get3A_595, %get3A_596, %get3A_597] {strides = array<i32>} : memref<4x200x64xf32, #tpu.memory_space<vmem>>, vector<1x1x16xf32>,
        %get3A_599 = vector.shape_cast %get3A_598 : vector<1x1x16xf32> to vector<16xf32>
        %add3A_600 = arith.addf %add3A_570, %get3A_599 : vector<16xf32>
        %scan3A_601 = arith.constant 4 : i32
        %scan3A_602 = arith.addi %scan3A_479, %scan3A_601 : i32
        %get3A_603 = arith.constant 3 : i32
        %get3A_604 = arith.index_cast %get3A_603 : i32 to index
        %get3A_605 = arith.index_cast %scan3A_602 : i32 to index
        %get3A_606 = arith.constant 0 : index
        %get3A_607 = tpu.vector_load %arg6[%get3A_604, %get3A_605, %get3A_606] {strides = array<i32>} : memref<4x200x64xf32, #tpu.memory_space<vmem>>, vector<1x1x16xf32>,
        %get3A_608 = vector.shape_cast %get3A_607 : vector<1x1x16xf32> to vector<16xf32>
        %add3A_609 = arith.addf %add3A_579, %get3A_608 : vector<16xf32>
        %get3A_610 = arith.constant 3 : i32
        %get3A_611 = arith.index_cast %get3A_610 : i32 to index
        %get3A_612 = arith.index_cast %scan3A_602 : i32 to index
        %get3A_613 = arith.constant 16 : index
        %get3A_614 = tpu.vector_load %arg6[%get3A_611, %get3A_612, %get3A_613] {strides = array<i32>} : memref<4x200x64xf32, #tpu.memory_space<vmem>>, vector<1x1x16xf32>,
        %get3A_615 = vector.shape_cast %get3A_614 : vector<1x1x16xf32> to vector<16xf32>
        %add3A_616 = arith.addf %add3A_586, %get3A_615 : vector<16xf32>
        %get3A_617 = arith.constant 3 : i32
        %get3A_618 = arith.index_cast %get3A_617 : i32 to index
        %get3A_619 = arith.index_cast %scan3A_602 : i32 to index
        %get3A_620 = arith.constant 32 : index
        %get3A_621 = tpu.vector_load %arg6[%get3A_618, %get3A_619, %get3A_620] {strides = array<i32>} : memref<4x200x64xf32, #tpu.memory_space<vmem>>, vector<1x1x16xf32>,
        %get3A_622 = vector.shape_cast %get3A_621 : vector<1x1x16xf32> to vector<16xf32>
        %add3A_623 = arith.addf %add3A_593, %get3A_622 : vector<16xf32>
        %get3A_624 = arith.constant 3 : i32
        %get3A_625 = arith.index_cast %get3A_624 : i32 to index
        %get3A_626 = arith.index_cast %scan3A_602 : i32 to index
        %get3A_627 = arith.constant 48 : index
        %get3A_628 = tpu.vector_load %arg6[%get3A_625, %get3A_626, %get3A_627] {strides = array<i32>} : memref<4x200x64xf32, #tpu.memory_space<vmem>>, vector<1x1x16xf32>,
        %get3A_629 = vector.shape_cast %get3A_628 : vector<1x1x16xf32> to vector<16xf32>
        %add3A_630 = arith.addf %add3A_600, %get3A_629 : vector<16xf32>
        %scan3A_631 = arith.constant 5 : i32
        %scan3A_632 = arith.addi %scan3A_479, %scan3A_631 : i32
        %get3A_633 = arith.constant 3 : i32
        %get3A_634 = arith.index_cast %get3A_633 : i32 to index
        %get3A_635 = arith.index_cast %scan3A_632 : i32 to index
        %get3A_636 = arith.constant 0 : index
        %get3A_637 = tpu.vector_load %arg6[%get3A_634, %get3A_635, %get3A_636] {strides = array<i32>} : memref<4x200x64xf32, #tpu.memory_space<vmem>>, vector<1x1x16xf32>,
        %get3A_638 = vector.shape_cast %get3A_637 : vector<1x1x16xf32> to vector<16xf32>
        %add3A_639 = arith.addf %add3A_609, %get3A_638 : vector<16xf32>
        %get3A_640 = arith.constant 3 : i32
        %get3A_641 = arith.index_cast %get3A_640 : i32 to index
        %get3A_642 = arith.index_cast %scan3A_632 : i32 to index
        %get3A_643 = arith.constant 16 : index
        %get3A_644 = tpu.vector_load %arg6[%get3A_641, %get3A_642, %get3A_643] {strides = array<i32>} : memref<4x200x64xf32, #tpu.memory_space<vmem>>, vector<1x1x16xf32>,
        %get3A_645 = vector.shape_cast %get3A_644 : vector<1x1x16xf32> to vector<16xf32>
        %add3A_646 = arith.addf %add3A_616, %get3A_645 : vector<16xf32>
        %get3A_647 = arith.constant 3 : i32
        %get3A_648 = arith.index_cast %get3A_647 : i32 to index
        %get3A_649 = arith.index_cast %scan3A_632 : i32 to index
        %get3A_650 = arith.constant 32 : index
        %get3A_651 = tpu.vector_load %arg6[%get3A_648, %get3A_649, %get3A_650] {strides = array<i32>} : memref<4x200x64xf32, #tpu.memory_space<vmem>>, vector<1x1x16xf32>,
        %get3A_652 = vector.shape_cast %get3A_651 : vector<1x1x16xf32> to vector<16xf32>
        %add3A_653 = arith.addf %add3A_623, %get3A_652 : vector<16xf32>
        %get3A_654 = arith.constant 3 : i32
        %get3A_655 = arith.index_cast %get3A_654 : i32 to index
        %get3A_656 = arith.index_cast %scan3A_632 : i32 to index
        %get3A_657 = arith.constant 48 : index
        %get3A_658 = tpu.vector_load %arg6[%get3A_655, %get3A_656, %get3A_657] {strides = array<i32>} : memref<4x200x64xf32, #tpu.memory_space<vmem>>, vector<1x1x16xf32>,
        %get3A_659 = vector.shape_cast %get3A_658 : vector<1x1x16xf32> to vector<16xf32>
        %add3A_660 = arith.addf %add3A_630, %get3A_659 : vector<16xf32>
        %scan3A_661 = arith.constant 6 : i32
        %scan3A_662 = arith.addi %scan3A_479, %scan3A_661 : i32
        %get3A_663 = arith.constant 3 : i32
        %get3A_664 = arith.index_cast %get3A_663 : i32 to index
        %get3A_665 = arith.index_cast %scan3A_662 : i32 to index
        %get3A_666 = arith.constant 0 : index
        %get3A_667 = tpu.vector_load %arg6[%get3A_664, %get3A_665, %get3A_666] {strides = array<i32>} : memref<4x200x64xf32, #tpu.memory_space<vmem>>, vector<1x1x16xf32>,
        %get3A_668 = vector.shape_cast %get3A_667 : vector<1x1x16xf32> to vector<16xf32>
        %add3A_669 = arith.addf %add3A_639, %get3A_668 : vector<16xf32>
        %get3A_670 = arith.constant 3 : i32
        %get3A_671 = arith.index_cast %get3A_670 : i32 to index
        %get3A_672 = arith.index_cast %scan3A_662 : i32 to index
        %get3A_673 = arith.constant 16 : index
        %get3A_674 = tpu.vector_load %arg6[%get3A_671, %get3A_672, %get3A_673] {strides = array<i32>} : memref<4x200x64xf32, #tpu.memory_space<vmem>>, vector<1x1x16xf32>,
        %get3A_675 = vector.shape_cast %get3A_674 : vector<1x1x16xf32> to vector<16xf32>
        %add3A_676 = arith.addf %add3A_646, %get3A_675 : vector<16xf32>
        %get3A_677 = arith.constant 3 : i32
        %get3A_678 = arith.index_cast %get3A_677 : i32 to index
        %get3A_679 = arith.index_cast %scan3A_662 : i32 to index
        %get3A_680 = arith.constant 32 : index
        %get3A_681 = tpu.vector_load %arg6[%get3A_678, %get3A_679, %get3A_680] {strides = array<i32>} : memref<4x200x64xf32, #tpu.memory_space<vmem>>, vector<1x1x16xf32>,
        %get3A_682 = vector.shape_cast %get3A_681 : vector<1x1x16xf32> to vector<16xf32>
        %add3A_683 = arith.addf %add3A_653, %get3A_682 : vector<16xf32>
        %get3A_684 = arith.constant 3 : i32
        %get3A_685 = arith.index_cast %get3A_684 : i32 to index
        %get3A_686 = arith.index_cast %scan3A_662 : i32 to index
        %get3A_687 = arith.constant 48 : index
        %get3A_688 = tpu.vector_load %arg6[%get3A_685, %get3A_686, %get3A_687] {strides = array<i32>} : memref<4x200x64xf32, #tpu.memory_space<vmem>>, vector<1x1x16xf32>,
        %get3A_689 = vector.shape_cast %get3A_688 : vector<1x1x16xf32> to vector<16xf32>
        %add3A_690 = arith.addf %add3A_660, %get3A_689 : vector<16xf32>
        %scan3A_691 = arith.constant 7 : i32
        %scan3A_692 = arith.addi %scan3A_479, %scan3A_691 : i32
        %get3A_693 = arith.constant 3 : i32
        %get3A_694 = arith.index_cast %get3A_693 : i32 to index
        %get3A_695 = arith.index_cast %scan3A_692 : i32 to index
        %get3A_696 = arith.constant 0 : index
        %get3A_697 = tpu.vector_load %arg6[%get3A_694, %get3A_695, %get3A_696] {strides = array<i32>} : memref<4x200x64xf32, #tpu.memory_space<vmem>>, vector<1x1x16xf32>,
        %get3A_698 = vector.shape_cast %get3A_697 : vector<1x1x16xf32> to vector<16xf32>
        %add3A_699 = arith.addf %add3A_669, %get3A_698 : vector<16xf32>
        %get3A_700 = arith.constant 3 : i32
        %get3A_701 = arith.index_cast %get3A_700 : i32 to index
        %get3A_702 = arith.index_cast %scan3A_692 : i32 to index
        %get3A_703 = arith.constant 16 : index
        %get3A_704 = tpu.vector_load %arg6[%get3A_701, %get3A_702, %get3A_703] {strides = array<i32>} : memref<4x200x64xf32, #tpu.memory_space<vmem>>, vector<1x1x16xf32>,
        %get3A_705 = vector.shape_cast %get3A_704 : vector<1x1x16xf32> to vector<16xf32>
        %add3A_706 = arith.addf %add3A_676, %get3A_705 : vector<16xf32>
        %get3A_707 = arith.constant 3 : i32
        %get3A_708 = arith.index_cast %get3A_707 : i32 to index
        %get3A_709 = arith.index_cast %scan3A_692 : i32 to index
        %get3A_710 = arith.constant 32 : index
        %get3A_711 = tpu.vector_load %arg6[%get3A_708, %get3A_709, %get3A_710] {strides = array<i32>} : memref<4x200x64xf32, #tpu.memory_space<vmem>>, vector<1x1x16xf32>,
        %get3A_712 = vector.shape_cast %get3A_711 : vector<1x1x16xf32> to vector<16xf32>
        %add3A_713 = arith.addf %add3A_683, %get3A_712 : vector<16xf32>
        %get3A_714 = arith.constant 3 : i32
        %get3A_715 = arith.index_cast %get3A_714 : i32 to index
        %get3A_716 = arith.index_cast %scan3A_692 : i32 to index
        %get3A_717 = arith.constant 48 : index
        %get3A_718 = tpu.vector_load %arg6[%get3A_715, %get3A_716, %get3A_717] {strides = array<i32>} : memref<4x200x64xf32, #tpu.memory_space<vmem>>, vector<1x1x16xf32>,
        %get3A_719 = vector.shape_cast %get3A_718 : vector<1x1x16xf32> to vector<16xf32>
        %add3A_720 = arith.addf %add3A_690, %get3A_719 : vector<16xf32>
        %scan3A_721 = arith.constant 8 : i32
        %scan3A_722 = arith.addi %scan3A_479, %scan3A_721 : i32
        %get3A_723 = arith.constant 3 : i32
        %get3A_724 = arith.index_cast %get3A_723 : i32 to index
        %get3A_725 = arith.index_cast %scan3A_722 : i32 to index
        %get3A_726 = arith.constant 0 : index
        %get3A_727 = tpu.vector_load %arg6[%get3A_724, %get3A_725, %get3A_726] {strides = array<i32>} : memref<4x200x64xf32, #tpu.memory_space<vmem>>, vector<1x1x16xf32>,
        %get3A_728 = vector.shape_cast %get3A_727 : vector<1x1x16xf32> to vector<16xf32>
        %add3A_729 = arith.addf %add3A_699, %get3A_728 : vector<16xf32>
        %get3A_730 = arith.constant 3 : i32
        %get3A_731 = arith.index_cast %get3A_730 : i32 to index
        %get3A_732 = arith.index_cast %scan3A_722 : i32 to index
        %get3A_733 = arith.constant 16 : index
        %get3A_734 = tpu.vector_load %arg6[%get3A_731, %get3A_732, %get3A_733] {strides = array<i32>} : memref<4x200x64xf32, #tpu.memory_space<vmem>>, vector<1x1x16xf32>,
        %get3A_735 = vector.shape_cast %get3A_734 : vector<1x1x16xf32> to vector<16xf32>
        %add3A_736 = arith.addf %add3A_706, %get3A_735 : vector<16xf32>
        %get3A_737 = arith.constant 3 : i32
        %get3A_738 = arith.index_cast %get3A_737 : i32 to index
        %get3A_739 = arith.index_cast %scan3A_722 : i32 to index
        %get3A_740 = arith.constant 32 : index
        %get3A_741 = tpu.vector_load %arg6[%get3A_738, %get3A_739, %get3A_740] {strides = array<i32>} : memref<4x200x64xf32, #tpu.memory_space<vmem>>, vector<1x1x16xf32>,
        %get3A_742 = vector.shape_cast %get3A_741 : vector<1x1x16xf32> to vector<16xf32>
        %add3A_743 = arith.addf %add3A_713, %get3A_742 : vector<16xf32>
        %get3A_744 = arith.constant 3 : i32
        %get3A_745 = arith.index_cast %get3A_744 : i32 to index
        %get3A_746 = arith.index_cast %scan3A_722 : i32 to index
        %get3A_747 = arith.constant 48 : index
        %get3A_748 = tpu.vector_load %arg6[%get3A_745, %get3A_746, %get3A_747] {strides = array<i32>} : memref<4x200x64xf32, #tpu.memory_space<vmem>>, vector<1x1x16xf32>,
        %get3A_749 = vector.shape_cast %get3A_748 : vector<1x1x16xf32> to vector<16xf32>
        %add3A_750 = arith.addf %add3A_720, %get3A_749 : vector<16xf32>
        %scan3A_751 = arith.constant 9 : i32
        %scan3A_752 = arith.addi %scan3A_479, %scan3A_751 : i32
        %get3A_753 = arith.constant 3 : i32
        %get3A_754 = arith.index_cast %get3A_753 : i32 to index
        %get3A_755 = arith.index_cast %scan3A_752 : i32 to index
        %get3A_756 = arith.constant 0 : index
        %get3A_757 = tpu.vector_load %arg6[%get3A_754, %get3A_755, %get3A_756] {strides = array<i32>} : memref<4x200x64xf32, #tpu.memory_space<vmem>>, vector<1x1x16xf32>,
        %get3A_758 = vector.shape_cast %get3A_757 : vector<1x1x16xf32> to vector<16xf32>
        %add3A_759 = arith.addf %add3A_729, %get3A_758 : vector<16xf32>
        %get3A_760 = arith.constant 3 : i32
        %get3A_761 = arith.index_cast %get3A_760 : i32 to index
        %get3A_762 = arith.index_cast %scan3A_752 : i32 to index
        %get3A_763 = arith.constant 16 : index
        %get3A_764 = tpu.vector_load %arg6[%get3A_761, %get3A_762, %get3A_763] {strides = array<i32>} : memref<4x200x64xf32, #tpu.memory_space<vmem>>, vector<1x1x16xf32>,
        %get3A_765 = vector.shape_cast %get3A_764 : vector<1x1x16xf32> to vector<16xf32>
        %add3A_766 = arith.addf %add3A_736, %get3A_765 : vector<16xf32>
        %get3A_767 = arith.constant 3 : i32
        %get3A_768 = arith.index_cast %get3A_767 : i32 to index
        %get3A_769 = arith.index_cast %scan3A_752 : i32 to index
        %get3A_770 = arith.constant 32 : index
        %get3A_771 = tpu.vector_load %arg6[%get3A_768, %get3A_769, %get3A_770] {strides = array<i32>} : memref<4x200x64xf32, #tpu.memory_space<vmem>>, vector<1x1x16xf32>,
        %get3A_772 = vector.shape_cast %get3A_771 : vector<1x1x16xf32> to vector<16xf32>
        %add3A_773 = arith.addf %add3A_743, %get3A_772 : vector<16xf32>
        %get3A_774 = arith.constant 3 : i32
        %get3A_775 = arith.index_cast %get3A_774 : i32 to index
        %get3A_776 = arith.index_cast %scan3A_752 : i32 to index
        %get3A_777 = arith.constant 48 : index
        %get3A_778 = tpu.vector_load %arg6[%get3A_775, %get3A_776, %get3A_777] {strides = array<i32>} : memref<4x200x64xf32, #tpu.memory_space<vmem>>, vector<1x1x16xf32>,
        %get3A_779 = vector.shape_cast %get3A_778 : vector<1x1x16xf32> to vector<16xf32>
        %add3A_780 = arith.addf %add3A_750, %get3A_779 : vector<16xf32>
        %scan3A_781 = arith.constant 10 : i32
        %scan3A_782 = arith.addi %scan3A_479, %scan3A_781 : i32
        %get3A_783 = arith.constant 3 : i32
        %get3A_784 = arith.index_cast %get3A_783 : i32 to index
        %get3A_785 = arith.index_cast %scan3A_782 : i32 to index
        %get3A_786 = arith.constant 0 : index
        %get3A_787 = tpu.vector_load %arg6[%get3A_784, %get3A_785, %get3A_786] {strides = array<i32>} : memref<4x200x64xf32, #tpu.memory_space<vmem>>, vector<1x1x16xf32>,
        %get3A_788 = vector.shape_cast %get3A_787 : vector<1x1x16xf32> to vector<16xf32>
        %add3A_789 = arith.addf %add3A_759, %get3A_788 : vector<16xf32>
        %get3A_790 = arith.constant 3 : i32
        %get3A_791 = arith.index_cast %get3A_790 : i32 to index
        %get3A_792 = arith.index_cast %scan3A_782 : i32 to index
        %get3A_793 = arith.constant 16 : index
        %get3A_794 = tpu.vector_load %arg6[%get3A_791, %get3A_792, %get3A_793] {strides = array<i32>} : memref<4x200x64xf32, #tpu.memory_space<vmem>>, vector<1x1x16xf32>,
        %get3A_795 = vector.shape_cast %get3A_794 : vector<1x1x16xf32> to vector<16xf32>
        %add3A_796 = arith.addf %add3A_766, %get3A_795 : vector<16xf32>
        %get3A_797 = arith.constant 3 : i32
        %get3A_798 = arith.index_cast %get3A_797 : i32 to index
        %get3A_799 = arith.index_cast %scan3A_782 : i32 to index
        %get3A_800 = arith.constant 32 : index
        %get3A_801 = tpu.vector_load %arg6[%get3A_798, %get3A_799, %get3A_800] {strides = array<i32>} : memref<4x200x64xf32, #tpu.memory_space<vmem>>, vector<1x1x16xf32>,
        %get3A_802 = vector.shape_cast %get3A_801 : vector<1x1x16xf32> to vector<16xf32>
        %add3A_803 = arith.addf %add3A_773, %get3A_802 : vector<16xf32>
        %get3A_804 = arith.constant 3 : i32
        %get3A_805 = arith.index_cast %get3A_804 : i32 to index
        %get3A_806 = arith.index_cast %scan3A_782 : i32 to index
        %get3A_807 = arith.constant 48 : index
        %get3A_808 = tpu.vector_load %arg6[%get3A_805, %get3A_806, %get3A_807] {strides = array<i32>} : memref<4x200x64xf32, #tpu.memory_space<vmem>>, vector<1x1x16xf32>,
        %get3A_809 = vector.shape_cast %get3A_808 : vector<1x1x16xf32> to vector<16xf32>
        %add3A_810 = arith.addf %add3A_780, %get3A_809 : vector<16xf32>
        %scan3A_811 = arith.constant 11 : i32
        %scan3A_812 = arith.addi %scan3A_479, %scan3A_811 : i32
        %get3A_813 = arith.constant 3 : i32
        %get3A_814 = arith.index_cast %get3A_813 : i32 to index
        %get3A_815 = arith.index_cast %scan3A_812 : i32 to index
        %get3A_816 = arith.constant 0 : index
        %get3A_817 = tpu.vector_load %arg6[%get3A_814, %get3A_815, %get3A_816] {strides = array<i32>} : memref<4x200x64xf32, #tpu.memory_space<vmem>>, vector<1x1x16xf32>,
        %get3A_818 = vector.shape_cast %get3A_817 : vector<1x1x16xf32> to vector<16xf32>
        %add3A_819 = arith.addf %add3A_789, %get3A_818 : vector<16xf32>
        %get3A_820 = arith.constant 3 : i32
        %get3A_821 = arith.index_cast %get3A_820 : i32 to index
        %get3A_822 = arith.index_cast %scan3A_812 : i32 to index
        %get3A_823 = arith.constant 16 : index
        %get3A_824 = tpu.vector_load %arg6[%get3A_821, %get3A_822, %get3A_823] {strides = array<i32>} : memref<4x200x64xf32, #tpu.memory_space<vmem>>, vector<1x1x16xf32>,
        %get3A_825 = vector.shape_cast %get3A_824 : vector<1x1x16xf32> to vector<16xf32>
        %add3A_826 = arith.addf %add3A_796, %get3A_825 : vector<16xf32>
        %get3A_827 = arith.constant 3 : i32
        %get3A_828 = arith.index_cast %get3A_827 : i32 to index
        %get3A_829 = arith.index_cast %scan3A_812 : i32 to index
        %get3A_830 = arith.constant 32 : index
        %get3A_831 = tpu.vector_load %arg6[%get3A_828, %get3A_829, %get3A_830] {strides = array<i32>} : memref<4x200x64xf32, #tpu.memory_space<vmem>>, vector<1x1x16xf32>,
        %get3A_832 = vector.shape_cast %get3A_831 : vector<1x1x16xf32> to vector<16xf32>
        %add3A_833 = arith.addf %add3A_803, %get3A_832 : vector<16xf32>
        %get3A_834 = arith.constant 3 : i32
        %get3A_835 = arith.index_cast %get3A_834 : i32 to index
        %get3A_836 = arith.index_cast %scan3A_812 : i32 to index
        %get3A_837 = arith.constant 48 : index
        %get3A_838 = tpu.vector_load %arg6[%get3A_835, %get3A_836, %get3A_837] {strides = array<i32>} : memref<4x200x64xf32, #tpu.memory_space<vmem>>, vector<1x1x16xf32>,
        %get3A_839 = vector.shape_cast %get3A_838 : vector<1x1x16xf32> to vector<16xf32>
        %add3A_840 = arith.addf %add3A_810, %get3A_839 : vector<16xf32>
        %scan3A_841 = arith.constant 12 : i32
        %scan3A_842 = arith.addi %scan3A_479, %scan3A_841 : i32
        %get3A_843 = arith.constant 3 : i32
        %get3A_844 = arith.index_cast %get3A_843 : i32 to index
        %get3A_845 = arith.index_cast %scan3A_842 : i32 to index
        %get3A_846 = arith.constant 0 : index
        %get3A_847 = tpu.vector_load %arg6[%get3A_844, %get3A_845, %get3A_846] {strides = array<i32>} : memref<4x200x64xf32, #tpu.memory_space<vmem>>, vector<1x1x16xf32>,
        %get3A_848 = vector.shape_cast %get3A_847 : vector<1x1x16xf32> to vector<16xf32>
        %add3A_849 = arith.addf %add3A_819, %get3A_848 : vector<16xf32>
        %get3A_850 = arith.constant 3 : i32
        %get3A_851 = arith.index_cast %get3A_850 : i32 to index
        %get3A_852 = arith.index_cast %scan3A_842 : i32 to index
        %get3A_853 = arith.constant 16 : index
        %get3A_854 = tpu.vector_load %arg6[%get3A_851, %get3A_852, %get3A_853] {strides = array<i32>} : memref<4x200x64xf32, #tpu.memory_space<vmem>>, vector<1x1x16xf32>,
        %get3A_855 = vector.shape_cast %get3A_854 : vector<1x1x16xf32> to vector<16xf32>
        %add3A_856 = arith.addf %add3A_826, %get3A_855 : vector<16xf32>
        %get3A_857 = arith.constant 3 : i32
        %get3A_858 = arith.index_cast %get3A_857 : i32 to index
        %get3A_859 = arith.index_cast %scan3A_842 : i32 to index
        %get3A_860 = arith.constant 32 : index
        %get3A_861 = tpu.vector_load %arg6[%get3A_858, %get3A_859, %get3A_860] {strides = array<i32>} : memref<4x200x64xf32, #tpu.memory_space<vmem>>, vector<1x1x16xf32>,
        %get3A_862 = vector.shape_cast %get3A_861 : vector<1x1x16xf32> to vector<16xf32>
        %add3A_863 = arith.addf %add3A_833, %get3A_862 : vector<16xf32>
        %get3A_864 = arith.constant 3 : i32
        %get3A_865 = arith.index_cast %get3A_864 : i32 to index
        %get3A_866 = arith.index_cast %scan3A_842 : i32 to index
        %get3A_867 = arith.constant 48 : index
        %get3A_868 = tpu.vector_load %arg6[%get3A_865, %get3A_866, %get3A_867] {strides = array<i32>} : memref<4x200x64xf32, #tpu.memory_space<vmem>>, vector<1x1x16xf32>,
        %get3A_869 = vector.shape_cast %get3A_868 : vector<1x1x16xf32> to vector<16xf32>
        %add3A_870 = arith.addf %add3A_840, %get3A_869 : vector<16xf32>
        scf.yield %add3A_849, %add3A_856, %add3A_863, %add3A_870 : vector<16xf32>, vector<16xf32>, vector<16xf32>, vector<16xf32>
      }
      %scan3A_427 = arith.constant 104 : i32
      %dma_wait3A_428 = arith.constant 0 : i32
      %dma_wait3A_429 = arith.constant 3 : i32
      %dma_wait3A_430 = arith.constant 3 : i32
      %dma_wait3A_431 = arith.constant 1 : i32
      %dma_wait3A_432 = arith.constant 104 : i32
      %dma_wait3A_433 = arith.constant 0 : i32
      %dma_wait3A_434 = tpu.memref_slice %arg6[%dma_wait3A_429, %dma_wait3A_432, %dma_wait3A_433] : memref<4x200x64xf32, #tpu.memory_space<vmem>> -> memref<1x96x64xf32, #tpu.memory_space<vmem>>
      %dma_wait3A_435 = tpu.memref_squeeze %dma_wait3A_434 : memref<1x96x64xf32, #tpu.memory_space<vmem>> -> memref<96x64xf32, #tpu.memory_space<vmem>>
      %dma_wait3A_436 = arith.constant 0 : i32
      %dma_wait3A_437 = tpu.memref_slice %arg5[%dma_wait3A_428, %dma_wait3A_436] : memref<128x200xi32, #tpu.memory_space<vmem>> -> memref<1x96xi32, #tpu.memory_space<vmem>>
      %dma_wait3A_438 = tpu.memref_squeeze %dma_wait3A_437 : memref<1x96xi32, #tpu.memory_space<vmem>> -> memref<96xi32, #tpu.memory_space<vmem>>
      %dma_wait3A_439 = arith.constant 0 : i32
      %dma_wait3A_440 = arith.constant 0 : i32
      %dma_wait3A_441 = tpu.memref_slice %arg3[%dma_wait3A_439, %dma_wait3A_440] : memref<100000x64xf32, #tpu.memory_space<hbm>> -> memref<100000x64xf32, #tpu.memory_space<hbm>>
      %dma_wait3A_442 = tpu.memref_slice %arg8[%dma_wait3A_430, %dma_wait3A_431] : memref<4x2x!tpu.dma_semaphore, #tpu.memory_space<semaphore_mem>> -> memref<1x1x!tpu.dma_semaphore, #tpu.memory_space<semaphore_mem>>
      %dma_wait3A_443 = tpu.memref_squeeze %dma_wait3A_442 : memref<1x1x!tpu.dma_semaphore, #tpu.memory_space<semaphore_mem>> -> memref<!tpu.dma_semaphore, #tpu.memory_space<semaphore_mem>>
      tpu.wait_indirect_dma semaphore(%dma_wait3A_443 : memref<!tpu.dma_semaphore, #tpu.memory_space<semaphore_mem>>) src(%dma_wait3A_441 : memref<100000x64xf32, #tpu.memory_space<hbm>>) dst(%dma_wait3A_435 : memref<96x64xf32, #tpu.memory_space<vmem>>)
      %add3A_444 = arith.constant 4 : i32
      %add3A_445 = arith.addi %add3A_388, %add3A_444 : i32
      %sub3A_446 = arith.constant 1 : i32
      %sub3A_447 = arith.subi %add3A_445, %sub3A_446 : i32
      %lt3A_448 = arith.constant 128 : i32
      %lt3A_449 = arith.cmpi slt, %sub3A_447, %lt3A_448 : i32
      %convert_element_type3A_450 = arith.extui %lt3A_449 : i1 to i32
      %cond3A_451 = arith.constant 0 : i32
      %cond3A_452 = arith.cmpi ne, %convert_element_type3A_450, %cond3A_451 : i32
      scf.if %cond3A_452 {
        %add3A_479 = arith.constant 4 : i32
        %add3A_480 = arith.addi %add3A_388, %add3A_479 : i32
        %sub3A_481 = arith.constant 1 : i32
        %sub3A_482 = arith.subi %add3A_480, %sub3A_481 : i32
        %dma_start3A_483 = arith.constant 2 : i32
        %dma_start3A_484 = arith.constant 2 : i32
        %dma_start3A_485 = arith.constant 1 : i32
        %dma_start3A_486 = arith.constant 104 : i32
        %dma_start3A_487 = arith.constant 0 : i32
        %dma_start3A_488 = tpu.memref_slice %arg6[%dma_start3A_483, %dma_start3A_486, %dma_start3A_487] : memref<4x200x64xf32, #tpu.memory_space<vmem>> -> memref<1x96x64xf32, #tpu.memory_space<vmem>>
        %dma_start3A_489 = tpu.memref_squeeze %dma_start3A_488 : memref<1x96x64xf32, #tpu.memory_space<vmem>> -> memref<96x64xf32, #tpu.memory_space<vmem>>
        %dma_start3A_490 = arith.constant 104 : i32
        %dma_start3A_491 = tpu.memref_slice %arg5[%sub3A_482, %dma_start3A_490] : memref<128x200xi32, #tpu.memory_space<vmem>> -> memref<1x96xi32, #tpu.memory_space<vmem>>
        %dma_start3A_492 = tpu.memref_squeeze %dma_start3A_491 : memref<1x96xi32, #tpu.memory_space<vmem>> -> memref<96xi32, #tpu.memory_space<vmem>>
        %dma_start3A_493 = arith.constant 0 : i32
        %dma_start3A_494 = arith.constant 0 : i32
        %dma_start3A_495 = tpu.memref_slice %arg3[%dma_start3A_493, %dma_start3A_494] : memref<100000x64xf32, #tpu.memory_space<hbm>> -> memref<100000x64xf32, #tpu.memory_space<hbm>>
        %dma_start3A_496 = tpu.memref_slice %arg8[%dma_start3A_484, %dma_start3A_485] : memref<4x2x!tpu.dma_semaphore, #tpu.memory_space<semaphore_mem>> -> memref<1x1x!tpu.dma_semaphore, #tpu.memory_space<semaphore_mem>>
        %dma_start3A_497 = tpu.memref_squeeze %dma_start3A_496 : memref<1x1x!tpu.dma_semaphore, #tpu.memory_space<semaphore_mem>> -> memref<!tpu.dma_semaphore, #tpu.memory_space<semaphore_mem>>
        tpu.enqueue_indirect_dma source(%dma_start3A_495 : memref<100000x64xf32, #tpu.memory_space<hbm>>) target(%dma_start3A_489 : memref<96x64xf32, #tpu.memory_space<vmem>>) offsets(%dma_start3A_492 : memref<96xi32, #tpu.memory_space<vmem>>) semaphore(%dma_start3A_497 : memref<!tpu.dma_semaphore, #tpu.memory_space<semaphore_mem>>)
      } else {
      }
      %scan3A_453 = arith.constant 104 : i32
      %scan3A_454 = arith.constant 96 : i32
      %scan3A_455 = arith.addi %scan3A_453, %scan3A_454 : i32
      %scan3A_456 = arith.constant 12 : i32
      %scan3A_457:4 = scf.for %scan3A_479 = %scan3A_453 to %scan3A_455 step %scan3A_456 iter_args(%scan3A_480 = %scan3A_426#0, %scan3A_481 = %scan3A_426#1, %scan3A_482 = %scan3A_426#2, %scan3A_483 = %scan3A_426#3) -> (vector<16xf32>, vector<16xf32>, vector<16xf32>, vector<16xf32>)  : i32 {
        %get3A = arith.constant 3 : i32
        %get3A_484 = arith.index_cast %get3A : i32 to index
        %get3A_485 = arith.index_cast %scan3A_479 : i32 to index
        %get3A_486 = arith.constant 0 : index
        %get3A_487 = tpu.vector_load %arg6[%get3A_484, %get3A_485, %get3A_486] {strides = array<i32>} : memref<4x200x64xf32, #tpu.memory_space<vmem>>, vector<1x1x16xf32>,
        %get3A_488 = vector.shape_cast %get3A_487 : vector<1x1x16xf32> to vector<16xf32>
        %add3A_489 = arith.addf %scan3A_480, %get3A_488 : vector<16xf32>
        %get3A_490 = arith.constant 3 : i32
        %get3A_491 = arith.index_cast %get3A_490 : i32 to index
        %get3A_492 = arith.index_cast %scan3A_479 : i32 to index
        %get3A_493 = arith.constant 16 : index
        %get3A_494 = tpu.vector_load %arg6[%get3A_491, %get3A_492, %get3A_493] {strides = array<i32>} : memref<4x200x64xf32, #tpu.memory_space<vmem>>, vector<1x1x16xf32>,
        %get3A_495 = vector.shape_cast %get3A_494 : vector<1x1x16xf32> to vector<16xf32>
        %add3A_496 = arith.addf %scan3A_481, %get3A_495 : vector<16xf32>
        %get3A_497 = arith.constant 3 : i32
        %get3A_498 = arith.index_cast %get3A_497 : i32 to index
        %get3A_499 = arith.index_cast %scan3A_479 : i32 to index
        %get3A_500 = arith.constant 32 : index
        %get3A_501 = tpu.vector_load %arg6[%get3A_498, %get3A_499, %get3A_500] {strides = array<i32>} : memref<4x200x64xf32, #tpu.memory_space<vmem>>, vector<1x1x16xf32>,
        %get3A_502 = vector.shape_cast %get3A_501 : vector<1x1x16xf32> to vector<16xf32>
        %add3A_503 = arith.addf %scan3A_482, %get3A_502 : vector<16xf32>
        %get3A_504 = arith.constant 3 : i32
        %get3A_505 = arith.index_cast %get3A_504 : i32 to index
        %get3A_506 = arith.index_cast %scan3A_479 : i32 to index
        %get3A_507 = arith.constant 48 : index
        %get3A_508 = tpu.vector_load %arg6[%get3A_505, %get3A_506, %get3A_507] {strides = array<i32>} : memref<4x200x64xf32, #tpu.memory_space<vmem>>, vector<1x1x16xf32>,
        %get3A_509 = vector.shape_cast %get3A_508 : vector<1x1x16xf32> to vector<16xf32>
        %add3A_510 = arith.addf %scan3A_483, %get3A_509 : vector<16xf32>
        %scan3A_511 = arith.constant 1 : i32
        %scan3A_512 = arith.addi %scan3A_479, %scan3A_511 : i32
        %get3A_513 = arith.constant 3 : i32
        %get3A_514 = arith.index_cast %get3A_513 : i32 to index
        %get3A_515 = arith.index_cast %scan3A_512 : i32 to index
        %get3A_516 = arith.constant 0 : index
        %get3A_517 = tpu.vector_load %arg6[%get3A_514, %get3A_515, %get3A_516] {strides = array<i32>} : memref<4x200x64xf32, #tpu.memory_space<vmem>>, vector<1x1x16xf32>,
        %get3A_518 = vector.shape_cast %get3A_517 : vector<1x1x16xf32> to vector<16xf32>
        %add3A_519 = arith.addf %add3A_489, %get3A_518 : vector<16xf32>
        %get3A_520 = arith.constant 3 : i32
        %get3A_521 = arith.index_cast %get3A_520 : i32 to index
        %get3A_522 = arith.index_cast %scan3A_512 : i32 to index
        %get3A_523 = arith.constant 16 : index
        %get3A_524 = tpu.vector_load %arg6[%get3A_521, %get3A_522, %get3A_523] {strides = array<i32>} : memref<4x200x64xf32, #tpu.memory_space<vmem>>, vector<1x1x16xf32>,
        %get3A_525 = vector.shape_cast %get3A_524 : vector<1x1x16xf32> to vector<16xf32>
        %add3A_526 = arith.addf %add3A_496, %get3A_525 : vector<16xf32>
        %get3A_527 = arith.constant 3 : i32
        %get3A_528 = arith.index_cast %get3A_527 : i32 to index
        %get3A_529 = arith.index_cast %scan3A_512 : i32 to index
        %get3A_530 = arith.constant 32 : index
        %get3A_531 = tpu.vector_load %arg6[%get3A_528, %get3A_529, %get3A_530] {strides = array<i32>} : memref<4x200x64xf32, #tpu.memory_space<vmem>>, vector<1x1x16xf32>,
        %get3A_532 = vector.shape_cast %get3A_531 : vector<1x1x16xf32> to vector<16xf32>
        %add3A_533 = arith.addf %add3A_503, %get3A_532 : vector<16xf32>
        %get3A_534 = arith.constant 3 : i32
        %get3A_535 = arith.index_cast %get3A_534 : i32 to index
        %get3A_536 = arith.index_cast %scan3A_512 : i32 to index
        %get3A_537 = arith.constant 48 : index
        %get3A_538 = tpu.vector_load %arg6[%get3A_535, %get3A_536, %get3A_537] {strides = array<i32>} : memref<4x200x64xf32, #tpu.memory_space<vmem>>, vector<1x1x16xf32>,
        %get3A_539 = vector.shape_cast %get3A_538 : vector<1x1x16xf32> to vector<16xf32>
        %add3A_540 = arith.addf %add3A_510, %get3A_539 : vector<16xf32>
        %scan3A_541 = arith.constant 2 : i32
        %scan3A_542 = arith.addi %scan3A_479, %scan3A_541 : i32
        %get3A_543 = arith.constant 3 : i32
        %get3A_544 = arith.index_cast %get3A_543 : i32 to index
        %get3A_545 = arith.index_cast %scan3A_542 : i32 to index
        %get3A_546 = arith.constant 0 : index
        %get3A_547 = tpu.vector_load %arg6[%get3A_544, %get3A_545, %get3A_546] {strides = array<i32>} : memref<4x200x64xf32, #tpu.memory_space<vmem>>, vector<1x1x16xf32>,
        %get3A_548 = vector.shape_cast %get3A_547 : vector<1x1x16xf32> to vector<16xf32>
        %add3A_549 = arith.addf %add3A_519, %get3A_548 : vector<16xf32>
        %get3A_550 = arith.constant 3 : i32
        %get3A_551 = arith.index_cast %get3A_550 : i32 to index
        %get3A_552 = arith.index_cast %scan3A_542 : i32 to index
        %get3A_553 = arith.constant 16 : index
        %get3A_554 = tpu.vector_load %arg6[%get3A_551, %get3A_552, %get3A_553] {strides = array<i32>} : memref<4x200x64xf32, #tpu.memory_space<vmem>>, vector<1x1x16xf32>,
        %get3A_555 = vector.shape_cast %get3A_554 : vector<1x1x16xf32> to vector<16xf32>
        %add3A_556 = arith.addf %add3A_526, %get3A_555 : vector<16xf32>
        %get3A_557 = arith.constant 3 : i32
        %get3A_558 = arith.index_cast %get3A_557 : i32 to index
        %get3A_559 = arith.index_cast %scan3A_542 : i32 to index
        %get3A_560 = arith.constant 32 : index
        %get3A_561 = tpu.vector_load %arg6[%get3A_558, %get3A_559, %get3A_560] {strides = array<i32>} : memref<4x200x64xf32, #tpu.memory_space<vmem>>, vector<1x1x16xf32>,
        %get3A_562 = vector.shape_cast %get3A_561 : vector<1x1x16xf32> to vector<16xf32>
        %add3A_563 = arith.addf %add3A_533, %get3A_562 : vector<16xf32>
        %get3A_564 = arith.constant 3 : i32
        %get3A_565 = arith.index_cast %get3A_564 : i32 to index
        %get3A_566 = arith.index_cast %scan3A_542 : i32 to index
        %get3A_567 = arith.constant 48 : index
        %get3A_568 = tpu.vector_load %arg6[%get3A_565, %get3A_566, %get3A_567] {strides = array<i32>} : memref<4x200x64xf32, #tpu.memory_space<vmem>>, vector<1x1x16xf32>,
        %get3A_569 = vector.shape_cast %get3A_568 : vector<1x1x16xf32> to vector<16xf32>
        %add3A_570 = arith.addf %add3A_540, %get3A_569 : vector<16xf32>
        %scan3A_571 = arith.constant 3 : i32
        %scan3A_572 = arith.addi %scan3A_479, %scan3A_571 : i32
        %get3A_573 = arith.constant 3 : i32
        %get3A_574 = arith.index_cast %get3A_573 : i32 to index
        %get3A_575 = arith.index_cast %scan3A_572 : i32 to index
        %get3A_576 = arith.constant 0 : index
        %get3A_577 = tpu.vector_load %arg6[%get3A_574, %get3A_575, %get3A_576] {strides = array<i32>} : memref<4x200x64xf32, #tpu.memory_space<vmem>>, vector<1x1x16xf32>,
        %get3A_578 = vector.shape_cast %get3A_577 : vector<1x1x16xf32> to vector<16xf32>
        %add3A_579 = arith.addf %add3A_549, %get3A_578 : vector<16xf32>
        %get3A_580 = arith.constant 3 : i32
        %get3A_581 = arith.index_cast %get3A_580 : i32 to index
        %get3A_582 = arith.index_cast %scan3A_572 : i32 to index
        %get3A_583 = arith.constant 16 : index
        %get3A_584 = tpu.vector_load %arg6[%get3A_581, %get3A_582, %get3A_583] {strides = array<i32>} : memref<4x200x64xf32, #tpu.memory_space<vmem>>, vector<1x1x16xf32>,
        %get3A_585 = vector.shape_cast %get3A_584 : vector<1x1x16xf32> to vector<16xf32>
        %add3A_586 = arith.addf %add3A_556, %get3A_585 : vector<16xf32>
        %get3A_587 = arith.constant 3 : i32
        %get3A_588 = arith.index_cast %get3A_587 : i32 to index
        %get3A_589 = arith.index_cast %scan3A_572 : i32 to index
        %get3A_590 = arith.constant 32 : index
        %get3A_591 = tpu.vector_load %arg6[%get3A_588, %get3A_589, %get3A_590] {strides = array<i32>} : memref<4x200x64xf32, #tpu.memory_space<vmem>>, vector<1x1x16xf32>,
        %get3A_592 = vector.shape_cast %get3A_591 : vector<1x1x16xf32> to vector<16xf32>
        %add3A_593 = arith.addf %add3A_563, %get3A_592 : vector<16xf32>
        %get3A_594 = arith.constant 3 : i32
        %get3A_595 = arith.index_cast %get3A_594 : i32 to index
        %get3A_596 = arith.index_cast %scan3A_572 : i32 to index
        %get3A_597 = arith.constant 48 : index
        %get3A_598 = tpu.vector_load %arg6[%get3A_595, %get3A_596, %get3A_597] {strides = array<i32>} : memref<4x200x64xf32, #tpu.memory_space<vmem>>, vector<1x1x16xf32>,
        %get3A_599 = vector.shape_cast %get3A_598 : vector<1x1x16xf32> to vector<16xf32>
        %add3A_600 = arith.addf %add3A_570, %get3A_599 : vector<16xf32>
        %scan3A_601 = arith.constant 4 : i32
        %scan3A_602 = arith.addi %scan3A_479, %scan3A_601 : i32
        %get3A_603 = arith.constant 3 : i32
        %get3A_604 = arith.index_cast %get3A_603 : i32 to index
        %get3A_605 = arith.index_cast %scan3A_602 : i32 to index
        %get3A_606 = arith.constant 0 : index
        %get3A_607 = tpu.vector_load %arg6[%get3A_604, %get3A_605, %get3A_606] {strides = array<i32>} : memref<4x200x64xf32, #tpu.memory_space<vmem>>, vector<1x1x16xf32>,
        %get3A_608 = vector.shape_cast %get3A_607 : vector<1x1x16xf32> to vector<16xf32>
        %add3A_609 = arith.addf %add3A_579, %get3A_608 : vector<16xf32>
        %get3A_610 = arith.constant 3 : i32
        %get3A_611 = arith.index_cast %get3A_610 : i32 to index
        %get3A_612 = arith.index_cast %scan3A_602 : i32 to index
        %get3A_613 = arith.constant 16 : index
        %get3A_614 = tpu.vector_load %arg6[%get3A_611, %get3A_612, %get3A_613] {strides = array<i32>} : memref<4x200x64xf32, #tpu.memory_space<vmem>>, vector<1x1x16xf32>,
        %get3A_615 = vector.shape_cast %get3A_614 : vector<1x1x16xf32> to vector<16xf32>
        %add3A_616 = arith.addf %add3A_586, %get3A_615 : vector<16xf32>
        %get3A_617 = arith.constant 3 : i32
        %get3A_618 = arith.index_cast %get3A_617 : i32 to index
        %get3A_619 = arith.index_cast %scan3A_602 : i32 to index
        %get3A_620 = arith.constant 32 : index
        %get3A_621 = tpu.vector_load %arg6[%get3A_618, %get3A_619, %get3A_620] {strides = array<i32>} : memref<4x200x64xf32, #tpu.memory_space<vmem>>, vector<1x1x16xf32>,
        %get3A_622 = vector.shape_cast %get3A_621 : vector<1x1x16xf32> to vector<16xf32>
        %add3A_623 = arith.addf %add3A_593, %get3A_622 : vector<16xf32>
        %get3A_624 = arith.constant 3 : i32
        %get3A_625 = arith.index_cast %get3A_624 : i32 to index
        %get3A_626 = arith.index_cast %scan3A_602 : i32 to index
        %get3A_627 = arith.constant 48 : index
        %get3A_628 = tpu.vector_load %arg6[%get3A_625, %get3A_626, %get3A_627] {strides = array<i32>} : memref<4x200x64xf32, #tpu.memory_space<vmem>>, vector<1x1x16xf32>,
        %get3A_629 = vector.shape_cast %get3A_628 : vector<1x1x16xf32> to vector<16xf32>
        %add3A_630 = arith.addf %add3A_600, %get3A_629 : vector<16xf32>
        %scan3A_631 = arith.constant 5 : i32
        %scan3A_632 = arith.addi %scan3A_479, %scan3A_631 : i32
        %get3A_633 = arith.constant 3 : i32
        %get3A_634 = arith.index_cast %get3A_633 : i32 to index
        %get3A_635 = arith.index_cast %scan3A_632 : i32 to index
        %get3A_636 = arith.constant 0 : index
        %get3A_637 = tpu.vector_load %arg6[%get3A_634, %get3A_635, %get3A_636] {strides = array<i32>} : memref<4x200x64xf32, #tpu.memory_space<vmem>>, vector<1x1x16xf32>,
        %get3A_638 = vector.shape_cast %get3A_637 : vector<1x1x16xf32> to vector<16xf32>
        %add3A_639 = arith.addf %add3A_609, %get3A_638 : vector<16xf32>
        %get3A_640 = arith.constant 3 : i32
        %get3A_641 = arith.index_cast %get3A_640 : i32 to index
        %get3A_642 = arith.index_cast %scan3A_632 : i32 to index
        %get3A_643 = arith.constant 16 : index
        %get3A_644 = tpu.vector_load %arg6[%get3A_641, %get3A_642, %get3A_643] {strides = array<i32>} : memref<4x200x64xf32, #tpu.memory_space<vmem>>, vector<1x1x16xf32>,
        %get3A_645 = vector.shape_cast %get3A_644 : vector<1x1x16xf32> to vector<16xf32>
        %add3A_646 = arith.addf %add3A_616, %get3A_645 : vector<16xf32>
        %get3A_647 = arith.constant 3 : i32
        %get3A_648 = arith.index_cast %get3A_647 : i32 to index
        %get3A_649 = arith.index_cast %scan3A_632 : i32 to index
        %get3A_650 = arith.constant 32 : index
        %get3A_651 = tpu.vector_load %arg6[%get3A_648, %get3A_649, %get3A_650] {strides = array<i32>} : memref<4x200x64xf32, #tpu.memory_space<vmem>>, vector<1x1x16xf32>,
        %get3A_652 = vector.shape_cast %get3A_651 : vector<1x1x16xf32> to vector<16xf32>
        %add3A_653 = arith.addf %add3A_623, %get3A_652 : vector<16xf32>
        %get3A_654 = arith.constant 3 : i32
        %get3A_655 = arith.index_cast %get3A_654 : i32 to index
        %get3A_656 = arith.index_cast %scan3A_632 : i32 to index
        %get3A_657 = arith.constant 48 : index
        %get3A_658 = tpu.vector_load %arg6[%get3A_655, %get3A_656, %get3A_657] {strides = array<i32>} : memref<4x200x64xf32, #tpu.memory_space<vmem>>, vector<1x1x16xf32>,
        %get3A_659 = vector.shape_cast %get3A_658 : vector<1x1x16xf32> to vector<16xf32>
        %add3A_660 = arith.addf %add3A_630, %get3A_659 : vector<16xf32>
        %scan3A_661 = arith.constant 6 : i32
        %scan3A_662 = arith.addi %scan3A_479, %scan3A_661 : i32
        %get3A_663 = arith.constant 3 : i32
        %get3A_664 = arith.index_cast %get3A_663 : i32 to index
        %get3A_665 = arith.index_cast %scan3A_662 : i32 to index
        %get3A_666 = arith.constant 0 : index
        %get3A_667 = tpu.vector_load %arg6[%get3A_664, %get3A_665, %get3A_666] {strides = array<i32>} : memref<4x200x64xf32, #tpu.memory_space<vmem>>, vector<1x1x16xf32>,
        %get3A_668 = vector.shape_cast %get3A_667 : vector<1x1x16xf32> to vector<16xf32>
        %add3A_669 = arith.addf %add3A_639, %get3A_668 : vector<16xf32>
        %get3A_670 = arith.constant 3 : i32
        %get3A_671 = arith.index_cast %get3A_670 : i32 to index
        %get3A_672 = arith.index_cast %scan3A_662 : i32 to index
        %get3A_673 = arith.constant 16 : index
        %get3A_674 = tpu.vector_load %arg6[%get3A_671, %get3A_672, %get3A_673] {strides = array<i32>} : memref<4x200x64xf32, #tpu.memory_space<vmem>>, vector<1x1x16xf32>,
        %get3A_675 = vector.shape_cast %get3A_674 : vector<1x1x16xf32> to vector<16xf32>
        %add3A_676 = arith.addf %add3A_646, %get3A_675 : vector<16xf32>
        %get3A_677 = arith.constant 3 : i32
        %get3A_678 = arith.index_cast %get3A_677 : i32 to index
        %get3A_679 = arith.index_cast %scan3A_662 : i32 to index
        %get3A_680 = arith.constant 32 : index
        %get3A_681 = tpu.vector_load %arg6[%get3A_678, %get3A_679, %get3A_680] {strides = array<i32>} : memref<4x200x64xf32, #tpu.memory_space<vmem>>, vector<1x1x16xf32>,
        %get3A_682 = vector.shape_cast %get3A_681 : vector<1x1x16xf32> to vector<16xf32>
        %add3A_683 = arith.addf %add3A_653, %get3A_682 : vector<16xf32>
        %get3A_684 = arith.constant 3 : i32
        %get3A_685 = arith.index_cast %get3A_684 : i32 to index
        %get3A_686 = arith.index_cast %scan3A_662 : i32 to index
        %get3A_687 = arith.constant 48 : index
        %get3A_688 = tpu.vector_load %arg6[%get3A_685, %get3A_686, %get3A_687] {strides = array<i32>} : memref<4x200x64xf32, #tpu.memory_space<vmem>>, vector<1x1x16xf32>,
        %get3A_689 = vector.shape_cast %get3A_688 : vector<1x1x16xf32> to vector<16xf32>
        %add3A_690 = arith.addf %add3A_660, %get3A_689 : vector<16xf32>
        %scan3A_691 = arith.constant 7 : i32
        %scan3A_692 = arith.addi %scan3A_479, %scan3A_691 : i32
        %get3A_693 = arith.constant 3 : i32
        %get3A_694 = arith.index_cast %get3A_693 : i32 to index
        %get3A_695 = arith.index_cast %scan3A_692 : i32 to index
        %get3A_696 = arith.constant 0 : index
        %get3A_697 = tpu.vector_load %arg6[%get3A_694, %get3A_695, %get3A_696] {strides = array<i32>} : memref<4x200x64xf32, #tpu.memory_space<vmem>>, vector<1x1x16xf32>,
        %get3A_698 = vector.shape_cast %get3A_697 : vector<1x1x16xf32> to vector<16xf32>
        %add3A_699 = arith.addf %add3A_669, %get3A_698 : vector<16xf32>
        %get3A_700 = arith.constant 3 : i32
        %get3A_701 = arith.index_cast %get3A_700 : i32 to index
        %get3A_702 = arith.index_cast %scan3A_692 : i32 to index
        %get3A_703 = arith.constant 16 : index
        %get3A_704 = tpu.vector_load %arg6[%get3A_701, %get3A_702, %get3A_703] {strides = array<i32>} : memref<4x200x64xf32, #tpu.memory_space<vmem>>, vector<1x1x16xf32>,
        %get3A_705 = vector.shape_cast %get3A_704 : vector<1x1x16xf32> to vector<16xf32>
        %add3A_706 = arith.addf %add3A_676, %get3A_705 : vector<16xf32>
        %get3A_707 = arith.constant 3 : i32
        %get3A_708 = arith.index_cast %get3A_707 : i32 to index
        %get3A_709 = arith.index_cast %scan3A_692 : i32 to index
        %get3A_710 = arith.constant 32 : index
        %get3A_711 = tpu.vector_load %arg6[%get3A_708, %get3A_709, %get3A_710] {strides = array<i32>} : memref<4x200x64xf32, #tpu.memory_space<vmem>>, vector<1x1x16xf32>,
        %get3A_712 = vector.shape_cast %get3A_711 : vector<1x1x16xf32> to vector<16xf32>
        %add3A_713 = arith.addf %add3A_683, %get3A_712 : vector<16xf32>
        %get3A_714 = arith.constant 3 : i32
        %get3A_715 = arith.index_cast %get3A_714 : i32 to index
        %get3A_716 = arith.index_cast %scan3A_692 : i32 to index
        %get3A_717 = arith.constant 48 : index
        %get3A_718 = tpu.vector_load %arg6[%get3A_715, %get3A_716, %get3A_717] {strides = array<i32>} : memref<4x200x64xf32, #tpu.memory_space<vmem>>, vector<1x1x16xf32>,
        %get3A_719 = vector.shape_cast %get3A_718 : vector<1x1x16xf32> to vector<16xf32>
        %add3A_720 = arith.addf %add3A_690, %get3A_719 : vector<16xf32>
        %scan3A_721 = arith.constant 8 : i32
        %scan3A_722 = arith.addi %scan3A_479, %scan3A_721 : i32
        %get3A_723 = arith.constant 3 : i32
        %get3A_724 = arith.index_cast %get3A_723 : i32 to index
        %get3A_725 = arith.index_cast %scan3A_722 : i32 to index
        %get3A_726 = arith.constant 0 : index
        %get3A_727 = tpu.vector_load %arg6[%get3A_724, %get3A_725, %get3A_726] {strides = array<i32>} : memref<4x200x64xf32, #tpu.memory_space<vmem>>, vector<1x1x16xf32>,
        %get3A_728 = vector.shape_cast %get3A_727 : vector<1x1x16xf32> to vector<16xf32>
        %add3A_729 = arith.addf %add3A_699, %get3A_728 : vector<16xf32>
        %get3A_730 = arith.constant 3 : i32
        %get3A_731 = arith.index_cast %get3A_730 : i32 to index
        %get3A_732 = arith.index_cast %scan3A_722 : i32 to index
        %get3A_733 = arith.constant 16 : index
        %get3A_734 = tpu.vector_load %arg6[%get3A_731, %get3A_732, %get3A_733] {strides = array<i32>} : memref<4x200x64xf32, #tpu.memory_space<vmem>>, vector<1x1x16xf32>,
        %get3A_735 = vector.shape_cast %get3A_734 : vector<1x1x16xf32> to vector<16xf32>
        %add3A_736 = arith.addf %add3A_706, %get3A_735 : vector<16xf32>
        %get3A_737 = arith.constant 3 : i32
        %get3A_738 = arith.index_cast %get3A_737 : i32 to index
        %get3A_739 = arith.index_cast %scan3A_722 : i32 to index
        %get3A_740 = arith.constant 32 : index
        %get3A_741 = tpu.vector_load %arg6[%get3A_738, %get3A_739, %get3A_740] {strides = array<i32>} : memref<4x200x64xf32, #tpu.memory_space<vmem>>, vector<1x1x16xf32>,
        %get3A_742 = vector.shape_cast %get3A_741 : vector<1x1x16xf32> to vector<16xf32>
        %add3A_743 = arith.addf %add3A_713, %get3A_742 : vector<16xf32>
        %get3A_744 = arith.constant 3 : i32
        %get3A_745 = arith.index_cast %get3A_744 : i32 to index
        %get3A_746 = arith.index_cast %scan3A_722 : i32 to index
        %get3A_747 = arith.constant 48 : index
        %get3A_748 = tpu.vector_load %arg6[%get3A_745, %get3A_746, %get3A_747] {strides = array<i32>} : memref<4x200x64xf32, #tpu.memory_space<vmem>>, vector<1x1x16xf32>,
        %get3A_749 = vector.shape_cast %get3A_748 : vector<1x1x16xf32> to vector<16xf32>
        %add3A_750 = arith.addf %add3A_720, %get3A_749 : vector<16xf32>
        %scan3A_751 = arith.constant 9 : i32
        %scan3A_752 = arith.addi %scan3A_479, %scan3A_751 : i32
        %get3A_753 = arith.constant 3 : i32
        %get3A_754 = arith.index_cast %get3A_753 : i32 to index
        %get3A_755 = arith.index_cast %scan3A_752 : i32 to index
        %get3A_756 = arith.constant 0 : index
        %get3A_757 = tpu.vector_load %arg6[%get3A_754, %get3A_755, %get3A_756] {strides = array<i32>} : memref<4x200x64xf32, #tpu.memory_space<vmem>>, vector<1x1x16xf32>,
        %get3A_758 = vector.shape_cast %get3A_757 : vector<1x1x16xf32> to vector<16xf32>
        %add3A_759 = arith.addf %add3A_729, %get3A_758 : vector<16xf32>
        %get3A_760 = arith.constant 3 : i32
        %get3A_761 = arith.index_cast %get3A_760 : i32 to index
        %get3A_762 = arith.index_cast %scan3A_752 : i32 to index
        %get3A_763 = arith.constant 16 : index
        %get3A_764 = tpu.vector_load %arg6[%get3A_761, %get3A_762, %get3A_763] {strides = array<i32>} : memref<4x200x64xf32, #tpu.memory_space<vmem>>, vector<1x1x16xf32>,
        %get3A_765 = vector.shape_cast %get3A_764 : vector<1x1x16xf32> to vector<16xf32>
        %add3A_766 = arith.addf %add3A_736, %get3A_765 : vector<16xf32>
        %get3A_767 = arith.constant 3 : i32
        %get3A_768 = arith.index_cast %get3A_767 : i32 to index
        %get3A_769 = arith.index_cast %scan3A_752 : i32 to index
        %get3A_770 = arith.constant 32 : index
        %get3A_771 = tpu.vector_load %arg6[%get3A_768, %get3A_769, %get3A_770] {strides = array<i32>} : memref<4x200x64xf32, #tpu.memory_space<vmem>>, vector<1x1x16xf32>,
        %get3A_772 = vector.shape_cast %get3A_771 : vector<1x1x16xf32> to vector<16xf32>
        %add3A_773 = arith.addf %add3A_743, %get3A_772 : vector<16xf32>
        %get3A_774 = arith.constant 3 : i32
        %get3A_775 = arith.index_cast %get3A_774 : i32 to index
        %get3A_776 = arith.index_cast %scan3A_752 : i32 to index
        %get3A_777 = arith.constant 48 : index
        %get3A_778 = tpu.vector_load %arg6[%get3A_775, %get3A_776, %get3A_777] {strides = array<i32>} : memref<4x200x64xf32, #tpu.memory_space<vmem>>, vector<1x1x16xf32>,
        %get3A_779 = vector.shape_cast %get3A_778 : vector<1x1x16xf32> to vector<16xf32>
        %add3A_780 = arith.addf %add3A_750, %get3A_779 : vector<16xf32>
        %scan3A_781 = arith.constant 10 : i32
        %scan3A_782 = arith.addi %scan3A_479, %scan3A_781 : i32
        %get3A_783 = arith.constant 3 : i32
        %get3A_784 = arith.index_cast %get3A_783 : i32 to index
        %get3A_785 = arith.index_cast %scan3A_782 : i32 to index
        %get3A_786 = arith.constant 0 : index
        %get3A_787 = tpu.vector_load %arg6[%get3A_784, %get3A_785, %get3A_786] {strides = array<i32>} : memref<4x200x64xf32, #tpu.memory_space<vmem>>, vector<1x1x16xf32>,
        %get3A_788 = vector.shape_cast %get3A_787 : vector<1x1x16xf32> to vector<16xf32>
        %add3A_789 = arith.addf %add3A_759, %get3A_788 : vector<16xf32>
        %get3A_790 = arith.constant 3 : i32
        %get3A_791 = arith.index_cast %get3A_790 : i32 to index
        %get3A_792 = arith.index_cast %scan3A_782 : i32 to index
        %get3A_793 = arith.constant 16 : index
        %get3A_794 = tpu.vector_load %arg6[%get3A_791, %get3A_792, %get3A_793] {strides = array<i32>} : memref<4x200x64xf32, #tpu.memory_space<vmem>>, vector<1x1x16xf32>,
        %get3A_795 = vector.shape_cast %get3A_794 : vector<1x1x16xf32> to vector<16xf32>
        %add3A_796 = arith.addf %add3A_766, %get3A_795 : vector<16xf32>
        %get3A_797 = arith.constant 3 : i32
        %get3A_798 = arith.index_cast %get3A_797 : i32 to index
        %get3A_799 = arith.index_cast %scan3A_782 : i32 to index
        %get3A_800 = arith.constant 32 : index
        %get3A_801 = tpu.vector_load %arg6[%get3A_798, %get3A_799, %get3A_800] {strides = array<i32>} : memref<4x200x64xf32, #tpu.memory_space<vmem>>, vector<1x1x16xf32>,
        %get3A_802 = vector.shape_cast %get3A_801 : vector<1x1x16xf32> to vector<16xf32>
        %add3A_803 = arith.addf %add3A_773, %get3A_802 : vector<16xf32>
        %get3A_804 = arith.constant 3 : i32
        %get3A_805 = arith.index_cast %get3A_804 : i32 to index
        %get3A_806 = arith.index_cast %scan3A_782 : i32 to index
        %get3A_807 = arith.constant 48 : index
        %get3A_808 = tpu.vector_load %arg6[%get3A_805, %get3A_806, %get3A_807] {strides = array<i32>} : memref<4x200x64xf32, #tpu.memory_space<vmem>>, vector<1x1x16xf32>,
        %get3A_809 = vector.shape_cast %get3A_808 : vector<1x1x16xf32> to vector<16xf32>
        %add3A_810 = arith.addf %add3A_780, %get3A_809 : vector<16xf32>
        %scan3A_811 = arith.constant 11 : i32
        %scan3A_812 = arith.addi %scan3A_479, %scan3A_811 : i32
        %get3A_813 = arith.constant 3 : i32
        %get3A_814 = arith.index_cast %get3A_813 : i32 to index
        %get3A_815 = arith.index_cast %scan3A_812 : i32 to index
        %get3A_816 = arith.constant 0 : index
        %get3A_817 = tpu.vector_load %arg6[%get3A_814, %get3A_815, %get3A_816] {strides = array<i32>} : memref<4x200x64xf32, #tpu.memory_space<vmem>>, vector<1x1x16xf32>,
        %get3A_818 = vector.shape_cast %get3A_817 : vector<1x1x16xf32> to vector<16xf32>
        %add3A_819 = arith.addf %add3A_789, %get3A_818 : vector<16xf32>
        %get3A_820 = arith.constant 3 : i32
        %get3A_821 = arith.index_cast %get3A_820 : i32 to index
        %get3A_822 = arith.index_cast %scan3A_812 : i32 to index
        %get3A_823 = arith.constant 16 : index
        %get3A_824 = tpu.vector_load %arg6[%get3A_821, %get3A_822, %get3A_823] {strides = array<i32>} : memref<4x200x64xf32, #tpu.memory_space<vmem>>, vector<1x1x16xf32>,
        %get3A_825 = vector.shape_cast %get3A_824 : vector<1x1x16xf32> to vector<16xf32>
        %add3A_826 = arith.addf %add3A_796, %get3A_825 : vector<16xf32>
        %get3A_827 = arith.constant 3 : i32
        %get3A_828 = arith.index_cast %get3A_827 : i32 to index
        %get3A_829 = arith.index_cast %scan3A_812 : i32 to index
        %get3A_830 = arith.constant 32 : index
        %get3A_831 = tpu.vector_load %arg6[%get3A_828, %get3A_829, %get3A_830] {strides = array<i32>} : memref<4x200x64xf32, #tpu.memory_space<vmem>>, vector<1x1x16xf32>,
        %get3A_832 = vector.shape_cast %get3A_831 : vector<1x1x16xf32> to vector<16xf32>
        %add3A_833 = arith.addf %add3A_803, %get3A_832 : vector<16xf32>
        %get3A_834 = arith.constant 3 : i32
        %get3A_835 = arith.index_cast %get3A_834 : i32 to index
        %get3A_836 = arith.index_cast %scan3A_812 : i32 to index
        %get3A_837 = arith.constant 48 : index
        %get3A_838 = tpu.vector_load %arg6[%get3A_835, %get3A_836, %get3A_837] {strides = array<i32>} : memref<4x200x64xf32, #tpu.memory_space<vmem>>, vector<1x1x16xf32>,
        %get3A_839 = vector.shape_cast %get3A_838 : vector<1x1x16xf32> to vector<16xf32>
        %add3A_840 = arith.addf %add3A_810, %get3A_839 : vector<16xf32>
        scf.yield %add3A_819, %add3A_826, %add3A_833, %add3A_840 : vector<16xf32>, vector<16xf32>, vector<16xf32>, vector<16xf32>
      }
      %scan3A_458 = arith.constant 96 : i32
      %swap3A_459 = arith.index_cast %add3A_388 : i32 to index
      %swap3A_460 = arith.constant 0 : index
      %swap3A_461 = tpu.vector_load %arg7[%swap3A_459, %swap3A_460] {strides = array<i32>} : memref<128x64xf32, #tpu.memory_space<vmem>>, vector<1x16xf32>,
      %swap3A_462 = vector.shape_cast %swap3A_461 : vector<1x16xf32> to vector<16xf32>
      %swap3A_463 = vector.shape_cast %scan3A_457#0 : vector<16xf32> to vector<1x16xf32>
      tpu.vector_store %arg7[%swap3A_459, %swap3A_460], %swap3A_463 {strides = array<i32>} : memref<128x64xf32, #tpu.memory_space<vmem>>, vector<1x16xf32>,
      %swap3A_464 = arith.index_cast %add3A_388 : i32 to index
      %swap3A_465 = arith.constant 16 : index
      %swap3A_466 = tpu.vector_load %arg7[%swap3A_464, %swap3A_465] {strides = array<i32>} : memref<128x64xf32, #tpu.memory_space<vmem>>, vector<1x16xf32>,
      %swap3A_467 = vector.shape_cast %swap3A_466 : vector<1x16xf32> to vector<16xf32>
      %swap3A_468 = vector.shape_cast %scan3A_457#1 : vector<16xf32> to vector<1x16xf32>
      tpu.vector_store %arg7[%swap3A_464, %swap3A_465], %swap3A_468 {strides = array<i32>} : memref<128x64xf32, #tpu.memory_space<vmem>>, vector<1x16xf32>,
      %swap3A_469 = arith.index_cast %add3A_388 : i32 to index
      %swap3A_470 = arith.constant 32 : index
      %swap3A_471 = tpu.vector_load %arg7[%swap3A_469, %swap3A_470] {strides = array<i32>} : memref<128x64xf32, #tpu.memory_space<vmem>>, vector<1x16xf32>,
      %swap3A_472 = vector.shape_cast %swap3A_471 : vector<1x16xf32> to vector<16xf32>
      %swap3A_473 = vector.shape_cast %scan3A_457#2 : vector<16xf32> to vector<1x16xf32>
      tpu.vector_store %arg7[%swap3A_469, %swap3A_470], %swap3A_473 {strides = array<i32>} : memref<128x64xf32, #tpu.memory_space<vmem>>, vector<1x16xf32>,
      %swap3A_474 = arith.index_cast %add3A_388 : i32 to index
      %swap3A_475 = arith.constant 48 : index
      %swap3A_476 = tpu.vector_load %arg7[%swap3A_474, %swap3A_475] {strides = array<i32>} : memref<128x64xf32, #tpu.memory_space<vmem>>, vector<1x16xf32>,
      %swap3A_477 = vector.shape_cast %swap3A_476 : vector<1x16xf32> to vector<16xf32>
      %swap3A_478 = vector.shape_cast %scan3A_457#3 : vector<16xf32> to vector<1x16xf32>
      tpu.vector_store %arg7[%swap3A_474, %swap3A_475], %swap3A_478 {strides = array<i32>} : memref<128x64xf32, #tpu.memory_space<vmem>>, vector<1x16xf32>,
    }
    %scan3A_106 = arith.constant 32 : i32
    %mul3A_107 = arith.constant 128 : i32
    %mul3A_108 = arith.muli %add3A, %mul3A_107 : i32
    "tpu.region"() ({
      %run_scoped3A = tpu.sem_alloc : memref<!tpu.dma_semaphore, #tpu.memory_space<semaphore_mem>>
      %dma_start3A_109 = arith.constant 0 : i32
      %dma_start3A_110 = tpu.memref_slice %arg4[%mul3A_108, %dma_start3A_109] : memref<4096x64xf32, #tpu.memory_space<hbm>> -> memref<128x64xf32, #tpu.memory_space<hbm>>
      %dma_start3A_111 = arith.constant 0 : i32
      %dma_start3A_112 = tpu.memref_slice %arg4[%mul3A_108, %dma_start3A_111] : memref<4096x64xf32, #tpu.memory_space<hbm>> -> memref<128x64xf32, #tpu.memory_space<hbm>>
      tpu.enqueue_dma source(%arg7 : memref<128x64xf32, #tpu.memory_space<vmem>>) target(%dma_start3A_112 : memref<128x64xf32, #tpu.memory_space<hbm>>) target_semaphore(%run_scoped3A : memref<!tpu.dma_semaphore, #tpu.memory_space<semaphore_mem>>)
      %dma_wait3A = arith.constant 0 : i32
      %dma_wait3A_113 = tpu.memref_slice %arg4[%mul3A_108, %dma_wait3A] : memref<4096x64xf32, #tpu.memory_space<hbm>> -> memref<128x64xf32, #tpu.memory_space<hbm>>
      %dma_wait3A_114 = arith.constant 0 : i32
      %dma_wait3A_115 = tpu.memref_slice %arg4[%mul3A_108, %dma_wait3A_114] : memref<4096x64xf32, #tpu.memory_space<hbm>> -> memref<128x64xf32, #tpu.memory_space<hbm>>
      tpu.wait_dma2 semaphore(%run_scoped3A : memref<!tpu.dma_semaphore, #tpu.memory_space<semaphore_mem>>) src(%arg7 : memref<128x64xf32, #tpu.memory_space<vmem>>) dst(%dma_wait3A_115 : memref<128x64xf32, #tpu.memory_space<hbm>>)
      tpu.yield
    }) : () -> ()
    return
  }
}

</mosaic_0001>

<sc_bundles>
// kernel: _bag.3.cloned.1.call-start
scs
__scs_entry_jumppad:
0x0: {  	(pc) =	sbr.rel $0x88, $3  }
0x1: {  	(tag) =	ssettag $0x0;
	lr =	simm.s32 $0x1  }
0x2: {  	[smem:$0x3F9F] =	sst lr;
	_ =	strace $0xD0000000  }
0x3: {  	_ = 	snop  }
0x4: {  	_ = 	snop  }
0x5: {  	_ = 	snop  }
0x6: {  	_ = 	snop  }
0x7: {  	_ = 	snop  }
__scs_overlays_trampoline_lowered:
0x8: {  	[smem:$0x3FAE] =	sst s0  }
0x9: {  	[smem:$0x3FAF] =	sst s1  }
0xa: {  	[smem:$0x3FB0] =	sst s2  }
0xb: {  	[smem:$0x3FB1] =	sst s3  }
0xc: {  	[smem:$0x3FB2] =	sst s4  }
0xd: {  	[smem:$0x3FB3] =	sst s5  }
0xe: {  	[smem:$0x3FB4] =	sst s6  }
0xf: {  	[smem:$0x3FB5] =	sst s7  }
0x10: {  	[smem:$0x3FB6] =	sst s8  }
0x11: {  	[smem:$0x3FB7] =	sst s9;
	s0 =	simm.s32 @!p0 $0x0  }
0x12: {  	s1 =	sld [smem:$0x3F9D];
	s0 =	simm.s32 @p0 $0x1  }
0x13: {  	[smem:$0x3FB8] =	sst s0;
	s0 =	simm.s32 @!p1 $0x0  }
0x14: {  	s2 =	sld [smem:$0x3F9C];
	s0 =	simm.s32 @p1 $0x1  }
0x15: {  	[smem:$0x3FB9] =	sst s0;
	s0 =	simm.s32 @!p2 $0x0  }
0x16: {  	s3 =	sld [smem:$0x3FDB];
	s0 =	simm.s32 @p2 $0x1  }
0x17: {  	s4 =	simm.s32 $0x1BF5;
	[smem:$0x3FBB] =	sst s0  }
0x18: {  	s0 =	sld [smem:$0x3F9E];
	_ =	swait.ge [sflag:s4], $0x0  }
0x19: {  	s7 =	sld [smem:$0x3F9F]  }
0x1a: {  	s8 =	sadd.s32 $0xFFFFE003, lr  }
0x1b: {  	s9 =	sadd.s32 $0xFFFFFEF7, lr;
	s5 =	simm.s32 $0xFFFFFFFF;
	p2 =	slt.u32 s8, $0xFFFFF086  }
0x1c: {  	p1 =	slt.u32 s9, $0xF7A;
	s5 =	simm.s32 @!p2 $0x0  }
0x1d: {  	s5 =	simm.s32 @p1 $0x1;
	p0 =	seq.s32 s7, s2  }
0x1e: {  	s7 =	smul.u32 @!p0 $0xF7A, s2;
	p2 =	seq.s32 @!p0 s5, $0x0  }
0x1f: {  	s9 =	smul.u32 $0xF7A, s1;
	s8 =	simm.s32 @!p0 $0x1BF5;
	p2 =	por !p2, p0  }
0x20: {  	[sflag:s8] =	ssyncset.s32 @!p0 $0xFFFFF086;
	s6 =	sadd.s32 @!p0 s3, s7;
	s7 =	simm.s32 @!p0 $0x108  }
0x21: {  	s3 =	sadd.s32 s3, s9;
	s6 =	sadd.s32 @!p0 $0x88, s6;
	s7 =	simm.s32 @p2 $0x1082  }
0x22: {  	[simem:s7], [sflag:s8] =	dma.local @!p0 [hbm:s6], $0xF7A  }
0x23: {  	s9 =	sor.u32 $0xD0000000, s2;
	s6 =	simm.s32 $0x108;
	_ =	swait.ge @!p0 [sflag:s8], $0x0  }
0x24: {  	s3 =	sadd.s32 $0x88, s3;
	s6 =	simm.s32 @!p1 $0x1082;
	[sflag:s4] =	ssyncset.s32 $0xFFFFF086  }
0x25: {  	[simem:s6], [sflag:s4] =	dma.local [hbm:s3], $0xF7A  }
0x26: {  	[smem:$0x3F9F] =	sst s1;
	(tag) =	ssettag s2;
	_ =	strace s9  }
0x27: {  	s1 =	sld [smem:$0x3FAF]  }
0x28: {  	s2 =	sld [smem:$0x3FB0]  }
0x29: {  	s4 =	sld [smem:$0x3FB2]  }
0x2a: {  	p0 =	seq.s32 s5, $0x0;
	s5 =	sld [smem:$0x3FB3]  }
0x2b: {  	s6 =	sld [smem:$0x3FB4]  }
0x2c: {  	s7 =	sld [smem:$0x3FB5]  }
0x2d: {  	s3 =	simm.s32 $0x108;
	s8 =	sld [smem:$0x3FB6]  }
0x2e: {  	s3 =	simm.s32 @!p0 $0x1082;
	s9 =	sld [smem:$0x3FB7]  }
0x2f: {  	lr =	sadd.s32 s0, s3;
	s0 =	sld [smem:$0x3FAE]  }
0x30: {  	s3 =	sld [smem:$0x3FB1]  }
0x31: {  	[smem:$0x3FBA] =	sst s10  }
0x32: {  	s10 =	sld [smem:$0x3FB8];
	_ =	sdelay $0x3  }
0x33: {  	p0 =	seq.s32 s10, $0x1;
	s10 =	sld [smem:$0x3FBA];
	_ =	sdelay $0x3  }
0x34: {  	[smem:$0x3FBA] =	sst s10  }
0x35: {  	s10 =	sld [smem:$0x3FB9];
	_ =	sdelay $0x3  }
0x36: {  	p1 =	seq.s32 s10, $0x1;
	s10 =	sld [smem:$0x3FBA];
	_ =	sdelay $0x3  }
0x37: {  	[smem:$0x3FBA] =	sst s10  }
0x38: {  	s10 =	sld [smem:$0x3FBB]  }
0x39: {  	_ = 	snop;
	(pc) =	sbr.ind lr, $3  }
0x3a: {  	_ = 	snop  }
0x3b: {  	_ = 	snop  }
0x3c: {  	p2 =	seq.s32 s10, $0x1;
	s10 =	sld [smem:$0x3FBA]  }
0x3d: {  	_ =	shalt  }
0x3e: {  	_ =	shalt  }
0x3f: {  	_ =	shalt  }
0x40: {  	_ =	shalt  }
0x41: {  	_ =	shalt  }
0x42: {  	_ =	shalt  }
0x43: {  	_ =	shalt  }
0x44: {  	_ =	shalt  }
0x45: {  	_ =	shalt  }
0x46: {  	_ =	shalt  }
0x47: {  	_ =	shalt  }
0x48: {  	_ =	shalt  }
0x49: {  	_ =	shalt  }
0x4a: {  	_ =	shalt  }
0x4b: {  	_ =	shalt  }
0x4c: {  	_ =	shalt  }
0x4d: {  	_ =	shalt  }
0x4e: {  	_ =	shalt  }
0x4f: {  	_ =	shalt  }
0x50: {  	_ =	shalt  }
0x51: {  	_ =	shalt  }
0x52: {  	_ =	shalt  }
0x53: {  	_ =	shalt  }
0x54: {  	_ =	shalt  }
0x55: {  	_ =	shalt  }
0x56: {  	_ =	shalt  }
0x57: {  	_ =	shalt  }
0x58: {  	_ =	shalt  }
0x59: {  	_ =	shalt  }
0x5a: {  	_ =	shalt  }
0x5b: {  	_ =	shalt  }
0x5c: {  	_ =	shalt  }
0x5d: {  	_ =	shalt  }
0x5e: {  	_ =	shalt  }
0x5f: {  	_ =	shalt  }
0x60: {  	_ =	shalt  }
0x61: {  	_ =	shalt  }
0x62: {  	_ =	shalt  }
0x63: {  	_ =	shalt  }
0x64: {  	_ =	shalt  }
0x65: {  	_ =	shalt  }
0x66: {  	_ =	shalt  }
0x67: {  	_ =	shalt  }
0x68: {  	_ =	shalt  }
0x69: {  	_ =	shalt  }
0x6a: {  	_ =	shalt  }
0x6b: {  	_ =	shalt  }
0x6c: {  	_ =	shalt  }
0x6d: {  	_ =	shalt  }
0x6e: {  	_ =	shalt  }
0x6f: {  	_ =	shalt  }
0x70: {  	_ =	shalt  }
0x71: {  	_ =	shalt  }
0x72: {  	_ =	shalt  }
0x73: {  	_ =	shalt  }
0x74: {  	_ =	shalt  }
0x75: {  	_ =	shalt  }
0x76: {  	_ =	shalt  }
0x77: {  	_ =	shalt  }
0x78: {  	_ =	shalt  }
0x79: {  	_ =	shalt  }
0x7a: {  	_ =	shalt  }
0x7b: {  	_ =	shalt  }
0x7c: {  	_ =	shalt  }
0x7d: {  	_ =	shalt  }
0x7e: {  	_ =	shalt  }
0x7f: {  	_ =	shalt  }
0x80: {  	_ =	shalt  }
0x81: {  	_ =	shalt  }
0x82: {  	_ =	shalt  }
0x83: {  	_ =	shalt  }
0x84: {  	_ =	shalt  }
0x85: {  	_ =	shalt  }
0x86: {  	_ =	shalt  }
0x87: {  	_ =	shalt  }
.Lfunc_end0:
.L_simem_size_0:
called_computation_lowered:
.L_overlay_start_0:
0x88: {  	s2 =	sld [smem:$0x3FD9]  }
0x89: {  	s3 =	sld [smem:$0x3FFE];
	_ =	sdelay $0x1  }
0x8a: {  	s1 =	srdreg.scid  }
0x8b: {  	s0 =	sand.u32 $0x1, s1  }
0x8c: {  	s17 =	sshll.u32 s0, $0xA;
	s2 =	sadd.s32 s3, s2  }
0x8d: {  	s2 =	sadd.s32 s2, s17  }
0x8e: {  	[smem:$0x3FC6] =	sst s2  }
0x8f: {  	_ = 	snop  }
0x90: {  	s2 =	sld [smem:$0x3FD0];
	(tm) =	ssettm $0x1  }
0x91: {  	s18 =	sld [smem:$0x3FFB];
	_ =	sdelay $0x3  }
0x92: {  	_ =	strace s18  }
0x93: {  	s3 =	sld [smem:$0x3FFC];
	_ =	sdelay $0x3  }
0x94: {  	_ =	strace s3  }
0x95: {  	s3 =	sld [smem:$0x3FFD];
	_ =	sdelay $0x3  }
0x96: {  	_ =	strace s3  }
0x97: {  	_ =	strace $0x8FFFFFFF  }
0x98: {  	s19 =	sld [smem:$0x3FDB];
	_ =	sdelay $0x1  }
0x99: {  	s4 =	simm.s32 $_scs_section_size  }
0x9a: {  	s5 =	simm.s32 $_size__tile_overlayer_lowered;
	s6 =	simm.s32 $_tile_overlayer_lowered  }
0x9b: {  	s22 =	simm.s32 $0x1BFF;
	s21 =	sshll.u32 s6, $0x1;
	s3 =	sadd.s32 s4, s19  }
0x9c: {  	s7 =	simm.s32 $0x0;
	s20 =	sshll.u32 s5, $0x1;
	s5 =	sadd.s32 s21, s3  }
0x9d: {  	[timem:s7], [sflag:s22] =	dma.local [hbm:s5], s20  }
0x9e: {  	_ =	swait.ge [sflag:s22], s20  }
0x9f: {  	s4 =	ssub.s32 $0x0, s20;
	[sflag:s22] =	ssyncset.done $0x0  }
0xa0: {  	[sflag:s22] =	ssyncadd.s32 s4;
	_ =	sdelay $0x1  }
0xa1: {  	s23 =	simm.s32 $0x1B8B  }
0xa2: {  	_ =	swait.ge [sflag:s23], $0x1  }
0xa3: {  	[sflag:s23] =	ssyncset.done $0x0  }
0xa4: {  	s25 =	simm.s32 $0x1B8E;
	s24 =	sld [smem:$0x3FFE];
	[sflag:s23] =	ssyncadd.s32 $0xFFFFFFFF  }
0xa5: {  	s26 =	simm.s32 $execute0_lowered;
	[smem:$0x3FD2] =	sst s25  }
0xa6: {  	s5 =	sshll.u32 s26, $0x1;
	_ =	strace $0x80000046;
	[dreg:$0x1] =	wrdreg $0xFFFFFFFF  }
0xa7: {  	s28 =	simm.s32 $_size_execute0_lowered;
	s3 =	sadd.s32 s3, s5;
	[dreg:$0x0] =	wrdreg $0x0  }
0xa8: {  	s5 =	sshll.u32 s28, $0x1;
	[dreg:$0x2] =	wrdreg s3  }
0xa9: {  	[dreg:$0x3] =	wrdreg s5  }
0xaa: {  	[dreg:$0x4] =	wrdreg $0xC0  }
0xab: {  	_ =	task [dreg:s7], $0x5FFFF  }
0xac: {  	[dreg:$0x1] =	wrdreg $0xFFFFFFFF  }
0xad: {  	[dreg:$0x0] =	wrdreg $0x60  }
0xae: {  	[dreg:$0x2] =	wrdreg s24  }
0xaf: {  	[dreg:$0x3] =	wrdreg s2  }
0xb0: {  	[dreg:$0x4] =	wrdreg $0x9  }
0xb1: {  	_ =	task.clear_ibuf [dreg:s7], $0x5FFFF;
	_ =	strace $0x90000046  }
0xb2: {  	s29 =	simm.s32 $0x9;
	_ =	strace $0x80000048  }
0xb3: {  	_ =	swait.ge [sflag:s29], $0x1  }
0xb4: {  	[sflag:s29] =	ssyncadd.s32 $0xFFFFFFFF  }
0xb5: {  	_ =	strace $0x90000048  }
0xb6: {  	_ =	sfence  }
0xb7: {  	s30 =	sld [smem:$0x0];
	_ =	sdelay $0x2  }
0xb8: {  	s31 =	sshll.u32 s1, $0xD;
	s1 =	sshrl.u32 s1, $0x2  }
0xb9: {  	s3 =	sand.u32 $0x4000, s31;
	s1 =	sadd.s32 s1, s30  }
0xba: {  	s0 =	sor.u32 s3, s0;
	s1 =	sshll.u32 s1, $0x11  }
0xbb: {  	s0 =	sor.u32 s1, s0  }
0xbc: {  	s0 =	sadd.s32 $0x8F2B, s0  }
0xbd: {  	[sflag:s0] =	ssyncadd.remote.s32 $0x1  }
0xbe: {  	_ =	sfence.sel $0xFFFF  }
0xbf: {  	[dreg:$0x0] =	wrdreg $0xFFFFFFFF;
	(pc) =	sbr.abs _section_cstart, $3  }
0xc0: {  	[dreg:$0x1] =	wrdreg $0xFFFFFFFF  }
0xc1: {  	_ =	task.clear_ibuf [dreg:s7], $0x2FFFF;
	_ =	strace $0x9FFFFFFF  }
0xc2: {  	(tm) =	ssettm $0x7FFFFFFF  }
0xc3: {  	_ =	shalt  }
tec
execute0_lowered:
.L_overlay_start_1:
0x0: {  	(tag) =	ssettag $0x1  }
0x1: {  	s0 =	srdreg.scid;
	s1 =	rddreg [dreg:$0x0]  }
0x2: {  	s2 =	stileid.u32;
	s6 =	rddreg [dreg:$0x1]  }
0x3: {  	s8 =	simm.s32 $0x9;
	s9 =	simm.s32 $0x68;
	s11 =	simm.s32 $0x60  }
0x4: {  	s19 =	simm.s32 $0x1F8;
	s20 =	simm.s32 $0xE200;
	s21 =	simm.s32 $0x320  }
0x5: {  	s22 =	simm.s32 $0x1;
	s23 =	simm.s32 $0xFA00;
	s24 =	simm.s32 $0x2  }
0x6: {  	s25 =	simm.s32 $0x11400;
	s28 =	simm.s32 $0x4;
	s29 =	simm.s32 $0x5  }
0x7: {  	s30 =	simm.s32 $0x6;
	s31 =	simm.s32 $0x7;
	s0 =	sand.u32 $0x1, s0  }
0x8: {  	s10 =	simm.s32 $0x0;
	s2 =	sshll.u32 s2, $0x8;
	s3 =	sshll.u32 s0, $0x7  }
0x9: {  	s0 =	ssub.s32 $0x2, s0;
	s4 =	sor.u32 s3, s2;
	s2 =	simm.s32 $0x0  }
0xa: {  	s7 =	sshrl.u32 s0, $0x1;
	s3 =	smul.u32 $0x19, s4;
	[smem:$0x7FF] =	sst s2  }
0xb: {  	s0 =	ssub.s32 s0, s7;
	s26 =	sshll.u32 s4, $0x3;
	_ =	strace $0x80000047  }
0xc: {  	s6 =	sadd.s32 s6, s26;
	s7 =	smax.u32 s0, $0x1;
	s26 =	simm.s32 $0x3  }
0xd: {  	s0 =	simm.s32 $0x12C00;
	s5 =	sadd.s32 s3, s1;
	s3 =	sadd.s32 $0x187000, s1  }
0xe: {  	s1 =	simm.s32 $0x8;
	s4 =	sadd.s32 $0x600, s5;
	s5 =	sadd.s32 $0x664, s5  }
.LBB2_1:
0xf: {  	[tilespmem:s2], [sflag:$0x9] =	stream.linear.gather [hbm4b:s4+s2], $0x320, $0x38;
	[tilespmem:$0x14C00] =	vst v63  }
0x10: {  	_ =	swait.ge [sflag:s8], $0x320  }
0x11: {  	[sflag:s8] =	ssyncset.done $0x0  }
0x12: {  	s12 =	simm.s32 $0x6400;
	[sflag:s8] =	ssyncadd.s32 $0xFFFFFCE0  }
0x13: {  	[tilespmem:s12], [sflag:$0x1] =	stream.indirect.gather [hbm4b:s3+s9], $0x40, s2, s9, $0xb8;
	[tilespmem:$0x14C00] =	vst v63  }
0x14: {  	s13 =	simm.s32 $0x7E00  }
0x15: {  	[tilespmem:s13], [sflag:$0x2] =	stream.indirect.gather [hbm4b:s3+s11], $0x40, s9, s11, $0xb8;
	[tilespmem:$0x14C00] =	vst v63  }
0x16: {  	s14 =	simm.s32 $0xC8;
	s13 =	simm.s32 $0x9600  }
0x17: {  	[tilespmem:s13], [sflag:$0x3] =	stream.indirect.gather [hbm4b:s3+s9], $0x40, s14, s9, $0xb8;
	[tilespmem:$0x14C00] =	vst v63  }
0x18: {  	s15 =	simm.s32 $0x130;
	s16 =	simm.s32 $0xB000  }
0x19: {  	[tilespmem:s16], [sflag:$0x4] =	stream.indirect.gather [hbm4b:s3+s11], $0x40, s15, s11, $0xb8;
	[tilespmem:$0x14C00] =	vst v63  }
0x1a: {  	s17 =	simm.s32 $0x190;
	s18 =	simm.s32 $0xC800  }
0x1b: {  	[tilespmem:s18], [sflag:$0x5] =	stream.indirect.gather [hbm4b:s3+s9], $0x40, s17, s9, $0xb8;
	[tilespmem:$0x14C00] =	vst v63  }
0x1c: {  	_ = 	snop  }
0x1d: {  	[tilespmem:s20], [sflag:$0x6] =	stream.indirect.gather [hbm4b:s3+s11], $0x40, s19, s11, $0xb8;
	[tilespmem:$0x14C00] =	vst v63  }
0x1e: {  	_ = 	snop  }
0x1f: {  	[tilespmem:s21], [sflag:$0x9] =	stream.linear.gather [hbm4b:s5+s2], $0x60E0, $0x38;
	[tilespmem:$0x14C00] =	vst v63  }
0x20: {  	_ =	swait.ge [sflag:s8], $0x60E0  }
0x21: {  	[sflag:s8] =	ssyncset.done $0x0  }
0x22: {  	s12 =	simm.s32 $0x0;
	[sflag:s8] =	ssyncadd.s32 $0xFFFF9F20  }
.LBB2_2:
0x23: {  	s13 =	sshllo.u32 s12, $0x2  }
0x24: {  	_ =	swait.ge [sflag:s22], $0x1A00;
	s14 =	smul.u32 $0x320, s13  }
0x25: {  	[sflag:s22] =	ssyncset.done $0x0  }
0x26: {  	s17 =	simm.s32 $0x65A0;
	[sflag:s22] =	ssyncadd.s32 $0xFFFFE600;
	s15 =	sshra.s32 s14, $0x2  }
0x27: {  	[tilespmem:s23], [sflag:$0x7] =	stream.indirect.gather [hbm4b:s3+s9], $0x40, s15, s9, $0xb8;
	[tilespmem:$0x14C00] =	vst v63  }
0x28: {  	v0 =	vld [tilespmem:s17+$0x160]  }
0x29: {  	v1 =	vld [tilespmem:s17+$0x170]  }
0x2a: {  	v2 =	vld [tilespmem:s17+$0x120]  }
0x2b: {  	v3 =	vld [tilespmem:s17+$0x130]  }
0x2c: {  	v4 =	vld [tilespmem:s17+$0xE0]  }
0x2d: {  	v5 =	vld [tilespmem:s17+$0xF0]  }
0x2e: {  	v6 =	vld [tilespmem:s17+$0xA0]  }
0x2f: {  	v7 =	vld [tilespmem:s17+$0xB0]  }
0x30: {  	v9 =	vld [tilespmem:s17+$0x60]  }
0x31: {  	v10 =	vld [tilespmem:s17+$0x70]  }
0x32: {  	v8 =	vld [tilespmem:s17+$0x20]  }
0x33: {  	v11 =	vld [tilespmem:s17+$0x30]  }
0x34: {  	v12 =	vld [tilespmem:s17+$0xFFFFFFE0]  }
0x35: {  	v13 =	vld [tilespmem:s17+$0xFFFFFFF0]  }
0x36: {  	v14 =	vld [tilespmem:s17+$0xFFFFFFA0]  }
0x37: {  	v15 =	vld [tilespmem:s17+$0xFFFFFFB0]  }
0x38: {  	v16 =	vld [tilespmem:s17+$0xFFFFFF60]  }
0x39: {  	v17 =	vld [tilespmem:s17+$0xFFFFFF70]  }
0x3a: {  	v18 =	vld [tilespmem:s17+$0xFFFFFF20]  }
0x3b: {  	v19 =	vld [tilespmem:s17+$0xFFFFFF30]  }
0x3c: {  	v20 =	vld [tilespmem:s17+$0xFFFFFEE0]  }
0x3d: {  	v21 =	vld [tilespmem:s17+$0xFFFFFEF0]  }
0x3e: {  	v22 =	vld [tilespmem:s17+$0xFFFFFEA0]  }
0x3f: {  	v23 =	vld [tilespmem:s17+$0xFFFFFEB0]  }
0x40: {  	v24 =	vld [tilespmem:s17+$0xFFFFFE60]  }
0x41: {  	v25 =	vld [tilespmem:s17+$0xFFFFFE70]  }
0x42: {  	v26 =	vld [tilespmem:s17+$0xFFFFFE80]  }
0x43: {  	v27 =	vld [tilespmem:s17+$0xFFFFFE90]  }
0x44: {  	v28 =	vld [tilespmem:s17+$0xFFFFFEC0]  }
0x45: {  	v29 =	vld [tilespmem:s17+$0xFFFFFED0]  }
0x46: {  	v30 =	vimm.f32 $0.0e+00;
	v31 =	vld [tilespmem:s17+$0xFFFFFF00]  }
0x47: {  	v32 =	vld [tilespmem:s17+$0xFFFFFF10];
	v24 =	vadd.f32 v24, v30;
	v25 =	vadd.f32 v25, v30  }
0x48: {  	v48 =	vld [tilespmem:s17+$0xFFFFFF40];
	v26 =	vadd.f32 v26, v30;
	v27 =	vadd.f32 v27, v30  }
0x49: {  	v49 =	vld [tilespmem:s17+$0xFFFFFF50];
	v22 =	vadd.f32 v22, v24;
	v23 =	vadd.f32 v23, v25  }
0x4a: {  	v52 =	vld [tilespmem:s17+$0xFFFFFF80];
	v50 =	vadd.f32 v28, v26;
	v51 =	vadd.f32 v29, v27  }
0x4b: {  	v53 =	vld [tilespmem:s17+$0xFFFFFF90];
	v20 =	vadd.f32 v20, v22;
	v21 =	vadd.f32 v21, v23  }
0x4c: {  	v56 =	vld [tilespmem:s17+$0xFFFFFFC0];
	v54 =	vadd.f32 v31, v50;
	v55 =	vadd.f32 v32, v51  }
0x4d: {  	v57 =	vld [tilespmem:s17+$0xFFFFFFD0];
	v18 =	vadd.f32 v18, v20;
	v19 =	vadd.f32 v19, v21  }
0x4e: {  	v60 =	vld [tilespmem:s17+$0x0];
	v58 =	vadd.f32 v48, v54;
	v59 =	vadd.f32 v49, v55  }
0x4f: {  	v16 =	vadd.f32 v16, v18;
	v17 =	vadd.f32 v17, v19;
	v18 =	vld [tilespmem:s17+$0x10]  }
0x50: {  	v62 =	vld [tilespmem:s17+$0x40];
	v19 =	vadd.f32 v52, v58;
	v61 =	vadd.f32 v53, v59  }
0x51: {  	v14 =	vadd.f32 v14, v16;
	v15 =	vadd.f32 v15, v17;
	v16 =	vld [tilespmem:s17+$0x50]  }
0x52: {  	v63 =	vld [tilespmem:s17+$0x80];
	v17 =	vadd.f32 v56, v19;
	v19 =	vadd.f32 v57, v61  }
0x53: {  	v12 =	vadd.f32 v12, v14;
	v13 =	vadd.f32 v13, v15;
	v14 =	vld [tilespmem:s17+$0x90]  }
0x54: {  	v15 =	vadd.f32 v60, v17;
	v17 =	vadd.f32 v18, v19;
	v18 =	vld [tilespmem:s17+$0xC0]  }
0x55: {  	v12 =	vadd.f32 v8, v12;
	v11 =	vadd.f32 v11, v13;
	v13 =	vld [tilespmem:s17+$0xD0]  }
0x56: {  	v15 =	vadd.f32 v62, v15;
	v8 =	vld [tilespmem:s17+$0x100];
	v16 =	vadd.f32 v16, v17  }
0x57: {  	v12 =	vadd.f32 v9, v12;
	v10 =	vadd.f32 v10, v11;
	v11 =	vld [tilespmem:s17+$0x110]  }
0x58: {  	v15 =	vadd.f32 v63, v15;
	v9 =	vld [tilespmem:s17+$0x140];
	v16 =	vadd.f32 v14, v16  }
0x59: {  	v6 =	vadd.f32 v6, v12;
	v7 =	vadd.f32 v7, v10;
	v12 =	vld [tilespmem:s17+$0x150]  }
0x5a: {  	v14 =	vadd.f32 v18, v15;
	v10 =	vld [tilespmem:s17+$0x180];
	v15 =	vadd.f32 v13, v16  }
0x5b: {  	s16 =	simm.s32 $0x0;
	s14 =	sshll.u32 s12, $0x2;
	v13 =	vld [tilespmem:s17+$0x190];
	s17 =	simm.s32 $0x68E0;
	v16 =	vadd.f32 v4, v6;
	v17 =	vadd.f32 v5, v7  }
.LBB2_3:
0x5c: {  	v6 =	vld [tilespmem:s17+$0x160];
	v4 =	vadd.f32 v8, v14;
	v5 =	vadd.f32 v11, v15  }
0x5d: {  	v7 =	vld [tilespmem:s17+$0x170];
	v8 =	vadd.f32 v2, v16;
	v11 =	vadd.f32 v3, v17  }
0x5e: {  	v2 =	vld [tilespmem:s17+$0x120];
	v9 =	vadd.f32 v9, v4;
	v5 =	vadd.f32 v12, v5  }
0x5f: {  	v3 =	vld [tilespmem:s17+$0x130];
	v8 =	vadd.f32 v0, v8;
	v11 =	vadd.f32 v1, v11  }
0x60: {  	v4 =	vld [tilespmem:s17+$0xE0];
	v9 =	vadd.f32 v10, v9;
	v10 =	vadd.f32 v13, v5  }
0x61: {  	v5 =	vld [tilespmem:s17+$0xF0];
	v0 =	vmov v6  }
0x62: {  	v6 =	vld [tilespmem:s17+$0xA0];
	v1 =	vmov v7  }
0x63: {  	v7 =	vld [tilespmem:s17+$0xB0]  }
0x64: {  	v12 =	vld [tilespmem:s17+$0x60]  }
0x65: {  	v13 =	vld [tilespmem:s17+$0x70]  }
0x66: {  	v14 =	vld [tilespmem:s17+$0x20]  }
0x67: {  	v15 =	vld [tilespmem:s17+$0x30]  }
0x68: {  	v16 =	vld [tilespmem:s17+$0xFFFFFFE0]  }
0x69: {  	v17 =	vld [tilespmem:s17+$0xFFFFFFF0]  }
0x6a: {  	v18 =	vld [tilespmem:s17+$0xFFFFFFA0]  }
0x6b: {  	v19 =	vld [tilespmem:s17+$0xFFFFFFB0]  }
0x6c: {  	v20 =	vld [tilespmem:s17+$0xFFFFFF60]  }
0x6d: {  	v21 =	vld [tilespmem:s17+$0xFFFFFF70]  }
0x6e: {  	v22 =	vld [tilespmem:s17+$0xFFFFFF20]  }
0x6f: {  	v23 =	vld [tilespmem:s17+$0xFFFFFF30]  }
0x70: {  	v24 =	vld [tilespmem:s17+$0xFFFFFEE0]  }
0x71: {  	v25 =	vld [tilespmem:s17+$0xFFFFFEF0]  }
0x72: {  	v26 =	vld [tilespmem:s17+$0xFFFFFEA0]  }
0x73: {  	v27 =	vld [tilespmem:s17+$0xFFFFFEB0]  }
0x74: {  	v28 =	vld [tilespmem:s17+$0xFFFFFE60]  }
0x75: {  	v29 =	vld [tilespmem:s17+$0xFFFFFE70]  }
0x76: {  	v30 =	vld [tilespmem:s17+$0xFFFFFE80]  }
0x77: {  	s16 =	sadd.s32 $0xD, s16;
	v31 =	vld [tilespmem:s17+$0xFFFFFE90]  }
0x78: {  	p0 =	slt.u32 s16, $0x5B;
	v32 =	vld [tilespmem:s17+$0xFFFFFEC0]  }
0x79: {  	v33 =	vld [tilespmem:s17+$0xFFFFFED0]  }
0x7a: {  	v34 =	vld [tilespmem:s17+$0xFFFFFF00]  }
0x7b: {  	v8 =	vadd.f32 v28, v8;
	v11 =	vadd.f32 v29, v11;
	v28 =	vld [tilespmem:s17+$0xFFFFFF10]  }
0x7c: {  	v9 =	vadd.f32 v30, v9;
	v10 =	vadd.f32 v31, v10;
	v29 =	vld [tilespmem:s17+$0xFFFFFF40]  }
0x7d: {  	v8 =	vadd.f32 v26, v8;
	v11 =	vadd.f32 v27, v11;
	v26 =	vld [tilespmem:s17+$0xFFFFFF50]  }
0x7e: {  	v9 =	vadd.f32 v32, v9;
	v10 =	vadd.f32 v33, v10;
	v27 =	vld [tilespmem:s17+$0xFFFFFF80]  }
0x7f: {  	v8 =	vadd.f32 v24, v8;
	v11 =	vadd.f32 v25, v11;
	v24 =	vld [tilespmem:s17+$0xFFFFFF90]  }
0x80: {  	v9 =	vadd.f32 v34, v9;
	v10 =	vadd.f32 v28, v10;
	v25 =	vld [tilespmem:s17+$0xFFFFFFC0]  }
0x81: {  	v8 =	vadd.f32 v22, v8;
	v11 =	vadd.f32 v23, v11;
	v22 =	vld [tilespmem:s17+$0xFFFFFFD0]  }
0x82: {  	v9 =	vadd.f32 v29, v9;
	v10 =	vadd.f32 v26, v10;
	v23 =	vld [tilespmem:s17+$0x0]  }
0x83: {  	v8 =	vadd.f32 v20, v8;
	v11 =	vadd.f32 v21, v11;
	v20 =	vld [tilespmem:s17+$0x10]  }
0x84: {  	v9 =	vadd.f32 v27, v9;
	v10 =	vadd.f32 v24, v10;
	v21 =	vld [tilespmem:s17+$0x40]  }
0x85: {  	v8 =	vadd.f32 v18, v8;
	v11 =	vadd.f32 v19, v11;
	v18 =	vld [tilespmem:s17+$0x50]  }
0x86: {  	v9 =	vadd.f32 v25, v9;
	v10 =	vadd.f32 v22, v10;
	v19 =	vld [tilespmem:s17+$0x80]  }
0x87: {  	v8 =	vadd.f32 v16, v8;
	v11 =	vadd.f32 v17, v11;
	v16 =	vld [tilespmem:s17+$0x90]  }
0x88: {  	v9 =	vadd.f32 v23, v9;
	v10 =	vadd.f32 v20, v10;
	v17 =	vld [tilespmem:s17+$0xC0]  }
0x89: {  	v14 =	vadd.f32 v14, v8;
	v11 =	vadd.f32 v15, v11;
	v15 =	vld [tilespmem:s17+$0xD0]  }
0x8a: {  	v9 =	vadd.f32 v21, v9;
	v10 =	vadd.f32 v18, v10;
	v8 =	vld [tilespmem:s17+$0x100]  }
.Ltmp0:
0x8b: {  	v12 =	vadd.f32 v12, v14;
	v13 =	vadd.f32 v13, v11;
	v11 =	vld [tilespmem:s17+$0x110];
	(pc) =	sbr.rel @p0 .LBB2_3-.Ltmp0, $4  }
0x8c: {  	v14 =	vadd.f32 v19, v9;
	v10 =	vadd.f32 v16, v10;
	v9 =	vld [tilespmem:s17+$0x140]  }
0x8d: {  	v6 =	vadd.f32 v6, v12;
	v7 =	vadd.f32 v7, v13;
	v12 =	vld [tilespmem:s17+$0x150]  }
0x8e: {  	v14 =	vadd.f32 v17, v14;
	v15 =	vadd.f32 v15, v10;
	v10 =	vld [tilespmem:s17+$0x180]  }
0x8f: {  	v16 =	vadd.f32 v4, v6;
	v17 =	vadd.f32 v5, v7;
	v13 =	vld [tilespmem:s17+$0x190];
	s17 =	sadd.s32 $0x340, s17  }
0x90: {  	_ =	swait.ge [sflag:s24], $0x1800  }
0x91: {  	[sflag:s24] =	ssyncset.done $0x0  }
0x92: {  	s15 =	sadd.s32 $0x68, s15;
	s16 =	simm.s32 $0x80F0;
	[sflag:s24] =	ssyncadd.s32 $0xFFFFE800  }
0x93: {  	[tilespmem:s25], [sflag:$0x8] =	stream.indirect.gather [hbm4b:s3+s11], $0x40, s15, s11, $0xb8;
	[tilespmem:$0x14C00] =	vst v63  }
0x94: {  	v4 =	vld [tilespmem:s16+$0xFFFFFFD0]  }
0x95: {  	v5 =	vld [tilespmem:s16+$0xFFFFFFE0]  }
0x96: {  	v6 =	vld [tilespmem:s16+$0xFFFFFF90]  }
0x97: {  	v7 =	vld [tilespmem:s16+$0xFFFFFFA0]  }
0x98: {  	v18 =	vld [tilespmem:s16+$0xFFFFFF50]  }
0x99: {  	v19 =	vld [tilespmem:s16+$0xFFFFFF60]  }
0x9a: {  	v20 =	vld [tilespmem:s16+$0xFFFFFF10]  }
0x9b: {  	v21 =	vld [tilespmem:s16+$0xFFFFFF20]  }
0x9c: {  	v22 =	vld [tilespmem:s16+$0xFFFFFED0]  }
0x9d: {  	v23 =	vld [tilespmem:s16+$0xFFFFFEE0]  }
0x9e: {  	v24 =	vld [tilespmem:s16+$0xFFFFFE90]  }
0x9f: {  	v25 =	vld [tilespmem:s16+$0xFFFFFEA0]  }
0xa0: {  	v26 =	vld [tilespmem:s16+$0xFFFFFE50]  }
0xa1: {  	v27 =	vld [tilespmem:s16+$0xFFFFFE60]  }
0xa2: {  	v28 =	vld [tilespmem:s16+$0xFFFFFE10]  }
0xa3: {  	v29 =	vld [tilespmem:s16+$0xFFFFFE20]  }
0xa4: {  	v30 =	vld [tilespmem:s16+$0xFFFFFDD0]  }
0xa5: {  	v31 =	vld [tilespmem:s16+$0xFFFFFDE0]  }
0xa6: {  	v32 =	vld [tilespmem:s16+$0xFFFFFD90]  }
0xa7: {  	v33 =	vld [tilespmem:s16+$0xFFFFFDA0]  }
0xa8: {  	v34 =	vld [tilespmem:s16+$0xFFFFFD50]  }
0xa9: {  	v35 =	vld [tilespmem:s16+$0xFFFFFD60]  }
0xaa: {  	v36 =	vld [tilespmem:s16+$0xFFFFFD10]  }
0xab: {  	v37 =	vld [tilespmem:s16+$0xFFFFFD20]  }
0xac: {  	v8 =	vadd.f32 v8, v14;
	v11 =	vadd.f32 v11, v15;
	v14 =	vld [tilespmem:s16+$0xFFFFFD30]  }
0xad: {  	v2 =	vadd.f32 v2, v16;
	v3 =	vadd.f32 v3, v17;
	v15 =	vld [tilespmem:s16+$0xFFFFFD40]  }
0xae: {  	v8 =	vadd.f32 v9, v8;
	v9 =	vadd.f32 v12, v11;
	v11 =	vld [tilespmem:s16+$0xFFFFFD70]  }
0xaf: {  	v0 =	vadd.f32 v0, v2;
	v1 =	vadd.f32 v1, v3;
	v2 =	vld [tilespmem:s16+$0xFFFFFD80]  }
0xb0: {  	v3 =	vadd.f32 v10, v8;
	v8 =	vadd.f32 v13, v9;
	v9 =	vld [tilespmem:s16+$0xFFFFFDB0]  }
0xb1: {  	v10 =	vld [tilespmem:s16+$0xFFFFFDC0];
	v0 =	vadd.f32 v36, v0;
	v1 =	vadd.f32 v37, v1  }
0xb2: {  	v12 =	vld [tilespmem:s16+$0xFFFFFDF0];
	v3 =	vadd.f32 v14, v3;
	v8 =	vadd.f32 v15, v8  }
0xb3: {  	v13 =	vld [tilespmem:s16+$0xFFFFFE00];
	v0 =	vadd.f32 v34, v0;
	v1 =	vadd.f32 v35, v1  }
0xb4: {  	v3 =	vadd.f32 v11, v3;
	v2 =	vadd.f32 v2, v8;
	v8 =	vld [tilespmem:s16+$0xFFFFFE30]  }
0xb5: {  	v11 =	vld [tilespmem:s16+$0xFFFFFE40];
	v0 =	vadd.f32 v32, v0;
	v1 =	vadd.f32 v33, v1  }
0xb6: {  	v3 =	vadd.f32 v9, v3;
	v2 =	vadd.f32 v10, v2;
	v9 =	vld [tilespmem:s16+$0xFFFFFE70]  }
0xb7: {  	v10 =	vld [tilespmem:s16+$0xFFFFFE80];
	v0 =	vadd.f32 v30, v0;
	v1 =	vadd.f32 v31, v1  }
0xb8: {  	v3 =	vadd.f32 v12, v3;
	v2 =	vadd.f32 v13, v2;
	v12 =	vld [tilespmem:s16+$0xFFFFFEB0]  }
0xb9: {  	v13 =	vld [tilespmem:s16+$0xFFFFFEC0];
	v0 =	vadd.f32 v28, v0;
	v1 =	vadd.f32 v29, v1  }
0xba: {  	v3 =	vadd.f32 v8, v3;
	v2 =	vadd.f32 v11, v2;
	v8 =	vld [tilespmem:s16+$0xFFFFFEF0]  }
0xbb: {  	v11 =	vld [tilespmem:s16+$0xFFFFFF00];
	v0 =	vadd.f32 v26, v0;
	v1 =	vadd.f32 v27, v1  }
0xbc: {  	v14 =	vld [tilespmem:s16+$0xFFFFFF40];
	v3 =	vadd.f32 v9, v3;
	v2 =	vadd.f32 v10, v2  }
0xbd: {  	v9 =	vld [tilespmem:s16+$0xFFFFFF30];
	v10 =	vadd.f32 v24, v0;
	v1 =	vadd.f32 v25, v1  }
0xbe: {  	v12 =	vadd.f32 v12, v3;
	v2 =	vadd.f32 v13, v2;
	v0 =	vld [tilespmem:s16+$0xFFFFFF70]  }
0xbf: {  	v3 =	vld [tilespmem:s16+$0xFFFFFF80];
	v10 =	vadd.f32 v22, v10;
	v13 =	vadd.f32 v23, v1  }
0xc0: {  	v12 =	vadd.f32 v8, v12;
	v2 =	vadd.f32 v11, v2;
	v1 =	vld [tilespmem:s16+$0xFFFFFFB0]  }
0xc1: {  	v8 =	vld [tilespmem:s16+$0xFFFFFFC0];
	v15 =	vadd.f32 v20, v10;
	v63 =	vadd.f32 v21, v13  }
0xc2: {  	v11 =	vadd.f32 v9, v12;
	v10 =	vadd.f32 v14, v2;
	v2 =	vld [tilespmem:s16+$0xFFFFFFF0]  }
0xc3: {  	s15 =	simm.s32 $0x68;
	v9 =	vld [tilespmem:s16+$0x0];
	s16 =	simm.s32 $0x83F0;
	v13 =	vadd.f32 v18, v15;
	v12 =	vadd.f32 v19, v63  }
.LBB2_5:
0xc4: {  	v14 =	vld [tilespmem:s16+$0xFFFFFFD0];
	v0 =	vadd.f32 v0, v11;
	v3 =	vadd.f32 v3, v10  }
0xc5: {  	v10 =	vld [tilespmem:s16+$0xFFFFFFE0];
	v11 =	vadd.f32 v6, v13;
	v12 =	vadd.f32 v7, v12  }
0xc6: {  	v6 =	vld [tilespmem:s16+$0xFFFFFF90];
	v0 =	vadd.f32 v1, v0;
	v1 =	vadd.f32 v8, v3  }
0xc7: {  	v7 =	vld [tilespmem:s16+$0xFFFFFFA0];
	v3 =	vadd.f32 v4, v11;
	v8 =	vadd.f32 v5, v12  }
0xc8: {  	v12 =	vld [tilespmem:s16+$0xFFFFFF50];
	v0 =	vadd.f32 v2, v0;
	v1 =	vadd.f32 v9, v1  }
0xc9: {  	v9 =	vld [tilespmem:s16+$0xFFFFFF60];
	v4 =	vmov v14  }
0xca: {  	v2 =	vld [tilespmem:s16+$0xFFFFFF10];
	v5 =	vmov v10  }
0xcb: {  	v10 =	vld [tilespmem:s16+$0xFFFFFF20]  }
0xcc: {  	v11 =	vld [tilespmem:s16+$0xFFFFFED0]  }
0xcd: {  	v13 =	vld [tilespmem:s16+$0xFFFFFEE0]  }
0xce: {  	v14 =	vld [tilespmem:s16+$0xFFFFFE90]  }
0xcf: {  	v15 =	vld [tilespmem:s16+$0xFFFFFEA0]  }
0xd0: {  	v16 =	vld [tilespmem:s16+$0xFFFFFE50]  }
0xd1: {  	v17 =	vld [tilespmem:s16+$0xFFFFFE60]  }
0xd2: {  	v18 =	vld [tilespmem:s16+$0xFFFFFE10]  }
0xd3: {  	v19 =	vld [tilespmem:s16+$0xFFFFFE20]  }
0xd4: {  	v20 =	vld [tilespmem:s16+$0xFFFFFDD0]  }
0xd5: {  	v21 =	vld [tilespmem:s16+$0xFFFFFDE0]  }
0xd6: {  	v22 =	vld [tilespmem:s16+$0xFFFFFD90]  }
0xd7: {  	v23 =	vld [tilespmem:s16+$0xFFFFFDA0]  }
0xd8: {  	v24 =	vld [tilespmem:s16+$0xFFFFFD50]  }
0xd9: {  	v25 =	vld [tilespmem:s16+$0xFFFFFD60]  }
0xda: {  	v26 =	vld [tilespmem:s16+$0xFFFFFD10]  }
0xdb: {  	v27 =	vld [tilespmem:s16+$0xFFFFFD20]  }
0xdc: {  	v28 =	vld [tilespmem:s16+$0xFFFFFD30]  }
0xdd: {  	s15 =	sadd.s32 $0xC, s15;
	v29 =	vld [tilespmem:s16+$0xFFFFFD40]  }
0xde: {  	p0 =	slt.u32 s15, $0xBC;
	v30 =	vld [tilespmem:s16+$0xFFFFFD70]  }
0xdf: {  	v31 =	vld [tilespmem:s16+$0xFFFFFD80]  }
0xe0: {  	v32 =	vld [tilespmem:s16+$0xFFFFFDB0]  }
0xe1: {  	v3 =	vadd.f32 v26, v3;
	v8 =	vadd.f32 v27, v8;
	v26 =	vld [tilespmem:s16+$0xFFFFFDC0]  }
0xe2: {  	v0 =	vadd.f32 v28, v0;
	v1 =	vadd.f32 v29, v1;
	v27 =	vld [tilespmem:s16+$0xFFFFFDF0]  }
0xe3: {  	v3 =	vadd.f32 v24, v3;
	v8 =	vadd.f32 v25, v8;
	v24 =	vld [tilespmem:s16+$0xFFFFFE00]  }
0xe4: {  	v0 =	vadd.f32 v30, v0;
	v1 =	vadd.f32 v31, v1;
	v25 =	vld [tilespmem:s16+$0xFFFFFE30]  }
0xe5: {  	v3 =	vadd.f32 v22, v3;
	v8 =	vadd.f32 v23, v8;
	v22 =	vld [tilespmem:s16+$0xFFFFFE40]  }
0xe6: {  	v0 =	vadd.f32 v32, v0;
	v1 =	vadd.f32 v26, v1;
	v23 =	vld [tilespmem:s16+$0xFFFFFE70]  }
0xe7: {  	v3 =	vadd.f32 v20, v3;
	v8 =	vadd.f32 v21, v8;
	v20 =	vld [tilespmem:s16+$0xFFFFFE80]  }
0xe8: {  	v0 =	vadd.f32 v27, v0;
	v1 =	vadd.f32 v24, v1;
	v21 =	vld [tilespmem:s16+$0xFFFFFEB0]  }
0xe9: {  	v3 =	vadd.f32 v18, v3;
	v8 =	vadd.f32 v19, v8;
	v18 =	vld [tilespmem:s16+$0xFFFFFEC0]  }
0xea: {  	v0 =	vadd.f32 v25, v0;
	v1 =	vadd.f32 v22, v1;
	v19 =	vld [tilespmem:s16+$0xFFFFFEF0]  }
0xeb: {  	v3 =	vadd.f32 v16, v3;
	v8 =	vadd.f32 v17, v8;
	v16 =	vld [tilespmem:s16+$0xFFFFFF00]  }
0xec: {  	v0 =	vadd.f32 v23, v0;
	v1 =	vadd.f32 v20, v1;
	v17 =	vld [tilespmem:s16+$0xFFFFFF30]  }
0xed: {  	v3 =	vadd.f32 v14, v3;
	v8 =	vadd.f32 v15, v8;
	v14 =	vld [tilespmem:s16+$0xFFFFFF40]  }
0xee: {  	v15 =	vadd.f32 v21, v0;
	v1 =	vadd.f32 v18, v1;
	v0 =	vld [tilespmem:s16+$0xFFFFFF70]  }
.Ltmp1:
0xef: {  	v11 =	vadd.f32 v11, v3;
	v8 =	vadd.f32 v13, v8;
	v3 =	vld [tilespmem:s16+$0xFFFFFF80];
	(pc) =	sbr.rel @p0 .LBB2_5-.Ltmp1, $4  }
0xf0: {  	v13 =	vadd.f32 v19, v15;
	v15 =	vadd.f32 v16, v1;
	v1 =	vld [tilespmem:s16+$0xFFFFFFB0]  }
0xf1: {  	v16 =	vadd.f32 v2, v11;
	v18 =	vadd.f32 v10, v8;
	v8 =	vld [tilespmem:s16+$0xFFFFFFC0]  }
0xf2: {  	v11 =	vadd.f32 v17, v13;
	v10 =	vadd.f32 v14, v15;
	v2 =	vld [tilespmem:s16+$0xFFFFFFF0]  }
0xf3: {  	v13 =	vadd.f32 v12, v16;
	v12 =	vadd.f32 v9, v18;
	v9 =	vld [tilespmem:s16+$0x0];
	s16 =	sadd.s32 $0x300, s16  }
0xf4: {  	_ = 	snop  }
0xf5: {  	v0 =	vadd.f32 v0, v11;
	v6 =	vadd.f32 v6, v13  }
0xf6: {  	v3 =	vadd.f32 v3, v10;
	v7 =	vadd.f32 v7, v12  }
0xf7: {  	s15 =	sshll.u32 s12, $0x8;
	v0 =	vadd.f32 v1, v0;
	v1 =	vadd.f32 v4, v6  }
0xf8: {  	s15 =	sand.u32 $0x3FFFFF00, s15;
	v3 =	vadd.f32 v8, v3;
	v4 =	vadd.f32 v5, v7  }
0xf9: {  	v0 =	vadd.f32 v2, v0;
	[tilespmem:s15+$0x12C00] =	vst v1  }
0xfa: {  	v1 =	vadd.f32 v9, v3;
	[tilespmem:s15+$0x12C10] =	vst v4  }
0xfb: {  	[tilespmem:s15+$0x12C20] =	vst v0  }
0xfc: {  	s16 =	sadd.s32 $0x4, s14;
	p0 =	seq.s32 s12, $0x1F;
	[tilespmem:s15+$0x12C30] =	vst v1  }
0xfd: {  	s16 =	smul.u32 @!p0 $0x320, s16;
	_ =	swait.ge [sflag:s26], $0x1A00  }
0xfe: {  	s17 =	simm.s32 @!p0 $0x68;
	[sflag:s26] =	ssyncset.done $0x0  }
0xff: {  	s18 =	simm.s32 @!p0 $0x6400;
	s16 =	sshra.s32 @!p0 s16, $0x2;
	[sflag:s26] =	ssyncadd.s32 $0xFFFFE600  }
0x100: {  	[tilespmem:s18], [sflag:$0x1] =	stream.indirect.gather @!p0 [hbm4b:s3+s17], $0x40, s16, s17, $0xb8;
	[tilespmem:$0x14C00] =	vst v63  }
0x101: {  	s18 =	simm.s32 $0x9930  }
0x102: {  	v0 =	vld [tilespmem:s18+$0xFFFFFFD0]  }
0x103: {  	v1 =	vld [tilespmem:s18+$0xFFFFFFE0]  }
0x104: {  	v2 =	vld [tilespmem:s18+$0xFFFFFF90]  }
0x105: {  	v3 =	vld [tilespmem:s18+$0xFFFFFFA0]  }
0x106: {  	v4 =	vld [tilespmem:s18+$0xFFFFFF50]  }
0x107: {  	v5 =	vld [tilespmem:s18+$0xFFFFFF60]  }
0x108: {  	v6 =	vld [tilespmem:s18+$0xFFFFFF10]  }
0x109: {  	v7 =	vld [tilespmem:s18+$0xFFFFFF20]  }
0x10a: {  	v9 =	vld [tilespmem:s18+$0xFFFFFED0]  }
0x10b: {  	v10 =	vld [tilespmem:s18+$0xFFFFFEE0]  }
0x10c: {  	v8 =	vld [tilespmem:s18+$0xFFFFFE90]  }
0x10d: {  	v11 =	vld [tilespmem:s18+$0xFFFFFEA0]  }
0x10e: {  	v12 =	vld [tilespmem:s18+$0xFFFFFE50]  }
0x10f: {  	v13 =	vld [tilespmem:s18+$0xFFFFFE60]  }
0x110: {  	v14 =	vld [tilespmem:s18+$0xFFFFFE10]  }
0x111: {  	v15 =	vld [tilespmem:s18+$0xFFFFFE20]  }
0x112: {  	v16 =	vld [tilespmem:s18+$0xFFFFFDD0]  }
0x113: {  	v17 =	vld [tilespmem:s18+$0xFFFFFDE0]  }
0x114: {  	v18 =	vld [tilespmem:s18+$0xFFFFFD90]  }
0x115: {  	v19 =	vld [tilespmem:s18+$0xFFFFFDA0]  }
0x116: {  	v20 =	vld [tilespmem:s18+$0xFFFFFD50]  }
0x117: {  	v21 =	vld [tilespmem:s18+$0xFFFFFD60]  }
0x118: {  	v22 =	vld [tilespmem:s18+$0xFFFFFD10]  }
0x119: {  	v23 =	vld [tilespmem:s18+$0xFFFFFD20]  }
0x11a: {  	v24 =	vld [tilespmem:s18+$0xFFFFFCD0]  }
0x11b: {  	v25 =	vld [tilespmem:s18+$0xFFFFFCE0]  }
0x11c: {  	v26 =	vld [tilespmem:s18+$0xFFFFFCF0]  }
0x11d: {  	v27 =	vld [tilespmem:s18+$0xFFFFFD00]  }
0x11e: {  	v28 =	vld [tilespmem:s18+$0xFFFFFD30]  }
0x11f: {  	v29 =	vld [tilespmem:s18+$0xFFFFFD40]  }
0x120: {  	v30 =	vimm.f32 $0.0e+00;
	v31 =	vld [tilespmem:s18+$0xFFFFFD70]  }
0x121: {  	v32 =	vld [tilespmem:s18+$0xFFFFFD80];
	v24 =	vadd.f32 v24, v30;
	v25 =	vadd.f32 v25, v30  }
0x122: {  	v48 =	vld [tilespmem:s18+$0xFFFFFDB0];
	v26 =	vadd.f32 v26, v30;
	v27 =	vadd.f32 v27, v30  }
0x123: {  	v49 =	vld [tilespmem:s18+$0xFFFFFDC0];
	v22 =	vadd.f32 v22, v24;
	v23 =	vadd.f32 v23, v25  }
0x124: {  	v52 =	vld [tilespmem:s18+$0xFFFFFDF0];
	v50 =	vadd.f32 v28, v26;
	v51 =	vadd.f32 v29, v27  }
0x125: {  	v53 =	vld [tilespmem:s18+$0xFFFFFE00];
	v20 =	vadd.f32 v20, v22;
	v21 =	vadd.f32 v21, v23  }
0x126: {  	v56 =	vld [tilespmem:s18+$0xFFFFFE30];
	v54 =	vadd.f32 v31, v50;
	v55 =	vadd.f32 v32, v51  }
0x127: {  	v57 =	vld [tilespmem:s18+$0xFFFFFE40];
	v18 =	vadd.f32 v18, v20;
	v19 =	vadd.f32 v19, v21  }
0x128: {  	v60 =	vld [tilespmem:s18+$0xFFFFFE70];
	v58 =	vadd.f32 v48, v54;
	v59 =	vadd.f32 v49, v55  }
0x129: {  	v16 =	vadd.f32 v16, v18;
	v17 =	vadd.f32 v17, v19;
	v18 =	vld [tilespmem:s18+$0xFFFFFE80]  }
0x12a: {  	v62 =	vld [tilespmem:s18+$0xFFFFFEB0];
	v19 =	vadd.f32 v52, v58;
	v61 =	vadd.f32 v53, v59  }
0x12b: {  	v14 =	vadd.f32 v14, v16;
	v15 =	vadd.f32 v15, v17;
	v16 =	vld [tilespmem:s18+$0xFFFFFEC0]  }
0x12c: {  	v63 =	vld [tilespmem:s18+$0xFFFFFEF0];
	v17 =	vadd.f32 v56, v19;
	v19 =	vadd.f32 v57, v61  }
0x12d: {  	v12 =	vadd.f32 v12, v14;
	v13 =	vadd.f32 v13, v15;
	v14 =	vld [tilespmem:s18+$0xFFFFFF00]  }
0x12e: {  	v15 =	vadd.f32 v60, v17;
	v17 =	vadd.f32 v18, v19;
	v18 =	vld [tilespmem:s18+$0xFFFFFF30]  }
0x12f: {  	v12 =	vadd.f32 v8, v12;
	v11 =	vadd.f32 v11, v13;
	v13 =	vld [tilespmem:s18+$0xFFFFFF40]  }
0x130: {  	v15 =	vadd.f32 v62, v15;
	v8 =	vld [tilespmem:s18+$0xFFFFFF70];
	v16 =	vadd.f32 v16, v17  }
0x131: {  	v12 =	vadd.f32 v9, v12;
	v10 =	vadd.f32 v10, v11;
	v11 =	vld [tilespmem:s18+$0xFFFFFF80]  }
0x132: {  	v15 =	vadd.f32 v63, v15;
	v9 =	vld [tilespmem:s18+$0xFFFFFFB0];
	v16 =	vadd.f32 v14, v16  }
0x133: {  	v6 =	vadd.f32 v6, v12;
	v7 =	vadd.f32 v7, v10;
	v12 =	vld [tilespmem:s18+$0xFFFFFFC0]  }
0x134: {  	v14 =	vadd.f32 v18, v15;
	v10 =	vld [tilespmem:s18+$0xFFFFFFF0];
	v15 =	vadd.f32 v13, v16  }
0x135: {  	s17 =	simm.s32 $0x0;
	v13 =	vld [tilespmem:s18+$0x0];
	s18 =	simm.s32 $0x9C70;
	v16 =	vadd.f32 v4, v6;
	v17 =	vadd.f32 v5, v7  }
.LBB2_7:
0x136: {  	v6 =	vld [tilespmem:s18+$0xFFFFFFD0];
	v4 =	vadd.f32 v8, v14;
	v5 =	vadd.f32 v11, v15  }
0x137: {  	v7 =	vld [tilespmem:s18+$0xFFFFFFE0];
	v8 =	vadd.f32 v2, v16;
	v11 =	vadd.f32 v3, v17  }
0x138: {  	v2 =	vld [tilespmem:s18+$0xFFFFFF90];
	v9 =	vadd.f32 v9, v4;
	v5 =	vadd.f32 v12, v5  }
0x139: {  	v3 =	vld [tilespmem:s18+$0xFFFFFFA0];
	v8 =	vadd.f32 v0, v8;
	v11 =	vadd.f32 v1, v11  }
0x13a: {  	v4 =	vld [tilespmem:s18+$0xFFFFFF50];
	v9 =	vadd.f32 v10, v9;
	v10 =	vadd.f32 v13, v5  }
0x13b: {  	v5 =	vld [tilespmem:s18+$0xFFFFFF60];
	v0 =	vmov v6  }
0x13c: {  	v6 =	vld [tilespmem:s18+$0xFFFFFF10];
	v1 =	vmov v7  }
0x13d: {  	v7 =	vld [tilespmem:s18+$0xFFFFFF20]  }
0x13e: {  	v12 =	vld [tilespmem:s18+$0xFFFFFED0]  }
0x13f: {  	v13 =	vld [tilespmem:s18+$0xFFFFFEE0]  }
0x140: {  	v14 =	vld [tilespmem:s18+$0xFFFFFE90]  }
0x141: {  	v15 =	vld [tilespmem:s18+$0xFFFFFEA0]  }
0x142: {  	v16 =	vld [tilespmem:s18+$0xFFFFFE50]  }
0x143: {  	v17 =	vld [tilespmem:s18+$0xFFFFFE60]  }
0x144: {  	v18 =	vld [tilespmem:s18+$0xFFFFFE10]  }
0x145: {  	v19 =	vld [tilespmem:s18+$0xFFFFFE20]  }
0x146: {  	v20 =	vld [tilespmem:s18+$0xFFFFFDD0]  }
0x147: {  	v21 =	vld [tilespmem:s18+$0xFFFFFDE0]  }
0x148: {  	v22 =	vld [tilespmem:s18+$0xFFFFFD90]  }
0x149: {  	v23 =	vld [tilespmem:s18+$0xFFFFFDA0]  }
0x14a: {  	v24 =	vld [tilespmem:s18+$0xFFFFFD50]  }
0x14b: {  	v25 =	vld [tilespmem:s18+$0xFFFFFD60]  }
0x14c: {  	v26 =	vld [tilespmem:s18+$0xFFFFFD10]  }
0x14d: {  	v27 =	vld [tilespmem:s18+$0xFFFFFD20]  }
0x14e: {  	v28 =	vld [tilespmem:s18+$0xFFFFFCD0]  }
0x14f: {  	v29 =	vld [tilespmem:s18+$0xFFFFFCE0]  }
0x150: {  	v30 =	vld [tilespmem:s18+$0xFFFFFCF0]  }
0x151: {  	s17 =	sadd.s32 $0xD, s17;
	v31 =	vld [tilespmem:s18+$0xFFFFFD00]  }
0x152: {  	p1 =	slt.u32 s17, $0x5B;
	v32 =	vld [tilespmem:s18+$0xFFFFFD30]  }
0x153: {  	v33 =	vld [tilespmem:s18+$0xFFFFFD40]  }
0x154: {  	v34 =	vld [tilespmem:s18+$0xFFFFFD70]  }
0x155: {  	v8 =	vadd.f32 v28, v8;
	v11 =	vadd.f32 v29, v11;
	v28 =	vld [tilespmem:s18+$0xFFFFFD80]  }
0x156: {  	v9 =	vadd.f32 v30, v9;
	v10 =	vadd.f32 v31, v10;
	v29 =	vld [tilespmem:s18+$0xFFFFFDB0]  }
0x157: {  	v8 =	vadd.f32 v26, v8;
	v11 =	vadd.f32 v27, v11;
	v26 =	vld [tilespmem:s18+$0xFFFFFDC0]  }
0x158: {  	v9 =	vadd.f32 v32, v9;
	v10 =	vadd.f32 v33, v10;
	v27 =	vld [tilespmem:s18+$0xFFFFFDF0]  }
0x159: {  	v8 =	vadd.f32 v24, v8;
	v11 =	vadd.f32 v25, v11;
	v24 =	vld [tilespmem:s18+$0xFFFFFE00]  }
0x15a: {  	v9 =	vadd.f32 v34, v9;
	v10 =	vadd.f32 v28, v10;
	v25 =	vld [tilespmem:s18+$0xFFFFFE30]  }
0x15b: {  	v8 =	vadd.f32 v22, v8;
	v11 =	vadd.f32 v23, v11;
	v22 =	vld [tilespmem:s18+$0xFFFFFE40]  }
0x15c: {  	v9 =	vadd.f32 v29, v9;
	v10 =	vadd.f32 v26, v10;
	v23 =	vld [tilespmem:s18+$0xFFFFFE70]  }
0x15d: {  	v8 =	vadd.f32 v20, v8;
	v11 =	vadd.f32 v21, v11;
	v20 =	vld [tilespmem:s18+$0xFFFFFE80]  }
0x15e: {  	v9 =	vadd.f32 v27, v9;
	v10 =	vadd.f32 v24, v10;
	v21 =	vld [tilespmem:s18+$0xFFFFFEB0]  }
0x15f: {  	v8 =	vadd.f32 v18, v8;
	v11 =	vadd.f32 v19, v11;
	v18 =	vld [tilespmem:s18+$0xFFFFFEC0]  }
0x160: {  	v9 =	vadd.f32 v25, v9;
	v10 =	vadd.f32 v22, v10;
	v19 =	vld [tilespmem:s18+$0xFFFFFEF0]  }
0x161: {  	v8 =	vadd.f32 v16, v8;
	v11 =	vadd.f32 v17, v11;
	v16 =	vld [tilespmem:s18+$0xFFFFFF00]  }
0x162: {  	v9 =	vadd.f32 v23, v9;
	v10 =	vadd.f32 v20, v10;
	v17 =	vld [tilespmem:s18+$0xFFFFFF30]  }
0x163: {  	v14 =	vadd.f32 v14, v8;
	v11 =	vadd.f32 v15, v11;
	v15 =	vld [tilespmem:s18+$0xFFFFFF40]  }
0x164: {  	v9 =	vadd.f32 v21, v9;
	v10 =	vadd.f32 v18, v10;
	v8 =	vld [tilespmem:s18+$0xFFFFFF70]  }
.Ltmp2:
0x165: {  	v12 =	vadd.f32 v12, v14;
	v13 =	vadd.f32 v13, v11;
	v11 =	vld [tilespmem:s18+$0xFFFFFF80];
	(pc) =	sbr.rel @p1 .LBB2_7-.Ltmp2, $4  }
0x166: {  	v14 =	vadd.f32 v19, v9;
	v10 =	vadd.f32 v16, v10;
	v9 =	vld [tilespmem:s18+$0xFFFFFFB0]  }
0x167: {  	v6 =	vadd.f32 v6, v12;
	v7 =	vadd.f32 v7, v13;
	v12 =	vld [tilespmem:s18+$0xFFFFFFC0]  }
0x168: {  	v14 =	vadd.f32 v17, v14;
	v15 =	vadd.f32 v15, v10;
	v10 =	vld [tilespmem:s18+$0xFFFFFFF0]  }
0x169: {  	v16 =	vadd.f32 v4, v6;
	v17 =	vadd.f32 v5, v7;
	v13 =	vld [tilespmem:s18+$0x0];
	s18 =	sadd.s32 $0x340, s18  }
0x16a: {  	_ =	swait.ge [sflag:s28], $0x1800  }
0x16b: {  	s16 =	sadd.s32 @!p0 $0x68, s16;
	[sflag:s28] =	ssyncset.done $0x0  }
0x16c: {  	s17 =	simm.s32 @!p0 $0x60;
	s18 =	simm.s32 @!p0 $0x7E00;
	[sflag:s28] =	ssyncadd.s32 $0xFFFFE800  }
0x16d: {  	[tilespmem:s18], [sflag:$0x2] =	stream.indirect.gather @!p0 [hbm4b:s3+s17], $0x40, s16, s17, $0xb8;
	[tilespmem:$0x14C00] =	vst v63  }
0x16e: {  	s18 =	simm.s32 $0xB000  }
0x16f: {  	v4 =	vld [tilespmem:s18+$0x2C0]  }
0x170: {  	v5 =	vld [tilespmem:s18+$0x2D0]  }
0x171: {  	v6 =	vld [tilespmem:s18+$0x280]  }
0x172: {  	v7 =	vld [tilespmem:s18+$0x290]  }
0x173: {  	v18 =	vld [tilespmem:s18+$0x240]  }
0x174: {  	v19 =	vld [tilespmem:s18+$0x250]  }
0x175: {  	v20 =	vld [tilespmem:s18+$0x200]  }
0x176: {  	v21 =	vld [tilespmem:s18+$0x210]  }
0x177: {  	v22 =	vld [tilespmem:s18+$0x1C0]  }
0x178: {  	v23 =	vld [tilespmem:s18+$0x1D0]  }
0x179: {  	v24 =	vld [tilespmem:s18+$0x180]  }
0x17a: {  	v25 =	vld [tilespmem:s18+$0x190]  }
0x17b: {  	v26 =	vld [tilespmem:s18+$0x140]  }
0x17c: {  	v27 =	vld [tilespmem:s18+$0x150]  }
0x17d: {  	v28 =	vld [tilespmem:s18+$0x100]  }
0x17e: {  	v29 =	vld [tilespmem:s18+$0x110]  }
0x17f: {  	v30 =	vld [tilespmem:s18+$0xC0]  }
0x180: {  	v31 =	vld [tilespmem:s18+$0xD0]  }
0x181: {  	v32 =	vld [tilespmem:s18+$0x80]  }
0x182: {  	v33 =	vld [tilespmem:s18+$0x90]  }
0x183: {  	v34 =	vld [tilespmem:s18+$0x40]  }
0x184: {  	v35 =	vld [tilespmem:s18+$0x50]  }
0x185: {  	v36 =	vld [tilespmem:s18+$0x0]  }
0x186: {  	v37 =	vld [tilespmem:s18+$0x10]  }
0x187: {  	v8 =	vadd.f32 v8, v14;
	v11 =	vadd.f32 v11, v15;
	v14 =	vld [tilespmem:s18+$0x20]  }
0x188: {  	v2 =	vadd.f32 v2, v16;
	v3 =	vadd.f32 v3, v17;
	v15 =	vld [tilespmem:s18+$0x30]  }
0x189: {  	v8 =	vadd.f32 v9, v8;
	v9 =	vadd.f32 v12, v11;
	v11 =	vld [tilespmem:s18+$0x60]  }
0x18a: {  	v0 =	vadd.f32 v0, v2;
	v1 =	vadd.f32 v1, v3;
	v2 =	vld [tilespmem:s18+$0x70]  }
0x18b: {  	v3 =	vadd.f32 v10, v8;
	v8 =	vadd.f32 v13, v9;
	v9 =	vld [tilespmem:s18+$0xA0]  }
0x18c: {  	v10 =	vld [tilespmem:s18+$0xB0];
	v0 =	vadd.f32 v36, v0;
	v1 =	vadd.f32 v37, v1  }
0x18d: {  	v12 =	vld [tilespmem:s18+$0xE0];
	v3 =	vadd.f32 v14, v3;
	v8 =	vadd.f32 v15, v8  }
0x18e: {  	v13 =	vld [tilespmem:s18+$0xF0];
	v0 =	vadd.f32 v34, v0;
	v1 =	vadd.f32 v35, v1  }
0x18f: {  	v3 =	vadd.f32 v11, v3;
	v2 =	vadd.f32 v2, v8;
	v8 =	vld [tilespmem:s18+$0x120]  }
0x190: {  	v11 =	vld [tilespmem:s18+$0x130];
	v0 =	vadd.f32 v32, v0;
	v1 =	vadd.f32 v33, v1  }
0x191: {  	v3 =	vadd.f32 v9, v3;
	v2 =	vadd.f32 v10, v2;
	v9 =	vld [tilespmem:s18+$0x160]  }
0x192: {  	v10 =	vld [tilespmem:s18+$0x170];
	v0 =	vadd.f32 v30, v0;
	v1 =	vadd.f32 v31, v1  }
0x193: {  	v3 =	vadd.f32 v12, v3;
	v2 =	vadd.f32 v13, v2;
	v12 =	vld [tilespmem:s18+$0x1A0]  }
0x194: {  	v13 =	vld [tilespmem:s18+$0x1B0];
	v0 =	vadd.f32 v28, v0;
	v1 =	vadd.f32 v29, v1  }
0x195: {  	v3 =	vadd.f32 v8, v3;
	v2 =	vadd.f32 v11, v2;
	v8 =	vld [tilespmem:s18+$0x1E0]  }
0x196: {  	v11 =	vld [tilespmem:s18+$0x1F0];
	v0 =	vadd.f32 v26, v0;
	v1 =	vadd.f32 v27, v1  }
0x197: {  	v14 =	vld [tilespmem:s18+$0x230];
	v3 =	vadd.f32 v9, v3;
	v2 =	vadd.f32 v10, v2  }
0x198: {  	v9 =	vld [tilespmem:s18+$0x220];
	v10 =	vadd.f32 v24, v0;
	v1 =	vadd.f32 v25, v1  }
0x199: {  	v3 =	vadd.f32 v12, v3;
	v12 =	vadd.f32 v13, v2;
	v0 =	vld [tilespmem:s18+$0x260]  }
0x19a: {  	v2 =	vld [tilespmem:s18+$0x270];
	v10 =	vadd.f32 v22, v10;
	v13 =	vadd.f32 v23, v1  }
0x19b: {  	v3 =	vadd.f32 v8, v3;
	v12 =	vadd.f32 v11, v12;
	v1 =	vld [tilespmem:s18+$0x2A0]  }
0x19c: {  	v8 =	vld [tilespmem:s18+$0x2B0];
	v15 =	vadd.f32 v20, v10;
	v63 =	vadd.f32 v21, v13  }
0x19d: {  	v11 =	vadd.f32 v9, v3;
	v10 =	vadd.f32 v14, v12;
	v3 =	vld [tilespmem:s18+$0x2E0]  }
0x19e: {  	s16 =	simm.s32 $0x68;
	s17 =	simm.s32 $0xB300;
	v9 =	vld [tilespmem:s18+$0x2F0];
	v13 =	vadd.f32 v18, v15;
	v12 =	vadd.f32 v19, v63  }
.LBB2_9:
0x19f: {  	v14 =	vld [tilespmem:s17+$0x2C0];
	v0 =	vadd.f32 v0, v11;
	v2 =	vadd.f32 v2, v10  }
0x1a0: {  	v10 =	vld [tilespmem:s17+$0x2D0];
	v11 =	vadd.f32 v6, v13;
	v12 =	vadd.f32 v7, v12  }
0x1a1: {  	v6 =	vld [tilespmem:s17+$0x280];
	v0 =	vadd.f32 v1, v0;
	v1 =	vadd.f32 v8, v2  }
0x1a2: {  	v7 =	vld [tilespmem:s17+$0x290];
	v2 =	vadd.f32 v4, v11;
	v8 =	vadd.f32 v5, v12  }
0x1a3: {  	v12 =	vld [tilespmem:s17+$0x240];
	v0 =	vadd.f32 v3, v0;
	v1 =	vadd.f32 v9, v1  }
0x1a4: {  	v9 =	vld [tilespmem:s17+$0x250];
	v4 =	vmov v14  }
0x1a5: {  	v3 =	vld [tilespmem:s17+$0x200];
	v5 =	vmov v10  }
0x1a6: {  	v10 =	vld [tilespmem:s17+$0x210]  }
0x1a7: {  	v11 =	vld [tilespmem:s17+$0x1C0]  }
0x1a8: {  	v13 =	vld [tilespmem:s17+$0x1D0]  }
0x1a9: {  	v14 =	vld [tilespmem:s17+$0x180]  }
0x1aa: {  	v15 =	vld [tilespmem:s17+$0x190]  }
0x1ab: {  	v16 =	vld [tilespmem:s17+$0x140]  }
0x1ac: {  	v17 =	vld [tilespmem:s17+$0x150]  }
0x1ad: {  	v18 =	vld [tilespmem:s17+$0x100]  }
0x1ae: {  	v19 =	vld [tilespmem:s17+$0x110]  }
0x1af: {  	v20 =	vld [tilespmem:s17+$0xC0]  }
0x1b0: {  	v21 =	vld [tilespmem:s17+$0xD0]  }
0x1b1: {  	v22 =	vld [tilespmem:s17+$0x80]  }
0x1b2: {  	v23 =	vld [tilespmem:s17+$0x90]  }
0x1b3: {  	v24 =	vld [tilespmem:s17+$0x40]  }
0x1b4: {  	v25 =	vld [tilespmem:s17+$0x50]  }
0x1b5: {  	v26 =	vld [tilespmem:s17+$0x0]  }
0x1b6: {  	v27 =	vld [tilespmem:s17+$0x10]  }
0x1b7: {  	v28 =	vld [tilespmem:s17+$0x20]  }
0x1b8: {  	s16 =	sadd.s32 $0xC, s16;
	v29 =	vld [tilespmem:s17+$0x30]  }
0x1b9: {  	p1 =	slt.u32 s16, $0xBC;
	v30 =	vld [tilespmem:s17+$0x60]  }
0x1ba: {  	v31 =	vld [tilespmem:s17+$0x70]  }
0x1bb: {  	v32 =	vld [tilespmem:s17+$0xA0]  }
0x1bc: {  	v2 =	vadd.f32 v26, v2;
	v8 =	vadd.f32 v27, v8;
	v26 =	vld [tilespmem:s17+$0xB0]  }
0x1bd: {  	v0 =	vadd.f32 v28, v0;
	v1 =	vadd.f32 v29, v1;
	v27 =	vld [tilespmem:s17+$0xE0]  }
0x1be: {  	v2 =	vadd.f32 v24, v2;
	v8 =	vadd.f32 v25, v8;
	v24 =	vld [tilespmem:s17+$0xF0]  }
0x1bf: {  	v0 =	vadd.f32 v30, v0;
	v1 =	vadd.f32 v31, v1;
	v25 =	vld [tilespmem:s17+$0x120]  }
0x1c0: {  	v2 =	vadd.f32 v22, v2;
	v8 =	vadd.f32 v23, v8;
	v22 =	vld [tilespmem:s17+$0x130]  }
0x1c1: {  	v0 =	vadd.f32 v32, v0;
	v1 =	vadd.f32 v26, v1;
	v23 =	vld [tilespmem:s17+$0x160]  }
0x1c2: {  	v2 =	vadd.f32 v20, v2;
	v8 =	vadd.f32 v21, v8;
	v20 =	vld [tilespmem:s17+$0x170]  }
0x1c3: {  	v0 =	vadd.f32 v27, v0;
	v1 =	vadd.f32 v24, v1;
	v21 =	vld [tilespmem:s17+$0x1A0]  }
0x1c4: {  	v2 =	vadd.f32 v18, v2;
	v8 =	vadd.f32 v19, v8;
	v18 =	vld [tilespmem:s17+$0x1B0]  }
0x1c5: {  	v0 =	vadd.f32 v25, v0;
	v1 =	vadd.f32 v22, v1;
	v19 =	vld [tilespmem:s17+$0x1E0]  }
0x1c6: {  	v2 =	vadd.f32 v16, v2;
	v8 =	vadd.f32 v17, v8;
	v16 =	vld [tilespmem:s17+$0x1F0]  }
0x1c7: {  	v0 =	vadd.f32 v23, v0;
	v1 =	vadd.f32 v20, v1;
	v17 =	vld [tilespmem:s17+$0x220]  }
0x1c8: {  	v2 =	vadd.f32 v14, v2;
	v8 =	vadd.f32 v15, v8;
	v14 =	vld [tilespmem:s17+$0x230]  }
0x1c9: {  	v15 =	vadd.f32 v21, v0;
	v1 =	vadd.f32 v18, v1;
	v0 =	vld [tilespmem:s17+$0x260]  }
.Ltmp3:
0x1ca: {  	v11 =	vadd.f32 v11, v2;
	v8 =	vadd.f32 v13, v8;
	v2 =	vld [tilespmem:s17+$0x270];
	(pc) =	sbr.rel @p1 .LBB2_9-.Ltmp3, $4  }
0x1cb: {  	v13 =	vadd.f32 v19, v15;
	v15 =	vadd.f32 v16, v1;
	v1 =	vld [tilespmem:s17+$0x2A0]  }
0x1cc: {  	v16 =	vadd.f32 v3, v11;
	v18 =	vadd.f32 v10, v8;
	v8 =	vld [tilespmem:s17+$0x2B0]  }
0x1cd: {  	v11 =	vadd.f32 v17, v13;
	v10 =	vadd.f32 v14, v15;
	v3 =	vld [tilespmem:s17+$0x2E0]  }
0x1ce: {  	v13 =	vadd.f32 v12, v16;
	v12 =	vadd.f32 v9, v18;
	v9 =	vld [tilespmem:s17+$0x2F0];
	s17 =	sadd.s32 $0x300, s17  }
0x1cf: {  	_ = 	snop  }
0x1d0: {  	v0 =	vadd.f32 v0, v11;
	v6 =	vadd.f32 v6, v13  }
0x1d1: {  	v2 =	vadd.f32 v2, v10;
	v7 =	vadd.f32 v7, v12  }
0x1d2: {  	v0 =	vadd.f32 v1, v0;
	v1 =	vadd.f32 v4, v6  }
0x1d3: {  	v2 =	vadd.f32 v8, v2;
	v4 =	vadd.f32 v5, v7  }
0x1d4: {  	v0 =	vadd.f32 v3, v0;
	[tilespmem:s15+$0x12C40] =	vst v1  }
0x1d5: {  	v1 =	vadd.f32 v9, v2;
	[tilespmem:s15+$0x12C50] =	vst v4  }
0x1d6: {  	[tilespmem:s15+$0x12C60] =	vst v0  }
0x1d7: {  	s16 =	sadd.s32 $0x5, s14;
	[tilespmem:s15+$0x12C70] =	vst v1  }
0x1d8: {  	s16 =	smul.u32 @!p0 $0x320, s16;
	_ =	swait.ge [sflag:s29], $0x1A00  }
0x1d9: {  	s17 =	simm.s32 @!p0 $0x68;
	[sflag:s29] =	ssyncset.done $0x0  }
0x1da: {  	s18 =	simm.s32 @!p0 $0x9600;
	s16 =	sshra.s32 @!p0 s16, $0x2;
	[sflag:s29] =	ssyncadd.s32 $0xFFFFE600  }
0x1db: {  	[tilespmem:s18], [sflag:$0x3] =	stream.indirect.gather @!p0 [hbm4b:s3+s17], $0x40, s16, s17, $0xb8;
	[tilespmem:$0x14C00] =	vst v63  }
0x1dc: {  	s18 =	simm.s32 $0xC800  }
0x1dd: {  	v0 =	vld [tilespmem:s18+$0x300]  }
0x1de: {  	v1 =	vld [tilespmem:s18+$0x310]  }
0x1df: {  	v2 =	vld [tilespmem:s18+$0x2C0]  }
0x1e0: {  	v3 =	vld [tilespmem:s18+$0x2D0]  }
0x1e1: {  	v4 =	vld [tilespmem:s18+$0x280]  }
0x1e2: {  	v5 =	vld [tilespmem:s18+$0x290]  }
0x1e3: {  	v6 =	vld [tilespmem:s18+$0x240]  }
0x1e4: {  	v7 =	vld [tilespmem:s18+$0x250]  }
0x1e5: {  	v9 =	vld [tilespmem:s18+$0x200]  }
0x1e6: {  	v10 =	vld [tilespmem:s18+$0x210]  }
0x1e7: {  	v8 =	vld [tilespmem:s18+$0x1C0]  }
0x1e8: {  	v11 =	vld [tilespmem:s18+$0x1D0]  }
0x1e9: {  	v12 =	vld [tilespmem:s18+$0x180]  }
0x1ea: {  	v13 =	vld [tilespmem:s18+$0x190]  }
0x1eb: {  	v14 =	vld [tilespmem:s18+$0x140]  }
0x1ec: {  	v15 =	vld [tilespmem:s18+$0x150]  }
0x1ed: {  	v16 =	vld [tilespmem:s18+$0x100]  }
0x1ee: {  	v17 =	vld [tilespmem:s18+$0x110]  }
0x1ef: {  	v18 =	vld [tilespmem:s18+$0xC0]  }
0x1f0: {  	v19 =	vld [tilespmem:s18+$0xD0]  }
0x1f1: {  	v20 =	vld [tilespmem:s18+$0x80]  }
0x1f2: {  	v21 =	vld [tilespmem:s18+$0x90]  }
0x1f3: {  	v22 =	vld [tilespmem:s18+$0x40]  }
0x1f4: {  	v23 =	vld [tilespmem:s18+$0x50]  }
0x1f5: {  	v24 =	vld [tilespmem:s18+$0x0]  }
0x1f6: {  	v25 =	vld [tilespmem:s18+$0x10]  }
0x1f7: {  	v26 =	vld [tilespmem:s18+$0x20]  }
0x1f8: {  	v27 =	vld [tilespmem:s18+$0x30]  }
0x1f9: {  	v28 =	vld [tilespmem:s18+$0x60]  }
0x1fa: {  	v29 =	vld [tilespmem:s18+$0x70]  }
0x1fb: {  	v30 =	vimm.f32 $0.0e+00;
	v31 =	vld [tilespmem:s18+$0xA0]  }
0x1fc: {  	v32 =	vld [tilespmem:s18+$0xB0];
	v24 =	vadd.f32 v24, v30;
	v25 =	vadd.f32 v25, v30  }
0x1fd: {  	v48 =	vld [tilespmem:s18+$0xE0];
	v26 =	vadd.f32 v26, v30;
	v27 =	vadd.f32 v27, v30  }
0x1fe: {  	v49 =	vld [tilespmem:s18+$0xF0];
	v22 =	vadd.f32 v22, v24;
	v23 =	vadd.f32 v23, v25  }
0x1ff: {  	v52 =	vld [tilespmem:s18+$0x120];
	v50 =	vadd.f32 v28, v26;
	v51 =	vadd.f32 v29, v27  }
0x200: {  	v53 =	vld [tilespmem:s18+$0x130];
	v20 =	vadd.f32 v20, v22;
	v21 =	vadd.f32 v21, v23  }
0x201: {  	v56 =	vld [tilespmem:s18+$0x160];
	v54 =	vadd.f32 v31, v50;
	v55 =	vadd.f32 v32, v51  }
0x202: {  	v57 =	vld [tilespmem:s18+$0x170];
	v18 =	vadd.f32 v18, v20;
	v19 =	vadd.f32 v19, v21  }
0x203: {  	v60 =	vld [tilespmem:s18+$0x1A0];
	v58 =	vadd.f32 v48, v54;
	v59 =	vadd.f32 v49, v55  }
0x204: {  	v16 =	vadd.f32 v16, v18;
	v17 =	vadd.f32 v17, v19;
	v18 =	vld [tilespmem:s18+$0x1B0]  }
0x205: {  	v62 =	vld [tilespmem:s18+$0x1E0];
	v19 =	vadd.f32 v52, v58;
	v61 =	vadd.f32 v53, v59  }
0x206: {  	v14 =	vadd.f32 v14, v16;
	v15 =	vadd.f32 v15, v17;
	v16 =	vld [tilespmem:s18+$0x1F0]  }
0x207: {  	v63 =	vld [tilespmem:s18+$0x220];
	v17 =	vadd.f32 v56, v19;
	v19 =	vadd.f32 v57, v61  }
0x208: {  	v12 =	vadd.f32 v12, v14;
	v13 =	vadd.f32 v13, v15;
	v14 =	vld [tilespmem:s18+$0x230]  }
0x209: {  	v15 =	vadd.f32 v60, v17;
	v17 =	vadd.f32 v18, v19;
	v18 =	vld [tilespmem:s18+$0x260]  }
0x20a: {  	v12 =	vadd.f32 v8, v12;
	v11 =	vadd.f32 v11, v13;
	v13 =	vld [tilespmem:s18+$0x270]  }
0x20b: {  	v15 =	vadd.f32 v62, v15;
	v8 =	vld [tilespmem:s18+$0x2A0];
	v16 =	vadd.f32 v16, v17  }
0x20c: {  	v12 =	vadd.f32 v9, v12;
	v10 =	vadd.f32 v10, v11;
	v11 =	vld [tilespmem:s18+$0x2B0]  }
0x20d: {  	v15 =	vadd.f32 v63, v15;
	v9 =	vld [tilespmem:s18+$0x2E0];
	v16 =	vadd.f32 v14, v16  }
0x20e: {  	v6 =	vadd.f32 v6, v12;
	v7 =	vadd.f32 v7, v10;
	v12 =	vld [tilespmem:s18+$0x2F0]  }
0x20f: {  	v14 =	vadd.f32 v18, v15;
	v10 =	vld [tilespmem:s18+$0x320];
	v15 =	vadd.f32 v13, v16  }
0x210: {  	s17 =	simm.s32 $0x0;
	v13 =	vld [tilespmem:s18+$0x330];
	s18 =	simm.s32 $0xCB40;
	v16 =	vadd.f32 v4, v6;
	v17 =	vadd.f32 v5, v7  }
.LBB2_11:
0x211: {  	v6 =	vld [tilespmem:s18+$0x300];
	v4 =	vadd.f32 v8, v14;
	v5 =	vadd.f32 v11, v15  }
0x212: {  	v7 =	vld [tilespmem:s18+$0x310];
	v8 =	vadd.f32 v2, v16;
	v11 =	vadd.f32 v3, v17  }
0x213: {  	v2 =	vld [tilespmem:s18+$0x2C0];
	v9 =	vadd.f32 v9, v4;
	v5 =	vadd.f32 v12, v5  }
0x214: {  	v3 =	vld [tilespmem:s18+$0x2D0];
	v8 =	vadd.f32 v0, v8;
	v11 =	vadd.f32 v1, v11  }
0x215: {  	v4 =	vld [tilespmem:s18+$0x280];
	v9 =	vadd.f32 v10, v9;
	v10 =	vadd.f32 v13, v5  }
0x216: {  	v5 =	vld [tilespmem:s18+$0x290];
	v0 =	vmov v6  }
0x217: {  	v6 =	vld [tilespmem:s18+$0x240];
	v1 =	vmov v7  }
0x218: {  	v7 =	vld [tilespmem:s18+$0x250]  }
0x219: {  	v12 =	vld [tilespmem:s18+$0x200]  }
0x21a: {  	v13 =	vld [tilespmem:s18+$0x210]  }
0x21b: {  	v14 =	vld [tilespmem:s18+$0x1C0]  }
0x21c: {  	v15 =	vld [tilespmem:s18+$0x1D0]  }
0x21d: {  	v16 =	vld [tilespmem:s18+$0x180]  }
0x21e: {  	v17 =	vld [tilespmem:s18+$0x190]  }
0x21f: {  	v18 =	vld [tilespmem:s18+$0x140]  }
0x220: {  	v19 =	vld [tilespmem:s18+$0x150]  }
0x221: {  	v20 =	vld [tilespmem:s18+$0x100]  }
0x222: {  	v21 =	vld [tilespmem:s18+$0x110]  }
0x223: {  	v22 =	vld [tilespmem:s18+$0xC0]  }
0x224: {  	v23 =	vld [tilespmem:s18+$0xD0]  }
0x225: {  	v24 =	vld [tilespmem:s18+$0x80]  }
0x226: {  	v25 =	vld [tilespmem:s18+$0x90]  }
0x227: {  	v26 =	vld [tilespmem:s18+$0x40]  }
0x228: {  	v27 =	vld [tilespmem:s18+$0x50]  }
0x229: {  	v28 =	vld [tilespmem:s18+$0x0]  }
0x22a: {  	v29 =	vld [tilespmem:s18+$0x10]  }
0x22b: {  	v30 =	vld [tilespmem:s18+$0x20]  }
0x22c: {  	s17 =	sadd.s32 $0xD, s17;
	v31 =	vld [tilespmem:s18+$0x30]  }
0x22d: {  	p1 =	slt.u32 s17, $0x5B;
	v32 =	vld [tilespmem:s18+$0x60]  }
0x22e: {  	v33 =	vld [tilespmem:s18+$0x70]  }
0x22f: {  	v34 =	vld [tilespmem:s18+$0xA0]  }
0x230: {  	v8 =	vadd.f32 v28, v8;
	v11 =	vadd.f32 v29, v11;
	v28 =	vld [tilespmem:s18+$0xB0]  }
0x231: {  	v9 =	vadd.f32 v30, v9;
	v10 =	vadd.f32 v31, v10;
	v29 =	vld [tilespmem:s18+$0xE0]  }
0x232: {  	v8 =	vadd.f32 v26, v8;
	v11 =	vadd.f32 v27, v11;
	v26 =	vld [tilespmem:s18+$0xF0]  }
0x233: {  	v9 =	vadd.f32 v32, v9;
	v10 =	vadd.f32 v33, v10;
	v27 =	vld [tilespmem:s18+$0x120]  }
0x234: {  	v8 =	vadd.f32 v24, v8;
	v11 =	vadd.f32 v25, v11;
	v24 =	vld [tilespmem:s18+$0x130]  }
0x235: {  	v9 =	vadd.f32 v34, v9;
	v10 =	vadd.f32 v28, v10;
	v25 =	vld [tilespmem:s18+$0x160]  }
0x236: {  	v8 =	vadd.f32 v22, v8;
	v11 =	vadd.f32 v23, v11;
	v22 =	vld [tilespmem:s18+$0x170]  }
0x237: {  	v9 =	vadd.f32 v29, v9;
	v10 =	vadd.f32 v26, v10;
	v23 =	vld [tilespmem:s18+$0x1A0]  }
0x238: {  	v8 =	vadd.f32 v20, v8;
	v11 =	vadd.f32 v21, v11;
	v20 =	vld [tilespmem:s18+$0x1B0]  }
0x239: {  	v9 =	vadd.f32 v27, v9;
	v10 =	vadd.f32 v24, v10;
	v21 =	vld [tilespmem:s18+$0x1E0]  }
0x23a: {  	v8 =	vadd.f32 v18, v8;
	v11 =	vadd.f32 v19, v11;
	v18 =	vld [tilespmem:s18+$0x1F0]  }
0x23b: {  	v9 =	vadd.f32 v25, v9;
	v10 =	vadd.f32 v22, v10;
	v19 =	vld [tilespmem:s18+$0x220]  }
0x23c: {  	v8 =	vadd.f32 v16, v8;
	v11 =	vadd.f32 v17, v11;
	v16 =	vld [tilespmem:s18+$0x230]  }
0x23d: {  	v9 =	vadd.f32 v23, v9;
	v10 =	vadd.f32 v20, v10;
	v17 =	vld [tilespmem:s18+$0x260]  }
0x23e: {  	v14 =	vadd.f32 v14, v8;
	v11 =	vadd.f32 v15, v11;
	v15 =	vld [tilespmem:s18+$0x270]  }
0x23f: {  	v9 =	vadd.f32 v21, v9;
	v10 =	vadd.f32 v18, v10;
	v8 =	vld [tilespmem:s18+$0x2A0]  }
.Ltmp4:
0x240: {  	v12 =	vadd.f32 v12, v14;
	v13 =	vadd.f32 v13, v11;
	v11 =	vld [tilespmem:s18+$0x2B0];
	(pc) =	sbr.rel @p1 .LBB2_11-.Ltmp4, $4  }
0x241: {  	v14 =	vadd.f32 v19, v9;
	v10 =	vadd.f32 v16, v10;
	v9 =	vld [tilespmem:s18+$0x2E0]  }
0x242: {  	v6 =	vadd.f32 v6, v12;
	v7 =	vadd.f32 v7, v13;
	v12 =	vld [tilespmem:s18+$0x2F0]  }
0x243: {  	v14 =	vadd.f32 v17, v14;
	v15 =	vadd.f32 v15, v10;
	v10 =	vld [tilespmem:s18+$0x320]  }
0x244: {  	v16 =	vadd.f32 v4, v6;
	v17 =	vadd.f32 v5, v7;
	v13 =	vld [tilespmem:s18+$0x330];
	s18 =	sadd.s32 $0x340, s18  }
0x245: {  	_ =	swait.ge [sflag:s30], $0x1800  }
0x246: {  	s16 =	sadd.s32 @!p0 $0x68, s16;
	[sflag:s30] =	ssyncset.done $0x0  }
0x247: {  	s17 =	simm.s32 @!p0 $0x60;
	s18 =	simm.s32 @!p0 $0xB000;
	[sflag:s30] =	ssyncadd.s32 $0xFFFFE800  }
0x248: {  	[tilespmem:s18], [sflag:$0x4] =	stream.indirect.gather @!p0 [hbm4b:s3+s17], $0x40, s16, s17, $0xb8;
	[tilespmem:$0x14C00] =	vst v63  }
0x249: {  	s18 =	simm.s32 $0xE200  }
0x24a: {  	v4 =	vld [tilespmem:s18+$0x2C0]  }
0x24b: {  	v5 =	vld [tilespmem:s18+$0x2D0]  }
0x24c: {  	v6 =	vld [tilespmem:s18+$0x280]  }
0x24d: {  	v7 =	vld [tilespmem:s18+$0x290]  }
0x24e: {  	v18 =	vld [tilespmem:s18+$0x240]  }
0x24f: {  	v19 =	vld [tilespmem:s18+$0x250]  }
0x250: {  	v20 =	vld [tilespmem:s18+$0x200]  }
0x251: {  	v21 =	vld [tilespmem:s18+$0x210]  }
0x252: {  	v22 =	vld [tilespmem:s18+$0x1C0]  }
0x253: {  	v23 =	vld [tilespmem:s18+$0x1D0]  }
0x254: {  	v24 =	vld [tilespmem:s18+$0x180]  }
0x255: {  	v25 =	vld [tilespmem:s18+$0x190]  }
0x256: {  	v26 =	vld [tilespmem:s18+$0x140]  }
0x257: {  	v27 =	vld [tilespmem:s18+$0x150]  }
0x258: {  	v28 =	vld [tilespmem:s18+$0x100]  }
0x259: {  	v29 =	vld [tilespmem:s18+$0x110]  }
0x25a: {  	v30 =	vld [tilespmem:s18+$0xC0]  }
0x25b: {  	v31 =	vld [tilespmem:s18+$0xD0]  }
0x25c: {  	v32 =	vld [tilespmem:s18+$0x80]  }
0x25d: {  	v33 =	vld [tilespmem:s18+$0x90]  }
0x25e: {  	v34 =	vld [tilespmem:s18+$0x40]  }
0x25f: {  	v35 =	vld [tilespmem:s18+$0x50]  }
0x260: {  	v36 =	vld [tilespmem:s18+$0x0]  }
0x261: {  	v37 =	vld [tilespmem:s18+$0x10]  }
0x262: {  	v8 =	vadd.f32 v8, v14;
	v11 =	vadd.f32 v11, v15;
	v14 =	vld [tilespmem:s18+$0x20]  }
0x263: {  	v2 =	vadd.f32 v2, v16;
	v3 =	vadd.f32 v3, v17;
	v15 =	vld [tilespmem:s18+$0x30]  }
0x264: {  	v8 =	vadd.f32 v9, v8;
	v9 =	vadd.f32 v12, v11;
	v11 =	vld [tilespmem:s18+$0x60]  }
0x265: {  	v0 =	vadd.f32 v0, v2;
	v1 =	vadd.f32 v1, v3;
	v2 =	vld [tilespmem:s18+$0x70]  }
0x266: {  	v3 =	vadd.f32 v10, v8;
	v8 =	vadd.f32 v13, v9;
	v9 =	vld [tilespmem:s18+$0xA0]  }
0x267: {  	v10 =	vld [tilespmem:s18+$0xB0];
	v0 =	vadd.f32 v36, v0;
	v1 =	vadd.f32 v37, v1  }
0x268: {  	v12 =	vld [tilespmem:s18+$0xE0];
	v3 =	vadd.f32 v14, v3;
	v8 =	vadd.f32 v15, v8  }
0x269: {  	v13 =	vld [tilespmem:s18+$0xF0];
	v0 =	vadd.f32 v34, v0;
	v1 =	vadd.f32 v35, v1  }
0x26a: {  	v3 =	vadd.f32 v11, v3;
	v2 =	vadd.f32 v2, v8;
	v8 =	vld [tilespmem:s18+$0x120]  }
0x26b: {  	v11 =	vld [tilespmem:s18+$0x130];
	v0 =	vadd.f32 v32, v0;
	v1 =	vadd.f32 v33, v1  }
0x26c: {  	v3 =	vadd.f32 v9, v3;
	v2 =	vadd.f32 v10, v2;
	v9 =	vld [tilespmem:s18+$0x160]  }
0x26d: {  	v10 =	vld [tilespmem:s18+$0x170];
	v0 =	vadd.f32 v30, v0;
	v1 =	vadd.f32 v31, v1  }
0x26e: {  	v3 =	vadd.f32 v12, v3;
	v2 =	vadd.f32 v13, v2;
	v12 =	vld [tilespmem:s18+$0x1A0]  }
0x26f: {  	v13 =	vld [tilespmem:s18+$0x1B0];
	v0 =	vadd.f32 v28, v0;
	v1 =	vadd.f32 v29, v1  }
0x270: {  	v3 =	vadd.f32 v8, v3;
	v2 =	vadd.f32 v11, v2;
	v8 =	vld [tilespmem:s18+$0x1E0]  }
0x271: {  	v11 =	vld [tilespmem:s18+$0x1F0];
	v0 =	vadd.f32 v26, v0;
	v1 =	vadd.f32 v27, v1  }
0x272: {  	v14 =	vld [tilespmem:s18+$0x230];
	v3 =	vadd.f32 v9, v3;
	v2 =	vadd.f32 v10, v2  }
0x273: {  	v9 =	vld [tilespmem:s18+$0x220];
	v10 =	vadd.f32 v24, v0;
	v1 =	vadd.f32 v25, v1  }
0x274: {  	v3 =	vadd.f32 v12, v3;
	v12 =	vadd.f32 v13, v2;
	v0 =	vld [tilespmem:s18+$0x260]  }
0x275: {  	v2 =	vld [tilespmem:s18+$0x270];
	v10 =	vadd.f32 v22, v10;
	v13 =	vadd.f32 v23, v1  }
0x276: {  	v3 =	vadd.f32 v8, v3;
	v12 =	vadd.f32 v11, v12;
	v1 =	vld [tilespmem:s18+$0x2A0]  }
0x277: {  	v8 =	vld [tilespmem:s18+$0x2B0];
	v15 =	vadd.f32 v20, v10;
	v63 =	vadd.f32 v21, v13  }
0x278: {  	v11 =	vadd.f32 v9, v3;
	v10 =	vadd.f32 v14, v12;
	v3 =	vld [tilespmem:s18+$0x2E0]  }
0x279: {  	s16 =	simm.s32 $0x68;
	s17 =	simm.s32 $0xE500;
	v9 =	vld [tilespmem:s18+$0x2F0];
	v13 =	vadd.f32 v18, v15;
	v12 =	vadd.f32 v19, v63  }
.LBB2_13:
0x27a: {  	v14 =	vld [tilespmem:s17+$0x2C0];
	v0 =	vadd.f32 v0, v11;
	v2 =	vadd.f32 v2, v10  }
0x27b: {  	v10 =	vld [tilespmem:s17+$0x2D0];
	v11 =	vadd.f32 v6, v13;
	v12 =	vadd.f32 v7, v12  }
0x27c: {  	v6 =	vld [tilespmem:s17+$0x280];
	v0 =	vadd.f32 v1, v0;
	v1 =	vadd.f32 v8, v2  }
0x27d: {  	v7 =	vld [tilespmem:s17+$0x290];
	v2 =	vadd.f32 v4, v11;
	v8 =	vadd.f32 v5, v12  }
0x27e: {  	v12 =	vld [tilespmem:s17+$0x240];
	v0 =	vadd.f32 v3, v0;
	v1 =	vadd.f32 v9, v1  }
0x27f: {  	v9 =	vld [tilespmem:s17+$0x250];
	v4 =	vmov v14  }
0x280: {  	v3 =	vld [tilespmem:s17+$0x200];
	v5 =	vmov v10  }
0x281: {  	v10 =	vld [tilespmem:s17+$0x210]  }
0x282: {  	v11 =	vld [tilespmem:s17+$0x1C0]  }
0x283: {  	v13 =	vld [tilespmem:s17+$0x1D0]  }
0x284: {  	v14 =	vld [tilespmem:s17+$0x180]  }
0x285: {  	v15 =	vld [tilespmem:s17+$0x190]  }
0x286: {  	v16 =	vld [tilespmem:s17+$0x140]  }
0x287: {  	v17 =	vld [tilespmem:s17+$0x150]  }
0x288: {  	v18 =	vld [tilespmem:s17+$0x100]  }
0x289: {  	v19 =	vld [tilespmem:s17+$0x110]  }
0x28a: {  	v20 =	vld [tilespmem:s17+$0xC0]  }
0x28b: {  	v21 =	vld [tilespmem:s17+$0xD0]  }
0x28c: {  	v22 =	vld [tilespmem:s17+$0x80]  }
0x28d: {  	v23 =	vld [tilespmem:s17+$0x90]  }
0x28e: {  	v24 =	vld [tilespmem:s17+$0x40]  }
0x28f: {  	v25 =	vld [tilespmem:s17+$0x50]  }
0x290: {  	v26 =	vld [tilespmem:s17+$0x0]  }
0x291: {  	v27 =	vld [tilespmem:s17+$0x10]  }
0x292: {  	v28 =	vld [tilespmem:s17+$0x20]  }
0x293: {  	s16 =	sadd.s32 $0xC, s16;
	v29 =	vld [tilespmem:s17+$0x30]  }
0x294: {  	p1 =	slt.u32 s16, $0xBC;
	v30 =	vld [tilespmem:s17+$0x60]  }
0x295: {  	v31 =	vld [tilespmem:s17+$0x70]  }
0x296: {  	v32 =	vld [tilespmem:s17+$0xA0]  }
0x297: {  	v2 =	vadd.f32 v26, v2;
	v8 =	vadd.f32 v27, v8;
	v26 =	vld [tilespmem:s17+$0xB0]  }
0x298: {  	v0 =	vadd.f32 v28, v0;
	v1 =	vadd.f32 v29, v1;
	v27 =	vld [tilespmem:s17+$0xE0]  }
0x299: {  	v2 =	vadd.f32 v24, v2;
	v8 =	vadd.f32 v25, v8;
	v24 =	vld [tilespmem:s17+$0xF0]  }
0x29a: {  	v0 =	vadd.f32 v30, v0;
	v1 =	vadd.f32 v31, v1;
	v25 =	vld [tilespmem:s17+$0x120]  }
0x29b: {  	v2 =	vadd.f32 v22, v2;
	v8 =	vadd.f32 v23, v8;
	v22 =	vld [tilespmem:s17+$0x130]  }
0x29c: {  	v0 =	vadd.f32 v32, v0;
	v1 =	vadd.f32 v26, v1;
	v23 =	vld [tilespmem:s17+$0x160]  }
0x29d: {  	v2 =	vadd.f32 v20, v2;
	v8 =	vadd.f32 v21, v8;
	v20 =	vld [tilespmem:s17+$0x170]  }
0x29e: {  	v0 =	vadd.f32 v27, v0;
	v1 =	vadd.f32 v24, v1;
	v21 =	vld [tilespmem:s17+$0x1A0]  }
0x29f: {  	v2 =	vadd.f32 v18, v2;
	v8 =	vadd.f32 v19, v8;
	v18 =	vld [tilespmem:s17+$0x1B0]  }
0x2a0: {  	v0 =	vadd.f32 v25, v0;
	v1 =	vadd.f32 v22, v1;
	v19 =	vld [tilespmem:s17+$0x1E0]  }
0x2a1: {  	v2 =	vadd.f32 v16, v2;
	v8 =	vadd.f32 v17, v8;
	v16 =	vld [tilespmem:s17+$0x1F0]  }
0x2a2: {  	v0 =	vadd.f32 v23, v0;
	v1 =	vadd.f32 v20, v1;
	v17 =	vld [tilespmem:s17+$0x220]  }
0x2a3: {  	v2 =	vadd.f32 v14, v2;
	v8 =	vadd.f32 v15, v8;
	v14 =	vld [tilespmem:s17+$0x230]  }
0x2a4: {  	v15 =	vadd.f32 v21, v0;
	v1 =	vadd.f32 v18, v1;
	v0 =	vld [tilespmem:s17+$0x260]  }
.Ltmp5:
0x2a5: {  	v11 =	vadd.f32 v11, v2;
	v8 =	vadd.f32 v13, v8;
	v2 =	vld [tilespmem:s17+$0x270];
	(pc) =	sbr.rel @p1 .LBB2_13-.Ltmp5, $4  }
0x2a6: {  	v13 =	vadd.f32 v19, v15;
	v15 =	vadd.f32 v16, v1;
	v1 =	vld [tilespmem:s17+$0x2A0]  }
0x2a7: {  	v16 =	vadd.f32 v3, v11;
	v18 =	vadd.f32 v10, v8;
	v8 =	vld [tilespmem:s17+$0x2B0]  }
0x2a8: {  	v11 =	vadd.f32 v17, v13;
	v10 =	vadd.f32 v14, v15;
	v3 =	vld [tilespmem:s17+$0x2E0]  }
0x2a9: {  	v13 =	vadd.f32 v12, v16;
	v12 =	vadd.f32 v9, v18;
	v9 =	vld [tilespmem:s17+$0x2F0];
	s17 =	sadd.s32 $0x300, s17  }
0x2aa: {  	_ = 	snop  }
0x2ab: {  	v0 =	vadd.f32 v0, v11;
	v6 =	vadd.f32 v6, v13  }
0x2ac: {  	v2 =	vadd.f32 v2, v10;
	v7 =	vadd.f32 v7, v12  }
0x2ad: {  	v0 =	vadd.f32 v1, v0;
	v1 =	vadd.f32 v4, v6  }
0x2ae: {  	v2 =	vadd.f32 v8, v2;
	v4 =	vadd.f32 v5, v7  }
0x2af: {  	v0 =	vadd.f32 v3, v0;
	[tilespmem:s15+$0x12C80] =	vst v1  }
0x2b0: {  	v1 =	vadd.f32 v9, v2;
	[tilespmem:s15+$0x12C90] =	vst v4  }
0x2b1: {  	[tilespmem:s15+$0x12CA0] =	vst v0  }
0x2b2: {  	s14 =	sadd.s32 $0x6, s14;
	[tilespmem:s15+$0x12CB0] =	vst v1  }
0x2b3: {  	s14 =	smul.u32 @!p0 $0x320, s14;
	_ =	swait.ge [sflag:s31], $0x1A00  }
0x2b4: {  	s16 =	simm.s32 @!p0 $0xC800;
	s18 =	simm.s32 $0xFA00;
	[sflag:s31] =	ssyncset.done $0x0  }
0x2b5: {  	s14 =	sshra.s32 @!p0 s14, $0x2;
	s15 =	simm.s32 @!p0 $0x68;
	[sflag:s31] =	ssyncadd.s32 $0xFFFFE600  }
0x2b6: {  	[tilespmem:s16], [sflag:$0x5] =	stream.indirect.gather @!p0 [hbm4b:s3+s15], $0x40, s14, s15, $0xb8;
	[tilespmem:$0x14C00] =	vst v63  }
0x2b7: {  	v0 =	vld [tilespmem:s18+$0x300]  }
0x2b8: {  	v1 =	vld [tilespmem:s18+$0x310]  }
0x2b9: {  	v2 =	vld [tilespmem:s18+$0x2C0]  }
0x2ba: {  	v3 =	vld [tilespmem:s18+$0x2D0]  }
0x2bb: {  	v4 =	vld [tilespmem:s18+$0x280]  }
0x2bc: {  	v5 =	vld [tilespmem:s18+$0x290]  }
0x2bd: {  	v6 =	vld [tilespmem:s18+$0x240]  }
0x2be: {  	v7 =	vld [tilespmem:s18+$0x250]  }
0x2bf: {  	v9 =	vld [tilespmem:s18+$0x200]  }
0x2c0: {  	v10 =	vld [tilespmem:s18+$0x210]  }
0x2c1: {  	v8 =	vld [tilespmem:s18+$0x1C0]  }
0x2c2: {  	v11 =	vld [tilespmem:s18+$0x1D0]  }
0x2c3: {  	v12 =	vld [tilespmem:s18+$0x180]  }
0x2c4: {  	v13 =	vld [tilespmem:s18+$0x190]  }
0x2c5: {  	v14 =	vld [tilespmem:s18+$0x140]  }
0x2c6: {  	v15 =	vld [tilespmem:s18+$0x150]  }
0x2c7: {  	v16 =	vld [tilespmem:s18+$0x100]  }
0x2c8: {  	v17 =	vld [tilespmem:s18+$0x110]  }
0x2c9: {  	v18 =	vld [tilespmem:s18+$0xC0]  }
0x2ca: {  	v19 =	vld [tilespmem:s18+$0xD0]  }
0x2cb: {  	v20 =	vld [tilespmem:s18+$0x80]  }
0x2cc: {  	v21 =	vld [tilespmem:s18+$0x90]  }
0x2cd: {  	v22 =	vld [tilespmem:s18+$0x40]  }
0x2ce: {  	v23 =	vld [tilespmem:s18+$0x50]  }
0x2cf: {  	v24 =	vld [tilespmem:s18+$0x0]  }
0x2d0: {  	v25 =	vld [tilespmem:s18+$0x10]  }
0x2d1: {  	v26 =	vld [tilespmem:s18+$0x20]  }
0x2d2: {  	v27 =	vld [tilespmem:s18+$0x30]  }
0x2d3: {  	v28 =	vld [tilespmem:s18+$0x60]  }
0x2d4: {  	v29 =	vld [tilespmem:s18+$0x70]  }
0x2d5: {  	v30 =	vimm.f32 $0.0e+00;
	v31 =	vld [tilespmem:s18+$0xA0]  }
0x2d6: {  	v32 =	vld [tilespmem:s18+$0xB0];
	v24 =	vadd.f32 v24, v30;
	v25 =	vadd.f32 v25, v30  }
0x2d7: {  	v48 =	vld [tilespmem:s18+$0xE0];
	v26 =	vadd.f32 v26, v30;
	v27 =	vadd.f32 v27, v30  }
0x2d8: {  	v49 =	vld [tilespmem:s18+$0xF0];
	v22 =	vadd.f32 v22, v24;
	v23 =	vadd.f32 v23, v25  }
0x2d9: {  	v52 =	vld [tilespmem:s18+$0x120];
	v50 =	vadd.f32 v28, v26;
	v51 =	vadd.f32 v29, v27  }
0x2da: {  	v53 =	vld [tilespmem:s18+$0x130];
	v20 =	vadd.f32 v20, v22;
	v21 =	vadd.f32 v21, v23  }
0x2db: {  	v56 =	vld [tilespmem:s18+$0x160];
	v54 =	vadd.f32 v31, v50;
	v55 =	vadd.f32 v32, v51  }
0x2dc: {  	v57 =	vld [tilespmem:s18+$0x170];
	v18 =	vadd.f32 v18, v20;
	v19 =	vadd.f32 v19, v21  }
0x2dd: {  	v60 =	vld [tilespmem:s18+$0x1A0];
	v58 =	vadd.f32 v48, v54;
	v59 =	vadd.f32 v49, v55  }
0x2de: {  	v16 =	vadd.f32 v16, v18;
	v17 =	vadd.f32 v17, v19;
	v18 =	vld [tilespmem:s18+$0x1B0]  }
0x2df: {  	v62 =	vld [tilespmem:s18+$0x1E0];
	v19 =	vadd.f32 v52, v58;
	v61 =	vadd.f32 v53, v59  }
0x2e0: {  	v14 =	vadd.f32 v14, v16;
	v15 =	vadd.f32 v15, v17;
	v16 =	vld [tilespmem:s18+$0x1F0]  }
0x2e1: {  	v63 =	vld [tilespmem:s18+$0x220];
	v17 =	vadd.f32 v56, v19;
	v19 =	vadd.f32 v57, v61  }
0x2e2: {  	v12 =	vadd.f32 v12, v14;
	v13 =	vadd.f32 v13, v15;
	v14 =	vld [tilespmem:s18+$0x230]  }
0x2e3: {  	v15 =	vadd.f32 v60, v17;
	v17 =	vadd.f32 v18, v19;
	v18 =	vld [tilespmem:s18+$0x260]  }
0x2e4: {  	v12 =	vadd.f32 v8, v12;
	v11 =	vadd.f32 v11, v13;
	v13 =	vld [tilespmem:s18+$0x270]  }
0x2e5: {  	v15 =	vadd.f32 v62, v15;
	v8 =	vld [tilespmem:s18+$0x2A0];
	v16 =	vadd.f32 v16, v17  }
0x2e6: {  	v12 =	vadd.f32 v9, v12;
	v10 =	vadd.f32 v10, v11;
	v11 =	vld [tilespmem:s18+$0x2B0]  }
0x2e7: {  	v15 =	vadd.f32 v63, v15;
	v9 =	vld [tilespmem:s18+$0x2E0];
	v16 =	vadd.f32 v14, v16  }
0x2e8: {  	v6 =	vadd.f32 v6, v12;
	v7 =	vadd.f32 v7, v10;
	v12 =	vld [tilespmem:s18+$0x2F0]  }
0x2e9: {  	v14 =	vadd.f32 v18, v15;
	v10 =	vld [tilespmem:s18+$0x320];
	v15 =	vadd.f32 v13, v16  }
0x2ea: {  	s15 =	simm.s32 $0x0;
	s16 =	simm.s32 $0xFD40;
	v13 =	vld [tilespmem:s18+$0x330];
	v16 =	vadd.f32 v4, v6;
	v17 =	vadd.f32 v5, v7  }
.LBB2_15:
0x2eb: {  	v6 =	vld [tilespmem:s16+$0x300];
	v4 =	vadd.f32 v8, v14;
	v5 =	vadd.f32 v11, v15  }
0x2ec: {  	v7 =	vld [tilespmem:s16+$0x310];
	v8 =	vadd.f32 v2, v16;
	v11 =	vadd.f32 v3, v17  }
0x2ed: {  	v2 =	vld [tilespmem:s16+$0x2C0];
	v9 =	vadd.f32 v9, v4;
	v5 =	vadd.f32 v12, v5  }
0x2ee: {  	v3 =	vld [tilespmem:s16+$0x2D0];
	v8 =	vadd.f32 v0, v8;
	v11 =	vadd.f32 v1, v11  }
0x2ef: {  	v4 =	vld [tilespmem:s16+$0x280];
	v9 =	vadd.f32 v10, v9;
	v10 =	vadd.f32 v13, v5  }
0x2f0: {  	v5 =	vld [tilespmem:s16+$0x290];
	v0 =	vmov v6  }
0x2f1: {  	v6 =	vld [tilespmem:s16+$0x240];
	v1 =	vmov v7  }
0x2f2: {  	v7 =	vld [tilespmem:s16+$0x250]  }
0x2f3: {  	v12 =	vld [tilespmem:s16+$0x200]  }
0x2f4: {  	v13 =	vld [tilespmem:s16+$0x210]  }
0x2f5: {  	v14 =	vld [tilespmem:s16+$0x1C0]  }
0x2f6: {  	v15 =	vld [tilespmem:s16+$0x1D0]  }
0x2f7: {  	v16 =	vld [tilespmem:s16+$0x180]  }
0x2f8: {  	v17 =	vld [tilespmem:s16+$0x190]  }
0x2f9: {  	v18 =	vld [tilespmem:s16+$0x140]  }
0x2fa: {  	v19 =	vld [tilespmem:s16+$0x150]  }
0x2fb: {  	v20 =	vld [tilespmem:s16+$0x100]  }
0x2fc: {  	v21 =	vld [tilespmem:s16+$0x110]  }
0x2fd: {  	v22 =	vld [tilespmem:s16+$0xC0]  }
0x2fe: {  	v23 =	vld [tilespmem:s16+$0xD0]  }
0x2ff: {  	v24 =	vld [tilespmem:s16+$0x80]  }
0x300: {  	v25 =	vld [tilespmem:s16+$0x90]  }
0x301: {  	v26 =	vld [tilespmem:s16+$0x40]  }
0x302: {  	v27 =	vld [tilespmem:s16+$0x50]  }
0x303: {  	v28 =	vld [tilespmem:s16+$0x0]  }
0x304: {  	v29 =	vld [tilespmem:s16+$0x10]  }
0x305: {  	v30 =	vld [tilespmem:s16+$0x20]  }
0x306: {  	s15 =	sadd.s32 $0xD, s15;
	v31 =	vld [tilespmem:s16+$0x30]  }
0x307: {  	p1 =	slt.u32 s15, $0x5B;
	v32 =	vld [tilespmem:s16+$0x60]  }
0x308: {  	v33 =	vld [tilespmem:s16+$0x70]  }
0x309: {  	v34 =	vld [tilespmem:s16+$0xA0]  }
0x30a: {  	v8 =	vadd.f32 v28, v8;
	v11 =	vadd.f32 v29, v11;
	v28 =	vld [tilespmem:s16+$0xB0]  }
0x30b: {  	v9 =	vadd.f32 v30, v9;
	v10 =	vadd.f32 v31, v10;
	v29 =	vld [tilespmem:s16+$0xE0]  }
0x30c: {  	v8 =	vadd.f32 v26, v8;
	v11 =	vadd.f32 v27, v11;
	v26 =	vld [tilespmem:s16+$0xF0]  }
0x30d: {  	v9 =	vadd.f32 v32, v9;
	v10 =	vadd.f32 v33, v10;
	v27 =	vld [tilespmem:s16+$0x120]  }
0x30e: {  	v8 =	vadd.f32 v24, v8;
	v11 =	vadd.f32 v25, v11;
	v24 =	vld [tilespmem:s16+$0x130]  }
0x30f: {  	v9 =	vadd.f32 v34, v9;
	v10 =	vadd.f32 v28, v10;
	v25 =	vld [tilespmem:s16+$0x160]  }
0x310: {  	v8 =	vadd.f32 v22, v8;
	v11 =	vadd.f32 v23, v11;
	v22 =	vld [tilespmem:s16+$0x170]  }
0x311: {  	v9 =	vadd.f32 v29, v9;
	v10 =	vadd.f32 v26, v10;
	v23 =	vld [tilespmem:s16+$0x1A0]  }
0x312: {  	v8 =	vadd.f32 v20, v8;
	v11 =	vadd.f32 v21, v11;
	v20 =	vld [tilespmem:s16+$0x1B0]  }
0x313: {  	v9 =	vadd.f32 v27, v9;
	v10 =	vadd.f32 v24, v10;
	v21 =	vld [tilespmem:s16+$0x1E0]  }
0x314: {  	v8 =	vadd.f32 v18, v8;
	v11 =	vadd.f32 v19, v11;
	v18 =	vld [tilespmem:s16+$0x1F0]  }
0x315: {  	v9 =	vadd.f32 v25, v9;
	v10 =	vadd.f32 v22, v10;
	v19 =	vld [tilespmem:s16+$0x220]  }
0x316: {  	v8 =	vadd.f32 v16, v8;
	v11 =	vadd.f32 v17, v11;
	v16 =	vld [tilespmem:s16+$0x230]  }
0x317: {  	v9 =	vadd.f32 v23, v9;
	v10 =	vadd.f32 v20, v10;
	v17 =	vld [tilespmem:s16+$0x260]  }
0x318: {  	v14 =	vadd.f32 v14, v8;
	v11 =	vadd.f32 v15, v11;
	v15 =	vld [tilespmem:s16+$0x270]  }
0x319: {  	v9 =	vadd.f32 v21, v9;
	v10 =	vadd.f32 v18, v10;
	v8 =	vld [tilespmem:s16+$0x2A0]  }
.Ltmp6:
0x31a: {  	v12 =	vadd.f32 v12, v14;
	v13 =	vadd.f32 v13, v11;
	v11 =	vld [tilespmem:s16+$0x2B0];
	(pc) =	sbr.rel @p1 .LBB2_15-.Ltmp6, $4  }
0x31b: {  	v14 =	vadd.f32 v19, v9;
	v10 =	vadd.f32 v16, v10;
	v9 =	vld [tilespmem:s16+$0x2E0]  }
0x31c: {  	v6 =	vadd.f32 v6, v12;
	v7 =	vadd.f32 v7, v13;
	v12 =	vld [tilespmem:s16+$0x2F0]  }
0x31d: {  	v14 =	vadd.f32 v17, v14;
	v15 =	vadd.f32 v15, v10;
	v10 =	vld [tilespmem:s16+$0x320]  }
0x31e: {  	v16 =	vadd.f32 v4, v6;
	v17 =	vadd.f32 v5, v7;
	v13 =	vld [tilespmem:s16+$0x330];
	s16 =	sadd.s32 $0x340, s16  }
0x31f: {  	_ =	swait.ge [sflag:s1], $0x1800  }
0x320: {  	s14 =	sadd.s32 @!p0 $0x68, s14;
	s15 =	simm.s32 @!p0 $0x60;
	[sflag:s1] =	ssyncset.done $0x0  }
0x321: {  	s16 =	simm.s32 @!p0 $0xE200;
	s18 =	simm.s32 $0x11400;
	[sflag:s1] =	ssyncadd.s32 $0xFFFFE800  }
0x322: {  	[tilespmem:s16], [sflag:$0x6] =	stream.indirect.gather @!p0 [hbm4b:s3+s15], $0x40, s14, s15, $0xb8;
	[tilespmem:$0x14C00] =	vst v63  }
0x323: {  	v4 =	vld [tilespmem:s18+$0x2C0]  }
0x324: {  	v5 =	vld [tilespmem:s18+$0x2D0]  }
0x325: {  	v6 =	vld [tilespmem:s18+$0x280]  }
0x326: {  	v7 =	vld [tilespmem:s18+$0x290]  }
0x327: {  	v18 =	vld [tilespmem:s18+$0x240]  }
0x328: {  	v19 =	vld [tilespmem:s18+$0x250]  }
0x329: {  	v20 =	vld [tilespmem:s18+$0x200]  }
0x32a: {  	v21 =	vld [tilespmem:s18+$0x210]  }
0x32b: {  	v22 =	vld [tilespmem:s18+$0x1C0]  }
0x32c: {  	v23 =	vld [tilespmem:s18+$0x1D0]  }
0x32d: {  	v24 =	vld [tilespmem:s18+$0x180]  }
0x32e: {  	v25 =	vld [tilespmem:s18+$0x190]  }
0x32f: {  	v26 =	vld [tilespmem:s18+$0x140]  }
0x330: {  	v27 =	vld [tilespmem:s18+$0x150]  }
0x331: {  	v28 =	vld [tilespmem:s18+$0x100]  }
0x332: {  	v29 =	vld [tilespmem:s18+$0x110]  }
0x333: {  	v30 =	vld [tilespmem:s18+$0xC0]  }
0x334: {  	v31 =	vld [tilespmem:s18+$0xD0]  }
0x335: {  	v32 =	vld [tilespmem:s18+$0x80]  }
0x336: {  	v33 =	vld [tilespmem:s18+$0x90]  }
0x337: {  	v34 =	vld [tilespmem:s18+$0x40]  }
0x338: {  	v35 =	vld [tilespmem:s18+$0x50]  }
0x339: {  	v36 =	vld [tilespmem:s18+$0x0]  }
0x33a: {  	v37 =	vld [tilespmem:s18+$0x10]  }
0x33b: {  	v8 =	vadd.f32 v8, v14;
	v11 =	vadd.f32 v11, v15;
	v14 =	vld [tilespmem:s18+$0x20]  }
0x33c: {  	v2 =	vadd.f32 v2, v16;
	v3 =	vadd.f32 v3, v17;
	v15 =	vld [tilespmem:s18+$0x30]  }
0x33d: {  	v8 =	vadd.f32 v9, v8;
	v9 =	vadd.f32 v12, v11;
	v11 =	vld [tilespmem:s18+$0x60]  }
0x33e: {  	v0 =	vadd.f32 v0, v2;
	v1 =	vadd.f32 v1, v3;
	v2 =	vld [tilespmem:s18+$0x70]  }
0x33f: {  	v3 =	vadd.f32 v10, v8;
	v8 =	vadd.f32 v13, v9;
	v9 =	vld [tilespmem:s18+$0xA0]  }
0x340: {  	v10 =	vld [tilespmem:s18+$0xB0];
	v0 =	vadd.f32 v36, v0;
	v1 =	vadd.f32 v37, v1  }
0x341: {  	v12 =	vld [tilespmem:s18+$0xE0];
	v3 =	vadd.f32 v14, v3;
	v8 =	vadd.f32 v15, v8  }
0x342: {  	v13 =	vld [tilespmem:s18+$0xF0];
	v0 =	vadd.f32 v34, v0;
	v1 =	vadd.f32 v35, v1  }
0x343: {  	v3 =	vadd.f32 v11, v3;
	v2 =	vadd.f32 v2, v8;
	v8 =	vld [tilespmem:s18+$0x120]  }
0x344: {  	v11 =	vld [tilespmem:s18+$0x130];
	v0 =	vadd.f32 v32, v0;
	v1 =	vadd.f32 v33, v1  }
0x345: {  	v3 =	vadd.f32 v9, v3;
	v2 =	vadd.f32 v10, v2;
	v9 =	vld [tilespmem:s18+$0x160]  }
0x346: {  	v10 =	vld [tilespmem:s18+$0x170];
	v0 =	vadd.f32 v30, v0;
	v1 =	vadd.f32 v31, v1  }
0x347: {  	v3 =	vadd.f32 v12, v3;
	v2 =	vadd.f32 v13, v2;
	v12 =	vld [tilespmem:s18+$0x1A0]  }
0x348: {  	v13 =	vld [tilespmem:s18+$0x1B0];
	v0 =	vadd.f32 v28, v0;
	v1 =	vadd.f32 v29, v1  }
0x349: {  	v3 =	vadd.f32 v8, v3;
	v2 =	vadd.f32 v11, v2;
	v8 =	vld [tilespmem:s18+$0x1E0]  }
0x34a: {  	v11 =	vld [tilespmem:s18+$0x1F0];
	v0 =	vadd.f32 v26, v0;
	v1 =	vadd.f32 v27, v1  }
0x34b: {  	v14 =	vld [tilespmem:s18+$0x230];
	v3 =	vadd.f32 v9, v3;
	v2 =	vadd.f32 v10, v2  }
0x34c: {  	v9 =	vld [tilespmem:s18+$0x220];
	v10 =	vadd.f32 v24, v0;
	v1 =	vadd.f32 v25, v1  }
0x34d: {  	v12 =	vadd.f32 v12, v3;
	v2 =	vadd.f32 v13, v2;
	v0 =	vld [tilespmem:s18+$0x260]  }
0x34e: {  	v3 =	vld [tilespmem:s18+$0x270];
	v10 =	vadd.f32 v22, v10;
	v13 =	vadd.f32 v23, v1  }
0x34f: {  	v12 =	vadd.f32 v8, v12;
	v2 =	vadd.f32 v11, v2;
	v1 =	vld [tilespmem:s18+$0x2A0]  }
0x350: {  	v8 =	vld [tilespmem:s18+$0x2B0];
	v15 =	vadd.f32 v20, v10;
	v63 =	vadd.f32 v21, v13  }
0x351: {  	v11 =	vadd.f32 v9, v12;
	v10 =	vadd.f32 v14, v2;
	v2 =	vld [tilespmem:s18+$0x2E0]  }
0x352: {  	s14 =	simm.s32 $0x68;
	s15 =	simm.s32 $0x11700;
	v9 =	vld [tilespmem:s18+$0x2F0];
	v13 =	vadd.f32 v18, v15;
	v12 =	vadd.f32 v19, v63  }
.LBB2_17:
0x353: {  	v14 =	vld [tilespmem:s15+$0x2C0];
	v0 =	vadd.f32 v0, v11;
	v3 =	vadd.f32 v3, v10  }
0x354: {  	v10 =	vld [tilespmem:s15+$0x2D0];
	v11 =	vadd.f32 v6, v13;
	v12 =	vadd.f32 v7, v12  }
0x355: {  	v6 =	vld [tilespmem:s15+$0x280];
	v0 =	vadd.f32 v1, v0;
	v1 =	vadd.f32 v8, v3  }
0x356: {  	v7 =	vld [tilespmem:s15+$0x290];
	v3 =	vadd.f32 v4, v11;
	v8 =	vadd.f32 v5, v12  }
0x357: {  	v12 =	vld [tilespmem:s15+$0x240];
	v0 =	vadd.f32 v2, v0;
	v1 =	vadd.f32 v9, v1  }
0x358: {  	v9 =	vld [tilespmem:s15+$0x250];
	v4 =	vmov v14  }
0x359: {  	v2 =	vld [tilespmem:s15+$0x200];
	v5 =	vmov v10  }
0x35a: {  	v10 =	vld [tilespmem:s15+$0x210]  }
0x35b: {  	v11 =	vld [tilespmem:s15+$0x1C0]  }
0x35c: {  	v13 =	vld [tilespmem:s15+$0x1D0]  }
0x35d: {  	v14 =	vld [tilespmem:s15+$0x180]  }
0x35e: {  	v15 =	vld [tilespmem:s15+$0x190]  }
0x35f: {  	v16 =	vld [tilespmem:s15+$0x140]  }
0x360: {  	v17 =	vld [tilespmem:s15+$0x150]  }
0x361: {  	v18 =	vld [tilespmem:s15+$0x100]  }
0x362: {  	v19 =	vld [tilespmem:s15+$0x110]  }
0x363: {  	v20 =	vld [tilespmem:s15+$0xC0]  }
0x364: {  	v21 =	vld [tilespmem:s15+$0xD0]  }
0x365: {  	v22 =	vld [tilespmem:s15+$0x80]  }
0x366: {  	v23 =	vld [tilespmem:s15+$0x90]  }
0x367: {  	v24 =	vld [tilespmem:s15+$0x40]  }
0x368: {  	v25 =	vld [tilespmem:s15+$0x50]  }
0x369: {  	v26 =	vld [tilespmem:s15+$0x0]  }
0x36a: {  	v27 =	vld [tilespmem:s15+$0x10]  }
0x36b: {  	v28 =	vld [tilespmem:s15+$0x20]  }
0x36c: {  	s14 =	sadd.s32 $0xC, s14;
	v29 =	vld [tilespmem:s15+$0x30]  }
0x36d: {  	p0 =	slt.u32 s14, $0xBC;
	v30 =	vld [tilespmem:s15+$0x60]  }
0x36e: {  	v31 =	vld [tilespmem:s15+$0x70]  }
0x36f: {  	v32 =	vld [tilespmem:s15+$0xA0]  }
0x370: {  	v3 =	vadd.f32 v26, v3;
	v8 =	vadd.f32 v27, v8;
	v26 =	vld [tilespmem:s15+$0xB0]  }
0x371: {  	v0 =	vadd.f32 v28, v0;
	v1 =	vadd.f32 v29, v1;
	v27 =	vld [tilespmem:s15+$0xE0]  }
0x372: {  	v3 =	vadd.f32 v24, v3;
	v8 =	vadd.f32 v25, v8;
	v24 =	vld [tilespmem:s15+$0xF0]  }
0x373: {  	v0 =	vadd.f32 v30, v0;
	v1 =	vadd.f32 v31, v1;
	v25 =	vld [tilespmem:s15+$0x120]  }
0x374: {  	v3 =	vadd.f32 v22, v3;
	v8 =	vadd.f32 v23, v8;
	v22 =	vld [tilespmem:s15+$0x130]  }
0x375: {  	v0 =	vadd.f32 v32, v0;
	v1 =	vadd.f32 v26, v1;
	v23 =	vld [tilespmem:s15+$0x160]  }
0x376: {  	v3 =	vadd.f32 v20, v3;
	v8 =	vadd.f32 v21, v8;
	v20 =	vld [tilespmem:s15+$0x170]  }
0x377: {  	v0 =	vadd.f32 v27, v0;
	v1 =	vadd.f32 v24, v1;
	v21 =	vld [tilespmem:s15+$0x1A0]  }
0x378: {  	v3 =	vadd.f32 v18, v3;
	v8 =	vadd.f32 v19, v8;
	v18 =	vld [tilespmem:s15+$0x1B0]  }
0x379: {  	v0 =	vadd.f32 v25, v0;
	v1 =	vadd.f32 v22, v1;
	v19 =	vld [tilespmem:s15+$0x1E0]  }
0x37a: {  	v3 =	vadd.f32 v16, v3;
	v8 =	vadd.f32 v17, v8;
	v16 =	vld [tilespmem:s15+$0x1F0]  }
0x37b: {  	v0 =	vadd.f32 v23, v0;
	v1 =	vadd.f32 v20, v1;
	v17 =	vld [tilespmem:s15+$0x220]  }
0x37c: {  	v3 =	vadd.f32 v14, v3;
	v8 =	vadd.f32 v15, v8;
	v14 =	vld [tilespmem:s15+$0x230]  }
0x37d: {  	v15 =	vadd.f32 v21, v0;
	v1 =	vadd.f32 v18, v1;
	v0 =	vld [tilespmem:s15+$0x260]  }
.Ltmp7:
0x37e: {  	v11 =	vadd.f32 v11, v3;
	v8 =	vadd.f32 v13, v8;
	v3 =	vld [tilespmem:s15+$0x270];
	(pc) =	sbr.rel @p0 .LBB2_17-.Ltmp7, $4  }
0x37f: {  	v13 =	vadd.f32 v19, v15;
	v15 =	vadd.f32 v16, v1;
	v1 =	vld [tilespmem:s15+$0x2A0]  }
0x380: {  	v16 =	vadd.f32 v2, v11;
	v18 =	vadd.f32 v10, v8;
	v8 =	vld [tilespmem:s15+$0x2B0]  }
0x381: {  	v11 =	vadd.f32 v17, v13;
	v10 =	vadd.f32 v14, v15;
	v2 =	vld [tilespmem:s15+$0x2E0]  }
0x382: {  	v13 =	vadd.f32 v12, v16;
	v12 =	vadd.f32 v9, v18;
	v9 =	vld [tilespmem:s15+$0x2F0];
	s15 =	sadd.s32 $0x300, s15  }
0x383: {  	_ = 	snop  }
0x384: {  	v0 =	vadd.f32 v0, v11;
	v6 =	vadd.f32 v6, v13  }
0x385: {  	v3 =	vadd.f32 v3, v10;
	s12 =	sadd.s32 $0x1, s12;
	v7 =	vadd.f32 v7, v12  }
0x386: {  	s13 =	sshll.u32 s13, $0x6;
	p0 =	sne.s32 s12, $0x20;
	v0 =	vadd.f32 v1, v0;
	v61 =	vadd.f32 v4, v6  }
.Ltmp8:
0x387: {  	s13 =	sand.u32 $0x3FFFFFC0, s13;
	v3 =	vadd.f32 v8, v3;
	v62 =	vadd.f32 v5, v7;
	(pc) =	sbr.rel @p0 .LBB2_2-.Ltmp8, $4  }
0x388: {  	v0 =	vadd.f32 v2, v0;
	[tilespmem:s13+$0x12C00] =	vst v61  }
0x389: {  	v63 =	vadd.f32 v9, v3;
	[tilespmem:s13+$0x12C10] =	vst v62  }
0x38a: {  	[tilespmem:s13+$0x12C20] =	vst v0  }
0x38b: {  	[tilespmem:s13+$0x12C30] =	vst v63  }
0x38c: {  	s10 =	sadd.s32 $0x1, s10  }
0x38d: {  	p0 =	sne.s32 s10, s7  }
.Ltmp9:
0x38e: {  	_ = 	snop;
	(pc) =	sbr.rel @p0 .LBB2_1-.Ltmp9, $4  }
0x38f: {  	[hbm4b:s6+s2] =	stream.linear.scatter [tilespmem:s0], [sflag:$0x9], $0x2000, $0x38;
	[tilespmem:$0x14C00] =	vst v63  }
0x390: {  	_ =	swait.ge [sflag:s8], $0x2000  }
0x391: {  	[sflag:s8] =	ssyncset.done $0x0  }
0x392: {  	[sflag:s8] =	ssyncadd.s32 $0xFFFFE000  }
0x393: {  	_ =	sfence.sel $0x180000  }
0x394: {  	[bflag:$0x0] =	sbarrier.arrive $0xFFFF  }
0x395: {  	_ =	strace $0x90000047  }
0x396: {  	s0 =	stileid.u32;
	[bflag:$0x2] =	sbarrier.arrive $0xFFFF  }
0x397: {  	p0 =	sne.s32 s0, $0x0;
	s0 =	rddreg [dreg:$0x2]  }
0x398: {  	s0 =	sadd.s32 @!p0 $0x100000, s0  }
0x399: {  	[sflag:s0] =	ssyncadd.tile.s32 @!p0 $0x1;
	_ =	shalt  }
.Lfunc_end2:
_tile_overlayer_lowered:
.L_overlay_start_2:
0x39a: {  	(tag) =	ssettag $0x2  }
0x39b: {  	s0 =	rddreg [dreg:$0x0];
	s2 =	stileid.u32  }
0x39c: {  	s1 =	rddreg [dreg:$0x1];
	p0 =	sne.s32 s2, $0x0  }
0x39d: {  	s3 =	rddreg [dreg:$0x2];
	[bflag:$0x3] =	sbarrier.arrive $0xFFFF;
	s2 =	simm.s32 @!p0 $0x1C09  }
0x39e: {  	[timem:s3], [sflag:s2] =	dma.local @!p0 [hbm:s0], s1  }
0x39f: {  	s0 =	simm.s32 @!p0 $0x9  }
0x3a0: {  	_ =	swait.ge @!p0 [sflag:s0], s1  }
0x3a1: {  	s1 =	ssub.s32 @!p0 $0x0, s1;
	[sflag:s0] =	ssyncset.done @!p0 $0x0  }
0x3a2: {  	[sflag:s0] =	ssyncadd.s32 @!p0 s1  }
0x3a3: {  	[bflag:$0x3] =	sbarrier.arrive $0xFFFF  }
0x3a4: {  	_ =	shalt  }

</sc_bundles>
